<compile_context>
chip_gen: v7x
topology: tpu7x:2x2x1
jax: 0.10.2.dev20260603
libtpu: 0.0.44.dev20260713+nightly
codegen_flags: <defaults>
</compile_context>

<pallas_src>
import jax
import jax.numpy as jnp
from jax import lax
from jax.experimental import pallas as pl
from jax.experimental.pallas import tpu as pltpu
from jax.experimental.pallas import tpu_sc as plsc

_MAXD = 32
_NB = 2 * _MAXD + 1
_NH = 16
_N = _MAXD * _MAXD
_NSUB = 16


def _sc_tables(w_hbm, out_hbm, w_v, rows_v):
    wid = lax.axis_index("s")
    pltpu.sync_copy(w_hbm, w_v.at[pl.ds(0, _NB)])
    w_v[_NB, :] = jnp.zeros((_NH,), jnp.float32)
    for pi in range(4):
        p = 4 * wid + pi
        for q in range(64):
            rel = p - q + _MAXD
            in_block = (p >> 5) == (q >> 5)
            idx = jnp.where(in_block, rel, _NB)
            rows_v[pi, pl.ds(16 * q, _NH)] = w_v[idx, :]
    pltpu.sync_copy(rows_v, out_hbm.at[pl.ds(4 * wid, 4)])


_SPLIT = 8


def _expansion_matrices():
    i2 = lax.broadcasted_iota(jnp.int32, (_N, 64), 0)
    p2 = lax.broadcasted_iota(jnp.int32, (_N, 64), 1)
    e_sel = jnp.where(p2 < _MAXD, i2 >> 5, i2 & 31)
    e_tgt = jnp.where(p2 < _MAXD, p2, p2 - _MAXD)
    e = jnp.where(e_sel == e_tgt, 1.0, 0.0)
    p3 = lax.broadcasted_iota(jnp.int32, (64, _N), 0)
    j3 = lax.broadcasted_iota(jnp.int32, (64, _N), 1)
    et_sel = jnp.where(p3 < _MAXD, j3 >> 5, j3 & 31)
    et_tgt = jnp.where(p3 < _MAXD, p3, p3 - _MAXD)
    et = jnp.where(et_sel == et_tgt, 1.0, 0.0)
    return e, et


def _tc_expand_a(w_smem, o_ref):
    n = pl.program_id(0)
    pp = lax.broadcasted_iota(jnp.int32, (64, 64), 0)
    qq = lax.broadcasted_iota(jnp.int32, (64, 64), 1)
    idx = pp - qq + _MAXD
    same_block = (pp < _MAXD) == (qq < _MAXD)
    acc = jnp.zeros((64, 64), jnp.float32)
    for k in range(1, 64):
        acc = acc + jnp.where(idx == k, w_smem[k, n], 0.0)
    ablk = jnp.where(same_block, acc, 0.0)
    e, et = _expansion_matrices()
    t = jnp.dot(ablk, et, preferred_element_type=jnp.float32)
    o_ref[0] = jnp.dot(e, t, preferred_element_type=jnp.float32)


def _tc_expand(tab_ref, prev_ref, o_ref):
    del prev_ref
    n = pl.program_id(0) + _SPLIT
    c4 = lax.broadcasted_iota(jnp.int32, (16 * 64, 64), 0)
    q4 = lax.broadcasted_iota(jnp.int32, (16 * 64, 64), 1)
    sel = jnp.where(c4 == 16 * q4 + n, 1.0, 0.0)
    ablk = jnp.dot(tab_ref[...], sel, preferred_element_type=jnp.float32)
    e, et = _expansion_matrices()
    t = jnp.dot(ablk, et, preferred_element_type=jnp.float32)
    o_ref[0] = jnp.dot(e, t, preferred_element_type=jnp.float32)


def kernel(h, w, W):
    del h, w
    mesh = plsc.VectorSubcoreMesh(
        core_axis_name="c", subcore_axis_name="s", num_cores=1)
    tables = pl.kernel(
        _sc_tables,
        mesh=mesh,
        out_type=jax.ShapeDtypeStruct((64, 64 * _NH), jnp.float32),
        scratch_types=[
            pltpu.VMEM((_NB + 1, _NH), jnp.float32),
            pltpu.VMEM((4, 64 * _NH), jnp.float32),
        ],
    )(W)
    part = pl.pallas_call(
        _tc_expand_a,
        grid=(_SPLIT,),
        in_specs=[pl.BlockSpec(memory_space=pltpu.SMEM)],
        out_specs=pl.BlockSpec((1, _N, _N), lambda n: (n, 0, 0)),
        out_shape=jax.ShapeDtypeStruct((_NH, _N, _N), jnp.float32),
    )(W)
    out = pl.pallas_call(
        _tc_expand,
        grid=(_NH - _SPLIT,),
        in_specs=[
            pl.BlockSpec((64, 64 * _NH), lambda n: (0, 0)),
            pl.BlockSpec(memory_space=pl.ANY),
        ],
        out_specs=pl.BlockSpec((1, _N, _N), lambda n: (n + _SPLIT, 0, 0)),
        out_shape=jax.ShapeDtypeStruct((_NH, _N, _N), jnp.float32),
        input_output_aliases={1: 0},
    )(tables, part)
    return out

# --- scband reference (transcript-rebuilt; emitter-appended) ---
"""Pipeline reference for scband-relative-position-bias-36326833390347 (READ-ONLY COPY).

The authoritative reference and input builder live on the scoring server;
editing this copy changes nothing except your own understanding.
"""

import jax, jax.numpy as jnp
import numpy as np

MAX_DISTANCE = 32
NUM_HEADS = 16
NUM_BUCKETS = 2 * MAX_DISTANCE + 1


def setup_inputs(seed: int = 0) -> dict:
    key = jax.random.key(seed)
    W = jax.random.normal(key, (NUM_BUCKETS, NUM_HEADS), dtype=jnp.float32)
    return {"h": 32, "w": 32, "W": W}


def reference(h, w, W):
    coords_h = jnp.arange(MAX_DISTANCE) + (h - MAX_DISTANCE)
    coords_w = jnp.arange(MAX_DISTANCE) + (w - MAX_DISTANCE)
    grid = jnp.stack(jnp.meshgrid(coords_h, coords_w, indexing='ij'))
    coords_flat = grid.reshape(2, -1)
    relative_coords = coords_flat[:, :, None] - coords_flat[:, None, :]
    relative_coords = jnp.clip(relative_coords, -MAX_DISTANCE, MAX_DISTANCE)
    relative_coords = relative_coords + MAX_DISTANCE
    bias_h = jnp.take(W, relative_coords[0], axis=0)
    bias_w = jnp.take(W, relative_coords[1], axis=0)
    bias = bias_h + bias_w
    return jnp.transpose(bias, (2, 0, 1))

if __name__ == "__main__":
    import jax
    _d = setup_inputs()
    print(jax.jit(kernel)(*tuple(_d.values())))

</pallas_src>

<mosaic_0001>
#map = affine_map<(d0, d1) -> (0, 0)>
module attributes {stable_mosaic.version = 14 : i64} {
  func.func @_sc_tables(%arg0: i32, %arg1: i32, %arg2: memref<65x16xf32, #tpu.memory_space<hbm>>, %arg3: memref<64x1024xf32, #tpu.memory_space<hbm>>, %arg4: memref<66x16xf32, #tpu.memory_space<vmem>>, %arg5: memref<4x1024xf32, #tpu.memory_space<vmem>>) attributes {dimension_semantics = [#tpu.dimension_semantics<core_parallel>, #tpu.dimension_semantics<subcore_parallel>], iteration_bounds = array<i64: 1, 16>, scalar_prefetch = 0 : i64, scratch_operands = 2 : i64, tpu.core_type = #tpu.core_type<sc_vector_subcore>, window_params = [{transform_indices = #map}, {transform_indices = #map}]} {
    "tpu.region"() ({
      %run_scoped3A = tpu.sem_alloc : memref<!tpu.dma_semaphore, #tpu.memory_space<semaphore_mem>>
      %dma_start3A = arith.constant 0 : i32
      %dma_start3A_5136 = arith.constant 0 : i32
      %dma_start3A_5137 = tpu.memref_slice %arg4[%dma_start3A, %dma_start3A_5136] : memref<66x16xf32, #tpu.memory_space<vmem>> -> memref<65x16xf32, #tpu.memory_space<vmem>>
      %dma_start3A_5138 = arith.constant 0 : i32
      %dma_start3A_5139 = arith.constant 0 : i32
      %dma_start3A_5140 = tpu.memref_slice %arg4[%dma_start3A_5138, %dma_start3A_5139] : memref<66x16xf32, #tpu.memory_space<vmem>> -> memref<65x16xf32, #tpu.memory_space<vmem>>
      tpu.enqueue_dma source(%arg2 : memref<65x16xf32, #tpu.memory_space<hbm>>) target(%dma_start3A_5140 : memref<65x16xf32, #tpu.memory_space<vmem>>) target_semaphore(%run_scoped3A : memref<!tpu.dma_semaphore, #tpu.memory_space<semaphore_mem>>)
      %dma_wait3A = arith.constant 0 : i32
      %dma_wait3A_5141 = arith.constant 0 : i32
      %dma_wait3A_5142 = tpu.memref_slice %arg4[%dma_wait3A, %dma_wait3A_5141] : memref<66x16xf32, #tpu.memory_space<vmem>> -> memref<65x16xf32, #tpu.memory_space<vmem>>
      %dma_wait3A_5143 = arith.constant 0 : i32
      %dma_wait3A_5144 = arith.constant 0 : i32
      %dma_wait3A_5145 = tpu.memref_slice %arg4[%dma_wait3A_5143, %dma_wait3A_5144] : memref<66x16xf32, #tpu.memory_space<vmem>> -> memref<65x16xf32, #tpu.memory_space<vmem>>
      tpu.wait_dma2 semaphore(%run_scoped3A : memref<!tpu.dma_semaphore, #tpu.memory_space<semaphore_mem>>) src(%arg2 : memref<65x16xf32, #tpu.memory_space<hbm>>) dst(%dma_wait3A_5145 : memref<65x16xf32, #tpu.memory_space<vmem>>)
      tpu.yield
    }) : () -> ()
    %broadcast_in_dim3A = arith.constant 0.000000e+00 : f32
    %broadcast_in_dim3A_0 = vector.broadcast %broadcast_in_dim3A : f32 to vector<16xf32>
    %swap3A = arith.constant 65 : i32
    %swap3A_1 = arith.index_cast %swap3A : i32 to index
    %swap3A_2 = arith.constant 0 : index
    %swap3A_3 = tpu.vector_load %arg4[%swap3A_1, %swap3A_2] {strides = array<i32>} : memref<66x16xf32, #tpu.memory_space<vmem>>, vector<1x16xf32>,
    %swap3A_4 = vector.shape_cast %swap3A_3 : vector<1x16xf32> to vector<16xf32>
    %swap3A_5 = vector.shape_cast %broadcast_in_dim3A_0 : vector<16xf32> to vector<1x16xf32>
    tpu.vector_store %arg4[%swap3A_1, %swap3A_2], %swap3A_5 {strides = array<i32>} : memref<66x16xf32, #tpu.memory_space<vmem>>, vector<1x16xf32>,
    %mul3A = arith.constant 4 : i32
    %mul3A_6 = arith.muli %mul3A, %arg1 : i32
    %add3A = arith.constant 0 : i32
    %add3A_7 = arith.addi %mul3A_6, %add3A : i32
    %sub3A = arith.constant 0 : i32
    %sub3A_8 = arith.subi %add3A_7, %sub3A : i32
    %add3A_9 = arith.constant 32 : i32
    %add3A_10 = arith.addi %sub3A_8, %add3A_9 : i32
    %shift_right_arithmetic3A = arith.constant 5 : i32
    %shift_right_arithmetic3A_11 = arith.shrsi %add3A_7, %shift_right_arithmetic3A : i32
    %eq3A = arith.constant 0 : i32
    %eq3A_12 = arith.cmpi eq, %shift_right_arithmetic3A_11, %eq3A : i32
    %jit3A = arith.constant 65 : i32
    %select_n3A = arith.select %eq3A_12, %add3A_10, %jit3A : i32
    %get3A = arith.index_cast %select_n3A : i32 to index
    %get3A_13 = arith.constant 0 : index
    %get3A_14 = tpu.vector_load %arg4[%get3A, %get3A_13] {strides = array<i32>} : memref<66x16xf32, #tpu.memory_space<vmem>>, vector<1x16xf32>,
    %get3A_15 = vector.shape_cast %get3A_14 : vector<1x16xf32> to vector<16xf32>
    %swap3A_16 = arith.constant 0 : i32
    %swap3A_17 = arith.index_cast %swap3A_16 : i32 to index
    %swap3A_18 = arith.constant 0 : index
    %swap3A_19 = tpu.vector_load %arg5[%swap3A_17, %swap3A_18] {strides = array<i32>} : memref<4x1024xf32, #tpu.memory_space<vmem>>, vector<1x16xf32>,
    %swap3A_20 = vector.shape_cast %swap3A_19 : vector<1x16xf32> to vector<16xf32>
    %swap3A_21 = vector.shape_cast %get3A_15 : vector<16xf32> to vector<1x16xf32>
    tpu.vector_store %arg5[%swap3A_17, %swap3A_18], %swap3A_21 {strides = array<i32>} : memref<4x1024xf32, #tpu.memory_space<vmem>>, vector<1x16xf32>,
    %sub3A_22 = arith.constant 1 : i32
    %sub3A_23 = arith.subi %add3A_7, %sub3A_22 : i32
    %add3A_24 = arith.constant 32 : i32
    %add3A_25 = arith.addi %sub3A_23, %add3A_24 : i32
    %shift_right_arithmetic3A_26 = arith.constant 5 : i32
    %shift_right_arithmetic3A_27 = arith.shrsi %add3A_7, %shift_right_arithmetic3A_26 : i32
    %eq3A_28 = arith.constant 0 : i32
    %eq3A_29 = arith.cmpi eq, %shift_right_arithmetic3A_27, %eq3A_28 : i32
    %jit3A_30 = arith.constant 65 : i32
    %select_n3A_31 = arith.select %eq3A_29, %add3A_25, %jit3A_30 : i32
    %get3A_32 = arith.index_cast %select_n3A_31 : i32 to index
    %get3A_33 = arith.constant 0 : index
    %get3A_34 = tpu.vector_load %arg4[%get3A_32, %get3A_33] {strides = array<i32>} : memref<66x16xf32, #tpu.memory_space<vmem>>, vector<1x16xf32>,
    %get3A_35 = vector.shape_cast %get3A_34 : vector<1x16xf32> to vector<16xf32>
    %swap3A_36 = arith.constant 0 : i32
    %swap3A_37 = arith.index_cast %swap3A_36 : i32 to index
    %swap3A_38 = arith.constant 16 : index
    %swap3A_39 = tpu.vector_load %arg5[%swap3A_37, %swap3A_38] {strides = array<i32>} : memref<4x1024xf32, #tpu.memory_space<vmem>>, vector<1x16xf32>,
    %swap3A_40 = vector.shape_cast %swap3A_39 : vector<1x16xf32> to vector<16xf32>
    %swap3A_41 = vector.shape_cast %get3A_35 : vector<16xf32> to vector<1x16xf32>
    tpu.vector_store %arg5[%swap3A_37, %swap3A_38], %swap3A_41 {strides = array<i32>} : memref<4x1024xf32, #tpu.memory_space<vmem>>, vector<1x16xf32>,
    %sub3A_42 = arith.constant 2 : i32
    %sub3A_43 = arith.subi %add3A_7, %sub3A_42 : i32
    %add3A_44 = arith.constant 32 : i32
    %add3A_45 = arith.addi %sub3A_43, %add3A_44 : i32
    %shift_right_arithmetic3A_46 = arith.constant 5 : i32
    %shift_right_arithmetic3A_47 = arith.shrsi %add3A_7, %shift_right_arithmetic3A_46 : i32
    %eq3A_48 = arith.constant 0 : i32
    %eq3A_49 = arith.cmpi eq, %shift_right_arithmetic3A_47, %eq3A_48 : i32
    %jit3A_50 = arith.constant 65 : i32
    %select_n3A_51 = arith.select %eq3A_49, %add3A_45, %jit3A_50 : i32
    %get3A_52 = arith.index_cast %select_n3A_51 : i32 to index
    %get3A_53 = arith.constant 0 : index
    %get3A_54 = tpu.vector_load %arg4[%get3A_52, %get3A_53] {strides = array<i32>} : memref<66x16xf32, #tpu.memory_space<vmem>>, vector<1x16xf32>,
    %get3A_55 = vector.shape_cast %get3A_54 : vector<1x16xf32> to vector<16xf32>
    %swap3A_56 = arith.constant 0 : i32
    %swap3A_57 = arith.index_cast %swap3A_56 : i32 to index
    %swap3A_58 = arith.constant 32 : index
    %swap3A_59 = tpu.vector_load %arg5[%swap3A_57, %swap3A_58] {strides = array<i32>} : memref<4x1024xf32, #tpu.memory_space<vmem>>, vector<1x16xf32>,
    %swap3A_60 = vector.shape_cast %swap3A_59 : vector<1x16xf32> to vector<16xf32>
    %swap3A_61 = vector.shape_cast %get3A_55 : vector<16xf32> to vector<1x16xf32>
    tpu.vector_store %arg5[%swap3A_57, %swap3A_58], %swap3A_61 {strides = array<i32>} : memref<4x1024xf32, #tpu.memory_space<vmem>>, vector<1x16xf32>,
    %sub3A_62 = arith.constant 3 : i32
    %sub3A_63 = arith.subi %add3A_7, %sub3A_62 : i32
    %add3A_64 = arith.constant 32 : i32
    %add3A_65 = arith.addi %sub3A_63, %add3A_64 : i32
    %shift_right_arithmetic3A_66 = arith.constant 5 : i32
    %shift_right_arithmetic3A_67 = arith.shrsi %add3A_7, %shift_right_arithmetic3A_66 : i32
    %eq3A_68 = arith.constant 0 : i32
    %eq3A_69 = arith.cmpi eq, %shift_right_arithmetic3A_67, %eq3A_68 : i32
    %jit3A_70 = arith.constant 65 : i32
    %select_n3A_71 = arith.select %eq3A_69, %add3A_65, %jit3A_70 : i32
    %get3A_72 = arith.index_cast %select_n3A_71 : i32 to index
    %get3A_73 = arith.constant 0 : index
    %get3A_74 = tpu.vector_load %arg4[%get3A_72, %get3A_73] {strides = array<i32>} : memref<66x16xf32, #tpu.memory_space<vmem>>, vector<1x16xf32>,
    %get3A_75 = vector.shape_cast %get3A_74 : vector<1x16xf32> to vector<16xf32>
    %swap3A_76 = arith.constant 0 : i32
    %swap3A_77 = arith.index_cast %swap3A_76 : i32 to index
    %swap3A_78 = arith.constant 48 : index
    %swap3A_79 = tpu.vector_load %arg5[%swap3A_77, %swap3A_78] {strides = array<i32>} : memref<4x1024xf32, #tpu.memory_space<vmem>>, vector<1x16xf32>,
    %swap3A_80 = vector.shape_cast %swap3A_79 : vector<1x16xf32> to vector<16xf32>
    %swap3A_81 = vector.shape_cast %get3A_75 : vector<16xf32> to vector<1x16xf32>
    tpu.vector_store %arg5[%swap3A_77, %swap3A_78], %swap3A_81 {strides = array<i32>} : memref<4x1024xf32, #tpu.memory_space<vmem>>, vector<1x16xf32>,
    %sub3A_82 = arith.constant 4 : i32
    %sub3A_83 = arith.subi %add3A_7, %sub3A_82 : i32
    %add3A_84 = arith.constant 32 : i32
    %add3A_85 = arith.addi %sub3A_83, %add3A_84 : i32
    %shift_right_arithmetic3A_86 = arith.constant 5 : i32
    %shift_right_arithmetic3A_87 = arith.shrsi %add3A_7, %shift_right_arithmetic3A_86 : i32
    %eq3A_88 = arith.constant 0 : i32
    %eq3A_89 = arith.cmpi eq, %shift_right_arithmetic3A_87, %eq3A_88 : i32
    %jit3A_90 = arith.constant 65 : i32
    %select_n3A_91 = arith.select %eq3A_89, %add3A_85, %jit3A_90 : i32
    %get3A_92 = arith.index_cast %select_n3A_91 : i32 to index
    %get3A_93 = arith.constant 0 : index
    %get3A_94 = tpu.vector_load %arg4[%get3A_92, %get3A_93] {strides = array<i32>} : memref<66x16xf32, #tpu.memory_space<vmem>>, vector<1x16xf32>,
    %get3A_95 = vector.shape_cast %get3A_94 : vector<1x16xf32> to vector<16xf32>
    %swap3A_96 = arith.constant 0 : i32
    %swap3A_97 = arith.index_cast %swap3A_96 : i32 to index
    %swap3A_98 = arith.constant 64 : index
    %swap3A_99 = tpu.vector_load %arg5[%swap3A_97, %swap3A_98] {strides = array<i32>} : memref<4x1024xf32, #tpu.memory_space<vmem>>, vector<1x16xf32>,
    %swap3A_100 = vector.shape_cast %swap3A_99 : vector<1x16xf32> to vector<16xf32>
    %swap3A_101 = vector.shape_cast %get3A_95 : vector<16xf32> to vector<1x16xf32>
    tpu.vector_store %arg5[%swap3A_97, %swap3A_98], %swap3A_101 {strides = array<i32>} : memref<4x1024xf32, #tpu.memory_space<vmem>>, vector<1x16xf32>,
    %sub3A_102 = arith.constant 5 : i32
    %sub3A_103 = arith.subi %add3A_7, %sub3A_102 : i32
    %add3A_104 = arith.constant 32 : i32
    %add3A_105 = arith.addi %sub3A_103, %add3A_104 : i32
    %shift_right_arithmetic3A_106 = arith.constant 5 : i32
    %shift_right_arithmetic3A_107 = arith.shrsi %add3A_7, %shift_right_arithmetic3A_106 : i32
    %eq3A_108 = arith.constant 0 : i32
    %eq3A_109 = arith.cmpi eq, %shift_right_arithmetic3A_107, %eq3A_108 : i32
    %jit3A_110 = arith.constant 65 : i32
    %select_n3A_111 = arith.select %eq3A_109, %add3A_105, %jit3A_110 : i32
    %get3A_112 = arith.index_cast %select_n3A_111 : i32 to index
    %get3A_113 = arith.constant 0 : index
    %get3A_114 = tpu.vector_load %arg4[%get3A_112, %get3A_113] {strides = array<i32>} : memref<66x16xf32, #tpu.memory_space<vmem>>, vector<1x16xf32>,
    %get3A_115 = vector.shape_cast %get3A_114 : vector<1x16xf32> to vector<16xf32>
    %swap3A_116 = arith.constant 0 : i32
    %swap3A_117 = arith.index_cast %swap3A_116 : i32 to index
    %swap3A_118 = arith.constant 80 : index
    %swap3A_119 = tpu.vector_load %arg5[%swap3A_117, %swap3A_118] {strides = array<i32>} : memref<4x1024xf32, #tpu.memory_space<vmem>>, vector<1x16xf32>,
    %swap3A_120 = vector.shape_cast %swap3A_119 : vector<1x16xf32> to vector<16xf32>
    %swap3A_121 = vector.shape_cast %get3A_115 : vector<16xf32> to vector<1x16xf32>
    tpu.vector_store %arg5[%swap3A_117, %swap3A_118], %swap3A_121 {strides = array<i32>} : memref<4x1024xf32, #tpu.memory_space<vmem>>, vector<1x16xf32>,
    %sub3A_122 = arith.constant 6 : i32
    %sub3A_123 = arith.subi %add3A_7, %sub3A_122 : i32
    %add3A_124 = arith.constant 32 : i32
    %add3A_125 = arith.addi %sub3A_123, %add3A_124 : i32
    %shift_right_arithmetic3A_126 = arith.constant 5 : i32
    %shift_right_arithmetic3A_127 = arith.shrsi %add3A_7, %shift_right_arithmetic3A_126 : i32
    %eq3A_128 = arith.constant 0 : i32
    %eq3A_129 = arith.cmpi eq, %shift_right_arithmetic3A_127, %eq3A_128 : i32
    %jit3A_130 = arith.constant 65 : i32
    %select_n3A_131 = arith.select %eq3A_129, %add3A_125, %jit3A_130 : i32
    %get3A_132 = arith.index_cast %select_n3A_131 : i32 to index
    %get3A_133 = arith.constant 0 : index
    %get3A_134 = tpu.vector_load %arg4[%get3A_132, %get3A_133] {strides = array<i32>} : memref<66x16xf32, #tpu.memory_space<vmem>>, vector<1x16xf32>,
    %get3A_135 = vector.shape_cast %get3A_134 : vector<1x16xf32> to vector<16xf32>
    %swap3A_136 = arith.constant 0 : i32
    %swap3A_137 = arith.index_cast %swap3A_136 : i32 to index
    %swap3A_138 = arith.constant 96 : index
    %swap3A_139 = tpu.vector_load %arg5[%swap3A_137, %swap3A_138] {strides = array<i32>} : memref<4x1024xf32, #tpu.memory_space<vmem>>, vector<1x16xf32>,
    %swap3A_140 = vector.shape_cast %swap3A_139 : vector<1x16xf32> to vector<16xf32>
    %swap3A_141 = vector.shape_cast %get3A_135 : vector<16xf32> to vector<1x16xf32>
    tpu.vector_store %arg5[%swap3A_137, %swap3A_138], %swap3A_141 {strides = array<i32>} : memref<4x1024xf32, #tpu.memory_space<vmem>>, vector<1x16xf32>,
    %sub3A_142 = arith.constant 7 : i32
    %sub3A_143 = arith.subi %add3A_7, %sub3A_142 : i32
    %add3A_144 = arith.constant 32 : i32
    %add3A_145 = arith.addi %sub3A_143, %add3A_144 : i32
    %shift_right_arithmetic3A_146 = arith.constant 5 : i32
    %shift_right_arithmetic3A_147 = arith.shrsi %add3A_7, %shift_right_arithmetic3A_146 : i32
    %eq3A_148 = arith.constant 0 : i32
    %eq3A_149 = arith.cmpi eq, %shift_right_arithmetic3A_147, %eq3A_148 : i32
    %jit3A_150 = arith.constant 65 : i32
    %select_n3A_151 = arith.select %eq3A_149, %add3A_145, %jit3A_150 : i32
    %get3A_152 = arith.index_cast %select_n3A_151 : i32 to index
    %get3A_153 = arith.constant 0 : index
    %get3A_154 = tpu.vector_load %arg4[%get3A_152, %get3A_153] {strides = array<i32>} : memref<66x16xf32, #tpu.memory_space<vmem>>, vector<1x16xf32>,
    %get3A_155 = vector.shape_cast %get3A_154 : vector<1x16xf32> to vector<16xf32>
    %swap3A_156 = arith.constant 0 : i32
    %swap3A_157 = arith.index_cast %swap3A_156 : i32 to index
    %swap3A_158 = arith.constant 112 : index
    %swap3A_159 = tpu.vector_load %arg5[%swap3A_157, %swap3A_158] {strides = array<i32>} : memref<4x1024xf32, #tpu.memory_space<vmem>>, vector<1x16xf32>,
    %swap3A_160 = vector.shape_cast %swap3A_159 : vector<1x16xf32> to vector<16xf32>
    %swap3A_161 = vector.shape_cast %get3A_155 : vector<16xf32> to vector<1x16xf32>
    tpu.vector_store %arg5[%swap3A_157, %swap3A_158], %swap3A_161 {strides = array<i32>} : memref<4x1024xf32, #tpu.memory_space<vmem>>, vector<1x16xf32>,
    %sub3A_162 = arith.constant 8 : i32
    %sub3A_163 = arith.subi %add3A_7, %sub3A_162 : i32
    %add3A_164 = arith.constant 32 : i32
    %add3A_165 = arith.addi %sub3A_163, %add3A_164 : i32
    %shift_right_arithmetic3A_166 = arith.constant 5 : i32
    %shift_right_arithmetic3A_167 = arith.shrsi %add3A_7, %shift_right_arithmetic3A_166 : i32
    %eq3A_168 = arith.constant 0 : i32
    %eq3A_169 = arith.cmpi eq, %shift_right_arithmetic3A_167, %eq3A_168 : i32
    %jit3A_170 = arith.constant 65 : i32
    %select_n3A_171 = arith.select %eq3A_169, %add3A_165, %jit3A_170 : i32
    %get3A_172 = arith.index_cast %select_n3A_171 : i32 to index
    %get3A_173 = arith.constant 0 : index
    %get3A_174 = tpu.vector_load %arg4[%get3A_172, %get3A_173] {strides = array<i32>} : memref<66x16xf32, #tpu.memory_space<vmem>>, vector<1x16xf32>,
    %get3A_175 = vector.shape_cast %get3A_174 : vector<1x16xf32> to vector<16xf32>
    %swap3A_176 = arith.constant 0 : i32
    %swap3A_177 = arith.index_cast %swap3A_176 : i32 to index
    %swap3A_178 = arith.constant 128 : index
    %swap3A_179 = tpu.vector_load %arg5[%swap3A_177, %swap3A_178] {strides = array<i32>} : memref<4x1024xf32, #tpu.memory_space<vmem>>, vector<1x16xf32>,
    %swap3A_180 = vector.shape_cast %swap3A_179 : vector<1x16xf32> to vector<16xf32>
    %swap3A_181 = vector.shape_cast %get3A_175 : vector<16xf32> to vector<1x16xf32>
    tpu.vector_store %arg5[%swap3A_177, %swap3A_178], %swap3A_181 {strides = array<i32>} : memref<4x1024xf32, #tpu.memory_space<vmem>>, vector<1x16xf32>,
    %sub3A_182 = arith.constant 9 : i32
    %sub3A_183 = arith.subi %add3A_7, %sub3A_182 : i32
    %add3A_184 = arith.constant 32 : i32
    %add3A_185 = arith.addi %sub3A_183, %add3A_184 : i32
    %shift_right_arithmetic3A_186 = arith.constant 5 : i32
    %shift_right_arithmetic3A_187 = arith.shrsi %add3A_7, %shift_right_arithmetic3A_186 : i32
    %eq3A_188 = arith.constant 0 : i32
    %eq3A_189 = arith.cmpi eq, %shift_right_arithmetic3A_187, %eq3A_188 : i32
    %jit3A_190 = arith.constant 65 : i32
    %select_n3A_191 = arith.select %eq3A_189, %add3A_185, %jit3A_190 : i32
    %get3A_192 = arith.index_cast %select_n3A_191 : i32 to index
    %get3A_193 = arith.constant 0 : index
    %get3A_194 = tpu.vector_load %arg4[%get3A_192, %get3A_193] {strides = array<i32>} : memref<66x16xf32, #tpu.memory_space<vmem>>, vector<1x16xf32>,
    %get3A_195 = vector.shape_cast %get3A_194 : vector<1x16xf32> to vector<16xf32>
    %swap3A_196 = arith.constant 0 : i32
    %swap3A_197 = arith.index_cast %swap3A_196 : i32 to index
    %swap3A_198 = arith.constant 144 : index
    %swap3A_199 = tpu.vector_load %arg5[%swap3A_197, %swap3A_198] {strides = array<i32>} : memref<4x1024xf32, #tpu.memory_space<vmem>>, vector<1x16xf32>,
    %swap3A_200 = vector.shape_cast %swap3A_199 : vector<1x16xf32> to vector<16xf32>
    %swap3A_201 = vector.shape_cast %get3A_195 : vector<16xf32> to vector<1x16xf32>
    tpu.vector_store %arg5[%swap3A_197, %swap3A_198], %swap3A_201 {strides = array<i32>} : memref<4x1024xf32, #tpu.memory_space<vmem>>, vector<1x16xf32>,
    %sub3A_202 = arith.constant 10 : i32
    %sub3A_203 = arith.subi %add3A_7, %sub3A_202 : i32
    %add3A_204 = arith.constant 32 : i32
    %add3A_205 = arith.addi %sub3A_203, %add3A_204 : i32
    %shift_right_arithmetic3A_206 = arith.constant 5 : i32
    %shift_right_arithmetic3A_207 = arith.shrsi %add3A_7, %shift_right_arithmetic3A_206 : i32
    %eq3A_208 = arith.constant 0 : i32
    %eq3A_209 = arith.cmpi eq, %shift_right_arithmetic3A_207, %eq3A_208 : i32
    %jit3A_210 = arith.constant 65 : i32
    %select_n3A_211 = arith.select %eq3A_209, %add3A_205, %jit3A_210 : i32
    %get3A_212 = arith.index_cast %select_n3A_211 : i32 to index
    %get3A_213 = arith.constant 0 : index
    %get3A_214 = tpu.vector_load %arg4[%get3A_212, %get3A_213] {strides = array<i32>} : memref<66x16xf32, #tpu.memory_space<vmem>>, vector<1x16xf32>,
    %get3A_215 = vector.shape_cast %get3A_214 : vector<1x16xf32> to vector<16xf32>
    %swap3A_216 = arith.constant 0 : i32
    %swap3A_217 = arith.index_cast %swap3A_216 : i32 to index
    %swap3A_218 = arith.constant 160 : index
    %swap3A_219 = tpu.vector_load %arg5[%swap3A_217, %swap3A_218] {strides = array<i32>} : memref<4x1024xf32, #tpu.memory_space<vmem>>, vector<1x16xf32>,
    %swap3A_220 = vector.shape_cast %swap3A_219 : vector<1x16xf32> to vector<16xf32>
    %swap3A_221 = vector.shape_cast %get3A_215 : vector<16xf32> to vector<1x16xf32>
    tpu.vector_store %arg5[%swap3A_217, %swap3A_218], %swap3A_221 {strides = array<i32>} : memref<4x1024xf32, #tpu.memory_space<vmem>>, vector<1x16xf32>,
    %sub3A_222 = arith.constant 11 : i32
    %sub3A_223 = arith.subi %add3A_7, %sub3A_222 : i32
    %add3A_224 = arith.constant 32 : i32
    %add3A_225 = arith.addi %sub3A_223, %add3A_224 : i32
    %shift_right_arithmetic3A_226 = arith.constant 5 : i32
    %shift_right_arithmetic3A_227 = arith.shrsi %add3A_7, %shift_right_arithmetic3A_226 : i32
    %eq3A_228 = arith.constant 0 : i32
    %eq3A_229 = arith.cmpi eq, %shift_right_arithmetic3A_227, %eq3A_228 : i32
    %jit3A_230 = arith.constant 65 : i32
    %select_n3A_231 = arith.select %eq3A_229, %add3A_225, %jit3A_230 : i32
    %get3A_232 = arith.index_cast %select_n3A_231 : i32 to index
    %get3A_233 = arith.constant 0 : index
    %get3A_234 = tpu.vector_load %arg4[%get3A_232, %get3A_233] {strides = array<i32>} : memref<66x16xf32, #tpu.memory_space<vmem>>, vector<1x16xf32>,
    %get3A_235 = vector.shape_cast %get3A_234 : vector<1x16xf32> to vector<16xf32>
    %swap3A_236 = arith.constant 0 : i32
    %swap3A_237 = arith.index_cast %swap3A_236 : i32 to index
    %swap3A_238 = arith.constant 176 : index
    %swap3A_239 = tpu.vector_load %arg5[%swap3A_237, %swap3A_238] {strides = array<i32>} : memref<4x1024xf32, #tpu.memory_space<vmem>>, vector<1x16xf32>,
    %swap3A_240 = vector.shape_cast %swap3A_239 : vector<1x16xf32> to vector<16xf32>
    %swap3A_241 = vector.shape_cast %get3A_235 : vector<16xf32> to vector<1x16xf32>
    tpu.vector_store %arg5[%swap3A_237, %swap3A_238], %swap3A_241 {strides = array<i32>} : memref<4x1024xf32, #tpu.memory_space<vmem>>, vector<1x16xf32>,
    %sub3A_242 = arith.constant 12 : i32
    %sub3A_243 = arith.subi %add3A_7, %sub3A_242 : i32
    %add3A_244 = arith.constant 32 : i32
    %add3A_245 = arith.addi %sub3A_243, %add3A_244 : i32
    %shift_right_arithmetic3A_246 = arith.constant 5 : i32
    %shift_right_arithmetic3A_247 = arith.shrsi %add3A_7, %shift_right_arithmetic3A_246 : i32
    %eq3A_248 = arith.constant 0 : i32
    %eq3A_249 = arith.cmpi eq, %shift_right_arithmetic3A_247, %eq3A_248 : i32
    %jit3A_250 = arith.constant 65 : i32
    %select_n3A_251 = arith.select %eq3A_249, %add3A_245, %jit3A_250 : i32
    %get3A_252 = arith.index_cast %select_n3A_251 : i32 to index
    %get3A_253 = arith.constant 0 : index
    %get3A_254 = tpu.vector_load %arg4[%get3A_252, %get3A_253] {strides = array<i32>} : memref<66x16xf32, #tpu.memory_space<vmem>>, vector<1x16xf32>,
    %get3A_255 = vector.shape_cast %get3A_254 : vector<1x16xf32> to vector<16xf32>
    %swap3A_256 = arith.constant 0 : i32
    %swap3A_257 = arith.index_cast %swap3A_256 : i32 to index
    %swap3A_258 = arith.constant 192 : index
    %swap3A_259 = tpu.vector_load %arg5[%swap3A_257, %swap3A_258] {strides = array<i32>} : memref<4x1024xf32, #tpu.memory_space<vmem>>, vector<1x16xf32>,
    %swap3A_260 = vector.shape_cast %swap3A_259 : vector<1x16xf32> to vector<16xf32>
    %swap3A_261 = vector.shape_cast %get3A_255 : vector<16xf32> to vector<1x16xf32>
    tpu.vector_store %arg5[%swap3A_257, %swap3A_258], %swap3A_261 {strides = array<i32>} : memref<4x1024xf32, #tpu.memory_space<vmem>>, vector<1x16xf32>,
    %sub3A_262 = arith.constant 13 : i32
    %sub3A_263 = arith.subi %add3A_7, %sub3A_262 : i32
    %add3A_264 = arith.constant 32 : i32
    %add3A_265 = arith.addi %sub3A_263, %add3A_264 : i32
    %shift_right_arithmetic3A_266 = arith.constant 5 : i32
    %shift_right_arithmetic3A_267 = arith.shrsi %add3A_7, %shift_right_arithmetic3A_266 : i32
    %eq3A_268 = arith.constant 0 : i32
    %eq3A_269 = arith.cmpi eq, %shift_right_arithmetic3A_267, %eq3A_268 : i32
    %jit3A_270 = arith.constant 65 : i32
    %select_n3A_271 = arith.select %eq3A_269, %add3A_265, %jit3A_270 : i32
    %get3A_272 = arith.index_cast %select_n3A_271 : i32 to index
    %get3A_273 = arith.constant 0 : index
    %get3A_274 = tpu.vector_load %arg4[%get3A_272, %get3A_273] {strides = array<i32>} : memref<66x16xf32, #tpu.memory_space<vmem>>, vector<1x16xf32>,
    %get3A_275 = vector.shape_cast %get3A_274 : vector<1x16xf32> to vector<16xf32>
    %swap3A_276 = arith.constant 0 : i32
    %swap3A_277 = arith.index_cast %swap3A_276 : i32 to index
    %swap3A_278 = arith.constant 208 : index
    %swap3A_279 = tpu.vector_load %arg5[%swap3A_277, %swap3A_278] {strides = array<i32>} : memref<4x1024xf32, #tpu.memory_space<vmem>>, vector<1x16xf32>,
    %swap3A_280 = vector.shape_cast %swap3A_279 : vector<1x16xf32> to vector<16xf32>
    %swap3A_281 = vector.shape_cast %get3A_275 : vector<16xf32> to vector<1x16xf32>
    tpu.vector_store %arg5[%swap3A_277, %swap3A_278], %swap3A_281 {strides = array<i32>} : memref<4x1024xf32, #tpu.memory_space<vmem>>, vector<1x16xf32>,
    %sub3A_282 = arith.constant 14 : i32
    %sub3A_283 = arith.subi %add3A_7, %sub3A_282 : i32
    %add3A_284 = arith.constant 32 : i32
    %add3A_285 = arith.addi %sub3A_283, %add3A_284 : i32
    %shift_right_arithmetic3A_286 = arith.constant 5 : i32
    %shift_right_arithmetic3A_287 = arith.shrsi %add3A_7, %shift_right_arithmetic3A_286 : i32
    %eq3A_288 = arith.constant 0 : i32
    %eq3A_289 = arith.cmpi eq, %shift_right_arithmetic3A_287, %eq3A_288 : i32
    %jit3A_290 = arith.constant 65 : i32
    %select_n3A_291 = arith.select %eq3A_289, %add3A_285, %jit3A_290 : i32
    %get3A_292 = arith.index_cast %select_n3A_291 : i32 to index
    %get3A_293 = arith.constant 0 : index
    %get3A_294 = tpu.vector_load %arg4[%get3A_292, %get3A_293] {strides = array<i32>} : memref<66x16xf32, #tpu.memory_space<vmem>>, vector<1x16xf32>,
    %get3A_295 = vector.shape_cast %get3A_294 : vector<1x16xf32> to vector<16xf32>
    %swap3A_296 = arith.constant 0 : i32
    %swap3A_297 = arith.index_cast %swap3A_296 : i32 to index
    %swap3A_298 = arith.constant 224 : index
    %swap3A_299 = tpu.vector_load %arg5[%swap3A_297, %swap3A_298] {strides = array<i32>} : memref<4x1024xf32, #tpu.memory_space<vmem>>, vector<1x16xf32>,
    %swap3A_300 = vector.shape_cast %swap3A_299 : vector<1x16xf32> to vector<16xf32>
    %swap3A_301 = vector.shape_cast %get3A_295 : vector<16xf32> to vector<1x16xf32>
    tpu.vector_store %arg5[%swap3A_297, %swap3A_298], %swap3A_301 {strides = array<i32>} : memref<4x1024xf32, #tpu.memory_space<vmem>>, vector<1x16xf32>,
    %sub3A_302 = arith.constant 15 : i32
    %sub3A_303 = arith.subi %add3A_7, %sub3A_302 : i32
    %add3A_304 = arith.constant 32 : i32
    %add3A_305 = arith.addi %sub3A_303, %add3A_304 : i32
    %shift_right_arithmetic3A_306 = arith.constant 5 : i32
    %shift_right_arithmetic3A_307 = arith.shrsi %add3A_7, %shift_right_arithmetic3A_306 : i32
    %eq3A_308 = arith.constant 0 : i32
    %eq3A_309 = arith.cmpi eq, %shift_right_arithmetic3A_307, %eq3A_308 : i32
    %jit3A_310 = arith.constant 65 : i32
    %select_n3A_311 = arith.select %eq3A_309, %add3A_305, %jit3A_310 : i32
    %get3A_312 = arith.index_cast %select_n3A_311 : i32 to index
    %get3A_313 = arith.constant 0 : index
    %get3A_314 = tpu.vector_load %arg4[%get3A_312, %get3A_313] {strides = array<i32>} : memref<66x16xf32, #tpu.memory_space<vmem>>, vector<1x16xf32>,
    %get3A_315 = vector.shape_cast %get3A_314 : vector<1x16xf32> to vector<16xf32>
    %swap3A_316 = arith.constant 0 : i32
    %swap3A_317 = arith.index_cast %swap3A_316 : i32 to index
    %swap3A_318 = arith.constant 240 : index
    %swap3A_319 = tpu.vector_load %arg5[%swap3A_317, %swap3A_318] {strides = array<i32>} : memref<4x1024xf32, #tpu.memory_space<vmem>>, vector<1x16xf32>,
    %swap3A_320 = vector.shape_cast %swap3A_319 : vector<1x16xf32> to vector<16xf32>
    %swap3A_321 = vector.shape_cast %get3A_315 : vector<16xf32> to vector<1x16xf32>
    tpu.vector_store %arg5[%swap3A_317, %swap3A_318], %swap3A_321 {strides = array<i32>} : memref<4x1024xf32, #tpu.memory_space<vmem>>, vector<1x16xf32>,
    %sub3A_322 = arith.constant 16 : i32
    %sub3A_323 = arith.subi %add3A_7, %sub3A_322 : i32
    %add3A_324 = arith.constant 32 : i32
    %add3A_325 = arith.addi %sub3A_323, %add3A_324 : i32
    %shift_right_arithmetic3A_326 = arith.constant 5 : i32
    %shift_right_arithmetic3A_327 = arith.shrsi %add3A_7, %shift_right_arithmetic3A_326 : i32
    %eq3A_328 = arith.constant 0 : i32
    %eq3A_329 = arith.cmpi eq, %shift_right_arithmetic3A_327, %eq3A_328 : i32
    %jit3A_330 = arith.constant 65 : i32
    %select_n3A_331 = arith.select %eq3A_329, %add3A_325, %jit3A_330 : i32
    %get3A_332 = arith.index_cast %select_n3A_331 : i32 to index
    %get3A_333 = arith.constant 0 : index
    %get3A_334 = tpu.vector_load %arg4[%get3A_332, %get3A_333] {strides = array<i32>} : memref<66x16xf32, #tpu.memory_space<vmem>>, vector<1x16xf32>,
    %get3A_335 = vector.shape_cast %get3A_334 : vector<1x16xf32> to vector<16xf32>
    %swap3A_336 = arith.constant 0 : i32
    %swap3A_337 = arith.index_cast %swap3A_336 : i32 to index
    %swap3A_338 = arith.constant 256 : index
    %swap3A_339 = tpu.vector_load %arg5[%swap3A_337, %swap3A_338] {strides = array<i32>} : memref<4x1024xf32, #tpu.memory_space<vmem>>, vector<1x16xf32>,
    %swap3A_340 = vector.shape_cast %swap3A_339 : vector<1x16xf32> to vector<16xf32>
    %swap3A_341 = vector.shape_cast %get3A_335 : vector<16xf32> to vector<1x16xf32>
    tpu.vector_store %arg5[%swap3A_337, %swap3A_338], %swap3A_341 {strides = array<i32>} : memref<4x1024xf32, #tpu.memory_space<vmem>>, vector<1x16xf32>,
    %sub3A_342 = arith.constant 17 : i32
    %sub3A_343 = arith.subi %add3A_7, %sub3A_342 : i32
    %add3A_344 = arith.constant 32 : i32
    %add3A_345 = arith.addi %sub3A_343, %add3A_344 : i32
    %shift_right_arithmetic3A_346 = arith.constant 5 : i32
    %shift_right_arithmetic3A_347 = arith.shrsi %add3A_7, %shift_right_arithmetic3A_346 : i32
    %eq3A_348 = arith.constant 0 : i32
    %eq3A_349 = arith.cmpi eq, %shift_right_arithmetic3A_347, %eq3A_348 : i32
    %jit3A_350 = arith.constant 65 : i32
    %select_n3A_351 = arith.select %eq3A_349, %add3A_345, %jit3A_350 : i32
    %get3A_352 = arith.index_cast %select_n3A_351 : i32 to index
    %get3A_353 = arith.constant 0 : index
    %get3A_354 = tpu.vector_load %arg4[%get3A_352, %get3A_353] {strides = array<i32>} : memref<66x16xf32, #tpu.memory_space<vmem>>, vector<1x16xf32>,
    %get3A_355 = vector.shape_cast %get3A_354 : vector<1x16xf32> to vector<16xf32>
    %swap3A_356 = arith.constant 0 : i32
    %swap3A_357 = arith.index_cast %swap3A_356 : i32 to index
    %swap3A_358 = arith.constant 272 : index
    %swap3A_359 = tpu.vector_load %arg5[%swap3A_357, %swap3A_358] {strides = array<i32>} : memref<4x1024xf32, #tpu.memory_space<vmem>>, vector<1x16xf32>,
    %swap3A_360 = vector.shape_cast %swap3A_359 : vector<1x16xf32> to vector<16xf32>
    %swap3A_361 = vector.shape_cast %get3A_355 : vector<16xf32> to vector<1x16xf32>
    tpu.vector_store %arg5[%swap3A_357, %swap3A_358], %swap3A_361 {strides = array<i32>} : memref<4x1024xf32, #tpu.memory_space<vmem>>, vector<1x16xf32>,
    %sub3A_362 = arith.constant 18 : i32
    %sub3A_363 = arith.subi %add3A_7, %sub3A_362 : i32
    %add3A_364 = arith.constant 32 : i32
    %add3A_365 = arith.addi %sub3A_363, %add3A_364 : i32
    %shift_right_arithmetic3A_366 = arith.constant 5 : i32
    %shift_right_arithmetic3A_367 = arith.shrsi %add3A_7, %shift_right_arithmetic3A_366 : i32
    %eq3A_368 = arith.constant 0 : i32
    %eq3A_369 = arith.cmpi eq, %shift_right_arithmetic3A_367, %eq3A_368 : i32
    %jit3A_370 = arith.constant 65 : i32
    %select_n3A_371 = arith.select %eq3A_369, %add3A_365, %jit3A_370 : i32
    %get3A_372 = arith.index_cast %select_n3A_371 : i32 to index
    %get3A_373 = arith.constant 0 : index
    %get3A_374 = tpu.vector_load %arg4[%get3A_372, %get3A_373] {strides = array<i32>} : memref<66x16xf32, #tpu.memory_space<vmem>>, vector<1x16xf32>,
    %get3A_375 = vector.shape_cast %get3A_374 : vector<1x16xf32> to vector<16xf32>
    %swap3A_376 = arith.constant 0 : i32
    %swap3A_377 = arith.index_cast %swap3A_376 : i32 to index
    %swap3A_378 = arith.constant 288 : index
    %swap3A_379 = tpu.vector_load %arg5[%swap3A_377, %swap3A_378] {strides = array<i32>} : memref<4x1024xf32, #tpu.memory_space<vmem>>, vector<1x16xf32>,
    %swap3A_380 = vector.shape_cast %swap3A_379 : vector<1x16xf32> to vector<16xf32>
    %swap3A_381 = vector.shape_cast %get3A_375 : vector<16xf32> to vector<1x16xf32>
    tpu.vector_store %arg5[%swap3A_377, %swap3A_378], %swap3A_381 {strides = array<i32>} : memref<4x1024xf32, #tpu.memory_space<vmem>>, vector<1x16xf32>,
    %sub3A_382 = arith.constant 19 : i32
    %sub3A_383 = arith.subi %add3A_7, %sub3A_382 : i32
    %add3A_384 = arith.constant 32 : i32
    %add3A_385 = arith.addi %sub3A_383, %add3A_384 : i32
    %shift_right_arithmetic3A_386 = arith.constant 5 : i32
    %shift_right_arithmetic3A_387 = arith.shrsi %add3A_7, %shift_right_arithmetic3A_386 : i32
    %eq3A_388 = arith.constant 0 : i32
    %eq3A_389 = arith.cmpi eq, %shift_right_arithmetic3A_387, %eq3A_388 : i32
    %jit3A_390 = arith.constant 65 : i32
    %select_n3A_391 = arith.select %eq3A_389, %add3A_385, %jit3A_390 : i32
    %get3A_392 = arith.index_cast %select_n3A_391 : i32 to index
    %get3A_393 = arith.constant 0 : index
    %get3A_394 = tpu.vector_load %arg4[%get3A_392, %get3A_393] {strides = array<i32>} : memref<66x16xf32, #tpu.memory_space<vmem>>, vector<1x16xf32>,
    %get3A_395 = vector.shape_cast %get3A_394 : vector<1x16xf32> to vector<16xf32>
    %swap3A_396 = arith.constant 0 : i32
    %swap3A_397 = arith.index_cast %swap3A_396 : i32 to index
    %swap3A_398 = arith.constant 304 : index
    %swap3A_399 = tpu.vector_load %arg5[%swap3A_397, %swap3A_398] {strides = array<i32>} : memref<4x1024xf32, #tpu.memory_space<vmem>>, vector<1x16xf32>,
    %swap3A_400 = vector.shape_cast %swap3A_399 : vector<1x16xf32> to vector<16xf32>
    %swap3A_401 = vector.shape_cast %get3A_395 : vector<16xf32> to vector<1x16xf32>
    tpu.vector_store %arg5[%swap3A_397, %swap3A_398], %swap3A_401 {strides = array<i32>} : memref<4x1024xf32, #tpu.memory_space<vmem>>, vector<1x16xf32>,
    %sub3A_402 = arith.constant 20 : i32
    %sub3A_403 = arith.subi %add3A_7, %sub3A_402 : i32
    %add3A_404 = arith.constant 32 : i32
    %add3A_405 = arith.addi %sub3A_403, %add3A_404 : i32
    %shift_right_arithmetic3A_406 = arith.constant 5 : i32
    %shift_right_arithmetic3A_407 = arith.shrsi %add3A_7, %shift_right_arithmetic3A_406 : i32
    %eq3A_408 = arith.constant 0 : i32
    %eq3A_409 = arith.cmpi eq, %shift_right_arithmetic3A_407, %eq3A_408 : i32
    %jit3A_410 = arith.constant 65 : i32
    %select_n3A_411 = arith.select %eq3A_409, %add3A_405, %jit3A_410 : i32
    %get3A_412 = arith.index_cast %select_n3A_411 : i32 to index
    %get3A_413 = arith.constant 0 : index
    %get3A_414 = tpu.vector_load %arg4[%get3A_412, %get3A_413] {strides = array<i32>} : memref<66x16xf32, #tpu.memory_space<vmem>>, vector<1x16xf32>,
    %get3A_415 = vector.shape_cast %get3A_414 : vector<1x16xf32> to vector<16xf32>
    %swap3A_416 = arith.constant 0 : i32
    %swap3A_417 = arith.index_cast %swap3A_416 : i32 to index
    %swap3A_418 = arith.constant 320 : index
    %swap3A_419 = tpu.vector_load %arg5[%swap3A_417, %swap3A_418] {strides = array<i32>} : memref<4x1024xf32, #tpu.memory_space<vmem>>, vector<1x16xf32>,
    %swap3A_420 = vector.shape_cast %swap3A_419 : vector<1x16xf32> to vector<16xf32>
    %swap3A_421 = vector.shape_cast %get3A_415 : vector<16xf32> to vector<1x16xf32>
    tpu.vector_store %arg5[%swap3A_417, %swap3A_418], %swap3A_421 {strides = array<i32>} : memref<4x1024xf32, #tpu.memory_space<vmem>>, vector<1x16xf32>,
    %sub3A_422 = arith.constant 21 : i32
    %sub3A_423 = arith.subi %add3A_7, %sub3A_422 : i32
    %add3A_424 = arith.constant 32 : i32
    %add3A_425 = arith.addi %sub3A_423, %add3A_424 : i32
    %shift_right_arithmetic3A_426 = arith.constant 5 : i32
    %shift_right_arithmetic3A_427 = arith.shrsi %add3A_7, %shift_right_arithmetic3A_426 : i32
    %eq3A_428 = arith.constant 0 : i32
    %eq3A_429 = arith.cmpi eq, %shift_right_arithmetic3A_427, %eq3A_428 : i32
    %jit3A_430 = arith.constant 65 : i32
    %select_n3A_431 = arith.select %eq3A_429, %add3A_425, %jit3A_430 : i32
    %get3A_432 = arith.index_cast %select_n3A_431 : i32 to index
    %get3A_433 = arith.constant 0 : index
    %get3A_434 = tpu.vector_load %arg4[%get3A_432, %get3A_433] {strides = array<i32>} : memref<66x16xf32, #tpu.memory_space<vmem>>, vector<1x16xf32>,
    %get3A_435 = vector.shape_cast %get3A_434 : vector<1x16xf32> to vector<16xf32>
    %swap3A_436 = arith.constant 0 : i32
    %swap3A_437 = arith.index_cast %swap3A_436 : i32 to index
    %swap3A_438 = arith.constant 336 : index
    %swap3A_439 = tpu.vector_load %arg5[%swap3A_437, %swap3A_438] {strides = array<i32>} : memref<4x1024xf32, #tpu.memory_space<vmem>>, vector<1x16xf32>,
    %swap3A_440 = vector.shape_cast %swap3A_439 : vector<1x16xf32> to vector<16xf32>
    %swap3A_441 = vector.shape_cast %get3A_435 : vector<16xf32> to vector<1x16xf32>
    tpu.vector_store %arg5[%swap3A_437, %swap3A_438], %swap3A_441 {strides = array<i32>} : memref<4x1024xf32, #tpu.memory_space<vmem>>, vector<1x16xf32>,
    %sub3A_442 = arith.constant 22 : i32
    %sub3A_443 = arith.subi %add3A_7, %sub3A_442 : i32
    %add3A_444 = arith.constant 32 : i32
    %add3A_445 = arith.addi %sub3A_443, %add3A_444 : i32
    %shift_right_arithmetic3A_446 = arith.constant 5 : i32
    %shift_right_arithmetic3A_447 = arith.shrsi %add3A_7, %shift_right_arithmetic3A_446 : i32
    %eq3A_448 = arith.constant 0 : i32
    %eq3A_449 = arith.cmpi eq, %shift_right_arithmetic3A_447, %eq3A_448 : i32
    %jit3A_450 = arith.constant 65 : i32
    %select_n3A_451 = arith.select %eq3A_449, %add3A_445, %jit3A_450 : i32
    %get3A_452 = arith.index_cast %select_n3A_451 : i32 to index
    %get3A_453 = arith.constant 0 : index
    %get3A_454 = tpu.vector_load %arg4[%get3A_452, %get3A_453] {strides = array<i32>} : memref<66x16xf32, #tpu.memory_space<vmem>>, vector<1x16xf32>,
    %get3A_455 = vector.shape_cast %get3A_454 : vector<1x16xf32> to vector<16xf32>
    %swap3A_456 = arith.constant 0 : i32
    %swap3A_457 = arith.index_cast %swap3A_456 : i32 to index
    %swap3A_458 = arith.constant 352 : index
    %swap3A_459 = tpu.vector_load %arg5[%swap3A_457, %swap3A_458] {strides = array<i32>} : memref<4x1024xf32, #tpu.memory_space<vmem>>, vector<1x16xf32>,
    %swap3A_460 = vector.shape_cast %swap3A_459 : vector<1x16xf32> to vector<16xf32>
    %swap3A_461 = vector.shape_cast %get3A_455 : vector<16xf32> to vector<1x16xf32>
    tpu.vector_store %arg5[%swap3A_457, %swap3A_458], %swap3A_461 {strides = array<i32>} : memref<4x1024xf32, #tpu.memory_space<vmem>>, vector<1x16xf32>,
    %sub3A_462 = arith.constant 23 : i32
    %sub3A_463 = arith.subi %add3A_7, %sub3A_462 : i32
    %add3A_464 = arith.constant 32 : i32
    %add3A_465 = arith.addi %sub3A_463, %add3A_464 : i32
    %shift_right_arithmetic3A_466 = arith.constant 5 : i32
    %shift_right_arithmetic3A_467 = arith.shrsi %add3A_7, %shift_right_arithmetic3A_466 : i32
    %eq3A_468 = arith.constant 0 : i32
    %eq3A_469 = arith.cmpi eq, %shift_right_arithmetic3A_467, %eq3A_468 : i32
    %jit3A_470 = arith.constant 65 : i32
    %select_n3A_471 = arith.select %eq3A_469, %add3A_465, %jit3A_470 : i32
    %get3A_472 = arith.index_cast %select_n3A_471 : i32 to index
    %get3A_473 = arith.constant 0 : index
    %get3A_474 = tpu.vector_load %arg4[%get3A_472, %get3A_473] {strides = array<i32>} : memref<66x16xf32, #tpu.memory_space<vmem>>, vector<1x16xf32>,
    %get3A_475 = vector.shape_cast %get3A_474 : vector<1x16xf32> to vector<16xf32>
    %swap3A_476 = arith.constant 0 : i32
    %swap3A_477 = arith.index_cast %swap3A_476 : i32 to index
    %swap3A_478 = arith.constant 368 : index
    %swap3A_479 = tpu.vector_load %arg5[%swap3A_477, %swap3A_478] {strides = array<i32>} : memref<4x1024xf32, #tpu.memory_space<vmem>>, vector<1x16xf32>,
    %swap3A_480 = vector.shape_cast %swap3A_479 : vector<1x16xf32> to vector<16xf32>
    %swap3A_481 = vector.shape_cast %get3A_475 : vector<16xf32> to vector<1x16xf32>
    tpu.vector_store %arg5[%swap3A_477, %swap3A_478], %swap3A_481 {strides = array<i32>} : memref<4x1024xf32, #tpu.memory_space<vmem>>, vector<1x16xf32>,
    %sub3A_482 = arith.constant 24 : i32
    %sub3A_483 = arith.subi %add3A_7, %sub3A_482 : i32
    %add3A_484 = arith.constant 32 : i32
    %add3A_485 = arith.addi %sub3A_483, %add3A_484 : i32
    %shift_right_arithmetic3A_486 = arith.constant 5 : i32
    %shift_right_arithmetic3A_487 = arith.shrsi %add3A_7, %shift_right_arithmetic3A_486 : i32
    %eq3A_488 = arith.constant 0 : i32
    %eq3A_489 = arith.cmpi eq, %shift_right_arithmetic3A_487, %eq3A_488 : i32
    %jit3A_490 = arith.constant 65 : i32
    %select_n3A_491 = arith.select %eq3A_489, %add3A_485, %jit3A_490 : i32
    %get3A_492 = arith.index_cast %select_n3A_491 : i32 to index
    %get3A_493 = arith.constant 0 : index
    %get3A_494 = tpu.vector_load %arg4[%get3A_492, %get3A_493] {strides = array<i32>} : memref<66x16xf32, #tpu.memory_space<vmem>>, vector<1x16xf32>,
    %get3A_495 = vector.shape_cast %get3A_494 : vector<1x16xf32> to vector<16xf32>
    %swap3A_496 = arith.constant 0 : i32
    %swap3A_497 = arith.index_cast %swap3A_496 : i32 to index
    %swap3A_498 = arith.constant 384 : index
    %swap3A_499 = tpu.vector_load %arg5[%swap3A_497, %swap3A_498] {strides = array<i32>} : memref<4x1024xf32, #tpu.memory_space<vmem>>, vector<1x16xf32>,
    %swap3A_500 = vector.shape_cast %swap3A_499 : vector<1x16xf32> to vector<16xf32>
    %swap3A_501 = vector.shape_cast %get3A_495 : vector<16xf32> to vector<1x16xf32>
    tpu.vector_store %arg5[%swap3A_497, %swap3A_498], %swap3A_501 {strides = array<i32>} : memref<4x1024xf32, #tpu.memory_space<vmem>>, vector<1x16xf32>,
    %sub3A_502 = arith.constant 25 : i32
    %sub3A_503 = arith.subi %add3A_7, %sub3A_502 : i32
    %add3A_504 = arith.constant 32 : i32
    %add3A_505 = arith.addi %sub3A_503, %add3A_504 : i32
    %shift_right_arithmetic3A_506 = arith.constant 5 : i32
    %shift_right_arithmetic3A_507 = arith.shrsi %add3A_7, %shift_right_arithmetic3A_506 : i32
    %eq3A_508 = arith.constant 0 : i32
    %eq3A_509 = arith.cmpi eq, %shift_right_arithmetic3A_507, %eq3A_508 : i32
    %jit3A_510 = arith.constant 65 : i32
    %select_n3A_511 = arith.select %eq3A_509, %add3A_505, %jit3A_510 : i32
    %get3A_512 = arith.index_cast %select_n3A_511 : i32 to index
    %get3A_513 = arith.constant 0 : index
    %get3A_514 = tpu.vector_load %arg4[%get3A_512, %get3A_513] {strides = array<i32>} : memref<66x16xf32, #tpu.memory_space<vmem>>, vector<1x16xf32>,
    %get3A_515 = vector.shape_cast %get3A_514 : vector<1x16xf32> to vector<16xf32>
    %swap3A_516 = arith.constant 0 : i32
    %swap3A_517 = arith.index_cast %swap3A_516 : i32 to index
    %swap3A_518 = arith.constant 400 : index
    %swap3A_519 = tpu.vector_load %arg5[%swap3A_517, %swap3A_518] {strides = array<i32>} : memref<4x1024xf32, #tpu.memory_space<vmem>>, vector<1x16xf32>,
    %swap3A_520 = vector.shape_cast %swap3A_519 : vector<1x16xf32> to vector<16xf32>
    %swap3A_521 = vector.shape_cast %get3A_515 : vector<16xf32> to vector<1x16xf32>
    tpu.vector_store %arg5[%swap3A_517, %swap3A_518], %swap3A_521 {strides = array<i32>} : memref<4x1024xf32, #tpu.memory_space<vmem>>, vector<1x16xf32>,
    %sub3A_522 = arith.constant 26 : i32
    %sub3A_523 = arith.subi %add3A_7, %sub3A_522 : i32
    %add3A_524 = arith.constant 32 : i32
    %add3A_525 = arith.addi %sub3A_523, %add3A_524 : i32
    %shift_right_arithmetic3A_526 = arith.constant 5 : i32
    %shift_right_arithmetic3A_527 = arith.shrsi %add3A_7, %shift_right_arithmetic3A_526 : i32
    %eq3A_528 = arith.constant 0 : i32
    %eq3A_529 = arith.cmpi eq, %shift_right_arithmetic3A_527, %eq3A_528 : i32
    %jit3A_530 = arith.constant 65 : i32
    %select_n3A_531 = arith.select %eq3A_529, %add3A_525, %jit3A_530 : i32
    %get3A_532 = arith.index_cast %select_n3A_531 : i32 to index
    %get3A_533 = arith.constant 0 : index
    %get3A_534 = tpu.vector_load %arg4[%get3A_532, %get3A_533] {strides = array<i32>} : memref<66x16xf32, #tpu.memory_space<vmem>>, vector<1x16xf32>,
    %get3A_535 = vector.shape_cast %get3A_534 : vector<1x16xf32> to vector<16xf32>
    %swap3A_536 = arith.constant 0 : i32
    %swap3A_537 = arith.index_cast %swap3A_536 : i32 to index
    %swap3A_538 = arith.constant 416 : index
    %swap3A_539 = tpu.vector_load %arg5[%swap3A_537, %swap3A_538] {strides = array<i32>} : memref<4x1024xf32, #tpu.memory_space<vmem>>, vector<1x16xf32>,
    %swap3A_540 = vector.shape_cast %swap3A_539 : vector<1x16xf32> to vector<16xf32>
    %swap3A_541 = vector.shape_cast %get3A_535 : vector<16xf32> to vector<1x16xf32>
    tpu.vector_store %arg5[%swap3A_537, %swap3A_538], %swap3A_541 {strides = array<i32>} : memref<4x1024xf32, #tpu.memory_space<vmem>>, vector<1x16xf32>,
    %sub3A_542 = arith.constant 27 : i32
    %sub3A_543 = arith.subi %add3A_7, %sub3A_542 : i32
    %add3A_544 = arith.constant 32 : i32
    %add3A_545 = arith.addi %sub3A_543, %add3A_544 : i32
    %shift_right_arithmetic3A_546 = arith.constant 5 : i32
    %shift_right_arithmetic3A_547 = arith.shrsi %add3A_7, %shift_right_arithmetic3A_546 : i32
    %eq3A_548 = arith.constant 0 : i32
    %eq3A_549 = arith.cmpi eq, %shift_right_arithmetic3A_547, %eq3A_548 : i32
    %jit3A_550 = arith.constant 65 : i32
    %select_n3A_551 = arith.select %eq3A_549, %add3A_545, %jit3A_550 : i32
    %get3A_552 = arith.index_cast %select_n3A_551 : i32 to index
    %get3A_553 = arith.constant 0 : index
    %get3A_554 = tpu.vector_load %arg4[%get3A_552, %get3A_553] {strides = array<i32>} : memref<66x16xf32, #tpu.memory_space<vmem>>, vector<1x16xf32>,
    %get3A_555 = vector.shape_cast %get3A_554 : vector<1x16xf32> to vector<16xf32>
    %swap3A_556 = arith.constant 0 : i32
    %swap3A_557 = arith.index_cast %swap3A_556 : i32 to index
    %swap3A_558 = arith.constant 432 : index
    %swap3A_559 = tpu.vector_load %arg5[%swap3A_557, %swap3A_558] {strides = array<i32>} : memref<4x1024xf32, #tpu.memory_space<vmem>>, vector<1x16xf32>,
    %swap3A_560 = vector.shape_cast %swap3A_559 : vector<1x16xf32> to vector<16xf32>
    %swap3A_561 = vector.shape_cast %get3A_555 : vector<16xf32> to vector<1x16xf32>
    tpu.vector_store %arg5[%swap3A_557, %swap3A_558], %swap3A_561 {strides = array<i32>} : memref<4x1024xf32, #tpu.memory_space<vmem>>, vector<1x16xf32>,
    %sub3A_562 = arith.constant 28 : i32
    %sub3A_563 = arith.subi %add3A_7, %sub3A_562 : i32
    %add3A_564 = arith.constant 32 : i32
    %add3A_565 = arith.addi %sub3A_563, %add3A_564 : i32
    %shift_right_arithmetic3A_566 = arith.constant 5 : i32
    %shift_right_arithmetic3A_567 = arith.shrsi %add3A_7, %shift_right_arithmetic3A_566 : i32
    %eq3A_568 = arith.constant 0 : i32
    %eq3A_569 = arith.cmpi eq, %shift_right_arithmetic3A_567, %eq3A_568 : i32
    %jit3A_570 = arith.constant 65 : i32
    %select_n3A_571 = arith.select %eq3A_569, %add3A_565, %jit3A_570 : i32
    %get3A_572 = arith.index_cast %select_n3A_571 : i32 to index
    %get3A_573 = arith.constant 0 : index
    %get3A_574 = tpu.vector_load %arg4[%get3A_572, %get3A_573] {strides = array<i32>} : memref<66x16xf32, #tpu.memory_space<vmem>>, vector<1x16xf32>,
    %get3A_575 = vector.shape_cast %get3A_574 : vector<1x16xf32> to vector<16xf32>
    %swap3A_576 = arith.constant 0 : i32
    %swap3A_577 = arith.index_cast %swap3A_576 : i32 to index
    %swap3A_578 = arith.constant 448 : index
    %swap3A_579 = tpu.vector_load %arg5[%swap3A_577, %swap3A_578] {strides = array<i32>} : memref<4x1024xf32, #tpu.memory_space<vmem>>, vector<1x16xf32>,
    %swap3A_580 = vector.shape_cast %swap3A_579 : vector<1x16xf32> to vector<16xf32>
    %swap3A_581 = vector.shape_cast %get3A_575 : vector<16xf32> to vector<1x16xf32>
    tpu.vector_store %arg5[%swap3A_577, %swap3A_578], %swap3A_581 {strides = array<i32>} : memref<4x1024xf32, #tpu.memory_space<vmem>>, vector<1x16xf32>,
    %sub3A_582 = arith.constant 29 : i32
    %sub3A_583 = arith.subi %add3A_7, %sub3A_582 : i32
    %add3A_584 = arith.constant 32 : i32
    %add3A_585 = arith.addi %sub3A_583, %add3A_584 : i32
    %shift_right_arithmetic3A_586 = arith.constant 5 : i32
    %shift_right_arithmetic3A_587 = arith.shrsi %add3A_7, %shift_right_arithmetic3A_586 : i32
    %eq3A_588 = arith.constant 0 : i32
    %eq3A_589 = arith.cmpi eq, %shift_right_arithmetic3A_587, %eq3A_588 : i32
    %jit3A_590 = arith.constant 65 : i32
    %select_n3A_591 = arith.select %eq3A_589, %add3A_585, %jit3A_590 : i32
    %get3A_592 = arith.index_cast %select_n3A_591 : i32 to index
    %get3A_593 = arith.constant 0 : index
    %get3A_594 = tpu.vector_load %arg4[%get3A_592, %get3A_593] {strides = array<i32>} : memref<66x16xf32, #tpu.memory_space<vmem>>, vector<1x16xf32>,
    %get3A_595 = vector.shape_cast %get3A_594 : vector<1x16xf32> to vector<16xf32>
    %swap3A_596 = arith.constant 0 : i32
    %swap3A_597 = arith.index_cast %swap3A_596 : i32 to index
    %swap3A_598 = arith.constant 464 : index
    %swap3A_599 = tpu.vector_load %arg5[%swap3A_597, %swap3A_598] {strides = array<i32>} : memref<4x1024xf32, #tpu.memory_space<vmem>>, vector<1x16xf32>,
    %swap3A_600 = vector.shape_cast %swap3A_599 : vector<1x16xf32> to vector<16xf32>
    %swap3A_601 = vector.shape_cast %get3A_595 : vector<16xf32> to vector<1x16xf32>
    tpu.vector_store %arg5[%swap3A_597, %swap3A_598], %swap3A_601 {strides = array<i32>} : memref<4x1024xf32, #tpu.memory_space<vmem>>, vector<1x16xf32>,
    %sub3A_602 = arith.constant 30 : i32
    %sub3A_603 = arith.subi %add3A_7, %sub3A_602 : i32
    %add3A_604 = arith.constant 32 : i32
    %add3A_605 = arith.addi %sub3A_603, %add3A_604 : i32
    %shift_right_arithmetic3A_606 = arith.constant 5 : i32
    %shift_right_arithmetic3A_607 = arith.shrsi %add3A_7, %shift_right_arithmetic3A_606 : i32
    %eq3A_608 = arith.constant 0 : i32
    %eq3A_609 = arith.cmpi eq, %shift_right_arithmetic3A_607, %eq3A_608 : i32
    %jit3A_610 = arith.constant 65 : i32
    %select_n3A_611 = arith.select %eq3A_609, %add3A_605, %jit3A_610 : i32
    %get3A_612 = arith.index_cast %select_n3A_611 : i32 to index
    %get3A_613 = arith.constant 0 : index
    %get3A_614 = tpu.vector_load %arg4[%get3A_612, %get3A_613] {strides = array<i32>} : memref<66x16xf32, #tpu.memory_space<vmem>>, vector<1x16xf32>,
    %get3A_615 = vector.shape_cast %get3A_614 : vector<1x16xf32> to vector<16xf32>
    %swap3A_616 = arith.constant 0 : i32
    %swap3A_617 = arith.index_cast %swap3A_616 : i32 to index
    %swap3A_618 = arith.constant 480 : index
    %swap3A_619 = tpu.vector_load %arg5[%swap3A_617, %swap3A_618] {strides = array<i32>} : memref<4x1024xf32, #tpu.memory_space<vmem>>, vector<1x16xf32>,
    %swap3A_620 = vector.shape_cast %swap3A_619 : vector<1x16xf32> to vector<16xf32>
    %swap3A_621 = vector.shape_cast %get3A_615 : vector<16xf32> to vector<1x16xf32>
    tpu.vector_store %arg5[%swap3A_617, %swap3A_618], %swap3A_621 {strides = array<i32>} : memref<4x1024xf32, #tpu.memory_space<vmem>>, vector<1x16xf32>,
    %sub3A_622 = arith.constant 31 : i32
    %sub3A_623 = arith.subi %add3A_7, %sub3A_622 : i32
    %add3A_624 = arith.constant 32 : i32
    %add3A_625 = arith.addi %sub3A_623, %add3A_624 : i32
    %shift_right_arithmetic3A_626 = arith.constant 5 : i32
    %shift_right_arithmetic3A_627 = arith.shrsi %add3A_7, %shift_right_arithmetic3A_626 : i32
    %eq3A_628 = arith.constant 0 : i32
    %eq3A_629 = arith.cmpi eq, %shift_right_arithmetic3A_627, %eq3A_628 : i32
    %jit3A_630 = arith.constant 65 : i32
    %select_n3A_631 = arith.select %eq3A_629, %add3A_625, %jit3A_630 : i32
    %get3A_632 = arith.index_cast %select_n3A_631 : i32 to index
    %get3A_633 = arith.constant 0 : index
    %get3A_634 = tpu.vector_load %arg4[%get3A_632, %get3A_633] {strides = array<i32>} : memref<66x16xf32, #tpu.memory_space<vmem>>, vector<1x16xf32>,
    %get3A_635 = vector.shape_cast %get3A_634 : vector<1x16xf32> to vector<16xf32>
    %swap3A_636 = arith.constant 0 : i32
    %swap3A_637 = arith.index_cast %swap3A_636 : i32 to index
    %swap3A_638 = arith.constant 496 : index
    %swap3A_639 = tpu.vector_load %arg5[%swap3A_637, %swap3A_638] {strides = array<i32>} : memref<4x1024xf32, #tpu.memory_space<vmem>>, vector<1x16xf32>,
    %swap3A_640 = vector.shape_cast %swap3A_639 : vector<1x16xf32> to vector<16xf32>
    %swap3A_641 = vector.shape_cast %get3A_635 : vector<16xf32> to vector<1x16xf32>
    tpu.vector_store %arg5[%swap3A_637, %swap3A_638], %swap3A_641 {strides = array<i32>} : memref<4x1024xf32, #tpu.memory_space<vmem>>, vector<1x16xf32>,
    %sub3A_642 = arith.constant 32 : i32
    %sub3A_643 = arith.subi %add3A_7, %sub3A_642 : i32
    %add3A_644 = arith.constant 32 : i32
    %add3A_645 = arith.addi %sub3A_643, %add3A_644 : i32
    %shift_right_arithmetic3A_646 = arith.constant 5 : i32
    %shift_right_arithmetic3A_647 = arith.shrsi %add3A_7, %shift_right_arithmetic3A_646 : i32
    %eq3A_648 = arith.constant 1 : i32
    %eq3A_649 = arith.cmpi eq, %shift_right_arithmetic3A_647, %eq3A_648 : i32
    %jit3A_650 = arith.constant 65 : i32
    %select_n3A_651 = arith.select %eq3A_649, %add3A_645, %jit3A_650 : i32
    %get3A_652 = arith.index_cast %select_n3A_651 : i32 to index
    %get3A_653 = arith.constant 0 : index
    %get3A_654 = tpu.vector_load %arg4[%get3A_652, %get3A_653] {strides = array<i32>} : memref<66x16xf32, #tpu.memory_space<vmem>>, vector<1x16xf32>,
    %get3A_655 = vector.shape_cast %get3A_654 : vector<1x16xf32> to vector<16xf32>
    %swap3A_656 = arith.constant 0 : i32
    %swap3A_657 = arith.index_cast %swap3A_656 : i32 to index
    %swap3A_658 = arith.constant 512 : index
    %swap3A_659 = tpu.vector_load %arg5[%swap3A_657, %swap3A_658] {strides = array<i32>} : memref<4x1024xf32, #tpu.memory_space<vmem>>, vector<1x16xf32>,
    %swap3A_660 = vector.shape_cast %swap3A_659 : vector<1x16xf32> to vector<16xf32>
    %swap3A_661 = vector.shape_cast %get3A_655 : vector<16xf32> to vector<1x16xf32>
    tpu.vector_store %arg5[%swap3A_657, %swap3A_658], %swap3A_661 {strides = array<i32>} : memref<4x1024xf32, #tpu.memory_space<vmem>>, vector<1x16xf32>,
    %sub3A_662 = arith.constant 33 : i32
    %sub3A_663 = arith.subi %add3A_7, %sub3A_662 : i32
    %add3A_664 = arith.constant 32 : i32
    %add3A_665 = arith.addi %sub3A_663, %add3A_664 : i32
    %shift_right_arithmetic3A_666 = arith.constant 5 : i32
    %shift_right_arithmetic3A_667 = arith.shrsi %add3A_7, %shift_right_arithmetic3A_666 : i32
    %eq3A_668 = arith.constant 1 : i32
    %eq3A_669 = arith.cmpi eq, %shift_right_arithmetic3A_667, %eq3A_668 : i32
    %jit3A_670 = arith.constant 65 : i32
    %select_n3A_671 = arith.select %eq3A_669, %add3A_665, %jit3A_670 : i32
    %get3A_672 = arith.index_cast %select_n3A_671 : i32 to index
    %get3A_673 = arith.constant 0 : index
    %get3A_674 = tpu.vector_load %arg4[%get3A_672, %get3A_673] {strides = array<i32>} : memref<66x16xf32, #tpu.memory_space<vmem>>, vector<1x16xf32>,
    %get3A_675 = vector.shape_cast %get3A_674 : vector<1x16xf32> to vector<16xf32>
    %swap3A_676 = arith.constant 0 : i32
    %swap3A_677 = arith.index_cast %swap3A_676 : i32 to index
    %swap3A_678 = arith.constant 528 : index
    %swap3A_679 = tpu.vector_load %arg5[%swap3A_677, %swap3A_678] {strides = array<i32>} : memref<4x1024xf32, #tpu.memory_space<vmem>>, vector<1x16xf32>,
    %swap3A_680 = vector.shape_cast %swap3A_679 : vector<1x16xf32> to vector<16xf32>
    %swap3A_681 = vector.shape_cast %get3A_675 : vector<16xf32> to vector<1x16xf32>
    tpu.vector_store %arg5[%swap3A_677, %swap3A_678], %swap3A_681 {strides = array<i32>} : memref<4x1024xf32, #tpu.memory_space<vmem>>, vector<1x16xf32>,
    %sub3A_682 = arith.constant 34 : i32
    %sub3A_683 = arith.subi %add3A_7, %sub3A_682 : i32
    %add3A_684 = arith.constant 32 : i32
    %add3A_685 = arith.addi %sub3A_683, %add3A_684 : i32
    %shift_right_arithmetic3A_686 = arith.constant 5 : i32
    %shift_right_arithmetic3A_687 = arith.shrsi %add3A_7, %shift_right_arithmetic3A_686 : i32
    %eq3A_688 = arith.constant 1 : i32
    %eq3A_689 = arith.cmpi eq, %shift_right_arithmetic3A_687, %eq3A_688 : i32
    %jit3A_690 = arith.constant 65 : i32
    %select_n3A_691 = arith.select %eq3A_689, %add3A_685, %jit3A_690 : i32
    %get3A_692 = arith.index_cast %select_n3A_691 : i32 to index
    %get3A_693 = arith.constant 0 : index
    %get3A_694 = tpu.vector_load %arg4[%get3A_692, %get3A_693] {strides = array<i32>} : memref<66x16xf32, #tpu.memory_space<vmem>>, vector<1x16xf32>,
    %get3A_695 = vector.shape_cast %get3A_694 : vector<1x16xf32> to vector<16xf32>
    %swap3A_696 = arith.constant 0 : i32
    %swap3A_697 = arith.index_cast %swap3A_696 : i32 to index
    %swap3A_698 = arith.constant 544 : index
    %swap3A_699 = tpu.vector_load %arg5[%swap3A_697, %swap3A_698] {strides = array<i32>} : memref<4x1024xf32, #tpu.memory_space<vmem>>, vector<1x16xf32>,
    %swap3A_700 = vector.shape_cast %swap3A_699 : vector<1x16xf32> to vector<16xf32>
    %swap3A_701 = vector.shape_cast %get3A_695 : vector<16xf32> to vector<1x16xf32>
    tpu.vector_store %arg5[%swap3A_697, %swap3A_698], %swap3A_701 {strides = array<i32>} : memref<4x1024xf32, #tpu.memory_space<vmem>>, vector<1x16xf32>,
    %sub3A_702 = arith.constant 35 : i32
    %sub3A_703 = arith.subi %add3A_7, %sub3A_702 : i32
    %add3A_704 = arith.constant 32 : i32
    %add3A_705 = arith.addi %sub3A_703, %add3A_704 : i32
    %shift_right_arithmetic3A_706 = arith.constant 5 : i32
    %shift_right_arithmetic3A_707 = arith.shrsi %add3A_7, %shift_right_arithmetic3A_706 : i32
    %eq3A_708 = arith.constant 1 : i32
    %eq3A_709 = arith.cmpi eq, %shift_right_arithmetic3A_707, %eq3A_708 : i32
    %jit3A_710 = arith.constant 65 : i32
    %select_n3A_711 = arith.select %eq3A_709, %add3A_705, %jit3A_710 : i32
    %get3A_712 = arith.index_cast %select_n3A_711 : i32 to index
    %get3A_713 = arith.constant 0 : index
    %get3A_714 = tpu.vector_load %arg4[%get3A_712, %get3A_713] {strides = array<i32>} : memref<66x16xf32, #tpu.memory_space<vmem>>, vector<1x16xf32>,
    %get3A_715 = vector.shape_cast %get3A_714 : vector<1x16xf32> to vector<16xf32>
    %swap3A_716 = arith.constant 0 : i32
    %swap3A_717 = arith.index_cast %swap3A_716 : i32 to index
    %swap3A_718 = arith.constant 560 : index
    %swap3A_719 = tpu.vector_load %arg5[%swap3A_717, %swap3A_718] {strides = array<i32>} : memref<4x1024xf32, #tpu.memory_space<vmem>>, vector<1x16xf32>,
    %swap3A_720 = vector.shape_cast %swap3A_719 : vector<1x16xf32> to vector<16xf32>
    %swap3A_721 = vector.shape_cast %get3A_715 : vector<16xf32> to vector<1x16xf32>
    tpu.vector_store %arg5[%swap3A_717, %swap3A_718], %swap3A_721 {strides = array<i32>} : memref<4x1024xf32, #tpu.memory_space<vmem>>, vector<1x16xf32>,
    %sub3A_722 = arith.constant 36 : i32
    %sub3A_723 = arith.subi %add3A_7, %sub3A_722 : i32
    %add3A_724 = arith.constant 32 : i32
    %add3A_725 = arith.addi %sub3A_723, %add3A_724 : i32
    %shift_right_arithmetic3A_726 = arith.constant 5 : i32
    %shift_right_arithmetic3A_727 = arith.shrsi %add3A_7, %shift_right_arithmetic3A_726 : i32
    %eq3A_728 = arith.constant 1 : i32
    %eq3A_729 = arith.cmpi eq, %shift_right_arithmetic3A_727, %eq3A_728 : i32
    %jit3A_730 = arith.constant 65 : i32
    %select_n3A_731 = arith.select %eq3A_729, %add3A_725, %jit3A_730 : i32
    %get3A_732 = arith.index_cast %select_n3A_731 : i32 to index
    %get3A_733 = arith.constant 0 : index
    %get3A_734 = tpu.vector_load %arg4[%get3A_732, %get3A_733] {strides = array<i32>} : memref<66x16xf32, #tpu.memory_space<vmem>>, vector<1x16xf32>,
    %get3A_735 = vector.shape_cast %get3A_734 : vector<1x16xf32> to vector<16xf32>
    %swap3A_736 = arith.constant 0 : i32
    %swap3A_737 = arith.index_cast %swap3A_736 : i32 to index
    %swap3A_738 = arith.constant 576 : index
    %swap3A_739 = tpu.vector_load %arg5[%swap3A_737, %swap3A_738] {strides = array<i32>} : memref<4x1024xf32, #tpu.memory_space<vmem>>, vector<1x16xf32>,
    %swap3A_740 = vector.shape_cast %swap3A_739 : vector<1x16xf32> to vector<16xf32>
    %swap3A_741 = vector.shape_cast %get3A_735 : vector<16xf32> to vector<1x16xf32>
    tpu.vector_store %arg5[%swap3A_737, %swap3A_738], %swap3A_741 {strides = array<i32>} : memref<4x1024xf32, #tpu.memory_space<vmem>>, vector<1x16xf32>,
    %sub3A_742 = arith.constant 37 : i32
    %sub3A_743 = arith.subi %add3A_7, %sub3A_742 : i32
    %add3A_744 = arith.constant 32 : i32
    %add3A_745 = arith.addi %sub3A_743, %add3A_744 : i32
    %shift_right_arithmetic3A_746 = arith.constant 5 : i32
    %shift_right_arithmetic3A_747 = arith.shrsi %add3A_7, %shift_right_arithmetic3A_746 : i32
    %eq3A_748 = arith.constant 1 : i32
    %eq3A_749 = arith.cmpi eq, %shift_right_arithmetic3A_747, %eq3A_748 : i32
    %jit3A_750 = arith.constant 65 : i32
    %select_n3A_751 = arith.select %eq3A_749, %add3A_745, %jit3A_750 : i32
    %get3A_752 = arith.index_cast %select_n3A_751 : i32 to index
    %get3A_753 = arith.constant 0 : index
    %get3A_754 = tpu.vector_load %arg4[%get3A_752, %get3A_753] {strides = array<i32>} : memref<66x16xf32, #tpu.memory_space<vmem>>, vector<1x16xf32>,
    %get3A_755 = vector.shape_cast %get3A_754 : vector<1x16xf32> to vector<16xf32>
    %swap3A_756 = arith.constant 0 : i32
    %swap3A_757 = arith.index_cast %swap3A_756 : i32 to index
    %swap3A_758 = arith.constant 592 : index
    %swap3A_759 = tpu.vector_load %arg5[%swap3A_757, %swap3A_758] {strides = array<i32>} : memref<4x1024xf32, #tpu.memory_space<vmem>>, vector<1x16xf32>,
    %swap3A_760 = vector.shape_cast %swap3A_759 : vector<1x16xf32> to vector<16xf32>
    %swap3A_761 = vector.shape_cast %get3A_755 : vector<16xf32> to vector<1x16xf32>
    tpu.vector_store %arg5[%swap3A_757, %swap3A_758], %swap3A_761 {strides = array<i32>} : memref<4x1024xf32, #tpu.memory_space<vmem>>, vector<1x16xf32>,
    %sub3A_762 = arith.constant 38 : i32
    %sub3A_763 = arith.subi %add3A_7, %sub3A_762 : i32
    %add3A_764 = arith.constant 32 : i32
    %add3A_765 = arith.addi %sub3A_763, %add3A_764 : i32
    %shift_right_arithmetic3A_766 = arith.constant 5 : i32
    %shift_right_arithmetic3A_767 = arith.shrsi %add3A_7, %shift_right_arithmetic3A_766 : i32
    %eq3A_768 = arith.constant 1 : i32
    %eq3A_769 = arith.cmpi eq, %shift_right_arithmetic3A_767, %eq3A_768 : i32
    %jit3A_770 = arith.constant 65 : i32
    %select_n3A_771 = arith.select %eq3A_769, %add3A_765, %jit3A_770 : i32
    %get3A_772 = arith.index_cast %select_n3A_771 : i32 to index
    %get3A_773 = arith.constant 0 : index
    %get3A_774 = tpu.vector_load %arg4[%get3A_772, %get3A_773] {strides = array<i32>} : memref<66x16xf32, #tpu.memory_space<vmem>>, vector<1x16xf32>,
    %get3A_775 = vector.shape_cast %get3A_774 : vector<1x16xf32> to vector<16xf32>
    %swap3A_776 = arith.constant 0 : i32
    %swap3A_777 = arith.index_cast %swap3A_776 : i32 to index
    %swap3A_778 = arith.constant 608 : index
    %swap3A_779 = tpu.vector_load %arg5[%swap3A_777, %swap3A_778] {strides = array<i32>} : memref<4x1024xf32, #tpu.memory_space<vmem>>, vector<1x16xf32>,
    %swap3A_780 = vector.shape_cast %swap3A_779 : vector<1x16xf32> to vector<16xf32>
    %swap3A_781 = vector.shape_cast %get3A_775 : vector<16xf32> to vector<1x16xf32>
    tpu.vector_store %arg5[%swap3A_777, %swap3A_778], %swap3A_781 {strides = array<i32>} : memref<4x1024xf32, #tpu.memory_space<vmem>>, vector<1x16xf32>,
    %sub3A_782 = arith.constant 39 : i32
    %sub3A_783 = arith.subi %add3A_7, %sub3A_782 : i32
    %add3A_784 = arith.constant 32 : i32
    %add3A_785 = arith.addi %sub3A_783, %add3A_784 : i32
    %shift_right_arithmetic3A_786 = arith.constant 5 : i32
    %shift_right_arithmetic3A_787 = arith.shrsi %add3A_7, %shift_right_arithmetic3A_786 : i32
    %eq3A_788 = arith.constant 1 : i32
    %eq3A_789 = arith.cmpi eq, %shift_right_arithmetic3A_787, %eq3A_788 : i32
    %jit3A_790 = arith.constant 65 : i32
    %select_n3A_791 = arith.select %eq3A_789, %add3A_785, %jit3A_790 : i32
    %get3A_792 = arith.index_cast %select_n3A_791 : i32 to index
    %get3A_793 = arith.constant 0 : index
    %get3A_794 = tpu.vector_load %arg4[%get3A_792, %get3A_793] {strides = array<i32>} : memref<66x16xf32, #tpu.memory_space<vmem>>, vector<1x16xf32>,
    %get3A_795 = vector.shape_cast %get3A_794 : vector<1x16xf32> to vector<16xf32>
    %swap3A_796 = arith.constant 0 : i32
    %swap3A_797 = arith.index_cast %swap3A_796 : i32 to index
    %swap3A_798 = arith.constant 624 : index
    %swap3A_799 = tpu.vector_load %arg5[%swap3A_797, %swap3A_798] {strides = array<i32>} : memref<4x1024xf32, #tpu.memory_space<vmem>>, vector<1x16xf32>,
    %swap3A_800 = vector.shape_cast %swap3A_799 : vector<1x16xf32> to vector<16xf32>
    %swap3A_801 = vector.shape_cast %get3A_795 : vector<16xf32> to vector<1x16xf32>
    tpu.vector_store %arg5[%swap3A_797, %swap3A_798], %swap3A_801 {strides = array<i32>} : memref<4x1024xf32, #tpu.memory_space<vmem>>, vector<1x16xf32>,
    %sub3A_802 = arith.constant 40 : i32
    %sub3A_803 = arith.subi %add3A_7, %sub3A_802 : i32
    %add3A_804 = arith.constant 32 : i32
    %add3A_805 = arith.addi %sub3A_803, %add3A_804 : i32
    %shift_right_arithmetic3A_806 = arith.constant 5 : i32
    %shift_right_arithmetic3A_807 = arith.shrsi %add3A_7, %shift_right_arithmetic3A_806 : i32
    %eq3A_808 = arith.constant 1 : i32
    %eq3A_809 = arith.cmpi eq, %shift_right_arithmetic3A_807, %eq3A_808 : i32
    %jit3A_810 = arith.constant 65 : i32
    %select_n3A_811 = arith.select %eq3A_809, %add3A_805, %jit3A_810 : i32
    %get3A_812 = arith.index_cast %select_n3A_811 : i32 to index
    %get3A_813 = arith.constant 0 : index
    %get3A_814 = tpu.vector_load %arg4[%get3A_812, %get3A_813] {strides = array<i32>} : memref<66x16xf32, #tpu.memory_space<vmem>>, vector<1x16xf32>,
    %get3A_815 = vector.shape_cast %get3A_814 : vector<1x16xf32> to vector<16xf32>
    %swap3A_816 = arith.constant 0 : i32
    %swap3A_817 = arith.index_cast %swap3A_816 : i32 to index
    %swap3A_818 = arith.constant 640 : index
    %swap3A_819 = tpu.vector_load %arg5[%swap3A_817, %swap3A_818] {strides = array<i32>} : memref<4x1024xf32, #tpu.memory_space<vmem>>, vector<1x16xf32>,
    %swap3A_820 = vector.shape_cast %swap3A_819 : vector<1x16xf32> to vector<16xf32>
    %swap3A_821 = vector.shape_cast %get3A_815 : vector<16xf32> to vector<1x16xf32>
    tpu.vector_store %arg5[%swap3A_817, %swap3A_818], %swap3A_821 {strides = array<i32>} : memref<4x1024xf32, #tpu.memory_space<vmem>>, vector<1x16xf32>,
    %sub3A_822 = arith.constant 41 : i32
    %sub3A_823 = arith.subi %add3A_7, %sub3A_822 : i32
    %add3A_824 = arith.constant 32 : i32
    %add3A_825 = arith.addi %sub3A_823, %add3A_824 : i32
    %shift_right_arithmetic3A_826 = arith.constant 5 : i32
    %shift_right_arithmetic3A_827 = arith.shrsi %add3A_7, %shift_right_arithmetic3A_826 : i32
    %eq3A_828 = arith.constant 1 : i32
    %eq3A_829 = arith.cmpi eq, %shift_right_arithmetic3A_827, %eq3A_828 : i32
    %jit3A_830 = arith.constant 65 : i32
    %select_n3A_831 = arith.select %eq3A_829, %add3A_825, %jit3A_830 : i32
    %get3A_832 = arith.index_cast %select_n3A_831 : i32 to index
    %get3A_833 = arith.constant 0 : index
    %get3A_834 = tpu.vector_load %arg4[%get3A_832, %get3A_833] {strides = array<i32>} : memref<66x16xf32, #tpu.memory_space<vmem>>, vector<1x16xf32>,
    %get3A_835 = vector.shape_cast %get3A_834 : vector<1x16xf32> to vector<16xf32>
    %swap3A_836 = arith.constant 0 : i32
    %swap3A_837 = arith.index_cast %swap3A_836 : i32 to index
    %swap3A_838 = arith.constant 656 : index
    %swap3A_839 = tpu.vector_load %arg5[%swap3A_837, %swap3A_838] {strides = array<i32>} : memref<4x1024xf32, #tpu.memory_space<vmem>>, vector<1x16xf32>,
    %swap3A_840 = vector.shape_cast %swap3A_839 : vector<1x16xf32> to vector<16xf32>
    %swap3A_841 = vector.shape_cast %get3A_835 : vector<16xf32> to vector<1x16xf32>
    tpu.vector_store %arg5[%swap3A_837, %swap3A_838], %swap3A_841 {strides = array<i32>} : memref<4x1024xf32, #tpu.memory_space<vmem>>, vector<1x16xf32>,
    %sub3A_842 = arith.constant 42 : i32
    %sub3A_843 = arith.subi %add3A_7, %sub3A_842 : i32
    %add3A_844 = arith.constant 32 : i32
    %add3A_845 = arith.addi %sub3A_843, %add3A_844 : i32
    %shift_right_arithmetic3A_846 = arith.constant 5 : i32
    %shift_right_arithmetic3A_847 = arith.shrsi %add3A_7, %shift_right_arithmetic3A_846 : i32
    %eq3A_848 = arith.constant 1 : i32
    %eq3A_849 = arith.cmpi eq, %shift_right_arithmetic3A_847, %eq3A_848 : i32
    %jit3A_850 = arith.constant 65 : i32
    %select_n3A_851 = arith.select %eq3A_849, %add3A_845, %jit3A_850 : i32
    %get3A_852 = arith.index_cast %select_n3A_851 : i32 to index
    %get3A_853 = arith.constant 0 : index
    %get3A_854 = tpu.vector_load %arg4[%get3A_852, %get3A_853] {strides = array<i32>} : memref<66x16xf32, #tpu.memory_space<vmem>>, vector<1x16xf32>,
    %get3A_855 = vector.shape_cast %get3A_854 : vector<1x16xf32> to vector<16xf32>
    %swap3A_856 = arith.constant 0 : i32
    %swap3A_857 = arith.index_cast %swap3A_856 : i32 to index
    %swap3A_858 = arith.constant 672 : index
    %swap3A_859 = tpu.vector_load %arg5[%swap3A_857, %swap3A_858] {strides = array<i32>} : memref<4x1024xf32, #tpu.memory_space<vmem>>, vector<1x16xf32>,
    %swap3A_860 = vector.shape_cast %swap3A_859 : vector<1x16xf32> to vector<16xf32>
    %swap3A_861 = vector.shape_cast %get3A_855 : vector<16xf32> to vector<1x16xf32>
    tpu.vector_store %arg5[%swap3A_857, %swap3A_858], %swap3A_861 {strides = array<i32>} : memref<4x1024xf32, #tpu.memory_space<vmem>>, vector<1x16xf32>,
    %sub3A_862 = arith.constant 43 : i32
    %sub3A_863 = arith.subi %add3A_7, %sub3A_862 : i32
    %add3A_864 = arith.constant 32 : i32
    %add3A_865 = arith.addi %sub3A_863, %add3A_864 : i32
    %shift_right_arithmetic3A_866 = arith.constant 5 : i32
    %shift_right_arithmetic3A_867 = arith.shrsi %add3A_7, %shift_right_arithmetic3A_866 : i32
    %eq3A_868 = arith.constant 1 : i32
    %eq3A_869 = arith.cmpi eq, %shift_right_arithmetic3A_867, %eq3A_868 : i32
    %jit3A_870 = arith.constant 65 : i32
    %select_n3A_871 = arith.select %eq3A_869, %add3A_865, %jit3A_870 : i32
    %get3A_872 = arith.index_cast %select_n3A_871 : i32 to index
    %get3A_873 = arith.constant 0 : index
    %get3A_874 = tpu.vector_load %arg4[%get3A_872, %get3A_873] {strides = array<i32>} : memref<66x16xf32, #tpu.memory_space<vmem>>, vector<1x16xf32>,
    %get3A_875 = vector.shape_cast %get3A_874 : vector<1x16xf32> to vector<16xf32>
    %swap3A_876 = arith.constant 0 : i32
    %swap3A_877 = arith.index_cast %swap3A_876 : i32 to index
    %swap3A_878 = arith.constant 688 : index
    %swap3A_879 = tpu.vector_load %arg5[%swap3A_877, %swap3A_878] {strides = array<i32>} : memref<4x1024xf32, #tpu.memory_space<vmem>>, vector<1x16xf32>,
    %swap3A_880 = vector.shape_cast %swap3A_879 : vector<1x16xf32> to vector<16xf32>
    %swap3A_881 = vector.shape_cast %get3A_875 : vector<16xf32> to vector<1x16xf32>
    tpu.vector_store %arg5[%swap3A_877, %swap3A_878], %swap3A_881 {strides = array<i32>} : memref<4x1024xf32, #tpu.memory_space<vmem>>, vector<1x16xf32>,
    %sub3A_882 = arith.constant 44 : i32
    %sub3A_883 = arith.subi %add3A_7, %sub3A_882 : i32
    %add3A_884 = arith.constant 32 : i32
    %add3A_885 = arith.addi %sub3A_883, %add3A_884 : i32
    %shift_right_arithmetic3A_886 = arith.constant 5 : i32
    %shift_right_arithmetic3A_887 = arith.shrsi %add3A_7, %shift_right_arithmetic3A_886 : i32
    %eq3A_888 = arith.constant 1 : i32
    %eq3A_889 = arith.cmpi eq, %shift_right_arithmetic3A_887, %eq3A_888 : i32
    %jit3A_890 = arith.constant 65 : i32
    %select_n3A_891 = arith.select %eq3A_889, %add3A_885, %jit3A_890 : i32
    %get3A_892 = arith.index_cast %select_n3A_891 : i32 to index
    %get3A_893 = arith.constant 0 : index
    %get3A_894 = tpu.vector_load %arg4[%get3A_892, %get3A_893] {strides = array<i32>} : memref<66x16xf32, #tpu.memory_space<vmem>>, vector<1x16xf32>,
    %get3A_895 = vector.shape_cast %get3A_894 : vector<1x16xf32> to vector<16xf32>
    %swap3A_896 = arith.constant 0 : i32
    %swap3A_897 = arith.index_cast %swap3A_896 : i32 to index
    %swap3A_898 = arith.constant 704 : index
    %swap3A_899 = tpu.vector_load %arg5[%swap3A_897, %swap3A_898] {strides = array<i32>} : memref<4x1024xf32, #tpu.memory_space<vmem>>, vector<1x16xf32>,
    %swap3A_900 = vector.shape_cast %swap3A_899 : vector<1x16xf32> to vector<16xf32>
    %swap3A_901 = vector.shape_cast %get3A_895 : vector<16xf32> to vector<1x16xf32>
    tpu.vector_store %arg5[%swap3A_897, %swap3A_898], %swap3A_901 {strides = array<i32>} : memref<4x1024xf32, #tpu.memory_space<vmem>>, vector<1x16xf32>,
    %sub3A_902 = arith.constant 45 : i32
    %sub3A_903 = arith.subi %add3A_7, %sub3A_902 : i32
    %add3A_904 = arith.constant 32 : i32
    %add3A_905 = arith.addi %sub3A_903, %add3A_904 : i32
    %shift_right_arithmetic3A_906 = arith.constant 5 : i32
    %shift_right_arithmetic3A_907 = arith.shrsi %add3A_7, %shift_right_arithmetic3A_906 : i32
    %eq3A_908 = arith.constant 1 : i32
    %eq3A_909 = arith.cmpi eq, %shift_right_arithmetic3A_907, %eq3A_908 : i32
    %jit3A_910 = arith.constant 65 : i32
    %select_n3A_911 = arith.select %eq3A_909, %add3A_905, %jit3A_910 : i32
    %get3A_912 = arith.index_cast %select_n3A_911 : i32 to index
    %get3A_913 = arith.constant 0 : index
    %get3A_914 = tpu.vector_load %arg4[%get3A_912, %get3A_913] {strides = array<i32>} : memref<66x16xf32, #tpu.memory_space<vmem>>, vector<1x16xf32>,
    %get3A_915 = vector.shape_cast %get3A_914 : vector<1x16xf32> to vector<16xf32>
    %swap3A_916 = arith.constant 0 : i32
    %swap3A_917 = arith.index_cast %swap3A_916 : i32 to index
    %swap3A_918 = arith.constant 720 : index
    %swap3A_919 = tpu.vector_load %arg5[%swap3A_917, %swap3A_918] {strides = array<i32>} : memref<4x1024xf32, #tpu.memory_space<vmem>>, vector<1x16xf32>,
    %swap3A_920 = vector.shape_cast %swap3A_919 : vector<1x16xf32> to vector<16xf32>
    %swap3A_921 = vector.shape_cast %get3A_915 : vector<16xf32> to vector<1x16xf32>
    tpu.vector_store %arg5[%swap3A_917, %swap3A_918], %swap3A_921 {strides = array<i32>} : memref<4x1024xf32, #tpu.memory_space<vmem>>, vector<1x16xf32>,
    %sub3A_922 = arith.constant 46 : i32
    %sub3A_923 = arith.subi %add3A_7, %sub3A_922 : i32
    %add3A_924 = arith.constant 32 : i32
    %add3A_925 = arith.addi %sub3A_923, %add3A_924 : i32
    %shift_right_arithmetic3A_926 = arith.constant 5 : i32
    %shift_right_arithmetic3A_927 = arith.shrsi %add3A_7, %shift_right_arithmetic3A_926 : i32
    %eq3A_928 = arith.constant 1 : i32
    %eq3A_929 = arith.cmpi eq, %shift_right_arithmetic3A_927, %eq3A_928 : i32
    %jit3A_930 = arith.constant 65 : i32
    %select_n3A_931 = arith.select %eq3A_929, %add3A_925, %jit3A_930 : i32
    %get3A_932 = arith.index_cast %select_n3A_931 : i32 to index
    %get3A_933 = arith.constant 0 : index
    %get3A_934 = tpu.vector_load %arg4[%get3A_932, %get3A_933] {strides = array<i32>} : memref<66x16xf32, #tpu.memory_space<vmem>>, vector<1x16xf32>,
    %get3A_935 = vector.shape_cast %get3A_934 : vector<1x16xf32> to vector<16xf32>
    %swap3A_936 = arith.constant 0 : i32
    %swap3A_937 = arith.index_cast %swap3A_936 : i32 to index
    %swap3A_938 = arith.constant 736 : index
    %swap3A_939 = tpu.vector_load %arg5[%swap3A_937, %swap3A_938] {strides = array<i32>} : memref<4x1024xf32, #tpu.memory_space<vmem>>, vector<1x16xf32>,
    %swap3A_940 = vector.shape_cast %swap3A_939 : vector<1x16xf32> to vector<16xf32>
    %swap3A_941 = vector.shape_cast %get3A_935 : vector<16xf32> to vector<1x16xf32>
    tpu.vector_store %arg5[%swap3A_937, %swap3A_938], %swap3A_941 {strides = array<i32>} : memref<4x1024xf32, #tpu.memory_space<vmem>>, vector<1x16xf32>,
    %sub3A_942 = arith.constant 47 : i32
    %sub3A_943 = arith.subi %add3A_7, %sub3A_942 : i32
    %add3A_944 = arith.constant 32 : i32
    %add3A_945 = arith.addi %sub3A_943, %add3A_944 : i32
    %shift_right_arithmetic3A_946 = arith.constant 5 : i32
    %shift_right_arithmetic3A_947 = arith.shrsi %add3A_7, %shift_right_arithmetic3A_946 : i32
    %eq3A_948 = arith.constant 1 : i32
    %eq3A_949 = arith.cmpi eq, %shift_right_arithmetic3A_947, %eq3A_948 : i32
    %jit3A_950 = arith.constant 65 : i32
    %select_n3A_951 = arith.select %eq3A_949, %add3A_945, %jit3A_950 : i32
    %get3A_952 = arith.index_cast %select_n3A_951 : i32 to index
    %get3A_953 = arith.constant 0 : index
    %get3A_954 = tpu.vector_load %arg4[%get3A_952, %get3A_953] {strides = array<i32>} : memref<66x16xf32, #tpu.memory_space<vmem>>, vector<1x16xf32>,
    %get3A_955 = vector.shape_cast %get3A_954 : vector<1x16xf32> to vector<16xf32>
    %swap3A_956 = arith.constant 0 : i32
    %swap3A_957 = arith.index_cast %swap3A_956 : i32 to index
    %swap3A_958 = arith.constant 752 : index
    %swap3A_959 = tpu.vector_load %arg5[%swap3A_957, %swap3A_958] {strides = array<i32>} : memref<4x1024xf32, #tpu.memory_space<vmem>>, vector<1x16xf32>,
    %swap3A_960 = vector.shape_cast %swap3A_959 : vector<1x16xf32> to vector<16xf32>
    %swap3A_961 = vector.shape_cast %get3A_955 : vector<16xf32> to vector<1x16xf32>
    tpu.vector_store %arg5[%swap3A_957, %swap3A_958], %swap3A_961 {strides = array<i32>} : memref<4x1024xf32, #tpu.memory_space<vmem>>, vector<1x16xf32>,
    %sub3A_962 = arith.constant 48 : i32
    %sub3A_963 = arith.subi %add3A_7, %sub3A_962 : i32
    %add3A_964 = arith.constant 32 : i32
    %add3A_965 = arith.addi %sub3A_963, %add3A_964 : i32
    %shift_right_arithmetic3A_966 = arith.constant 5 : i32
    %shift_right_arithmetic3A_967 = arith.shrsi %add3A_7, %shift_right_arithmetic3A_966 : i32
    %eq3A_968 = arith.constant 1 : i32
    %eq3A_969 = arith.cmpi eq, %shift_right_arithmetic3A_967, %eq3A_968 : i32
    %jit3A_970 = arith.constant 65 : i32
    %select_n3A_971 = arith.select %eq3A_969, %add3A_965, %jit3A_970 : i32
    %get3A_972 = arith.index_cast %select_n3A_971 : i32 to index
    %get3A_973 = arith.constant 0 : index
    %get3A_974 = tpu.vector_load %arg4[%get3A_972, %get3A_973] {strides = array<i32>} : memref<66x16xf32, #tpu.memory_space<vmem>>, vector<1x16xf32>,
    %get3A_975 = vector.shape_cast %get3A_974 : vector<1x16xf32> to vector<16xf32>
    %swap3A_976 = arith.constant 0 : i32
    %swap3A_977 = arith.index_cast %swap3A_976 : i32 to index
    %swap3A_978 = arith.constant 768 : index
    %swap3A_979 = tpu.vector_load %arg5[%swap3A_977, %swap3A_978] {strides = array<i32>} : memref<4x1024xf32, #tpu.memory_space<vmem>>, vector<1x16xf32>,
    %swap3A_980 = vector.shape_cast %swap3A_979 : vector<1x16xf32> to vector<16xf32>
    %swap3A_981 = vector.shape_cast %get3A_975 : vector<16xf32> to vector<1x16xf32>
    tpu.vector_store %arg5[%swap3A_977, %swap3A_978], %swap3A_981 {strides = array<i32>} : memref<4x1024xf32, #tpu.memory_space<vmem>>, vector<1x16xf32>,
    %sub3A_982 = arith.constant 49 : i32
    %sub3A_983 = arith.subi %add3A_7, %sub3A_982 : i32
    %add3A_984 = arith.constant 32 : i32
    %add3A_985 = arith.addi %sub3A_983, %add3A_984 : i32
    %shift_right_arithmetic3A_986 = arith.constant 5 : i32
    %shift_right_arithmetic3A_987 = arith.shrsi %add3A_7, %shift_right_arithmetic3A_986 : i32
    %eq3A_988 = arith.constant 1 : i32
    %eq3A_989 = arith.cmpi eq, %shift_right_arithmetic3A_987, %eq3A_988 : i32
    %jit3A_990 = arith.constant 65 : i32
    %select_n3A_991 = arith.select %eq3A_989, %add3A_985, %jit3A_990 : i32
    %get3A_992 = arith.index_cast %select_n3A_991 : i32 to index
    %get3A_993 = arith.constant 0 : index
    %get3A_994 = tpu.vector_load %arg4[%get3A_992, %get3A_993] {strides = array<i32>} : memref<66x16xf32, #tpu.memory_space<vmem>>, vector<1x16xf32>,
    %get3A_995 = vector.shape_cast %get3A_994 : vector<1x16xf32> to vector<16xf32>
    %swap3A_996 = arith.constant 0 : i32
    %swap3A_997 = arith.index_cast %swap3A_996 : i32 to index
    %swap3A_998 = arith.constant 784 : index
    %swap3A_999 = tpu.vector_load %arg5[%swap3A_997, %swap3A_998] {strides = array<i32>} : memref<4x1024xf32, #tpu.memory_space<vmem>>, vector<1x16xf32>,
    %swap3A_1000 = vector.shape_cast %swap3A_999 : vector<1x16xf32> to vector<16xf32>
    %swap3A_1001 = vector.shape_cast %get3A_995 : vector<16xf32> to vector<1x16xf32>
    tpu.vector_store %arg5[%swap3A_997, %swap3A_998], %swap3A_1001 {strides = array<i32>} : memref<4x1024xf32, #tpu.memory_space<vmem>>, vector<1x16xf32>,
    %sub3A_1002 = arith.constant 50 : i32
    %sub3A_1003 = arith.subi %add3A_7, %sub3A_1002 : i32
    %add3A_1004 = arith.constant 32 : i32
    %add3A_1005 = arith.addi %sub3A_1003, %add3A_1004 : i32
    %shift_right_arithmetic3A_1006 = arith.constant 5 : i32
    %shift_right_arithmetic3A_1007 = arith.shrsi %add3A_7, %shift_right_arithmetic3A_1006 : i32
    %eq3A_1008 = arith.constant 1 : i32
    %eq3A_1009 = arith.cmpi eq, %shift_right_arithmetic3A_1007, %eq3A_1008 : i32
    %jit3A_1010 = arith.constant 65 : i32
    %select_n3A_1011 = arith.select %eq3A_1009, %add3A_1005, %jit3A_1010 : i32
    %get3A_1012 = arith.index_cast %select_n3A_1011 : i32 to index
    %get3A_1013 = arith.constant 0 : index
    %get3A_1014 = tpu.vector_load %arg4[%get3A_1012, %get3A_1013] {strides = array<i32>} : memref<66x16xf32, #tpu.memory_space<vmem>>, vector<1x16xf32>,
    %get3A_1015 = vector.shape_cast %get3A_1014 : vector<1x16xf32> to vector<16xf32>
    %swap3A_1016 = arith.constant 0 : i32
    %swap3A_1017 = arith.index_cast %swap3A_1016 : i32 to index
    %swap3A_1018 = arith.constant 800 : index
    %swap3A_1019 = tpu.vector_load %arg5[%swap3A_1017, %swap3A_1018] {strides = array<i32>} : memref<4x1024xf32, #tpu.memory_space<vmem>>, vector<1x16xf32>,
    %swap3A_1020 = vector.shape_cast %swap3A_1019 : vector<1x16xf32> to vector<16xf32>
    %swap3A_1021 = vector.shape_cast %get3A_1015 : vector<16xf32> to vector<1x16xf32>
    tpu.vector_store %arg5[%swap3A_1017, %swap3A_1018], %swap3A_1021 {strides = array<i32>} : memref<4x1024xf32, #tpu.memory_space<vmem>>, vector<1x16xf32>,
    %sub3A_1022 = arith.constant 51 : i32
    %sub3A_1023 = arith.subi %add3A_7, %sub3A_1022 : i32
    %add3A_1024 = arith.constant 32 : i32
    %add3A_1025 = arith.addi %sub3A_1023, %add3A_1024 : i32
    %shift_right_arithmetic3A_1026 = arith.constant 5 : i32
    %shift_right_arithmetic3A_1027 = arith.shrsi %add3A_7, %shift_right_arithmetic3A_1026 : i32
    %eq3A_1028 = arith.constant 1 : i32
    %eq3A_1029 = arith.cmpi eq, %shift_right_arithmetic3A_1027, %eq3A_1028 : i32
    %jit3A_1030 = arith.constant 65 : i32
    %select_n3A_1031 = arith.select %eq3A_1029, %add3A_1025, %jit3A_1030 : i32
    %get3A_1032 = arith.index_cast %select_n3A_1031 : i32 to index
    %get3A_1033 = arith.constant 0 : index
    %get3A_1034 = tpu.vector_load %arg4[%get3A_1032, %get3A_1033] {strides = array<i32>} : memref<66x16xf32, #tpu.memory_space<vmem>>, vector<1x16xf32>,
    %get3A_1035 = vector.shape_cast %get3A_1034 : vector<1x16xf32> to vector<16xf32>
    %swap3A_1036 = arith.constant 0 : i32
    %swap3A_1037 = arith.index_cast %swap3A_1036 : i32 to index
    %swap3A_1038 = arith.constant 816 : index
    %swap3A_1039 = tpu.vector_load %arg5[%swap3A_1037, %swap3A_1038] {strides = array<i32>} : memref<4x1024xf32, #tpu.memory_space<vmem>>, vector<1x16xf32>,
    %swap3A_1040 = vector.shape_cast %swap3A_1039 : vector<1x16xf32> to vector<16xf32>
    %swap3A_1041 = vector.shape_cast %get3A_1035 : vector<16xf32> to vector<1x16xf32>
    tpu.vector_store %arg5[%swap3A_1037, %swap3A_1038], %swap3A_1041 {strides = array<i32>} : memref<4x1024xf32, #tpu.memory_space<vmem>>, vector<1x16xf32>,
    %sub3A_1042 = arith.constant 52 : i32
    %sub3A_1043 = arith.subi %add3A_7, %sub3A_1042 : i32
    %add3A_1044 = arith.constant 32 : i32
    %add3A_1045 = arith.addi %sub3A_1043, %add3A_1044 : i32
    %shift_right_arithmetic3A_1046 = arith.constant 5 : i32
    %shift_right_arithmetic3A_1047 = arith.shrsi %add3A_7, %shift_right_arithmetic3A_1046 : i32
    %eq3A_1048 = arith.constant 1 : i32
    %eq3A_1049 = arith.cmpi eq, %shift_right_arithmetic3A_1047, %eq3A_1048 : i32
    %jit3A_1050 = arith.constant 65 : i32
    %select_n3A_1051 = arith.select %eq3A_1049, %add3A_1045, %jit3A_1050 : i32
    %get3A_1052 = arith.index_cast %select_n3A_1051 : i32 to index
    %get3A_1053 = arith.constant 0 : index
    %get3A_1054 = tpu.vector_load %arg4[%get3A_1052, %get3A_1053] {strides = array<i32>} : memref<66x16xf32, #tpu.memory_space<vmem>>, vector<1x16xf32>,
    %get3A_1055 = vector.shape_cast %get3A_1054 : vector<1x16xf32> to vector<16xf32>
    %swap3A_1056 = arith.constant 0 : i32
    %swap3A_1057 = arith.index_cast %swap3A_1056 : i32 to index
    %swap3A_1058 = arith.constant 832 : index
    %swap3A_1059 = tpu.vector_load %arg5[%swap3A_1057, %swap3A_1058] {strides = array<i32>} : memref<4x1024xf32, #tpu.memory_space<vmem>>, vector<1x16xf32>,
    %swap3A_1060 = vector.shape_cast %swap3A_1059 : vector<1x16xf32> to vector<16xf32>
    %swap3A_1061 = vector.shape_cast %get3A_1055 : vector<16xf32> to vector<1x16xf32>
    tpu.vector_store %arg5[%swap3A_1057, %swap3A_1058], %swap3A_1061 {strides = array<i32>} : memref<4x1024xf32, #tpu.memory_space<vmem>>, vector<1x16xf32>,
    %sub3A_1062 = arith.constant 53 : i32
    %sub3A_1063 = arith.subi %add3A_7, %sub3A_1062 : i32
    %add3A_1064 = arith.constant 32 : i32
    %add3A_1065 = arith.addi %sub3A_1063, %add3A_1064 : i32
    %shift_right_arithmetic3A_1066 = arith.constant 5 : i32
    %shift_right_arithmetic3A_1067 = arith.shrsi %add3A_7, %shift_right_arithmetic3A_1066 : i32
    %eq3A_1068 = arith.constant 1 : i32
    %eq3A_1069 = arith.cmpi eq, %shift_right_arithmetic3A_1067, %eq3A_1068 : i32
    %jit3A_1070 = arith.constant 65 : i32
    %select_n3A_1071 = arith.select %eq3A_1069, %add3A_1065, %jit3A_1070 : i32
    %get3A_1072 = arith.index_cast %select_n3A_1071 : i32 to index
    %get3A_1073 = arith.constant 0 : index
    %get3A_1074 = tpu.vector_load %arg4[%get3A_1072, %get3A_1073] {strides = array<i32>} : memref<66x16xf32, #tpu.memory_space<vmem>>, vector<1x16xf32>,
    %get3A_1075 = vector.shape_cast %get3A_1074 : vector<1x16xf32> to vector<16xf32>
    %swap3A_1076 = arith.constant 0 : i32
    %swap3A_1077 = arith.index_cast %swap3A_1076 : i32 to index
    %swap3A_1078 = arith.constant 848 : index
    %swap3A_1079 = tpu.vector_load %arg5[%swap3A_1077, %swap3A_1078] {strides = array<i32>} : memref<4x1024xf32, #tpu.memory_space<vmem>>, vector<1x16xf32>,
    %swap3A_1080 = vector.shape_cast %swap3A_1079 : vector<1x16xf32> to vector<16xf32>
    %swap3A_1081 = vector.shape_cast %get3A_1075 : vector<16xf32> to vector<1x16xf32>
    tpu.vector_store %arg5[%swap3A_1077, %swap3A_1078], %swap3A_1081 {strides = array<i32>} : memref<4x1024xf32, #tpu.memory_space<vmem>>, vector<1x16xf32>,
    %sub3A_1082 = arith.constant 54 : i32
    %sub3A_1083 = arith.subi %add3A_7, %sub3A_1082 : i32
    %add3A_1084 = arith.constant 32 : i32
    %add3A_1085 = arith.addi %sub3A_1083, %add3A_1084 : i32
    %shift_right_arithmetic3A_1086 = arith.constant 5 : i32
    %shift_right_arithmetic3A_1087 = arith.shrsi %add3A_7, %shift_right_arithmetic3A_1086 : i32
    %eq3A_1088 = arith.constant 1 : i32
    %eq3A_1089 = arith.cmpi eq, %shift_right_arithmetic3A_1087, %eq3A_1088 : i32
    %jit3A_1090 = arith.constant 65 : i32
    %select_n3A_1091 = arith.select %eq3A_1089, %add3A_1085, %jit3A_1090 : i32
    %get3A_1092 = arith.index_cast %select_n3A_1091 : i32 to index
    %get3A_1093 = arith.constant 0 : index
    %get3A_1094 = tpu.vector_load %arg4[%get3A_1092, %get3A_1093] {strides = array<i32>} : memref<66x16xf32, #tpu.memory_space<vmem>>, vector<1x16xf32>,
    %get3A_1095 = vector.shape_cast %get3A_1094 : vector<1x16xf32> to vector<16xf32>
    %swap3A_1096 = arith.constant 0 : i32
    %swap3A_1097 = arith.index_cast %swap3A_1096 : i32 to index
    %swap3A_1098 = arith.constant 864 : index
    %swap3A_1099 = tpu.vector_load %arg5[%swap3A_1097, %swap3A_1098] {strides = array<i32>} : memref<4x1024xf32, #tpu.memory_space<vmem>>, vector<1x16xf32>,
    %swap3A_1100 = vector.shape_cast %swap3A_1099 : vector<1x16xf32> to vector<16xf32>
    %swap3A_1101 = vector.shape_cast %get3A_1095 : vector<16xf32> to vector<1x16xf32>
    tpu.vector_store %arg5[%swap3A_1097, %swap3A_1098], %swap3A_1101 {strides = array<i32>} : memref<4x1024xf32, #tpu.memory_space<vmem>>, vector<1x16xf32>,
    %sub3A_1102 = arith.constant 55 : i32
    %sub3A_1103 = arith.subi %add3A_7, %sub3A_1102 : i32
    %add3A_1104 = arith.constant 32 : i32
    %add3A_1105 = arith.addi %sub3A_1103, %add3A_1104 : i32
    %shift_right_arithmetic3A_1106 = arith.constant 5 : i32
    %shift_right_arithmetic3A_1107 = arith.shrsi %add3A_7, %shift_right_arithmetic3A_1106 : i32
    %eq3A_1108 = arith.constant 1 : i32
    %eq3A_1109 = arith.cmpi eq, %shift_right_arithmetic3A_1107, %eq3A_1108 : i32
    %jit3A_1110 = arith.constant 65 : i32
    %select_n3A_1111 = arith.select %eq3A_1109, %add3A_1105, %jit3A_1110 : i32
    %get3A_1112 = arith.index_cast %select_n3A_1111 : i32 to index
    %get3A_1113 = arith.constant 0 : index
    %get3A_1114 = tpu.vector_load %arg4[%get3A_1112, %get3A_1113] {strides = array<i32>} : memref<66x16xf32, #tpu.memory_space<vmem>>, vector<1x16xf32>,
    %get3A_1115 = vector.shape_cast %get3A_1114 : vector<1x16xf32> to vector<16xf32>
    %swap3A_1116 = arith.constant 0 : i32
    %swap3A_1117 = arith.index_cast %swap3A_1116 : i32 to index
    %swap3A_1118 = arith.constant 880 : index
    %swap3A_1119 = tpu.vector_load %arg5[%swap3A_1117, %swap3A_1118] {strides = array<i32>} : memref<4x1024xf32, #tpu.memory_space<vmem>>, vector<1x16xf32>,
    %swap3A_1120 = vector.shape_cast %swap3A_1119 : vector<1x16xf32> to vector<16xf32>
    %swap3A_1121 = vector.shape_cast %get3A_1115 : vector<16xf32> to vector<1x16xf32>
    tpu.vector_store %arg5[%swap3A_1117, %swap3A_1118], %swap3A_1121 {strides = array<i32>} : memref<4x1024xf32, #tpu.memory_space<vmem>>, vector<1x16xf32>,
    %sub3A_1122 = arith.constant 56 : i32
    %sub3A_1123 = arith.subi %add3A_7, %sub3A_1122 : i32
    %add3A_1124 = arith.constant 32 : i32
    %add3A_1125 = arith.addi %sub3A_1123, %add3A_1124 : i32
    %shift_right_arithmetic3A_1126 = arith.constant 5 : i32
    %shift_right_arithmetic3A_1127 = arith.shrsi %add3A_7, %shift_right_arithmetic3A_1126 : i32
    %eq3A_1128 = arith.constant 1 : i32
    %eq3A_1129 = arith.cmpi eq, %shift_right_arithmetic3A_1127, %eq3A_1128 : i32
    %jit3A_1130 = arith.constant 65 : i32
    %select_n3A_1131 = arith.select %eq3A_1129, %add3A_1125, %jit3A_1130 : i32
    %get3A_1132 = arith.index_cast %select_n3A_1131 : i32 to index
    %get3A_1133 = arith.constant 0 : index
    %get3A_1134 = tpu.vector_load %arg4[%get3A_1132, %get3A_1133] {strides = array<i32>} : memref<66x16xf32, #tpu.memory_space<vmem>>, vector<1x16xf32>,
    %get3A_1135 = vector.shape_cast %get3A_1134 : vector<1x16xf32> to vector<16xf32>
    %swap3A_1136 = arith.constant 0 : i32
    %swap3A_1137 = arith.index_cast %swap3A_1136 : i32 to index
    %swap3A_1138 = arith.constant 896 : index
    %swap3A_1139 = tpu.vector_load %arg5[%swap3A_1137, %swap3A_1138] {strides = array<i32>} : memref<4x1024xf32, #tpu.memory_space<vmem>>, vector<1x16xf32>,
    %swap3A_1140 = vector.shape_cast %swap3A_1139 : vector<1x16xf32> to vector<16xf32>
    %swap3A_1141 = vector.shape_cast %get3A_1135 : vector<16xf32> to vector<1x16xf32>
    tpu.vector_store %arg5[%swap3A_1137, %swap3A_1138], %swap3A_1141 {strides = array<i32>} : memref<4x1024xf32, #tpu.memory_space<vmem>>, vector<1x16xf32>,
    %sub3A_1142 = arith.constant 57 : i32
    %sub3A_1143 = arith.subi %add3A_7, %sub3A_1142 : i32
    %add3A_1144 = arith.constant 32 : i32
    %add3A_1145 = arith.addi %sub3A_1143, %add3A_1144 : i32
    %shift_right_arithmetic3A_1146 = arith.constant 5 : i32
    %shift_right_arithmetic3A_1147 = arith.shrsi %add3A_7, %shift_right_arithmetic3A_1146 : i32
    %eq3A_1148 = arith.constant 1 : i32
    %eq3A_1149 = arith.cmpi eq, %shift_right_arithmetic3A_1147, %eq3A_1148 : i32
    %jit3A_1150 = arith.constant 65 : i32
    %select_n3A_1151 = arith.select %eq3A_1149, %add3A_1145, %jit3A_1150 : i32
    %get3A_1152 = arith.index_cast %select_n3A_1151 : i32 to index
    %get3A_1153 = arith.constant 0 : index
    %get3A_1154 = tpu.vector_load %arg4[%get3A_1152, %get3A_1153] {strides = array<i32>} : memref<66x16xf32, #tpu.memory_space<vmem>>, vector<1x16xf32>,
    %get3A_1155 = vector.shape_cast %get3A_1154 : vector<1x16xf32> to vector<16xf32>
    %swap3A_1156 = arith.constant 0 : i32
    %swap3A_1157 = arith.index_cast %swap3A_1156 : i32 to index
    %swap3A_1158 = arith.constant 912 : index
    %swap3A_1159 = tpu.vector_load %arg5[%swap3A_1157, %swap3A_1158] {strides = array<i32>} : memref<4x1024xf32, #tpu.memory_space<vmem>>, vector<1x16xf32>,
    %swap3A_1160 = vector.shape_cast %swap3A_1159 : vector<1x16xf32> to vector<16xf32>
    %swap3A_1161 = vector.shape_cast %get3A_1155 : vector<16xf32> to vector<1x16xf32>
    tpu.vector_store %arg5[%swap3A_1157, %swap3A_1158], %swap3A_1161 {strides = array<i32>} : memref<4x1024xf32, #tpu.memory_space<vmem>>, vector<1x16xf32>,
    %sub3A_1162 = arith.constant 58 : i32
    %sub3A_1163 = arith.subi %add3A_7, %sub3A_1162 : i32
    %add3A_1164 = arith.constant 32 : i32
    %add3A_1165 = arith.addi %sub3A_1163, %add3A_1164 : i32
    %shift_right_arithmetic3A_1166 = arith.constant 5 : i32
    %shift_right_arithmetic3A_1167 = arith.shrsi %add3A_7, %shift_right_arithmetic3A_1166 : i32
    %eq3A_1168 = arith.constant 1 : i32
    %eq3A_1169 = arith.cmpi eq, %shift_right_arithmetic3A_1167, %eq3A_1168 : i32
    %jit3A_1170 = arith.constant 65 : i32
    %select_n3A_1171 = arith.select %eq3A_1169, %add3A_1165, %jit3A_1170 : i32
    %get3A_1172 = arith.index_cast %select_n3A_1171 : i32 to index
    %get3A_1173 = arith.constant 0 : index
    %get3A_1174 = tpu.vector_load %arg4[%get3A_1172, %get3A_1173] {strides = array<i32>} : memref<66x16xf32, #tpu.memory_space<vmem>>, vector<1x16xf32>,
    %get3A_1175 = vector.shape_cast %get3A_1174 : vector<1x16xf32> to vector<16xf32>
    %swap3A_1176 = arith.constant 0 : i32
    %swap3A_1177 = arith.index_cast %swap3A_1176 : i32 to index
    %swap3A_1178 = arith.constant 928 : index
    %swap3A_1179 = tpu.vector_load %arg5[%swap3A_1177, %swap3A_1178] {strides = array<i32>} : memref<4x1024xf32, #tpu.memory_space<vmem>>, vector<1x16xf32>,
    %swap3A_1180 = vector.shape_cast %swap3A_1179 : vector<1x16xf32> to vector<16xf32>
    %swap3A_1181 = vector.shape_cast %get3A_1175 : vector<16xf32> to vector<1x16xf32>
    tpu.vector_store %arg5[%swap3A_1177, %swap3A_1178], %swap3A_1181 {strides = array<i32>} : memref<4x1024xf32, #tpu.memory_space<vmem>>, vector<1x16xf32>,
    %sub3A_1182 = arith.constant 59 : i32
    %sub3A_1183 = arith.subi %add3A_7, %sub3A_1182 : i32
    %add3A_1184 = arith.constant 32 : i32
    %add3A_1185 = arith.addi %sub3A_1183, %add3A_1184 : i32
    %shift_right_arithmetic3A_1186 = arith.constant 5 : i32
    %shift_right_arithmetic3A_1187 = arith.shrsi %add3A_7, %shift_right_arithmetic3A_1186 : i32
    %eq3A_1188 = arith.constant 1 : i32
    %eq3A_1189 = arith.cmpi eq, %shift_right_arithmetic3A_1187, %eq3A_1188 : i32
    %jit3A_1190 = arith.constant 65 : i32
    %select_n3A_1191 = arith.select %eq3A_1189, %add3A_1185, %jit3A_1190 : i32
    %get3A_1192 = arith.index_cast %select_n3A_1191 : i32 to index
    %get3A_1193 = arith.constant 0 : index
    %get3A_1194 = tpu.vector_load %arg4[%get3A_1192, %get3A_1193] {strides = array<i32>} : memref<66x16xf32, #tpu.memory_space<vmem>>, vector<1x16xf32>,
    %get3A_1195 = vector.shape_cast %get3A_1194 : vector<1x16xf32> to vector<16xf32>
    %swap3A_1196 = arith.constant 0 : i32
    %swap3A_1197 = arith.index_cast %swap3A_1196 : i32 to index
    %swap3A_1198 = arith.constant 944 : index
    %swap3A_1199 = tpu.vector_load %arg5[%swap3A_1197, %swap3A_1198] {strides = array<i32>} : memref<4x1024xf32, #tpu.memory_space<vmem>>, vector<1x16xf32>,
    %swap3A_1200 = vector.shape_cast %swap3A_1199 : vector<1x16xf32> to vector<16xf32>
    %swap3A_1201 = vector.shape_cast %get3A_1195 : vector<16xf32> to vector<1x16xf32>
    tpu.vector_store %arg5[%swap3A_1197, %swap3A_1198], %swap3A_1201 {strides = array<i32>} : memref<4x1024xf32, #tpu.memory_space<vmem>>, vector<1x16xf32>,
    %sub3A_1202 = arith.constant 60 : i32
    %sub3A_1203 = arith.subi %add3A_7, %sub3A_1202 : i32
    %add3A_1204 = arith.constant 32 : i32
    %add3A_1205 = arith.addi %sub3A_1203, %add3A_1204 : i32
    %shift_right_arithmetic3A_1206 = arith.constant 5 : i32
    %shift_right_arithmetic3A_1207 = arith.shrsi %add3A_7, %shift_right_arithmetic3A_1206 : i32
    %eq3A_1208 = arith.constant 1 : i32
    %eq3A_1209 = arith.cmpi eq, %shift_right_arithmetic3A_1207, %eq3A_1208 : i32
    %jit3A_1210 = arith.constant 65 : i32
    %select_n3A_1211 = arith.select %eq3A_1209, %add3A_1205, %jit3A_1210 : i32
    %get3A_1212 = arith.index_cast %select_n3A_1211 : i32 to index
    %get3A_1213 = arith.constant 0 : index
    %get3A_1214 = tpu.vector_load %arg4[%get3A_1212, %get3A_1213] {strides = array<i32>} : memref<66x16xf32, #tpu.memory_space<vmem>>, vector<1x16xf32>,
    %get3A_1215 = vector.shape_cast %get3A_1214 : vector<1x16xf32> to vector<16xf32>
    %swap3A_1216 = arith.constant 0 : i32
    %swap3A_1217 = arith.index_cast %swap3A_1216 : i32 to index
    %swap3A_1218 = arith.constant 960 : index
    %swap3A_1219 = tpu.vector_load %arg5[%swap3A_1217, %swap3A_1218] {strides = array<i32>} : memref<4x1024xf32, #tpu.memory_space<vmem>>, vector<1x16xf32>,
    %swap3A_1220 = vector.shape_cast %swap3A_1219 : vector<1x16xf32> to vector<16xf32>
    %swap3A_1221 = vector.shape_cast %get3A_1215 : vector<16xf32> to vector<1x16xf32>
    tpu.vector_store %arg5[%swap3A_1217, %swap3A_1218], %swap3A_1221 {strides = array<i32>} : memref<4x1024xf32, #tpu.memory_space<vmem>>, vector<1x16xf32>,
    %sub3A_1222 = arith.constant 61 : i32
    %sub3A_1223 = arith.subi %add3A_7, %sub3A_1222 : i32
    %add3A_1224 = arith.constant 32 : i32
    %add3A_1225 = arith.addi %sub3A_1223, %add3A_1224 : i32
    %shift_right_arithmetic3A_1226 = arith.constant 5 : i32
    %shift_right_arithmetic3A_1227 = arith.shrsi %add3A_7, %shift_right_arithmetic3A_1226 : i32
    %eq3A_1228 = arith.constant 1 : i32
    %eq3A_1229 = arith.cmpi eq, %shift_right_arithmetic3A_1227, %eq3A_1228 : i32
    %jit3A_1230 = arith.constant 65 : i32
    %select_n3A_1231 = arith.select %eq3A_1229, %add3A_1225, %jit3A_1230 : i32
    %get3A_1232 = arith.index_cast %select_n3A_1231 : i32 to index
    %get3A_1233 = arith.constant 0 : index
    %get3A_1234 = tpu.vector_load %arg4[%get3A_1232, %get3A_1233] {strides = array<i32>} : memref<66x16xf32, #tpu.memory_space<vmem>>, vector<1x16xf32>,
    %get3A_1235 = vector.shape_cast %get3A_1234 : vector<1x16xf32> to vector<16xf32>
    %swap3A_1236 = arith.constant 0 : i32
    %swap3A_1237 = arith.index_cast %swap3A_1236 : i32 to index
    %swap3A_1238 = arith.constant 976 : index
    %swap3A_1239 = tpu.vector_load %arg5[%swap3A_1237, %swap3A_1238] {strides = array<i32>} : memref<4x1024xf32, #tpu.memory_space<vmem>>, vector<1x16xf32>,
    %swap3A_1240 = vector.shape_cast %swap3A_1239 : vector<1x16xf32> to vector<16xf32>
    %swap3A_1241 = vector.shape_cast %get3A_1235 : vector<16xf32> to vector<1x16xf32>
    tpu.vector_store %arg5[%swap3A_1237, %swap3A_1238], %swap3A_1241 {strides = array<i32>} : memref<4x1024xf32, #tpu.memory_space<vmem>>, vector<1x16xf32>,
    %sub3A_1242 = arith.constant 62 : i32
    %sub3A_1243 = arith.subi %add3A_7, %sub3A_1242 : i32
    %add3A_1244 = arith.constant 32 : i32
    %add3A_1245 = arith.addi %sub3A_1243, %add3A_1244 : i32
    %shift_right_arithmetic3A_1246 = arith.constant 5 : i32
    %shift_right_arithmetic3A_1247 = arith.shrsi %add3A_7, %shift_right_arithmetic3A_1246 : i32
    %eq3A_1248 = arith.constant 1 : i32
    %eq3A_1249 = arith.cmpi eq, %shift_right_arithmetic3A_1247, %eq3A_1248 : i32
    %jit3A_1250 = arith.constant 65 : i32
    %select_n3A_1251 = arith.select %eq3A_1249, %add3A_1245, %jit3A_1250 : i32
    %get3A_1252 = arith.index_cast %select_n3A_1251 : i32 to index
    %get3A_1253 = arith.constant 0 : index
    %get3A_1254 = tpu.vector_load %arg4[%get3A_1252, %get3A_1253] {strides = array<i32>} : memref<66x16xf32, #tpu.memory_space<vmem>>, vector<1x16xf32>,
    %get3A_1255 = vector.shape_cast %get3A_1254 : vector<1x16xf32> to vector<16xf32>
    %swap3A_1256 = arith.constant 0 : i32
    %swap3A_1257 = arith.index_cast %swap3A_1256 : i32 to index
    %swap3A_1258 = arith.constant 992 : index
    %swap3A_1259 = tpu.vector_load %arg5[%swap3A_1257, %swap3A_1258] {strides = array<i32>} : memref<4x1024xf32, #tpu.memory_space<vmem>>, vector<1x16xf32>,
    %swap3A_1260 = vector.shape_cast %swap3A_1259 : vector<1x16xf32> to vector<16xf32>
    %swap3A_1261 = vector.shape_cast %get3A_1255 : vector<16xf32> to vector<1x16xf32>
    tpu.vector_store %arg5[%swap3A_1257, %swap3A_1258], %swap3A_1261 {strides = array<i32>} : memref<4x1024xf32, #tpu.memory_space<vmem>>, vector<1x16xf32>,
    %sub3A_1262 = arith.constant 63 : i32
    %sub3A_1263 = arith.subi %add3A_7, %sub3A_1262 : i32
    %add3A_1264 = arith.constant 32 : i32
    %add3A_1265 = arith.addi %sub3A_1263, %add3A_1264 : i32
    %shift_right_arithmetic3A_1266 = arith.constant 5 : i32
    %shift_right_arithmetic3A_1267 = arith.shrsi %add3A_7, %shift_right_arithmetic3A_1266 : i32
    %eq3A_1268 = arith.constant 1 : i32
    %eq3A_1269 = arith.cmpi eq, %shift_right_arithmetic3A_1267, %eq3A_1268 : i32
    %jit3A_1270 = arith.constant 65 : i32
    %select_n3A_1271 = arith.select %eq3A_1269, %add3A_1265, %jit3A_1270 : i32
    %get3A_1272 = arith.index_cast %select_n3A_1271 : i32 to index
    %get3A_1273 = arith.constant 0 : index
    %get3A_1274 = tpu.vector_load %arg4[%get3A_1272, %get3A_1273] {strides = array<i32>} : memref<66x16xf32, #tpu.memory_space<vmem>>, vector<1x16xf32>,
    %get3A_1275 = vector.shape_cast %get3A_1274 : vector<1x16xf32> to vector<16xf32>
    %swap3A_1276 = arith.constant 0 : i32
    %swap3A_1277 = arith.index_cast %swap3A_1276 : i32 to index
    %swap3A_1278 = arith.constant 1008 : index
    %swap3A_1279 = tpu.vector_load %arg5[%swap3A_1277, %swap3A_1278] {strides = array<i32>} : memref<4x1024xf32, #tpu.memory_space<vmem>>, vector<1x16xf32>,
    %swap3A_1280 = vector.shape_cast %swap3A_1279 : vector<1x16xf32> to vector<16xf32>
    %swap3A_1281 = vector.shape_cast %get3A_1275 : vector<16xf32> to vector<1x16xf32>
    tpu.vector_store %arg5[%swap3A_1277, %swap3A_1278], %swap3A_1281 {strides = array<i32>} : memref<4x1024xf32, #tpu.memory_space<vmem>>, vector<1x16xf32>,
    %mul3A_1282 = arith.constant 4 : i32
    %mul3A_1283 = arith.muli %mul3A_1282, %arg1 : i32
    %add3A_1284 = arith.constant 1 : i32
    %add3A_1285 = arith.addi %mul3A_1283, %add3A_1284 : i32
    %sub3A_1286 = arith.constant 0 : i32
    %sub3A_1287 = arith.subi %add3A_1285, %sub3A_1286 : i32
    %add3A_1288 = arith.constant 32 : i32
    %add3A_1289 = arith.addi %sub3A_1287, %add3A_1288 : i32
    %shift_right_arithmetic3A_1290 = arith.constant 5 : i32
    %shift_right_arithmetic3A_1291 = arith.shrsi %add3A_1285, %shift_right_arithmetic3A_1290 : i32
    %eq3A_1292 = arith.constant 0 : i32
    %eq3A_1293 = arith.cmpi eq, %shift_right_arithmetic3A_1291, %eq3A_1292 : i32
    %jit3A_1294 = arith.constant 65 : i32
    %select_n3A_1295 = arith.select %eq3A_1293, %add3A_1289, %jit3A_1294 : i32
    %get3A_1296 = arith.index_cast %select_n3A_1295 : i32 to index
    %get3A_1297 = arith.constant 0 : index
    %get3A_1298 = tpu.vector_load %arg4[%get3A_1296, %get3A_1297] {strides = array<i32>} : memref<66x16xf32, #tpu.memory_space<vmem>>, vector<1x16xf32>,
    %get3A_1299 = vector.shape_cast %get3A_1298 : vector<1x16xf32> to vector<16xf32>
    %swap3A_1300 = arith.constant 1 : i32
    %swap3A_1301 = arith.index_cast %swap3A_1300 : i32 to index
    %swap3A_1302 = arith.constant 0 : index
    %swap3A_1303 = tpu.vector_load %arg5[%swap3A_1301, %swap3A_1302] {strides = array<i32>} : memref<4x1024xf32, #tpu.memory_space<vmem>>, vector<1x16xf32>,
    %swap3A_1304 = vector.shape_cast %swap3A_1303 : vector<1x16xf32> to vector<16xf32>
    %swap3A_1305 = vector.shape_cast %get3A_1299 : vector<16xf32> to vector<1x16xf32>
    tpu.vector_store %arg5[%swap3A_1301, %swap3A_1302], %swap3A_1305 {strides = array<i32>} : memref<4x1024xf32, #tpu.memory_space<vmem>>, vector<1x16xf32>,
    %sub3A_1306 = arith.constant 1 : i32
    %sub3A_1307 = arith.subi %add3A_1285, %sub3A_1306 : i32
    %add3A_1308 = arith.constant 32 : i32
    %add3A_1309 = arith.addi %sub3A_1307, %add3A_1308 : i32
    %shift_right_arithmetic3A_1310 = arith.constant 5 : i32
    %shift_right_arithmetic3A_1311 = arith.shrsi %add3A_1285, %shift_right_arithmetic3A_1310 : i32
    %eq3A_1312 = arith.constant 0 : i32
    %eq3A_1313 = arith.cmpi eq, %shift_right_arithmetic3A_1311, %eq3A_1312 : i32
    %jit3A_1314 = arith.constant 65 : i32
    %select_n3A_1315 = arith.select %eq3A_1313, %add3A_1309, %jit3A_1314 : i32
    %get3A_1316 = arith.index_cast %select_n3A_1315 : i32 to index
    %get3A_1317 = arith.constant 0 : index
    %get3A_1318 = tpu.vector_load %arg4[%get3A_1316, %get3A_1317] {strides = array<i32>} : memref<66x16xf32, #tpu.memory_space<vmem>>, vector<1x16xf32>,
    %get3A_1319 = vector.shape_cast %get3A_1318 : vector<1x16xf32> to vector<16xf32>
    %swap3A_1320 = arith.constant 1 : i32
    %swap3A_1321 = arith.index_cast %swap3A_1320 : i32 to index
    %swap3A_1322 = arith.constant 16 : index
    %swap3A_1323 = tpu.vector_load %arg5[%swap3A_1321, %swap3A_1322] {strides = array<i32>} : memref<4x1024xf32, #tpu.memory_space<vmem>>, vector<1x16xf32>,
    %swap3A_1324 = vector.shape_cast %swap3A_1323 : vector<1x16xf32> to vector<16xf32>
    %swap3A_1325 = vector.shape_cast %get3A_1319 : vector<16xf32> to vector<1x16xf32>
    tpu.vector_store %arg5[%swap3A_1321, %swap3A_1322], %swap3A_1325 {strides = array<i32>} : memref<4x1024xf32, #tpu.memory_space<vmem>>, vector<1x16xf32>,
    %sub3A_1326 = arith.constant 2 : i32
    %sub3A_1327 = arith.subi %add3A_1285, %sub3A_1326 : i32
    %add3A_1328 = arith.constant 32 : i32
    %add3A_1329 = arith.addi %sub3A_1327, %add3A_1328 : i32
    %shift_right_arithmetic3A_1330 = arith.constant 5 : i32
    %shift_right_arithmetic3A_1331 = arith.shrsi %add3A_1285, %shift_right_arithmetic3A_1330 : i32
    %eq3A_1332 = arith.constant 0 : i32
    %eq3A_1333 = arith.cmpi eq, %shift_right_arithmetic3A_1331, %eq3A_1332 : i32
    %jit3A_1334 = arith.constant 65 : i32
    %select_n3A_1335 = arith.select %eq3A_1333, %add3A_1329, %jit3A_1334 : i32
    %get3A_1336 = arith.index_cast %select_n3A_1335 : i32 to index
    %get3A_1337 = arith.constant 0 : index
    %get3A_1338 = tpu.vector_load %arg4[%get3A_1336, %get3A_1337] {strides = array<i32>} : memref<66x16xf32, #tpu.memory_space<vmem>>, vector<1x16xf32>,
    %get3A_1339 = vector.shape_cast %get3A_1338 : vector<1x16xf32> to vector<16xf32>
    %swap3A_1340 = arith.constant 1 : i32
    %swap3A_1341 = arith.index_cast %swap3A_1340 : i32 to index
    %swap3A_1342 = arith.constant 32 : index
    %swap3A_1343 = tpu.vector_load %arg5[%swap3A_1341, %swap3A_1342] {strides = array<i32>} : memref<4x1024xf32, #tpu.memory_space<vmem>>, vector<1x16xf32>,
    %swap3A_1344 = vector.shape_cast %swap3A_1343 : vector<1x16xf32> to vector<16xf32>
    %swap3A_1345 = vector.shape_cast %get3A_1339 : vector<16xf32> to vector<1x16xf32>
    tpu.vector_store %arg5[%swap3A_1341, %swap3A_1342], %swap3A_1345 {strides = array<i32>} : memref<4x1024xf32, #tpu.memory_space<vmem>>, vector<1x16xf32>,
    %sub3A_1346 = arith.constant 3 : i32
    %sub3A_1347 = arith.subi %add3A_1285, %sub3A_1346 : i32
    %add3A_1348 = arith.constant 32 : i32
    %add3A_1349 = arith.addi %sub3A_1347, %add3A_1348 : i32
    %shift_right_arithmetic3A_1350 = arith.constant 5 : i32
    %shift_right_arithmetic3A_1351 = arith.shrsi %add3A_1285, %shift_right_arithmetic3A_1350 : i32
    %eq3A_1352 = arith.constant 0 : i32
    %eq3A_1353 = arith.cmpi eq, %shift_right_arithmetic3A_1351, %eq3A_1352 : i32
    %jit3A_1354 = arith.constant 65 : i32
    %select_n3A_1355 = arith.select %eq3A_1353, %add3A_1349, %jit3A_1354 : i32
    %get3A_1356 = arith.index_cast %select_n3A_1355 : i32 to index
    %get3A_1357 = arith.constant 0 : index
    %get3A_1358 = tpu.vector_load %arg4[%get3A_1356, %get3A_1357] {strides = array<i32>} : memref<66x16xf32, #tpu.memory_space<vmem>>, vector<1x16xf32>,
    %get3A_1359 = vector.shape_cast %get3A_1358 : vector<1x16xf32> to vector<16xf32>
    %swap3A_1360 = arith.constant 1 : i32
    %swap3A_1361 = arith.index_cast %swap3A_1360 : i32 to index
    %swap3A_1362 = arith.constant 48 : index
    %swap3A_1363 = tpu.vector_load %arg5[%swap3A_1361, %swap3A_1362] {strides = array<i32>} : memref<4x1024xf32, #tpu.memory_space<vmem>>, vector<1x16xf32>,
    %swap3A_1364 = vector.shape_cast %swap3A_1363 : vector<1x16xf32> to vector<16xf32>
    %swap3A_1365 = vector.shape_cast %get3A_1359 : vector<16xf32> to vector<1x16xf32>
    tpu.vector_store %arg5[%swap3A_1361, %swap3A_1362], %swap3A_1365 {strides = array<i32>} : memref<4x1024xf32, #tpu.memory_space<vmem>>, vector<1x16xf32>,
    %sub3A_1366 = arith.constant 4 : i32
    %sub3A_1367 = arith.subi %add3A_1285, %sub3A_1366 : i32
    %add3A_1368 = arith.constant 32 : i32
    %add3A_1369 = arith.addi %sub3A_1367, %add3A_1368 : i32
    %shift_right_arithmetic3A_1370 = arith.constant 5 : i32
    %shift_right_arithmetic3A_1371 = arith.shrsi %add3A_1285, %shift_right_arithmetic3A_1370 : i32
    %eq3A_1372 = arith.constant 0 : i32
    %eq3A_1373 = arith.cmpi eq, %shift_right_arithmetic3A_1371, %eq3A_1372 : i32
    %jit3A_1374 = arith.constant 65 : i32
    %select_n3A_1375 = arith.select %eq3A_1373, %add3A_1369, %jit3A_1374 : i32
    %get3A_1376 = arith.index_cast %select_n3A_1375 : i32 to index
    %get3A_1377 = arith.constant 0 : index
    %get3A_1378 = tpu.vector_load %arg4[%get3A_1376, %get3A_1377] {strides = array<i32>} : memref<66x16xf32, #tpu.memory_space<vmem>>, vector<1x16xf32>,
    %get3A_1379 = vector.shape_cast %get3A_1378 : vector<1x16xf32> to vector<16xf32>
    %swap3A_1380 = arith.constant 1 : i32
    %swap3A_1381 = arith.index_cast %swap3A_1380 : i32 to index
    %swap3A_1382 = arith.constant 64 : index
    %swap3A_1383 = tpu.vector_load %arg5[%swap3A_1381, %swap3A_1382] {strides = array<i32>} : memref<4x1024xf32, #tpu.memory_space<vmem>>, vector<1x16xf32>,
    %swap3A_1384 = vector.shape_cast %swap3A_1383 : vector<1x16xf32> to vector<16xf32>
    %swap3A_1385 = vector.shape_cast %get3A_1379 : vector<16xf32> to vector<1x16xf32>
    tpu.vector_store %arg5[%swap3A_1381, %swap3A_1382], %swap3A_1385 {strides = array<i32>} : memref<4x1024xf32, #tpu.memory_space<vmem>>, vector<1x16xf32>,
    %sub3A_1386 = arith.constant 5 : i32
    %sub3A_1387 = arith.subi %add3A_1285, %sub3A_1386 : i32
    %add3A_1388 = arith.constant 32 : i32
    %add3A_1389 = arith.addi %sub3A_1387, %add3A_1388 : i32
    %shift_right_arithmetic3A_1390 = arith.constant 5 : i32
    %shift_right_arithmetic3A_1391 = arith.shrsi %add3A_1285, %shift_right_arithmetic3A_1390 : i32
    %eq3A_1392 = arith.constant 0 : i32
    %eq3A_1393 = arith.cmpi eq, %shift_right_arithmetic3A_1391, %eq3A_1392 : i32
    %jit3A_1394 = arith.constant 65 : i32
    %select_n3A_1395 = arith.select %eq3A_1393, %add3A_1389, %jit3A_1394 : i32
    %get3A_1396 = arith.index_cast %select_n3A_1395 : i32 to index
    %get3A_1397 = arith.constant 0 : index
    %get3A_1398 = tpu.vector_load %arg4[%get3A_1396, %get3A_1397] {strides = array<i32>} : memref<66x16xf32, #tpu.memory_space<vmem>>, vector<1x16xf32>,
    %get3A_1399 = vector.shape_cast %get3A_1398 : vector<1x16xf32> to vector<16xf32>
    %swap3A_1400 = arith.constant 1 : i32
    %swap3A_1401 = arith.index_cast %swap3A_1400 : i32 to index
    %swap3A_1402 = arith.constant 80 : index
    %swap3A_1403 = tpu.vector_load %arg5[%swap3A_1401, %swap3A_1402] {strides = array<i32>} : memref<4x1024xf32, #tpu.memory_space<vmem>>, vector<1x16xf32>,
    %swap3A_1404 = vector.shape_cast %swap3A_1403 : vector<1x16xf32> to vector<16xf32>
    %swap3A_1405 = vector.shape_cast %get3A_1399 : vector<16xf32> to vector<1x16xf32>
    tpu.vector_store %arg5[%swap3A_1401, %swap3A_1402], %swap3A_1405 {strides = array<i32>} : memref<4x1024xf32, #tpu.memory_space<vmem>>, vector<1x16xf32>,
    %sub3A_1406 = arith.constant 6 : i32
    %sub3A_1407 = arith.subi %add3A_1285, %sub3A_1406 : i32
    %add3A_1408 = arith.constant 32 : i32
    %add3A_1409 = arith.addi %sub3A_1407, %add3A_1408 : i32
    %shift_right_arithmetic3A_1410 = arith.constant 5 : i32
    %shift_right_arithmetic3A_1411 = arith.shrsi %add3A_1285, %shift_right_arithmetic3A_1410 : i32
    %eq3A_1412 = arith.constant 0 : i32
    %eq3A_1413 = arith.cmpi eq, %shift_right_arithmetic3A_1411, %eq3A_1412 : i32
    %jit3A_1414 = arith.constant 65 : i32
    %select_n3A_1415 = arith.select %eq3A_1413, %add3A_1409, %jit3A_1414 : i32
    %get3A_1416 = arith.index_cast %select_n3A_1415 : i32 to index
    %get3A_1417 = arith.constant 0 : index
    %get3A_1418 = tpu.vector_load %arg4[%get3A_1416, %get3A_1417] {strides = array<i32>} : memref<66x16xf32, #tpu.memory_space<vmem>>, vector<1x16xf32>,
    %get3A_1419 = vector.shape_cast %get3A_1418 : vector<1x16xf32> to vector<16xf32>
    %swap3A_1420 = arith.constant 1 : i32
    %swap3A_1421 = arith.index_cast %swap3A_1420 : i32 to index
    %swap3A_1422 = arith.constant 96 : index
    %swap3A_1423 = tpu.vector_load %arg5[%swap3A_1421, %swap3A_1422] {strides = array<i32>} : memref<4x1024xf32, #tpu.memory_space<vmem>>, vector<1x16xf32>,
    %swap3A_1424 = vector.shape_cast %swap3A_1423 : vector<1x16xf32> to vector<16xf32>
    %swap3A_1425 = vector.shape_cast %get3A_1419 : vector<16xf32> to vector<1x16xf32>
    tpu.vector_store %arg5[%swap3A_1421, %swap3A_1422], %swap3A_1425 {strides = array<i32>} : memref<4x1024xf32, #tpu.memory_space<vmem>>, vector<1x16xf32>,
    %sub3A_1426 = arith.constant 7 : i32
    %sub3A_1427 = arith.subi %add3A_1285, %sub3A_1426 : i32
    %add3A_1428 = arith.constant 32 : i32
    %add3A_1429 = arith.addi %sub3A_1427, %add3A_1428 : i32
    %shift_right_arithmetic3A_1430 = arith.constant 5 : i32
    %shift_right_arithmetic3A_1431 = arith.shrsi %add3A_1285, %shift_right_arithmetic3A_1430 : i32
    %eq3A_1432 = arith.constant 0 : i32
    %eq3A_1433 = arith.cmpi eq, %shift_right_arithmetic3A_1431, %eq3A_1432 : i32
    %jit3A_1434 = arith.constant 65 : i32
    %select_n3A_1435 = arith.select %eq3A_1433, %add3A_1429, %jit3A_1434 : i32
    %get3A_1436 = arith.index_cast %select_n3A_1435 : i32 to index
    %get3A_1437 = arith.constant 0 : index
    %get3A_1438 = tpu.vector_load %arg4[%get3A_1436, %get3A_1437] {strides = array<i32>} : memref<66x16xf32, #tpu.memory_space<vmem>>, vector<1x16xf32>,
    %get3A_1439 = vector.shape_cast %get3A_1438 : vector<1x16xf32> to vector<16xf32>
    %swap3A_1440 = arith.constant 1 : i32
    %swap3A_1441 = arith.index_cast %swap3A_1440 : i32 to index
    %swap3A_1442 = arith.constant 112 : index
    %swap3A_1443 = tpu.vector_load %arg5[%swap3A_1441, %swap3A_1442] {strides = array<i32>} : memref<4x1024xf32, #tpu.memory_space<vmem>>, vector<1x16xf32>,
    %swap3A_1444 = vector.shape_cast %swap3A_1443 : vector<1x16xf32> to vector<16xf32>
    %swap3A_1445 = vector.shape_cast %get3A_1439 : vector<16xf32> to vector<1x16xf32>
    tpu.vector_store %arg5[%swap3A_1441, %swap3A_1442], %swap3A_1445 {strides = array<i32>} : memref<4x1024xf32, #tpu.memory_space<vmem>>, vector<1x16xf32>,
    %sub3A_1446 = arith.constant 8 : i32
    %sub3A_1447 = arith.subi %add3A_1285, %sub3A_1446 : i32
    %add3A_1448 = arith.constant 32 : i32
    %add3A_1449 = arith.addi %sub3A_1447, %add3A_1448 : i32
    %shift_right_arithmetic3A_1450 = arith.constant 5 : i32
    %shift_right_arithmetic3A_1451 = arith.shrsi %add3A_1285, %shift_right_arithmetic3A_1450 : i32
    %eq3A_1452 = arith.constant 0 : i32
    %eq3A_1453 = arith.cmpi eq, %shift_right_arithmetic3A_1451, %eq3A_1452 : i32
    %jit3A_1454 = arith.constant 65 : i32
    %select_n3A_1455 = arith.select %eq3A_1453, %add3A_1449, %jit3A_1454 : i32
    %get3A_1456 = arith.index_cast %select_n3A_1455 : i32 to index
    %get3A_1457 = arith.constant 0 : index
    %get3A_1458 = tpu.vector_load %arg4[%get3A_1456, %get3A_1457] {strides = array<i32>} : memref<66x16xf32, #tpu.memory_space<vmem>>, vector<1x16xf32>,
    %get3A_1459 = vector.shape_cast %get3A_1458 : vector<1x16xf32> to vector<16xf32>
    %swap3A_1460 = arith.constant 1 : i32
    %swap3A_1461 = arith.index_cast %swap3A_1460 : i32 to index
    %swap3A_1462 = arith.constant 128 : index
    %swap3A_1463 = tpu.vector_load %arg5[%swap3A_1461, %swap3A_1462] {strides = array<i32>} : memref<4x1024xf32, #tpu.memory_space<vmem>>, vector<1x16xf32>,
    %swap3A_1464 = vector.shape_cast %swap3A_1463 : vector<1x16xf32> to vector<16xf32>
    %swap3A_1465 = vector.shape_cast %get3A_1459 : vector<16xf32> to vector<1x16xf32>
    tpu.vector_store %arg5[%swap3A_1461, %swap3A_1462], %swap3A_1465 {strides = array<i32>} : memref<4x1024xf32, #tpu.memory_space<vmem>>, vector<1x16xf32>,
    %sub3A_1466 = arith.constant 9 : i32
    %sub3A_1467 = arith.subi %add3A_1285, %sub3A_1466 : i32
    %add3A_1468 = arith.constant 32 : i32
    %add3A_1469 = arith.addi %sub3A_1467, %add3A_1468 : i32
    %shift_right_arithmetic3A_1470 = arith.constant 5 : i32
    %shift_right_arithmetic3A_1471 = arith.shrsi %add3A_1285, %shift_right_arithmetic3A_1470 : i32
    %eq3A_1472 = arith.constant 0 : i32
    %eq3A_1473 = arith.cmpi eq, %shift_right_arithmetic3A_1471, %eq3A_1472 : i32
    %jit3A_1474 = arith.constant 65 : i32
    %select_n3A_1475 = arith.select %eq3A_1473, %add3A_1469, %jit3A_1474 : i32
    %get3A_1476 = arith.index_cast %select_n3A_1475 : i32 to index
    %get3A_1477 = arith.constant 0 : index
    %get3A_1478 = tpu.vector_load %arg4[%get3A_1476, %get3A_1477] {strides = array<i32>} : memref<66x16xf32, #tpu.memory_space<vmem>>, vector<1x16xf32>,
    %get3A_1479 = vector.shape_cast %get3A_1478 : vector<1x16xf32> to vector<16xf32>
    %swap3A_1480 = arith.constant 1 : i32
    %swap3A_1481 = arith.index_cast %swap3A_1480 : i32 to index
    %swap3A_1482 = arith.constant 144 : index
    %swap3A_1483 = tpu.vector_load %arg5[%swap3A_1481, %swap3A_1482] {strides = array<i32>} : memref<4x1024xf32, #tpu.memory_space<vmem>>, vector<1x16xf32>,
    %swap3A_1484 = vector.shape_cast %swap3A_1483 : vector<1x16xf32> to vector<16xf32>
    %swap3A_1485 = vector.shape_cast %get3A_1479 : vector<16xf32> to vector<1x16xf32>
    tpu.vector_store %arg5[%swap3A_1481, %swap3A_1482], %swap3A_1485 {strides = array<i32>} : memref<4x1024xf32, #tpu.memory_space<vmem>>, vector<1x16xf32>,
    %sub3A_1486 = arith.constant 10 : i32
    %sub3A_1487 = arith.subi %add3A_1285, %sub3A_1486 : i32
    %add3A_1488 = arith.constant 32 : i32
    %add3A_1489 = arith.addi %sub3A_1487, %add3A_1488 : i32
    %shift_right_arithmetic3A_1490 = arith.constant 5 : i32
    %shift_right_arithmetic3A_1491 = arith.shrsi %add3A_1285, %shift_right_arithmetic3A_1490 : i32
    %eq3A_1492 = arith.constant 0 : i32
    %eq3A_1493 = arith.cmpi eq, %shift_right_arithmetic3A_1491, %eq3A_1492 : i32
    %jit3A_1494 = arith.constant 65 : i32
    %select_n3A_1495 = arith.select %eq3A_1493, %add3A_1489, %jit3A_1494 : i32
    %get3A_1496 = arith.index_cast %select_n3A_1495 : i32 to index
    %get3A_1497 = arith.constant 0 : index
    %get3A_1498 = tpu.vector_load %arg4[%get3A_1496, %get3A_1497] {strides = array<i32>} : memref<66x16xf32, #tpu.memory_space<vmem>>, vector<1x16xf32>,
    %get3A_1499 = vector.shape_cast %get3A_1498 : vector<1x16xf32> to vector<16xf32>
    %swap3A_1500 = arith.constant 1 : i32
    %swap3A_1501 = arith.index_cast %swap3A_1500 : i32 to index
    %swap3A_1502 = arith.constant 160 : index
    %swap3A_1503 = tpu.vector_load %arg5[%swap3A_1501, %swap3A_1502] {strides = array<i32>} : memref<4x1024xf32, #tpu.memory_space<vmem>>, vector<1x16xf32>,
    %swap3A_1504 = vector.shape_cast %swap3A_1503 : vector<1x16xf32> to vector<16xf32>
    %swap3A_1505 = vector.shape_cast %get3A_1499 : vector<16xf32> to vector<1x16xf32>
    tpu.vector_store %arg5[%swap3A_1501, %swap3A_1502], %swap3A_1505 {strides = array<i32>} : memref<4x1024xf32, #tpu.memory_space<vmem>>, vector<1x16xf32>,
    %sub3A_1506 = arith.constant 11 : i32
    %sub3A_1507 = arith.subi %add3A_1285, %sub3A_1506 : i32
    %add3A_1508 = arith.constant 32 : i32
    %add3A_1509 = arith.addi %sub3A_1507, %add3A_1508 : i32
    %shift_right_arithmetic3A_1510 = arith.constant 5 : i32
    %shift_right_arithmetic3A_1511 = arith.shrsi %add3A_1285, %shift_right_arithmetic3A_1510 : i32
    %eq3A_1512 = arith.constant 0 : i32
    %eq3A_1513 = arith.cmpi eq, %shift_right_arithmetic3A_1511, %eq3A_1512 : i32
    %jit3A_1514 = arith.constant 65 : i32
    %select_n3A_1515 = arith.select %eq3A_1513, %add3A_1509, %jit3A_1514 : i32
    %get3A_1516 = arith.index_cast %select_n3A_1515 : i32 to index
    %get3A_1517 = arith.constant 0 : index
    %get3A_1518 = tpu.vector_load %arg4[%get3A_1516, %get3A_1517] {strides = array<i32>} : memref<66x16xf32, #tpu.memory_space<vmem>>, vector<1x16xf32>,
    %get3A_1519 = vector.shape_cast %get3A_1518 : vector<1x16xf32> to vector<16xf32>
    %swap3A_1520 = arith.constant 1 : i32
    %swap3A_1521 = arith.index_cast %swap3A_1520 : i32 to index
    %swap3A_1522 = arith.constant 176 : index
    %swap3A_1523 = tpu.vector_load %arg5[%swap3A_1521, %swap3A_1522] {strides = array<i32>} : memref<4x1024xf32, #tpu.memory_space<vmem>>, vector<1x16xf32>,
    %swap3A_1524 = vector.shape_cast %swap3A_1523 : vector<1x16xf32> to vector<16xf32>
    %swap3A_1525 = vector.shape_cast %get3A_1519 : vector<16xf32> to vector<1x16xf32>
    tpu.vector_store %arg5[%swap3A_1521, %swap3A_1522], %swap3A_1525 {strides = array<i32>} : memref<4x1024xf32, #tpu.memory_space<vmem>>, vector<1x16xf32>,
    %sub3A_1526 = arith.constant 12 : i32
    %sub3A_1527 = arith.subi %add3A_1285, %sub3A_1526 : i32
    %add3A_1528 = arith.constant 32 : i32
    %add3A_1529 = arith.addi %sub3A_1527, %add3A_1528 : i32
    %shift_right_arithmetic3A_1530 = arith.constant 5 : i32
    %shift_right_arithmetic3A_1531 = arith.shrsi %add3A_1285, %shift_right_arithmetic3A_1530 : i32
    %eq3A_1532 = arith.constant 0 : i32
    %eq3A_1533 = arith.cmpi eq, %shift_right_arithmetic3A_1531, %eq3A_1532 : i32
    %jit3A_1534 = arith.constant 65 : i32
    %select_n3A_1535 = arith.select %eq3A_1533, %add3A_1529, %jit3A_1534 : i32
    %get3A_1536 = arith.index_cast %select_n3A_1535 : i32 to index
    %get3A_1537 = arith.constant 0 : index
    %get3A_1538 = tpu.vector_load %arg4[%get3A_1536, %get3A_1537] {strides = array<i32>} : memref<66x16xf32, #tpu.memory_space<vmem>>, vector<1x16xf32>,
    %get3A_1539 = vector.shape_cast %get3A_1538 : vector<1x16xf32> to vector<16xf32>
    %swap3A_1540 = arith.constant 1 : i32
    %swap3A_1541 = arith.index_cast %swap3A_1540 : i32 to index
    %swap3A_1542 = arith.constant 192 : index
    %swap3A_1543 = tpu.vector_load %arg5[%swap3A_1541, %swap3A_1542] {strides = array<i32>} : memref<4x1024xf32, #tpu.memory_space<vmem>>, vector<1x16xf32>,
    %swap3A_1544 = vector.shape_cast %swap3A_1543 : vector<1x16xf32> to vector<16xf32>
    %swap3A_1545 = vector.shape_cast %get3A_1539 : vector<16xf32> to vector<1x16xf32>
    tpu.vector_store %arg5[%swap3A_1541, %swap3A_1542], %swap3A_1545 {strides = array<i32>} : memref<4x1024xf32, #tpu.memory_space<vmem>>, vector<1x16xf32>,
    %sub3A_1546 = arith.constant 13 : i32
    %sub3A_1547 = arith.subi %add3A_1285, %sub3A_1546 : i32
    %add3A_1548 = arith.constant 32 : i32
    %add3A_1549 = arith.addi %sub3A_1547, %add3A_1548 : i32
    %shift_right_arithmetic3A_1550 = arith.constant 5 : i32
    %shift_right_arithmetic3A_1551 = arith.shrsi %add3A_1285, %shift_right_arithmetic3A_1550 : i32
    %eq3A_1552 = arith.constant 0 : i32
    %eq3A_1553 = arith.cmpi eq, %shift_right_arithmetic3A_1551, %eq3A_1552 : i32
    %jit3A_1554 = arith.constant 65 : i32
    %select_n3A_1555 = arith.select %eq3A_1553, %add3A_1549, %jit3A_1554 : i32
    %get3A_1556 = arith.index_cast %select_n3A_1555 : i32 to index
    %get3A_1557 = arith.constant 0 : index
    %get3A_1558 = tpu.vector_load %arg4[%get3A_1556, %get3A_1557] {strides = array<i32>} : memref<66x16xf32, #tpu.memory_space<vmem>>, vector<1x16xf32>,
    %get3A_1559 = vector.shape_cast %get3A_1558 : vector<1x16xf32> to vector<16xf32>
    %swap3A_1560 = arith.constant 1 : i32
    %swap3A_1561 = arith.index_cast %swap3A_1560 : i32 to index
    %swap3A_1562 = arith.constant 208 : index
    %swap3A_1563 = tpu.vector_load %arg5[%swap3A_1561, %swap3A_1562] {strides = array<i32>} : memref<4x1024xf32, #tpu.memory_space<vmem>>, vector<1x16xf32>,
    %swap3A_1564 = vector.shape_cast %swap3A_1563 : vector<1x16xf32> to vector<16xf32>
    %swap3A_1565 = vector.shape_cast %get3A_1559 : vector<16xf32> to vector<1x16xf32>
    tpu.vector_store %arg5[%swap3A_1561, %swap3A_1562], %swap3A_1565 {strides = array<i32>} : memref<4x1024xf32, #tpu.memory_space<vmem>>, vector<1x16xf32>,
    %sub3A_1566 = arith.constant 14 : i32
    %sub3A_1567 = arith.subi %add3A_1285, %sub3A_1566 : i32
    %add3A_1568 = arith.constant 32 : i32
    %add3A_1569 = arith.addi %sub3A_1567, %add3A_1568 : i32
    %shift_right_arithmetic3A_1570 = arith.constant 5 : i32
    %shift_right_arithmetic3A_1571 = arith.shrsi %add3A_1285, %shift_right_arithmetic3A_1570 : i32
    %eq3A_1572 = arith.constant 0 : i32
    %eq3A_1573 = arith.cmpi eq, %shift_right_arithmetic3A_1571, %eq3A_1572 : i32
    %jit3A_1574 = arith.constant 65 : i32
    %select_n3A_1575 = arith.select %eq3A_1573, %add3A_1569, %jit3A_1574 : i32
    %get3A_1576 = arith.index_cast %select_n3A_1575 : i32 to index
    %get3A_1577 = arith.constant 0 : index
    %get3A_1578 = tpu.vector_load %arg4[%get3A_1576, %get3A_1577] {strides = array<i32>} : memref<66x16xf32, #tpu.memory_space<vmem>>, vector<1x16xf32>,
    %get3A_1579 = vector.shape_cast %get3A_1578 : vector<1x16xf32> to vector<16xf32>
    %swap3A_1580 = arith.constant 1 : i32
    %swap3A_1581 = arith.index_cast %swap3A_1580 : i32 to index
    %swap3A_1582 = arith.constant 224 : index
    %swap3A_1583 = tpu.vector_load %arg5[%swap3A_1581, %swap3A_1582] {strides = array<i32>} : memref<4x1024xf32, #tpu.memory_space<vmem>>, vector<1x16xf32>,
    %swap3A_1584 = vector.shape_cast %swap3A_1583 : vector<1x16xf32> to vector<16xf32>
    %swap3A_1585 = vector.shape_cast %get3A_1579 : vector<16xf32> to vector<1x16xf32>
    tpu.vector_store %arg5[%swap3A_1581, %swap3A_1582], %swap3A_1585 {strides = array<i32>} : memref<4x1024xf32, #tpu.memory_space<vmem>>, vector<1x16xf32>,
    %sub3A_1586 = arith.constant 15 : i32
    %sub3A_1587 = arith.subi %add3A_1285, %sub3A_1586 : i32
    %add3A_1588 = arith.constant 32 : i32
    %add3A_1589 = arith.addi %sub3A_1587, %add3A_1588 : i32
    %shift_right_arithmetic3A_1590 = arith.constant 5 : i32
    %shift_right_arithmetic3A_1591 = arith.shrsi %add3A_1285, %shift_right_arithmetic3A_1590 : i32
    %eq3A_1592 = arith.constant 0 : i32
    %eq3A_1593 = arith.cmpi eq, %shift_right_arithmetic3A_1591, %eq3A_1592 : i32
    %jit3A_1594 = arith.constant 65 : i32
    %select_n3A_1595 = arith.select %eq3A_1593, %add3A_1589, %jit3A_1594 : i32
    %get3A_1596 = arith.index_cast %select_n3A_1595 : i32 to index
    %get3A_1597 = arith.constant 0 : index
    %get3A_1598 = tpu.vector_load %arg4[%get3A_1596, %get3A_1597] {strides = array<i32>} : memref<66x16xf32, #tpu.memory_space<vmem>>, vector<1x16xf32>,
    %get3A_1599 = vector.shape_cast %get3A_1598 : vector<1x16xf32> to vector<16xf32>
    %swap3A_1600 = arith.constant 1 : i32
    %swap3A_1601 = arith.index_cast %swap3A_1600 : i32 to index
    %swap3A_1602 = arith.constant 240 : index
    %swap3A_1603 = tpu.vector_load %arg5[%swap3A_1601, %swap3A_1602] {strides = array<i32>} : memref<4x1024xf32, #tpu.memory_space<vmem>>, vector<1x16xf32>,
    %swap3A_1604 = vector.shape_cast %swap3A_1603 : vector<1x16xf32> to vector<16xf32>
    %swap3A_1605 = vector.shape_cast %get3A_1599 : vector<16xf32> to vector<1x16xf32>
    tpu.vector_store %arg5[%swap3A_1601, %swap3A_1602], %swap3A_1605 {strides = array<i32>} : memref<4x1024xf32, #tpu.memory_space<vmem>>, vector<1x16xf32>,
    %sub3A_1606 = arith.constant 16 : i32
    %sub3A_1607 = arith.subi %add3A_1285, %sub3A_1606 : i32
    %add3A_1608 = arith.constant 32 : i32
    %add3A_1609 = arith.addi %sub3A_1607, %add3A_1608 : i32
    %shift_right_arithmetic3A_1610 = arith.constant 5 : i32
    %shift_right_arithmetic3A_1611 = arith.shrsi %add3A_1285, %shift_right_arithmetic3A_1610 : i32
    %eq3A_1612 = arith.constant 0 : i32
    %eq3A_1613 = arith.cmpi eq, %shift_right_arithmetic3A_1611, %eq3A_1612 : i32
    %jit3A_1614 = arith.constant 65 : i32
    %select_n3A_1615 = arith.select %eq3A_1613, %add3A_1609, %jit3A_1614 : i32
    %get3A_1616 = arith.index_cast %select_n3A_1615 : i32 to index
    %get3A_1617 = arith.constant 0 : index
    %get3A_1618 = tpu.vector_load %arg4[%get3A_1616, %get3A_1617] {strides = array<i32>} : memref<66x16xf32, #tpu.memory_space<vmem>>, vector<1x16xf32>,
    %get3A_1619 = vector.shape_cast %get3A_1618 : vector<1x16xf32> to vector<16xf32>
    %swap3A_1620 = arith.constant 1 : i32
    %swap3A_1621 = arith.index_cast %swap3A_1620 : i32 to index
    %swap3A_1622 = arith.constant 256 : index
    %swap3A_1623 = tpu.vector_load %arg5[%swap3A_1621, %swap3A_1622] {strides = array<i32>} : memref<4x1024xf32, #tpu.memory_space<vmem>>, vector<1x16xf32>,
    %swap3A_1624 = vector.shape_cast %swap3A_1623 : vector<1x16xf32> to vector<16xf32>
    %swap3A_1625 = vector.shape_cast %get3A_1619 : vector<16xf32> to vector<1x16xf32>
    tpu.vector_store %arg5[%swap3A_1621, %swap3A_1622], %swap3A_1625 {strides = array<i32>} : memref<4x1024xf32, #tpu.memory_space<vmem>>, vector<1x16xf32>,
    %sub3A_1626 = arith.constant 17 : i32
    %sub3A_1627 = arith.subi %add3A_1285, %sub3A_1626 : i32
    %add3A_1628 = arith.constant 32 : i32
    %add3A_1629 = arith.addi %sub3A_1627, %add3A_1628 : i32
    %shift_right_arithmetic3A_1630 = arith.constant 5 : i32
    %shift_right_arithmetic3A_1631 = arith.shrsi %add3A_1285, %shift_right_arithmetic3A_1630 : i32
    %eq3A_1632 = arith.constant 0 : i32
    %eq3A_1633 = arith.cmpi eq, %shift_right_arithmetic3A_1631, %eq3A_1632 : i32
    %jit3A_1634 = arith.constant 65 : i32
    %select_n3A_1635 = arith.select %eq3A_1633, %add3A_1629, %jit3A_1634 : i32
    %get3A_1636 = arith.index_cast %select_n3A_1635 : i32 to index
    %get3A_1637 = arith.constant 0 : index
    %get3A_1638 = tpu.vector_load %arg4[%get3A_1636, %get3A_1637] {strides = array<i32>} : memref<66x16xf32, #tpu.memory_space<vmem>>, vector<1x16xf32>,
    %get3A_1639 = vector.shape_cast %get3A_1638 : vector<1x16xf32> to vector<16xf32>
    %swap3A_1640 = arith.constant 1 : i32
    %swap3A_1641 = arith.index_cast %swap3A_1640 : i32 to index
    %swap3A_1642 = arith.constant 272 : index
    %swap3A_1643 = tpu.vector_load %arg5[%swap3A_1641, %swap3A_1642] {strides = array<i32>} : memref<4x1024xf32, #tpu.memory_space<vmem>>, vector<1x16xf32>,
    %swap3A_1644 = vector.shape_cast %swap3A_1643 : vector<1x16xf32> to vector<16xf32>
    %swap3A_1645 = vector.shape_cast %get3A_1639 : vector<16xf32> to vector<1x16xf32>
    tpu.vector_store %arg5[%swap3A_1641, %swap3A_1642], %swap3A_1645 {strides = array<i32>} : memref<4x1024xf32, #tpu.memory_space<vmem>>, vector<1x16xf32>,
    %sub3A_1646 = arith.constant 18 : i32
    %sub3A_1647 = arith.subi %add3A_1285, %sub3A_1646 : i32
    %add3A_1648 = arith.constant 32 : i32
    %add3A_1649 = arith.addi %sub3A_1647, %add3A_1648 : i32
    %shift_right_arithmetic3A_1650 = arith.constant 5 : i32
    %shift_right_arithmetic3A_1651 = arith.shrsi %add3A_1285, %shift_right_arithmetic3A_1650 : i32
    %eq3A_1652 = arith.constant 0 : i32
    %eq3A_1653 = arith.cmpi eq, %shift_right_arithmetic3A_1651, %eq3A_1652 : i32
    %jit3A_1654 = arith.constant 65 : i32
    %select_n3A_1655 = arith.select %eq3A_1653, %add3A_1649, %jit3A_1654 : i32
    %get3A_1656 = arith.index_cast %select_n3A_1655 : i32 to index
    %get3A_1657 = arith.constant 0 : index
    %get3A_1658 = tpu.vector_load %arg4[%get3A_1656, %get3A_1657] {strides = array<i32>} : memref<66x16xf32, #tpu.memory_space<vmem>>, vector<1x16xf32>,
    %get3A_1659 = vector.shape_cast %get3A_1658 : vector<1x16xf32> to vector<16xf32>
    %swap3A_1660 = arith.constant 1 : i32
    %swap3A_1661 = arith.index_cast %swap3A_1660 : i32 to index
    %swap3A_1662 = arith.constant 288 : index
    %swap3A_1663 = tpu.vector_load %arg5[%swap3A_1661, %swap3A_1662] {strides = array<i32>} : memref<4x1024xf32, #tpu.memory_space<vmem>>, vector<1x16xf32>,
    %swap3A_1664 = vector.shape_cast %swap3A_1663 : vector<1x16xf32> to vector<16xf32>
    %swap3A_1665 = vector.shape_cast %get3A_1659 : vector<16xf32> to vector<1x16xf32>
    tpu.vector_store %arg5[%swap3A_1661, %swap3A_1662], %swap3A_1665 {strides = array<i32>} : memref<4x1024xf32, #tpu.memory_space<vmem>>, vector<1x16xf32>,
    %sub3A_1666 = arith.constant 19 : i32
    %sub3A_1667 = arith.subi %add3A_1285, %sub3A_1666 : i32
    %add3A_1668 = arith.constant 32 : i32
    %add3A_1669 = arith.addi %sub3A_1667, %add3A_1668 : i32
    %shift_right_arithmetic3A_1670 = arith.constant 5 : i32
    %shift_right_arithmetic3A_1671 = arith.shrsi %add3A_1285, %shift_right_arithmetic3A_1670 : i32
    %eq3A_1672 = arith.constant 0 : i32
    %eq3A_1673 = arith.cmpi eq, %shift_right_arithmetic3A_1671, %eq3A_1672 : i32
    %jit3A_1674 = arith.constant 65 : i32
    %select_n3A_1675 = arith.select %eq3A_1673, %add3A_1669, %jit3A_1674 : i32
    %get3A_1676 = arith.index_cast %select_n3A_1675 : i32 to index
    %get3A_1677 = arith.constant 0 : index
    %get3A_1678 = tpu.vector_load %arg4[%get3A_1676, %get3A_1677] {strides = array<i32>} : memref<66x16xf32, #tpu.memory_space<vmem>>, vector<1x16xf32>,
    %get3A_1679 = vector.shape_cast %get3A_1678 : vector<1x16xf32> to vector<16xf32>
    %swap3A_1680 = arith.constant 1 : i32
    %swap3A_1681 = arith.index_cast %swap3A_1680 : i32 to index
    %swap3A_1682 = arith.constant 304 : index
    %swap3A_1683 = tpu.vector_load %arg5[%swap3A_1681, %swap3A_1682] {strides = array<i32>} : memref<4x1024xf32, #tpu.memory_space<vmem>>, vector<1x16xf32>,
    %swap3A_1684 = vector.shape_cast %swap3A_1683 : vector<1x16xf32> to vector<16xf32>
    %swap3A_1685 = vector.shape_cast %get3A_1679 : vector<16xf32> to vector<1x16xf32>
    tpu.vector_store %arg5[%swap3A_1681, %swap3A_1682], %swap3A_1685 {strides = array<i32>} : memref<4x1024xf32, #tpu.memory_space<vmem>>, vector<1x16xf32>,
    %sub3A_1686 = arith.constant 20 : i32
    %sub3A_1687 = arith.subi %add3A_1285, %sub3A_1686 : i32
    %add3A_1688 = arith.constant 32 : i32
    %add3A_1689 = arith.addi %sub3A_1687, %add3A_1688 : i32
    %shift_right_arithmetic3A_1690 = arith.constant 5 : i32
    %shift_right_arithmetic3A_1691 = arith.shrsi %add3A_1285, %shift_right_arithmetic3A_1690 : i32
    %eq3A_1692 = arith.constant 0 : i32
    %eq3A_1693 = arith.cmpi eq, %shift_right_arithmetic3A_1691, %eq3A_1692 : i32
    %jit3A_1694 = arith.constant 65 : i32
    %select_n3A_1695 = arith.select %eq3A_1693, %add3A_1689, %jit3A_1694 : i32
    %get3A_1696 = arith.index_cast %select_n3A_1695 : i32 to index
    %get3A_1697 = arith.constant 0 : index
    %get3A_1698 = tpu.vector_load %arg4[%get3A_1696, %get3A_1697] {strides = array<i32>} : memref<66x16xf32, #tpu.memory_space<vmem>>, vector<1x16xf32>,
    %get3A_1699 = vector.shape_cast %get3A_1698 : vector<1x16xf32> to vector<16xf32>
    %swap3A_1700 = arith.constant 1 : i32
    %swap3A_1701 = arith.index_cast %swap3A_1700 : i32 to index
    %swap3A_1702 = arith.constant 320 : index
    %swap3A_1703 = tpu.vector_load %arg5[%swap3A_1701, %swap3A_1702] {strides = array<i32>} : memref<4x1024xf32, #tpu.memory_space<vmem>>, vector<1x16xf32>,
    %swap3A_1704 = vector.shape_cast %swap3A_1703 : vector<1x16xf32> to vector<16xf32>
    %swap3A_1705 = vector.shape_cast %get3A_1699 : vector<16xf32> to vector<1x16xf32>
    tpu.vector_store %arg5[%swap3A_1701, %swap3A_1702], %swap3A_1705 {strides = array<i32>} : memref<4x1024xf32, #tpu.memory_space<vmem>>, vector<1x16xf32>,
    %sub3A_1706 = arith.constant 21 : i32
    %sub3A_1707 = arith.subi %add3A_1285, %sub3A_1706 : i32
    %add3A_1708 = arith.constant 32 : i32
    %add3A_1709 = arith.addi %sub3A_1707, %add3A_1708 : i32
    %shift_right_arithmetic3A_1710 = arith.constant 5 : i32
    %shift_right_arithmetic3A_1711 = arith.shrsi %add3A_1285, %shift_right_arithmetic3A_1710 : i32
    %eq3A_1712 = arith.constant 0 : i32
    %eq3A_1713 = arith.cmpi eq, %shift_right_arithmetic3A_1711, %eq3A_1712 : i32
    %jit3A_1714 = arith.constant 65 : i32
    %select_n3A_1715 = arith.select %eq3A_1713, %add3A_1709, %jit3A_1714 : i32
    %get3A_1716 = arith.index_cast %select_n3A_1715 : i32 to index
    %get3A_1717 = arith.constant 0 : index
    %get3A_1718 = tpu.vector_load %arg4[%get3A_1716, %get3A_1717] {strides = array<i32>} : memref<66x16xf32, #tpu.memory_space<vmem>>, vector<1x16xf32>,
    %get3A_1719 = vector.shape_cast %get3A_1718 : vector<1x16xf32> to vector<16xf32>
    %swap3A_1720 = arith.constant 1 : i32
    %swap3A_1721 = arith.index_cast %swap3A_1720 : i32 to index
    %swap3A_1722 = arith.constant 336 : index
    %swap3A_1723 = tpu.vector_load %arg5[%swap3A_1721, %swap3A_1722] {strides = array<i32>} : memref<4x1024xf32, #tpu.memory_space<vmem>>, vector<1x16xf32>,
    %swap3A_1724 = vector.shape_cast %swap3A_1723 : vector<1x16xf32> to vector<16xf32>
    %swap3A_1725 = vector.shape_cast %get3A_1719 : vector<16xf32> to vector<1x16xf32>
    tpu.vector_store %arg5[%swap3A_1721, %swap3A_1722], %swap3A_1725 {strides = array<i32>} : memref<4x1024xf32, #tpu.memory_space<vmem>>, vector<1x16xf32>,
    %sub3A_1726 = arith.constant 22 : i32
    %sub3A_1727 = arith.subi %add3A_1285, %sub3A_1726 : i32
    %add3A_1728 = arith.constant 32 : i32
    %add3A_1729 = arith.addi %sub3A_1727, %add3A_1728 : i32
    %shift_right_arithmetic3A_1730 = arith.constant 5 : i32
    %shift_right_arithmetic3A_1731 = arith.shrsi %add3A_1285, %shift_right_arithmetic3A_1730 : i32
    %eq3A_1732 = arith.constant 0 : i32
    %eq3A_1733 = arith.cmpi eq, %shift_right_arithmetic3A_1731, %eq3A_1732 : i32
    %jit3A_1734 = arith.constant 65 : i32
    %select_n3A_1735 = arith.select %eq3A_1733, %add3A_1729, %jit3A_1734 : i32
    %get3A_1736 = arith.index_cast %select_n3A_1735 : i32 to index
    %get3A_1737 = arith.constant 0 : index
    %get3A_1738 = tpu.vector_load %arg4[%get3A_1736, %get3A_1737] {strides = array<i32>} : memref<66x16xf32, #tpu.memory_space<vmem>>, vector<1x16xf32>,
    %get3A_1739 = vector.shape_cast %get3A_1738 : vector<1x16xf32> to vector<16xf32>
    %swap3A_1740 = arith.constant 1 : i32
    %swap3A_1741 = arith.index_cast %swap3A_1740 : i32 to index
    %swap3A_1742 = arith.constant 352 : index
    %swap3A_1743 = tpu.vector_load %arg5[%swap3A_1741, %swap3A_1742] {strides = array<i32>} : memref<4x1024xf32, #tpu.memory_space<vmem>>, vector<1x16xf32>,
    %swap3A_1744 = vector.shape_cast %swap3A_1743 : vector<1x16xf32> to vector<16xf32>
    %swap3A_1745 = vector.shape_cast %get3A_1739 : vector<16xf32> to vector<1x16xf32>
    tpu.vector_store %arg5[%swap3A_1741, %swap3A_1742], %swap3A_1745 {strides = array<i32>} : memref<4x1024xf32, #tpu.memory_space<vmem>>, vector<1x16xf32>,
    %sub3A_1746 = arith.constant 23 : i32
    %sub3A_1747 = arith.subi %add3A_1285, %sub3A_1746 : i32
    %add3A_1748 = arith.constant 32 : i32
    %add3A_1749 = arith.addi %sub3A_1747, %add3A_1748 : i32
    %shift_right_arithmetic3A_1750 = arith.constant 5 : i32
    %shift_right_arithmetic3A_1751 = arith.shrsi %add3A_1285, %shift_right_arithmetic3A_1750 : i32
    %eq3A_1752 = arith.constant 0 : i32
    %eq3A_1753 = arith.cmpi eq, %shift_right_arithmetic3A_1751, %eq3A_1752 : i32
    %jit3A_1754 = arith.constant 65 : i32
    %select_n3A_1755 = arith.select %eq3A_1753, %add3A_1749, %jit3A_1754 : i32
    %get3A_1756 = arith.index_cast %select_n3A_1755 : i32 to index
    %get3A_1757 = arith.constant 0 : index
    %get3A_1758 = tpu.vector_load %arg4[%get3A_1756, %get3A_1757] {strides = array<i32>} : memref<66x16xf32, #tpu.memory_space<vmem>>, vector<1x16xf32>,
    %get3A_1759 = vector.shape_cast %get3A_1758 : vector<1x16xf32> to vector<16xf32>
    %swap3A_1760 = arith.constant 1 : i32
    %swap3A_1761 = arith.index_cast %swap3A_1760 : i32 to index
    %swap3A_1762 = arith.constant 368 : index
    %swap3A_1763 = tpu.vector_load %arg5[%swap3A_1761, %swap3A_1762] {strides = array<i32>} : memref<4x1024xf32, #tpu.memory_space<vmem>>, vector<1x16xf32>,
    %swap3A_1764 = vector.shape_cast %swap3A_1763 : vector<1x16xf32> to vector<16xf32>
    %swap3A_1765 = vector.shape_cast %get3A_1759 : vector<16xf32> to vector<1x16xf32>
    tpu.vector_store %arg5[%swap3A_1761, %swap3A_1762], %swap3A_1765 {strides = array<i32>} : memref<4x1024xf32, #tpu.memory_space<vmem>>, vector<1x16xf32>,
    %sub3A_1766 = arith.constant 24 : i32
    %sub3A_1767 = arith.subi %add3A_1285, %sub3A_1766 : i32
    %add3A_1768 = arith.constant 32 : i32
    %add3A_1769 = arith.addi %sub3A_1767, %add3A_1768 : i32
    %shift_right_arithmetic3A_1770 = arith.constant 5 : i32
    %shift_right_arithmetic3A_1771 = arith.shrsi %add3A_1285, %shift_right_arithmetic3A_1770 : i32
    %eq3A_1772 = arith.constant 0 : i32
    %eq3A_1773 = arith.cmpi eq, %shift_right_arithmetic3A_1771, %eq3A_1772 : i32
    %jit3A_1774 = arith.constant 65 : i32
    %select_n3A_1775 = arith.select %eq3A_1773, %add3A_1769, %jit3A_1774 : i32
    %get3A_1776 = arith.index_cast %select_n3A_1775 : i32 to index
    %get3A_1777 = arith.constant 0 : index
    %get3A_1778 = tpu.vector_load %arg4[%get3A_1776, %get3A_1777] {strides = array<i32>} : memref<66x16xf32, #tpu.memory_space<vmem>>, vector<1x16xf32>,
    %get3A_1779 = vector.shape_cast %get3A_1778 : vector<1x16xf32> to vector<16xf32>
    %swap3A_1780 = arith.constant 1 : i32
    %swap3A_1781 = arith.index_cast %swap3A_1780 : i32 to index
    %swap3A_1782 = arith.constant 384 : index
    %swap3A_1783 = tpu.vector_load %arg5[%swap3A_1781, %swap3A_1782] {strides = array<i32>} : memref<4x1024xf32, #tpu.memory_space<vmem>>, vector<1x16xf32>,
    %swap3A_1784 = vector.shape_cast %swap3A_1783 : vector<1x16xf32> to vector<16xf32>
    %swap3A_1785 = vector.shape_cast %get3A_1779 : vector<16xf32> to vector<1x16xf32>
    tpu.vector_store %arg5[%swap3A_1781, %swap3A_1782], %swap3A_1785 {strides = array<i32>} : memref<4x1024xf32, #tpu.memory_space<vmem>>, vector<1x16xf32>,
    %sub3A_1786 = arith.constant 25 : i32
    %sub3A_1787 = arith.subi %add3A_1285, %sub3A_1786 : i32
    %add3A_1788 = arith.constant 32 : i32
    %add3A_1789 = arith.addi %sub3A_1787, %add3A_1788 : i32
    %shift_right_arithmetic3A_1790 = arith.constant 5 : i32
    %shift_right_arithmetic3A_1791 = arith.shrsi %add3A_1285, %shift_right_arithmetic3A_1790 : i32
    %eq3A_1792 = arith.constant 0 : i32
    %eq3A_1793 = arith.cmpi eq, %shift_right_arithmetic3A_1791, %eq3A_1792 : i32
    %jit3A_1794 = arith.constant 65 : i32
    %select_n3A_1795 = arith.select %eq3A_1793, %add3A_1789, %jit3A_1794 : i32
    %get3A_1796 = arith.index_cast %select_n3A_1795 : i32 to index
    %get3A_1797 = arith.constant 0 : index
    %get3A_1798 = tpu.vector_load %arg4[%get3A_1796, %get3A_1797] {strides = array<i32>} : memref<66x16xf32, #tpu.memory_space<vmem>>, vector<1x16xf32>,
    %get3A_1799 = vector.shape_cast %get3A_1798 : vector<1x16xf32> to vector<16xf32>
    %swap3A_1800 = arith.constant 1 : i32
    %swap3A_1801 = arith.index_cast %swap3A_1800 : i32 to index
    %swap3A_1802 = arith.constant 400 : index
    %swap3A_1803 = tpu.vector_load %arg5[%swap3A_1801, %swap3A_1802] {strides = array<i32>} : memref<4x1024xf32, #tpu.memory_space<vmem>>, vector<1x16xf32>,
    %swap3A_1804 = vector.shape_cast %swap3A_1803 : vector<1x16xf32> to vector<16xf32>
    %swap3A_1805 = vector.shape_cast %get3A_1799 : vector<16xf32> to vector<1x16xf32>
    tpu.vector_store %arg5[%swap3A_1801, %swap3A_1802], %swap3A_1805 {strides = array<i32>} : memref<4x1024xf32, #tpu.memory_space<vmem>>, vector<1x16xf32>,
    %sub3A_1806 = arith.constant 26 : i32
    %sub3A_1807 = arith.subi %add3A_1285, %sub3A_1806 : i32
    %add3A_1808 = arith.constant 32 : i32
    %add3A_1809 = arith.addi %sub3A_1807, %add3A_1808 : i32
    %shift_right_arithmetic3A_1810 = arith.constant 5 : i32
    %shift_right_arithmetic3A_1811 = arith.shrsi %add3A_1285, %shift_right_arithmetic3A_1810 : i32
    %eq3A_1812 = arith.constant 0 : i32
    %eq3A_1813 = arith.cmpi eq, %shift_right_arithmetic3A_1811, %eq3A_1812 : i32
    %jit3A_1814 = arith.constant 65 : i32
    %select_n3A_1815 = arith.select %eq3A_1813, %add3A_1809, %jit3A_1814 : i32
    %get3A_1816 = arith.index_cast %select_n3A_1815 : i32 to index
    %get3A_1817 = arith.constant 0 : index
    %get3A_1818 = tpu.vector_load %arg4[%get3A_1816, %get3A_1817] {strides = array<i32>} : memref<66x16xf32, #tpu.memory_space<vmem>>, vector<1x16xf32>,
    %get3A_1819 = vector.shape_cast %get3A_1818 : vector<1x16xf32> to vector<16xf32>
    %swap3A_1820 = arith.constant 1 : i32
    %swap3A_1821 = arith.index_cast %swap3A_1820 : i32 to index
    %swap3A_1822 = arith.constant 416 : index
    %swap3A_1823 = tpu.vector_load %arg5[%swap3A_1821, %swap3A_1822] {strides = array<i32>} : memref<4x1024xf32, #tpu.memory_space<vmem>>, vector<1x16xf32>,
    %swap3A_1824 = vector.shape_cast %swap3A_1823 : vector<1x16xf32> to vector<16xf32>
    %swap3A_1825 = vector.shape_cast %get3A_1819 : vector<16xf32> to vector<1x16xf32>
    tpu.vector_store %arg5[%swap3A_1821, %swap3A_1822], %swap3A_1825 {strides = array<i32>} : memref<4x1024xf32, #tpu.memory_space<vmem>>, vector<1x16xf32>,
    %sub3A_1826 = arith.constant 27 : i32
    %sub3A_1827 = arith.subi %add3A_1285, %sub3A_1826 : i32
    %add3A_1828 = arith.constant 32 : i32
    %add3A_1829 = arith.addi %sub3A_1827, %add3A_1828 : i32
    %shift_right_arithmetic3A_1830 = arith.constant 5 : i32
    %shift_right_arithmetic3A_1831 = arith.shrsi %add3A_1285, %shift_right_arithmetic3A_1830 : i32
    %eq3A_1832 = arith.constant 0 : i32
    %eq3A_1833 = arith.cmpi eq, %shift_right_arithmetic3A_1831, %eq3A_1832 : i32
    %jit3A_1834 = arith.constant 65 : i32
    %select_n3A_1835 = arith.select %eq3A_1833, %add3A_1829, %jit3A_1834 : i32
    %get3A_1836 = arith.index_cast %select_n3A_1835 : i32 to index
    %get3A_1837 = arith.constant 0 : index
    %get3A_1838 = tpu.vector_load %arg4[%get3A_1836, %get3A_1837] {strides = array<i32>} : memref<66x16xf32, #tpu.memory_space<vmem>>, vector<1x16xf32>,
    %get3A_1839 = vector.shape_cast %get3A_1838 : vector<1x16xf32> to vector<16xf32>
    %swap3A_1840 = arith.constant 1 : i32
    %swap3A_1841 = arith.index_cast %swap3A_1840 : i32 to index
    %swap3A_1842 = arith.constant 432 : index
    %swap3A_1843 = tpu.vector_load %arg5[%swap3A_1841, %swap3A_1842] {strides = array<i32>} : memref<4x1024xf32, #tpu.memory_space<vmem>>, vector<1x16xf32>,
    %swap3A_1844 = vector.shape_cast %swap3A_1843 : vector<1x16xf32> to vector<16xf32>
    %swap3A_1845 = vector.shape_cast %get3A_1839 : vector<16xf32> to vector<1x16xf32>
    tpu.vector_store %arg5[%swap3A_1841, %swap3A_1842], %swap3A_1845 {strides = array<i32>} : memref<4x1024xf32, #tpu.memory_space<vmem>>, vector<1x16xf32>,
    %sub3A_1846 = arith.constant 28 : i32
    %sub3A_1847 = arith.subi %add3A_1285, %sub3A_1846 : i32
    %add3A_1848 = arith.constant 32 : i32
    %add3A_1849 = arith.addi %sub3A_1847, %add3A_1848 : i32
    %shift_right_arithmetic3A_1850 = arith.constant 5 : i32
    %shift_right_arithmetic3A_1851 = arith.shrsi %add3A_1285, %shift_right_arithmetic3A_1850 : i32
    %eq3A_1852 = arith.constant 0 : i32
    %eq3A_1853 = arith.cmpi eq, %shift_right_arithmetic3A_1851, %eq3A_1852 : i32
    %jit3A_1854 = arith.constant 65 : i32
    %select_n3A_1855 = arith.select %eq3A_1853, %add3A_1849, %jit3A_1854 : i32
    %get3A_1856 = arith.index_cast %select_n3A_1855 : i32 to index
    %get3A_1857 = arith.constant 0 : index
    %get3A_1858 = tpu.vector_load %arg4[%get3A_1856, %get3A_1857] {strides = array<i32>} : memref<66x16xf32, #tpu.memory_space<vmem>>, vector<1x16xf32>,
    %get3A_1859 = vector.shape_cast %get3A_1858 : vector<1x16xf32> to vector<16xf32>
    %swap3A_1860 = arith.constant 1 : i32
    %swap3A_1861 = arith.index_cast %swap3A_1860 : i32 to index
    %swap3A_1862 = arith.constant 448 : index
    %swap3A_1863 = tpu.vector_load %arg5[%swap3A_1861, %swap3A_1862] {strides = array<i32>} : memref<4x1024xf32, #tpu.memory_space<vmem>>, vector<1x16xf32>,
    %swap3A_1864 = vector.shape_cast %swap3A_1863 : vector<1x16xf32> to vector<16xf32>
    %swap3A_1865 = vector.shape_cast %get3A_1859 : vector<16xf32> to vector<1x16xf32>
    tpu.vector_store %arg5[%swap3A_1861, %swap3A_1862], %swap3A_1865 {strides = array<i32>} : memref<4x1024xf32, #tpu.memory_space<vmem>>, vector<1x16xf32>,
    %sub3A_1866 = arith.constant 29 : i32
    %sub3A_1867 = arith.subi %add3A_1285, %sub3A_1866 : i32
    %add3A_1868 = arith.constant 32 : i32
    %add3A_1869 = arith.addi %sub3A_1867, %add3A_1868 : i32
    %shift_right_arithmetic3A_1870 = arith.constant 5 : i32
    %shift_right_arithmetic3A_1871 = arith.shrsi %add3A_1285, %shift_right_arithmetic3A_1870 : i32
    %eq3A_1872 = arith.constant 0 : i32
    %eq3A_1873 = arith.cmpi eq, %shift_right_arithmetic3A_1871, %eq3A_1872 : i32
    %jit3A_1874 = arith.constant 65 : i32
    %select_n3A_1875 = arith.select %eq3A_1873, %add3A_1869, %jit3A_1874 : i32
    %get3A_1876 = arith.index_cast %select_n3A_1875 : i32 to index
    %get3A_1877 = arith.constant 0 : index
    %get3A_1878 = tpu.vector_load %arg4[%get3A_1876, %get3A_1877] {strides = array<i32>} : memref<66x16xf32, #tpu.memory_space<vmem>>, vector<1x16xf32>,
    %get3A_1879 = vector.shape_cast %get3A_1878 : vector<1x16xf32> to vector<16xf32>
    %swap3A_1880 = arith.constant 1 : i32
    %swap3A_1881 = arith.index_cast %swap3A_1880 : i32 to index
    %swap3A_1882 = arith.constant 464 : index
    %swap3A_1883 = tpu.vector_load %arg5[%swap3A_1881, %swap3A_1882] {strides = array<i32>} : memref<4x1024xf32, #tpu.memory_space<vmem>>, vector<1x16xf32>,
    %swap3A_1884 = vector.shape_cast %swap3A_1883 : vector<1x16xf32> to vector<16xf32>
    %swap3A_1885 = vector.shape_cast %get3A_1879 : vector<16xf32> to vector<1x16xf32>
    tpu.vector_store %arg5[%swap3A_1881, %swap3A_1882], %swap3A_1885 {strides = array<i32>} : memref<4x1024xf32, #tpu.memory_space<vmem>>, vector<1x16xf32>,
    %sub3A_1886 = arith.constant 30 : i32
    %sub3A_1887 = arith.subi %add3A_1285, %sub3A_1886 : i32
    %add3A_1888 = arith.constant 32 : i32
    %add3A_1889 = arith.addi %sub3A_1887, %add3A_1888 : i32
    %shift_right_arithmetic3A_1890 = arith.constant 5 : i32
    %shift_right_arithmetic3A_1891 = arith.shrsi %add3A_1285, %shift_right_arithmetic3A_1890 : i32
    %eq3A_1892 = arith.constant 0 : i32
    %eq3A_1893 = arith.cmpi eq, %shift_right_arithmetic3A_1891, %eq3A_1892 : i32
    %jit3A_1894 = arith.constant 65 : i32
    %select_n3A_1895 = arith.select %eq3A_1893, %add3A_1889, %jit3A_1894 : i32
    %get3A_1896 = arith.index_cast %select_n3A_1895 : i32 to index
    %get3A_1897 = arith.constant 0 : index
    %get3A_1898 = tpu.vector_load %arg4[%get3A_1896, %get3A_1897] {strides = array<i32>} : memref<66x16xf32, #tpu.memory_space<vmem>>, vector<1x16xf32>,
    %get3A_1899 = vector.shape_cast %get3A_1898 : vector<1x16xf32> to vector<16xf32>
    %swap3A_1900 = arith.constant 1 : i32
    %swap3A_1901 = arith.index_cast %swap3A_1900 : i32 to index
    %swap3A_1902 = arith.constant 480 : index
    %swap3A_1903 = tpu.vector_load %arg5[%swap3A_1901, %swap3A_1902] {strides = array<i32>} : memref<4x1024xf32, #tpu.memory_space<vmem>>, vector<1x16xf32>,
    %swap3A_1904 = vector.shape_cast %swap3A_1903 : vector<1x16xf32> to vector<16xf32>
    %swap3A_1905 = vector.shape_cast %get3A_1899 : vector<16xf32> to vector<1x16xf32>
    tpu.vector_store %arg5[%swap3A_1901, %swap3A_1902], %swap3A_1905 {strides = array<i32>} : memref<4x1024xf32, #tpu.memory_space<vmem>>, vector<1x16xf32>,
    %sub3A_1906 = arith.constant 31 : i32
    %sub3A_1907 = arith.subi %add3A_1285, %sub3A_1906 : i32
    %add3A_1908 = arith.constant 32 : i32
    %add3A_1909 = arith.addi %sub3A_1907, %add3A_1908 : i32
    %shift_right_arithmetic3A_1910 = arith.constant 5 : i32
    %shift_right_arithmetic3A_1911 = arith.shrsi %add3A_1285, %shift_right_arithmetic3A_1910 : i32
    %eq3A_1912 = arith.constant 0 : i32
    %eq3A_1913 = arith.cmpi eq, %shift_right_arithmetic3A_1911, %eq3A_1912 : i32
    %jit3A_1914 = arith.constant 65 : i32
    %select_n3A_1915 = arith.select %eq3A_1913, %add3A_1909, %jit3A_1914 : i32
    %get3A_1916 = arith.index_cast %select_n3A_1915 : i32 to index
    %get3A_1917 = arith.constant 0 : index
    %get3A_1918 = tpu.vector_load %arg4[%get3A_1916, %get3A_1917] {strides = array<i32>} : memref<66x16xf32, #tpu.memory_space<vmem>>, vector<1x16xf32>,
    %get3A_1919 = vector.shape_cast %get3A_1918 : vector<1x16xf32> to vector<16xf32>
    %swap3A_1920 = arith.constant 1 : i32
    %swap3A_1921 = arith.index_cast %swap3A_1920 : i32 to index
    %swap3A_1922 = arith.constant 496 : index
    %swap3A_1923 = tpu.vector_load %arg5[%swap3A_1921, %swap3A_1922] {strides = array<i32>} : memref<4x1024xf32, #tpu.memory_space<vmem>>, vector<1x16xf32>,
    %swap3A_1924 = vector.shape_cast %swap3A_1923 : vector<1x16xf32> to vector<16xf32>
    %swap3A_1925 = vector.shape_cast %get3A_1919 : vector<16xf32> to vector<1x16xf32>
    tpu.vector_store %arg5[%swap3A_1921, %swap3A_1922], %swap3A_1925 {strides = array<i32>} : memref<4x1024xf32, #tpu.memory_space<vmem>>, vector<1x16xf32>,
    %sub3A_1926 = arith.constant 32 : i32
    %sub3A_1927 = arith.subi %add3A_1285, %sub3A_1926 : i32
    %add3A_1928 = arith.constant 32 : i32
    %add3A_1929 = arith.addi %sub3A_1927, %add3A_1928 : i32
    %shift_right_arithmetic3A_1930 = arith.constant 5 : i32
    %shift_right_arithmetic3A_1931 = arith.shrsi %add3A_1285, %shift_right_arithmetic3A_1930 : i32
    %eq3A_1932 = arith.constant 1 : i32
    %eq3A_1933 = arith.cmpi eq, %shift_right_arithmetic3A_1931, %eq3A_1932 : i32
    %jit3A_1934 = arith.constant 65 : i32
    %select_n3A_1935 = arith.select %eq3A_1933, %add3A_1929, %jit3A_1934 : i32
    %get3A_1936 = arith.index_cast %select_n3A_1935 : i32 to index
    %get3A_1937 = arith.constant 0 : index
    %get3A_1938 = tpu.vector_load %arg4[%get3A_1936, %get3A_1937] {strides = array<i32>} : memref<66x16xf32, #tpu.memory_space<vmem>>, vector<1x16xf32>,
    %get3A_1939 = vector.shape_cast %get3A_1938 : vector<1x16xf32> to vector<16xf32>
    %swap3A_1940 = arith.constant 1 : i32
    %swap3A_1941 = arith.index_cast %swap3A_1940 : i32 to index
    %swap3A_1942 = arith.constant 512 : index
    %swap3A_1943 = tpu.vector_load %arg5[%swap3A_1941, %swap3A_1942] {strides = array<i32>} : memref<4x1024xf32, #tpu.memory_space<vmem>>, vector<1x16xf32>,
    %swap3A_1944 = vector.shape_cast %swap3A_1943 : vector<1x16xf32> to vector<16xf32>
    %swap3A_1945 = vector.shape_cast %get3A_1939 : vector<16xf32> to vector<1x16xf32>
    tpu.vector_store %arg5[%swap3A_1941, %swap3A_1942], %swap3A_1945 {strides = array<i32>} : memref<4x1024xf32, #tpu.memory_space<vmem>>, vector<1x16xf32>,
    %sub3A_1946 = arith.constant 33 : i32
    %sub3A_1947 = arith.subi %add3A_1285, %sub3A_1946 : i32
    %add3A_1948 = arith.constant 32 : i32
    %add3A_1949 = arith.addi %sub3A_1947, %add3A_1948 : i32
    %shift_right_arithmetic3A_1950 = arith.constant 5 : i32
    %shift_right_arithmetic3A_1951 = arith.shrsi %add3A_1285, %shift_right_arithmetic3A_1950 : i32
    %eq3A_1952 = arith.constant 1 : i32
    %eq3A_1953 = arith.cmpi eq, %shift_right_arithmetic3A_1951, %eq3A_1952 : i32
    %jit3A_1954 = arith.constant 65 : i32
    %select_n3A_1955 = arith.select %eq3A_1953, %add3A_1949, %jit3A_1954 : i32
    %get3A_1956 = arith.index_cast %select_n3A_1955 : i32 to index
    %get3A_1957 = arith.constant 0 : index
    %get3A_1958 = tpu.vector_load %arg4[%get3A_1956, %get3A_1957] {strides = array<i32>} : memref<66x16xf32, #tpu.memory_space<vmem>>, vector<1x16xf32>,
    %get3A_1959 = vector.shape_cast %get3A_1958 : vector<1x16xf32> to vector<16xf32>
    %swap3A_1960 = arith.constant 1 : i32
    %swap3A_1961 = arith.index_cast %swap3A_1960 : i32 to index
    %swap3A_1962 = arith.constant 528 : index
    %swap3A_1963 = tpu.vector_load %arg5[%swap3A_1961, %swap3A_1962] {strides = array<i32>} : memref<4x1024xf32, #tpu.memory_space<vmem>>, vector<1x16xf32>,
    %swap3A_1964 = vector.shape_cast %swap3A_1963 : vector<1x16xf32> to vector<16xf32>
    %swap3A_1965 = vector.shape_cast %get3A_1959 : vector<16xf32> to vector<1x16xf32>
    tpu.vector_store %arg5[%swap3A_1961, %swap3A_1962], %swap3A_1965 {strides = array<i32>} : memref<4x1024xf32, #tpu.memory_space<vmem>>, vector<1x16xf32>,
    %sub3A_1966 = arith.constant 34 : i32
    %sub3A_1967 = arith.subi %add3A_1285, %sub3A_1966 : i32
    %add3A_1968 = arith.constant 32 : i32
    %add3A_1969 = arith.addi %sub3A_1967, %add3A_1968 : i32
    %shift_right_arithmetic3A_1970 = arith.constant 5 : i32
    %shift_right_arithmetic3A_1971 = arith.shrsi %add3A_1285, %shift_right_arithmetic3A_1970 : i32
    %eq3A_1972 = arith.constant 1 : i32
    %eq3A_1973 = arith.cmpi eq, %shift_right_arithmetic3A_1971, %eq3A_1972 : i32
    %jit3A_1974 = arith.constant 65 : i32
    %select_n3A_1975 = arith.select %eq3A_1973, %add3A_1969, %jit3A_1974 : i32
    %get3A_1976 = arith.index_cast %select_n3A_1975 : i32 to index
    %get3A_1977 = arith.constant 0 : index
    %get3A_1978 = tpu.vector_load %arg4[%get3A_1976, %get3A_1977] {strides = array<i32>} : memref<66x16xf32, #tpu.memory_space<vmem>>, vector<1x16xf32>,
    %get3A_1979 = vector.shape_cast %get3A_1978 : vector<1x16xf32> to vector<16xf32>
    %swap3A_1980 = arith.constant 1 : i32
    %swap3A_1981 = arith.index_cast %swap3A_1980 : i32 to index
    %swap3A_1982 = arith.constant 544 : index
    %swap3A_1983 = tpu.vector_load %arg5[%swap3A_1981, %swap3A_1982] {strides = array<i32>} : memref<4x1024xf32, #tpu.memory_space<vmem>>, vector<1x16xf32>,
    %swap3A_1984 = vector.shape_cast %swap3A_1983 : vector<1x16xf32> to vector<16xf32>
    %swap3A_1985 = vector.shape_cast %get3A_1979 : vector<16xf32> to vector<1x16xf32>
    tpu.vector_store %arg5[%swap3A_1981, %swap3A_1982], %swap3A_1985 {strides = array<i32>} : memref<4x1024xf32, #tpu.memory_space<vmem>>, vector<1x16xf32>,
    %sub3A_1986 = arith.constant 35 : i32
    %sub3A_1987 = arith.subi %add3A_1285, %sub3A_1986 : i32
    %add3A_1988 = arith.constant 32 : i32
    %add3A_1989 = arith.addi %sub3A_1987, %add3A_1988 : i32
    %shift_right_arithmetic3A_1990 = arith.constant 5 : i32
    %shift_right_arithmetic3A_1991 = arith.shrsi %add3A_1285, %shift_right_arithmetic3A_1990 : i32
    %eq3A_1992 = arith.constant 1 : i32
    %eq3A_1993 = arith.cmpi eq, %shift_right_arithmetic3A_1991, %eq3A_1992 : i32
    %jit3A_1994 = arith.constant 65 : i32
    %select_n3A_1995 = arith.select %eq3A_1993, %add3A_1989, %jit3A_1994 : i32
    %get3A_1996 = arith.index_cast %select_n3A_1995 : i32 to index
    %get3A_1997 = arith.constant 0 : index
    %get3A_1998 = tpu.vector_load %arg4[%get3A_1996, %get3A_1997] {strides = array<i32>} : memref<66x16xf32, #tpu.memory_space<vmem>>, vector<1x16xf32>,
    %get3A_1999 = vector.shape_cast %get3A_1998 : vector<1x16xf32> to vector<16xf32>
    %swap3A_2000 = arith.constant 1 : i32
    %swap3A_2001 = arith.index_cast %swap3A_2000 : i32 to index
    %swap3A_2002 = arith.constant 560 : index
    %swap3A_2003 = tpu.vector_load %arg5[%swap3A_2001, %swap3A_2002] {strides = array<i32>} : memref<4x1024xf32, #tpu.memory_space<vmem>>, vector<1x16xf32>,
    %swap3A_2004 = vector.shape_cast %swap3A_2003 : vector<1x16xf32> to vector<16xf32>
    %swap3A_2005 = vector.shape_cast %get3A_1999 : vector<16xf32> to vector<1x16xf32>
    tpu.vector_store %arg5[%swap3A_2001, %swap3A_2002], %swap3A_2005 {strides = array<i32>} : memref<4x1024xf32, #tpu.memory_space<vmem>>, vector<1x16xf32>,
    %sub3A_2006 = arith.constant 36 : i32
    %sub3A_2007 = arith.subi %add3A_1285, %sub3A_2006 : i32
    %add3A_2008 = arith.constant 32 : i32
    %add3A_2009 = arith.addi %sub3A_2007, %add3A_2008 : i32
    %shift_right_arithmetic3A_2010 = arith.constant 5 : i32
    %shift_right_arithmetic3A_2011 = arith.shrsi %add3A_1285, %shift_right_arithmetic3A_2010 : i32
    %eq3A_2012 = arith.constant 1 : i32
    %eq3A_2013 = arith.cmpi eq, %shift_right_arithmetic3A_2011, %eq3A_2012 : i32
    %jit3A_2014 = arith.constant 65 : i32
    %select_n3A_2015 = arith.select %eq3A_2013, %add3A_2009, %jit3A_2014 : i32
    %get3A_2016 = arith.index_cast %select_n3A_2015 : i32 to index
    %get3A_2017 = arith.constant 0 : index
    %get3A_2018 = tpu.vector_load %arg4[%get3A_2016, %get3A_2017] {strides = array<i32>} : memref<66x16xf32, #tpu.memory_space<vmem>>, vector<1x16xf32>,
    %get3A_2019 = vector.shape_cast %get3A_2018 : vector<1x16xf32> to vector<16xf32>
    %swap3A_2020 = arith.constant 1 : i32
    %swap3A_2021 = arith.index_cast %swap3A_2020 : i32 to index
    %swap3A_2022 = arith.constant 576 : index
    %swap3A_2023 = tpu.vector_load %arg5[%swap3A_2021, %swap3A_2022] {strides = array<i32>} : memref<4x1024xf32, #tpu.memory_space<vmem>>, vector<1x16xf32>,
    %swap3A_2024 = vector.shape_cast %swap3A_2023 : vector<1x16xf32> to vector<16xf32>
    %swap3A_2025 = vector.shape_cast %get3A_2019 : vector<16xf32> to vector<1x16xf32>
    tpu.vector_store %arg5[%swap3A_2021, %swap3A_2022], %swap3A_2025 {strides = array<i32>} : memref<4x1024xf32, #tpu.memory_space<vmem>>, vector<1x16xf32>,
    %sub3A_2026 = arith.constant 37 : i32
    %sub3A_2027 = arith.subi %add3A_1285, %sub3A_2026 : i32
    %add3A_2028 = arith.constant 32 : i32
    %add3A_2029 = arith.addi %sub3A_2027, %add3A_2028 : i32
    %shift_right_arithmetic3A_2030 = arith.constant 5 : i32
    %shift_right_arithmetic3A_2031 = arith.shrsi %add3A_1285, %shift_right_arithmetic3A_2030 : i32
    %eq3A_2032 = arith.constant 1 : i32
    %eq3A_2033 = arith.cmpi eq, %shift_right_arithmetic3A_2031, %eq3A_2032 : i32
    %jit3A_2034 = arith.constant 65 : i32
    %select_n3A_2035 = arith.select %eq3A_2033, %add3A_2029, %jit3A_2034 : i32
    %get3A_2036 = arith.index_cast %select_n3A_2035 : i32 to index
    %get3A_2037 = arith.constant 0 : index
    %get3A_2038 = tpu.vector_load %arg4[%get3A_2036, %get3A_2037] {strides = array<i32>} : memref<66x16xf32, #tpu.memory_space<vmem>>, vector<1x16xf32>,
    %get3A_2039 = vector.shape_cast %get3A_2038 : vector<1x16xf32> to vector<16xf32>
    %swap3A_2040 = arith.constant 1 : i32
    %swap3A_2041 = arith.index_cast %swap3A_2040 : i32 to index
    %swap3A_2042 = arith.constant 592 : index
    %swap3A_2043 = tpu.vector_load %arg5[%swap3A_2041, %swap3A_2042] {strides = array<i32>} : memref<4x1024xf32, #tpu.memory_space<vmem>>, vector<1x16xf32>,
    %swap3A_2044 = vector.shape_cast %swap3A_2043 : vector<1x16xf32> to vector<16xf32>
    %swap3A_2045 = vector.shape_cast %get3A_2039 : vector<16xf32> to vector<1x16xf32>
    tpu.vector_store %arg5[%swap3A_2041, %swap3A_2042], %swap3A_2045 {strides = array<i32>} : memref<4x1024xf32, #tpu.memory_space<vmem>>, vector<1x16xf32>,
    %sub3A_2046 = arith.constant 38 : i32
    %sub3A_2047 = arith.subi %add3A_1285, %sub3A_2046 : i32
    %add3A_2048 = arith.constant 32 : i32
    %add3A_2049 = arith.addi %sub3A_2047, %add3A_2048 : i32
    %shift_right_arithmetic3A_2050 = arith.constant 5 : i32
    %shift_right_arithmetic3A_2051 = arith.shrsi %add3A_1285, %shift_right_arithmetic3A_2050 : i32
    %eq3A_2052 = arith.constant 1 : i32
    %eq3A_2053 = arith.cmpi eq, %shift_right_arithmetic3A_2051, %eq3A_2052 : i32
    %jit3A_2054 = arith.constant 65 : i32
    %select_n3A_2055 = arith.select %eq3A_2053, %add3A_2049, %jit3A_2054 : i32
    %get3A_2056 = arith.index_cast %select_n3A_2055 : i32 to index
    %get3A_2057 = arith.constant 0 : index
    %get3A_2058 = tpu.vector_load %arg4[%get3A_2056, %get3A_2057] {strides = array<i32>} : memref<66x16xf32, #tpu.memory_space<vmem>>, vector<1x16xf32>,
    %get3A_2059 = vector.shape_cast %get3A_2058 : vector<1x16xf32> to vector<16xf32>
    %swap3A_2060 = arith.constant 1 : i32
    %swap3A_2061 = arith.index_cast %swap3A_2060 : i32 to index
    %swap3A_2062 = arith.constant 608 : index
    %swap3A_2063 = tpu.vector_load %arg5[%swap3A_2061, %swap3A_2062] {strides = array<i32>} : memref<4x1024xf32, #tpu.memory_space<vmem>>, vector<1x16xf32>,
    %swap3A_2064 = vector.shape_cast %swap3A_2063 : vector<1x16xf32> to vector<16xf32>
    %swap3A_2065 = vector.shape_cast %get3A_2059 : vector<16xf32> to vector<1x16xf32>
    tpu.vector_store %arg5[%swap3A_2061, %swap3A_2062], %swap3A_2065 {strides = array<i32>} : memref<4x1024xf32, #tpu.memory_space<vmem>>, vector<1x16xf32>,
    %sub3A_2066 = arith.constant 39 : i32
    %sub3A_2067 = arith.subi %add3A_1285, %sub3A_2066 : i32
    %add3A_2068 = arith.constant 32 : i32
    %add3A_2069 = arith.addi %sub3A_2067, %add3A_2068 : i32
    %shift_right_arithmetic3A_2070 = arith.constant 5 : i32
    %shift_right_arithmetic3A_2071 = arith.shrsi %add3A_1285, %shift_right_arithmetic3A_2070 : i32
    %eq3A_2072 = arith.constant 1 : i32
    %eq3A_2073 = arith.cmpi eq, %shift_right_arithmetic3A_2071, %eq3A_2072 : i32
    %jit3A_2074 = arith.constant 65 : i32
    %select_n3A_2075 = arith.select %eq3A_2073, %add3A_2069, %jit3A_2074 : i32
    %get3A_2076 = arith.index_cast %select_n3A_2075 : i32 to index
    %get3A_2077 = arith.constant 0 : index
    %get3A_2078 = tpu.vector_load %arg4[%get3A_2076, %get3A_2077] {strides = array<i32>} : memref<66x16xf32, #tpu.memory_space<vmem>>, vector<1x16xf32>,
    %get3A_2079 = vector.shape_cast %get3A_2078 : vector<1x16xf32> to vector<16xf32>
    %swap3A_2080 = arith.constant 1 : i32
    %swap3A_2081 = arith.index_cast %swap3A_2080 : i32 to index
    %swap3A_2082 = arith.constant 624 : index
    %swap3A_2083 = tpu.vector_load %arg5[%swap3A_2081, %swap3A_2082] {strides = array<i32>} : memref<4x1024xf32, #tpu.memory_space<vmem>>, vector<1x16xf32>,
    %swap3A_2084 = vector.shape_cast %swap3A_2083 : vector<1x16xf32> to vector<16xf32>
    %swap3A_2085 = vector.shape_cast %get3A_2079 : vector<16xf32> to vector<1x16xf32>
    tpu.vector_store %arg5[%swap3A_2081, %swap3A_2082], %swap3A_2085 {strides = array<i32>} : memref<4x1024xf32, #tpu.memory_space<vmem>>, vector<1x16xf32>,
    %sub3A_2086 = arith.constant 40 : i32
    %sub3A_2087 = arith.subi %add3A_1285, %sub3A_2086 : i32
    %add3A_2088 = arith.constant 32 : i32
    %add3A_2089 = arith.addi %sub3A_2087, %add3A_2088 : i32
    %shift_right_arithmetic3A_2090 = arith.constant 5 : i32
    %shift_right_arithmetic3A_2091 = arith.shrsi %add3A_1285, %shift_right_arithmetic3A_2090 : i32
    %eq3A_2092 = arith.constant 1 : i32
    %eq3A_2093 = arith.cmpi eq, %shift_right_arithmetic3A_2091, %eq3A_2092 : i32
    %jit3A_2094 = arith.constant 65 : i32
    %select_n3A_2095 = arith.select %eq3A_2093, %add3A_2089, %jit3A_2094 : i32
    %get3A_2096 = arith.index_cast %select_n3A_2095 : i32 to index
    %get3A_2097 = arith.constant 0 : index
    %get3A_2098 = tpu.vector_load %arg4[%get3A_2096, %get3A_2097] {strides = array<i32>} : memref<66x16xf32, #tpu.memory_space<vmem>>, vector<1x16xf32>,
    %get3A_2099 = vector.shape_cast %get3A_2098 : vector<1x16xf32> to vector<16xf32>
    %swap3A_2100 = arith.constant 1 : i32
    %swap3A_2101 = arith.index_cast %swap3A_2100 : i32 to index
    %swap3A_2102 = arith.constant 640 : index
    %swap3A_2103 = tpu.vector_load %arg5[%swap3A_2101, %swap3A_2102] {strides = array<i32>} : memref<4x1024xf32, #tpu.memory_space<vmem>>, vector<1x16xf32>,
    %swap3A_2104 = vector.shape_cast %swap3A_2103 : vector<1x16xf32> to vector<16xf32>
    %swap3A_2105 = vector.shape_cast %get3A_2099 : vector<16xf32> to vector<1x16xf32>
    tpu.vector_store %arg5[%swap3A_2101, %swap3A_2102], %swap3A_2105 {strides = array<i32>} : memref<4x1024xf32, #tpu.memory_space<vmem>>, vector<1x16xf32>,
    %sub3A_2106 = arith.constant 41 : i32
    %sub3A_2107 = arith.subi %add3A_1285, %sub3A_2106 : i32
    %add3A_2108 = arith.constant 32 : i32
    %add3A_2109 = arith.addi %sub3A_2107, %add3A_2108 : i32
    %shift_right_arithmetic3A_2110 = arith.constant 5 : i32
    %shift_right_arithmetic3A_2111 = arith.shrsi %add3A_1285, %shift_right_arithmetic3A_2110 : i32
    %eq3A_2112 = arith.constant 1 : i32
    %eq3A_2113 = arith.cmpi eq, %shift_right_arithmetic3A_2111, %eq3A_2112 : i32
    %jit3A_2114 = arith.constant 65 : i32
    %select_n3A_2115 = arith.select %eq3A_2113, %add3A_2109, %jit3A_2114 : i32
    %get3A_2116 = arith.index_cast %select_n3A_2115 : i32 to index
    %get3A_2117 = arith.constant 0 : index
    %get3A_2118 = tpu.vector_load %arg4[%get3A_2116, %get3A_2117] {strides = array<i32>} : memref<66x16xf32, #tpu.memory_space<vmem>>, vector<1x16xf32>,
    %get3A_2119 = vector.shape_cast %get3A_2118 : vector<1x16xf32> to vector<16xf32>
    %swap3A_2120 = arith.constant 1 : i32
    %swap3A_2121 = arith.index_cast %swap3A_2120 : i32 to index
    %swap3A_2122 = arith.constant 656 : index
    %swap3A_2123 = tpu.vector_load %arg5[%swap3A_2121, %swap3A_2122] {strides = array<i32>} : memref<4x1024xf32, #tpu.memory_space<vmem>>, vector<1x16xf32>,
    %swap3A_2124 = vector.shape_cast %swap3A_2123 : vector<1x16xf32> to vector<16xf32>
    %swap3A_2125 = vector.shape_cast %get3A_2119 : vector<16xf32> to vector<1x16xf32>
    tpu.vector_store %arg5[%swap3A_2121, %swap3A_2122], %swap3A_2125 {strides = array<i32>} : memref<4x1024xf32, #tpu.memory_space<vmem>>, vector<1x16xf32>,
    %sub3A_2126 = arith.constant 42 : i32
    %sub3A_2127 = arith.subi %add3A_1285, %sub3A_2126 : i32
    %add3A_2128 = arith.constant 32 : i32
    %add3A_2129 = arith.addi %sub3A_2127, %add3A_2128 : i32
    %shift_right_arithmetic3A_2130 = arith.constant 5 : i32
    %shift_right_arithmetic3A_2131 = arith.shrsi %add3A_1285, %shift_right_arithmetic3A_2130 : i32
    %eq3A_2132 = arith.constant 1 : i32
    %eq3A_2133 = arith.cmpi eq, %shift_right_arithmetic3A_2131, %eq3A_2132 : i32
    %jit3A_2134 = arith.constant 65 : i32
    %select_n3A_2135 = arith.select %eq3A_2133, %add3A_2129, %jit3A_2134 : i32
    %get3A_2136 = arith.index_cast %select_n3A_2135 : i32 to index
    %get3A_2137 = arith.constant 0 : index
    %get3A_2138 = tpu.vector_load %arg4[%get3A_2136, %get3A_2137] {strides = array<i32>} : memref<66x16xf32, #tpu.memory_space<vmem>>, vector<1x16xf32>,
    %get3A_2139 = vector.shape_cast %get3A_2138 : vector<1x16xf32> to vector<16xf32>
    %swap3A_2140 = arith.constant 1 : i32
    %swap3A_2141 = arith.index_cast %swap3A_2140 : i32 to index
    %swap3A_2142 = arith.constant 672 : index
    %swap3A_2143 = tpu.vector_load %arg5[%swap3A_2141, %swap3A_2142] {strides = array<i32>} : memref<4x1024xf32, #tpu.memory_space<vmem>>, vector<1x16xf32>,
    %swap3A_2144 = vector.shape_cast %swap3A_2143 : vector<1x16xf32> to vector<16xf32>
    %swap3A_2145 = vector.shape_cast %get3A_2139 : vector<16xf32> to vector<1x16xf32>
    tpu.vector_store %arg5[%swap3A_2141, %swap3A_2142], %swap3A_2145 {strides = array<i32>} : memref<4x1024xf32, #tpu.memory_space<vmem>>, vector<1x16xf32>,
    %sub3A_2146 = arith.constant 43 : i32
    %sub3A_2147 = arith.subi %add3A_1285, %sub3A_2146 : i32
    %add3A_2148 = arith.constant 32 : i32
    %add3A_2149 = arith.addi %sub3A_2147, %add3A_2148 : i32
    %shift_right_arithmetic3A_2150 = arith.constant 5 : i32
    %shift_right_arithmetic3A_2151 = arith.shrsi %add3A_1285, %shift_right_arithmetic3A_2150 : i32
    %eq3A_2152 = arith.constant 1 : i32
    %eq3A_2153 = arith.cmpi eq, %shift_right_arithmetic3A_2151, %eq3A_2152 : i32
    %jit3A_2154 = arith.constant 65 : i32
    %select_n3A_2155 = arith.select %eq3A_2153, %add3A_2149, %jit3A_2154 : i32
    %get3A_2156 = arith.index_cast %select_n3A_2155 : i32 to index
    %get3A_2157 = arith.constant 0 : index
    %get3A_2158 = tpu.vector_load %arg4[%get3A_2156, %get3A_2157] {strides = array<i32>} : memref<66x16xf32, #tpu.memory_space<vmem>>, vector<1x16xf32>,
    %get3A_2159 = vector.shape_cast %get3A_2158 : vector<1x16xf32> to vector<16xf32>
    %swap3A_2160 = arith.constant 1 : i32
    %swap3A_2161 = arith.index_cast %swap3A_2160 : i32 to index
    %swap3A_2162 = arith.constant 688 : index
    %swap3A_2163 = tpu.vector_load %arg5[%swap3A_2161, %swap3A_2162] {strides = array<i32>} : memref<4x1024xf32, #tpu.memory_space<vmem>>, vector<1x16xf32>,
    %swap3A_2164 = vector.shape_cast %swap3A_2163 : vector<1x16xf32> to vector<16xf32>
    %swap3A_2165 = vector.shape_cast %get3A_2159 : vector<16xf32> to vector<1x16xf32>
    tpu.vector_store %arg5[%swap3A_2161, %swap3A_2162], %swap3A_2165 {strides = array<i32>} : memref<4x1024xf32, #tpu.memory_space<vmem>>, vector<1x16xf32>,
    %sub3A_2166 = arith.constant 44 : i32
    %sub3A_2167 = arith.subi %add3A_1285, %sub3A_2166 : i32
    %add3A_2168 = arith.constant 32 : i32
    %add3A_2169 = arith.addi %sub3A_2167, %add3A_2168 : i32
    %shift_right_arithmetic3A_2170 = arith.constant 5 : i32
    %shift_right_arithmetic3A_2171 = arith.shrsi %add3A_1285, %shift_right_arithmetic3A_2170 : i32
    %eq3A_2172 = arith.constant 1 : i32
    %eq3A_2173 = arith.cmpi eq, %shift_right_arithmetic3A_2171, %eq3A_2172 : i32
    %jit3A_2174 = arith.constant 65 : i32
    %select_n3A_2175 = arith.select %eq3A_2173, %add3A_2169, %jit3A_2174 : i32
    %get3A_2176 = arith.index_cast %select_n3A_2175 : i32 to index
    %get3A_2177 = arith.constant 0 : index
    %get3A_2178 = tpu.vector_load %arg4[%get3A_2176, %get3A_2177] {strides = array<i32>} : memref<66x16xf32, #tpu.memory_space<vmem>>, vector<1x16xf32>,
    %get3A_2179 = vector.shape_cast %get3A_2178 : vector<1x16xf32> to vector<16xf32>
    %swap3A_2180 = arith.constant 1 : i32
    %swap3A_2181 = arith.index_cast %swap3A_2180 : i32 to index
    %swap3A_2182 = arith.constant 704 : index
    %swap3A_2183 = tpu.vector_load %arg5[%swap3A_2181, %swap3A_2182] {strides = array<i32>} : memref<4x1024xf32, #tpu.memory_space<vmem>>, vector<1x16xf32>,
    %swap3A_2184 = vector.shape_cast %swap3A_2183 : vector<1x16xf32> to vector<16xf32>
    %swap3A_2185 = vector.shape_cast %get3A_2179 : vector<16xf32> to vector<1x16xf32>
    tpu.vector_store %arg5[%swap3A_2181, %swap3A_2182], %swap3A_2185 {strides = array<i32>} : memref<4x1024xf32, #tpu.memory_space<vmem>>, vector<1x16xf32>,
    %sub3A_2186 = arith.constant 45 : i32
    %sub3A_2187 = arith.subi %add3A_1285, %sub3A_2186 : i32
    %add3A_2188 = arith.constant 32 : i32
    %add3A_2189 = arith.addi %sub3A_2187, %add3A_2188 : i32
    %shift_right_arithmetic3A_2190 = arith.constant 5 : i32
    %shift_right_arithmetic3A_2191 = arith.shrsi %add3A_1285, %shift_right_arithmetic3A_2190 : i32
    %eq3A_2192 = arith.constant 1 : i32
    %eq3A_2193 = arith.cmpi eq, %shift_right_arithmetic3A_2191, %eq3A_2192 : i32
    %jit3A_2194 = arith.constant 65 : i32
    %select_n3A_2195 = arith.select %eq3A_2193, %add3A_2189, %jit3A_2194 : i32
    %get3A_2196 = arith.index_cast %select_n3A_2195 : i32 to index
    %get3A_2197 = arith.constant 0 : index
    %get3A_2198 = tpu.vector_load %arg4[%get3A_2196, %get3A_2197] {strides = array<i32>} : memref<66x16xf32, #tpu.memory_space<vmem>>, vector<1x16xf32>,
    %get3A_2199 = vector.shape_cast %get3A_2198 : vector<1x16xf32> to vector<16xf32>
    %swap3A_2200 = arith.constant 1 : i32
    %swap3A_2201 = arith.index_cast %swap3A_2200 : i32 to index
    %swap3A_2202 = arith.constant 720 : index
    %swap3A_2203 = tpu.vector_load %arg5[%swap3A_2201, %swap3A_2202] {strides = array<i32>} : memref<4x1024xf32, #tpu.memory_space<vmem>>, vector<1x16xf32>,
    %swap3A_2204 = vector.shape_cast %swap3A_2203 : vector<1x16xf32> to vector<16xf32>
    %swap3A_2205 = vector.shape_cast %get3A_2199 : vector<16xf32> to vector<1x16xf32>
    tpu.vector_store %arg5[%swap3A_2201, %swap3A_2202], %swap3A_2205 {strides = array<i32>} : memref<4x1024xf32, #tpu.memory_space<vmem>>, vector<1x16xf32>,
    %sub3A_2206 = arith.constant 46 : i32
    %sub3A_2207 = arith.subi %add3A_1285, %sub3A_2206 : i32
    %add3A_2208 = arith.constant 32 : i32
    %add3A_2209 = arith.addi %sub3A_2207, %add3A_2208 : i32
    %shift_right_arithmetic3A_2210 = arith.constant 5 : i32
    %shift_right_arithmetic3A_2211 = arith.shrsi %add3A_1285, %shift_right_arithmetic3A_2210 : i32
    %eq3A_2212 = arith.constant 1 : i32
    %eq3A_2213 = arith.cmpi eq, %shift_right_arithmetic3A_2211, %eq3A_2212 : i32
    %jit3A_2214 = arith.constant 65 : i32
    %select_n3A_2215 = arith.select %eq3A_2213, %add3A_2209, %jit3A_2214 : i32
    %get3A_2216 = arith.index_cast %select_n3A_2215 : i32 to index
    %get3A_2217 = arith.constant 0 : index
    %get3A_2218 = tpu.vector_load %arg4[%get3A_2216, %get3A_2217] {strides = array<i32>} : memref<66x16xf32, #tpu.memory_space<vmem>>, vector<1x16xf32>,
    %get3A_2219 = vector.shape_cast %get3A_2218 : vector<1x16xf32> to vector<16xf32>
    %swap3A_2220 = arith.constant 1 : i32
    %swap3A_2221 = arith.index_cast %swap3A_2220 : i32 to index
    %swap3A_2222 = arith.constant 736 : index
    %swap3A_2223 = tpu.vector_load %arg5[%swap3A_2221, %swap3A_2222] {strides = array<i32>} : memref<4x1024xf32, #tpu.memory_space<vmem>>, vector<1x16xf32>,
    %swap3A_2224 = vector.shape_cast %swap3A_2223 : vector<1x16xf32> to vector<16xf32>
    %swap3A_2225 = vector.shape_cast %get3A_2219 : vector<16xf32> to vector<1x16xf32>
    tpu.vector_store %arg5[%swap3A_2221, %swap3A_2222], %swap3A_2225 {strides = array<i32>} : memref<4x1024xf32, #tpu.memory_space<vmem>>, vector<1x16xf32>,
    %sub3A_2226 = arith.constant 47 : i32
    %sub3A_2227 = arith.subi %add3A_1285, %sub3A_2226 : i32
    %add3A_2228 = arith.constant 32 : i32
    %add3A_2229 = arith.addi %sub3A_2227, %add3A_2228 : i32
    %shift_right_arithmetic3A_2230 = arith.constant 5 : i32
    %shift_right_arithmetic3A_2231 = arith.shrsi %add3A_1285, %shift_right_arithmetic3A_2230 : i32
    %eq3A_2232 = arith.constant 1 : i32
    %eq3A_2233 = arith.cmpi eq, %shift_right_arithmetic3A_2231, %eq3A_2232 : i32
    %jit3A_2234 = arith.constant 65 : i32
    %select_n3A_2235 = arith.select %eq3A_2233, %add3A_2229, %jit3A_2234 : i32
    %get3A_2236 = arith.index_cast %select_n3A_2235 : i32 to index
    %get3A_2237 = arith.constant 0 : index
    %get3A_2238 = tpu.vector_load %arg4[%get3A_2236, %get3A_2237] {strides = array<i32>} : memref<66x16xf32, #tpu.memory_space<vmem>>, vector<1x16xf32>,
    %get3A_2239 = vector.shape_cast %get3A_2238 : vector<1x16xf32> to vector<16xf32>
    %swap3A_2240 = arith.constant 1 : i32
    %swap3A_2241 = arith.index_cast %swap3A_2240 : i32 to index
    %swap3A_2242 = arith.constant 752 : index
    %swap3A_2243 = tpu.vector_load %arg5[%swap3A_2241, %swap3A_2242] {strides = array<i32>} : memref<4x1024xf32, #tpu.memory_space<vmem>>, vector<1x16xf32>,
    %swap3A_2244 = vector.shape_cast %swap3A_2243 : vector<1x16xf32> to vector<16xf32>
    %swap3A_2245 = vector.shape_cast %get3A_2239 : vector<16xf32> to vector<1x16xf32>
    tpu.vector_store %arg5[%swap3A_2241, %swap3A_2242], %swap3A_2245 {strides = array<i32>} : memref<4x1024xf32, #tpu.memory_space<vmem>>, vector<1x16xf32>,
    %sub3A_2246 = arith.constant 48 : i32
    %sub3A_2247 = arith.subi %add3A_1285, %sub3A_2246 : i32
    %add3A_2248 = arith.constant 32 : i32
    %add3A_2249 = arith.addi %sub3A_2247, %add3A_2248 : i32
    %shift_right_arithmetic3A_2250 = arith.constant 5 : i32
    %shift_right_arithmetic3A_2251 = arith.shrsi %add3A_1285, %shift_right_arithmetic3A_2250 : i32
    %eq3A_2252 = arith.constant 1 : i32
    %eq3A_2253 = arith.cmpi eq, %shift_right_arithmetic3A_2251, %eq3A_2252 : i32
    %jit3A_2254 = arith.constant 65 : i32
    %select_n3A_2255 = arith.select %eq3A_2253, %add3A_2249, %jit3A_2254 : i32
    %get3A_2256 = arith.index_cast %select_n3A_2255 : i32 to index
    %get3A_2257 = arith.constant 0 : index
    %get3A_2258 = tpu.vector_load %arg4[%get3A_2256, %get3A_2257] {strides = array<i32>} : memref<66x16xf32, #tpu.memory_space<vmem>>, vector<1x16xf32>,
    %get3A_2259 = vector.shape_cast %get3A_2258 : vector<1x16xf32> to vector<16xf32>
    %swap3A_2260 = arith.constant 1 : i32
    %swap3A_2261 = arith.index_cast %swap3A_2260 : i32 to index
    %swap3A_2262 = arith.constant 768 : index
    %swap3A_2263 = tpu.vector_load %arg5[%swap3A_2261, %swap3A_2262] {strides = array<i32>} : memref<4x1024xf32, #tpu.memory_space<vmem>>, vector<1x16xf32>,
    %swap3A_2264 = vector.shape_cast %swap3A_2263 : vector<1x16xf32> to vector<16xf32>
    %swap3A_2265 = vector.shape_cast %get3A_2259 : vector<16xf32> to vector<1x16xf32>
    tpu.vector_store %arg5[%swap3A_2261, %swap3A_2262], %swap3A_2265 {strides = array<i32>} : memref<4x1024xf32, #tpu.memory_space<vmem>>, vector<1x16xf32>,
    %sub3A_2266 = arith.constant 49 : i32
    %sub3A_2267 = arith.subi %add3A_1285, %sub3A_2266 : i32
    %add3A_2268 = arith.constant 32 : i32
    %add3A_2269 = arith.addi %sub3A_2267, %add3A_2268 : i32
    %shift_right_arithmetic3A_2270 = arith.constant 5 : i32
    %shift_right_arithmetic3A_2271 = arith.shrsi %add3A_1285, %shift_right_arithmetic3A_2270 : i32
    %eq3A_2272 = arith.constant 1 : i32
    %eq3A_2273 = arith.cmpi eq, %shift_right_arithmetic3A_2271, %eq3A_2272 : i32
    %jit3A_2274 = arith.constant 65 : i32
    %select_n3A_2275 = arith.select %eq3A_2273, %add3A_2269, %jit3A_2274 : i32
    %get3A_2276 = arith.index_cast %select_n3A_2275 : i32 to index
    %get3A_2277 = arith.constant 0 : index
    %get3A_2278 = tpu.vector_load %arg4[%get3A_2276, %get3A_2277] {strides = array<i32>} : memref<66x16xf32, #tpu.memory_space<vmem>>, vector<1x16xf32>,
    %get3A_2279 = vector.shape_cast %get3A_2278 : vector<1x16xf32> to vector<16xf32>
    %swap3A_2280 = arith.constant 1 : i32
    %swap3A_2281 = arith.index_cast %swap3A_2280 : i32 to index
    %swap3A_2282 = arith.constant 784 : index
    %swap3A_2283 = tpu.vector_load %arg5[%swap3A_2281, %swap3A_2282] {strides = array<i32>} : memref<4x1024xf32, #tpu.memory_space<vmem>>, vector<1x16xf32>,
    %swap3A_2284 = vector.shape_cast %swap3A_2283 : vector<1x16xf32> to vector<16xf32>
    %swap3A_2285 = vector.shape_cast %get3A_2279 : vector<16xf32> to vector<1x16xf32>
    tpu.vector_store %arg5[%swap3A_2281, %swap3A_2282], %swap3A_2285 {strides = array<i32>} : memref<4x1024xf32, #tpu.memory_space<vmem>>, vector<1x16xf32>,
    %sub3A_2286 = arith.constant 50 : i32
    %sub3A_2287 = arith.subi %add3A_1285, %sub3A_2286 : i32
    %add3A_2288 = arith.constant 32 : i32
    %add3A_2289 = arith.addi %sub3A_2287, %add3A_2288 : i32
    %shift_right_arithmetic3A_2290 = arith.constant 5 : i32
    %shift_right_arithmetic3A_2291 = arith.shrsi %add3A_1285, %shift_right_arithmetic3A_2290 : i32
    %eq3A_2292 = arith.constant 1 : i32
    %eq3A_2293 = arith.cmpi eq, %shift_right_arithmetic3A_2291, %eq3A_2292 : i32
    %jit3A_2294 = arith.constant 65 : i32
    %select_n3A_2295 = arith.select %eq3A_2293, %add3A_2289, %jit3A_2294 : i32
    %get3A_2296 = arith.index_cast %select_n3A_2295 : i32 to index
    %get3A_2297 = arith.constant 0 : index
    %get3A_2298 = tpu.vector_load %arg4[%get3A_2296, %get3A_2297] {strides = array<i32>} : memref<66x16xf32, #tpu.memory_space<vmem>>, vector<1x16xf32>,
    %get3A_2299 = vector.shape_cast %get3A_2298 : vector<1x16xf32> to vector<16xf32>
    %swap3A_2300 = arith.constant 1 : i32
    %swap3A_2301 = arith.index_cast %swap3A_2300 : i32 to index
    %swap3A_2302 = arith.constant 800 : index
    %swap3A_2303 = tpu.vector_load %arg5[%swap3A_2301, %swap3A_2302] {strides = array<i32>} : memref<4x1024xf32, #tpu.memory_space<vmem>>, vector<1x16xf32>,
    %swap3A_2304 = vector.shape_cast %swap3A_2303 : vector<1x16xf32> to vector<16xf32>
    %swap3A_2305 = vector.shape_cast %get3A_2299 : vector<16xf32> to vector<1x16xf32>
    tpu.vector_store %arg5[%swap3A_2301, %swap3A_2302], %swap3A_2305 {strides = array<i32>} : memref<4x1024xf32, #tpu.memory_space<vmem>>, vector<1x16xf32>,
    %sub3A_2306 = arith.constant 51 : i32
    %sub3A_2307 = arith.subi %add3A_1285, %sub3A_2306 : i32
    %add3A_2308 = arith.constant 32 : i32
    %add3A_2309 = arith.addi %sub3A_2307, %add3A_2308 : i32
    %shift_right_arithmetic3A_2310 = arith.constant 5 : i32
    %shift_right_arithmetic3A_2311 = arith.shrsi %add3A_1285, %shift_right_arithmetic3A_2310 : i32
    %eq3A_2312 = arith.constant 1 : i32
    %eq3A_2313 = arith.cmpi eq, %shift_right_arithmetic3A_2311, %eq3A_2312 : i32
    %jit3A_2314 = arith.constant 65 : i32
    %select_n3A_2315 = arith.select %eq3A_2313, %add3A_2309, %jit3A_2314 : i32
    %get3A_2316 = arith.index_cast %select_n3A_2315 : i32 to index
    %get3A_2317 = arith.constant 0 : index
    %get3A_2318 = tpu.vector_load %arg4[%get3A_2316, %get3A_2317] {strides = array<i32>} : memref<66x16xf32, #tpu.memory_space<vmem>>, vector<1x16xf32>,
    %get3A_2319 = vector.shape_cast %get3A_2318 : vector<1x16xf32> to vector<16xf32>
    %swap3A_2320 = arith.constant 1 : i32
    %swap3A_2321 = arith.index_cast %swap3A_2320 : i32 to index
    %swap3A_2322 = arith.constant 816 : index
    %swap3A_2323 = tpu.vector_load %arg5[%swap3A_2321, %swap3A_2322] {strides = array<i32>} : memref<4x1024xf32, #tpu.memory_space<vmem>>, vector<1x16xf32>,
    %swap3A_2324 = vector.shape_cast %swap3A_2323 : vector<1x16xf32> to vector<16xf32>
    %swap3A_2325 = vector.shape_cast %get3A_2319 : vector<16xf32> to vector<1x16xf32>
    tpu.vector_store %arg5[%swap3A_2321, %swap3A_2322], %swap3A_2325 {strides = array<i32>} : memref<4x1024xf32, #tpu.memory_space<vmem>>, vector<1x16xf32>,
    %sub3A_2326 = arith.constant 52 : i32
    %sub3A_2327 = arith.subi %add3A_1285, %sub3A_2326 : i32
    %add3A_2328 = arith.constant 32 : i32
    %add3A_2329 = arith.addi %sub3A_2327, %add3A_2328 : i32
    %shift_right_arithmetic3A_2330 = arith.constant 5 : i32
    %shift_right_arithmetic3A_2331 = arith.shrsi %add3A_1285, %shift_right_arithmetic3A_2330 : i32
    %eq3A_2332 = arith.constant 1 : i32
    %eq3A_2333 = arith.cmpi eq, %shift_right_arithmetic3A_2331, %eq3A_2332 : i32
    %jit3A_2334 = arith.constant 65 : i32
    %select_n3A_2335 = arith.select %eq3A_2333, %add3A_2329, %jit3A_2334 : i32
    %get3A_2336 = arith.index_cast %select_n3A_2335 : i32 to index
    %get3A_2337 = arith.constant 0 : index
    %get3A_2338 = tpu.vector_load %arg4[%get3A_2336, %get3A_2337] {strides = array<i32>} : memref<66x16xf32, #tpu.memory_space<vmem>>, vector<1x16xf32>,
    %get3A_2339 = vector.shape_cast %get3A_2338 : vector<1x16xf32> to vector<16xf32>
    %swap3A_2340 = arith.constant 1 : i32
    %swap3A_2341 = arith.index_cast %swap3A_2340 : i32 to index
    %swap3A_2342 = arith.constant 832 : index
    %swap3A_2343 = tpu.vector_load %arg5[%swap3A_2341, %swap3A_2342] {strides = array<i32>} : memref<4x1024xf32, #tpu.memory_space<vmem>>, vector<1x16xf32>,
    %swap3A_2344 = vector.shape_cast %swap3A_2343 : vector<1x16xf32> to vector<16xf32>
    %swap3A_2345 = vector.shape_cast %get3A_2339 : vector<16xf32> to vector<1x16xf32>
    tpu.vector_store %arg5[%swap3A_2341, %swap3A_2342], %swap3A_2345 {strides = array<i32>} : memref<4x1024xf32, #tpu.memory_space<vmem>>, vector<1x16xf32>,
    %sub3A_2346 = arith.constant 53 : i32
    %sub3A_2347 = arith.subi %add3A_1285, %sub3A_2346 : i32
    %add3A_2348 = arith.constant 32 : i32
    %add3A_2349 = arith.addi %sub3A_2347, %add3A_2348 : i32
    %shift_right_arithmetic3A_2350 = arith.constant 5 : i32
    %shift_right_arithmetic3A_2351 = arith.shrsi %add3A_1285, %shift_right_arithmetic3A_2350 : i32
    %eq3A_2352 = arith.constant 1 : i32
    %eq3A_2353 = arith.cmpi eq, %shift_right_arithmetic3A_2351, %eq3A_2352 : i32
    %jit3A_2354 = arith.constant 65 : i32
    %select_n3A_2355 = arith.select %eq3A_2353, %add3A_2349, %jit3A_2354 : i32
    %get3A_2356 = arith.index_cast %select_n3A_2355 : i32 to index
    %get3A_2357 = arith.constant 0 : index
    %get3A_2358 = tpu.vector_load %arg4[%get3A_2356, %get3A_2357] {strides = array<i32>} : memref<66x16xf32, #tpu.memory_space<vmem>>, vector<1x16xf32>,
    %get3A_2359 = vector.shape_cast %get3A_2358 : vector<1x16xf32> to vector<16xf32>
    %swap3A_2360 = arith.constant 1 : i32
    %swap3A_2361 = arith.index_cast %swap3A_2360 : i32 to index
    %swap3A_2362 = arith.constant 848 : index
    %swap3A_2363 = tpu.vector_load %arg5[%swap3A_2361, %swap3A_2362] {strides = array<i32>} : memref<4x1024xf32, #tpu.memory_space<vmem>>, vector<1x16xf32>,
    %swap3A_2364 = vector.shape_cast %swap3A_2363 : vector<1x16xf32> to vector<16xf32>
    %swap3A_2365 = vector.shape_cast %get3A_2359 : vector<16xf32> to vector<1x16xf32>
    tpu.vector_store %arg5[%swap3A_2361, %swap3A_2362], %swap3A_2365 {strides = array<i32>} : memref<4x1024xf32, #tpu.memory_space<vmem>>, vector<1x16xf32>,
    %sub3A_2366 = arith.constant 54 : i32
    %sub3A_2367 = arith.subi %add3A_1285, %sub3A_2366 : i32
    %add3A_2368 = arith.constant 32 : i32
    %add3A_2369 = arith.addi %sub3A_2367, %add3A_2368 : i32
    %shift_right_arithmetic3A_2370 = arith.constant 5 : i32
    %shift_right_arithmetic3A_2371 = arith.shrsi %add3A_1285, %shift_right_arithmetic3A_2370 : i32
    %eq3A_2372 = arith.constant 1 : i32
    %eq3A_2373 = arith.cmpi eq, %shift_right_arithmetic3A_2371, %eq3A_2372 : i32
    %jit3A_2374 = arith.constant 65 : i32
    %select_n3A_2375 = arith.select %eq3A_2373, %add3A_2369, %jit3A_2374 : i32
    %get3A_2376 = arith.index_cast %select_n3A_2375 : i32 to index
    %get3A_2377 = arith.constant 0 : index
    %get3A_2378 = tpu.vector_load %arg4[%get3A_2376, %get3A_2377] {strides = array<i32>} : memref<66x16xf32, #tpu.memory_space<vmem>>, vector<1x16xf32>,
    %get3A_2379 = vector.shape_cast %get3A_2378 : vector<1x16xf32> to vector<16xf32>
    %swap3A_2380 = arith.constant 1 : i32
    %swap3A_2381 = arith.index_cast %swap3A_2380 : i32 to index
    %swap3A_2382 = arith.constant 864 : index
    %swap3A_2383 = tpu.vector_load %arg5[%swap3A_2381, %swap3A_2382] {strides = array<i32>} : memref<4x1024xf32, #tpu.memory_space<vmem>>, vector<1x16xf32>,
    %swap3A_2384 = vector.shape_cast %swap3A_2383 : vector<1x16xf32> to vector<16xf32>
    %swap3A_2385 = vector.shape_cast %get3A_2379 : vector<16xf32> to vector<1x16xf32>
    tpu.vector_store %arg5[%swap3A_2381, %swap3A_2382], %swap3A_2385 {strides = array<i32>} : memref<4x1024xf32, #tpu.memory_space<vmem>>, vector<1x16xf32>,
    %sub3A_2386 = arith.constant 55 : i32
    %sub3A_2387 = arith.subi %add3A_1285, %sub3A_2386 : i32
    %add3A_2388 = arith.constant 32 : i32
    %add3A_2389 = arith.addi %sub3A_2387, %add3A_2388 : i32
    %shift_right_arithmetic3A_2390 = arith.constant 5 : i32
    %shift_right_arithmetic3A_2391 = arith.shrsi %add3A_1285, %shift_right_arithmetic3A_2390 : i32
    %eq3A_2392 = arith.constant 1 : i32
    %eq3A_2393 = arith.cmpi eq, %shift_right_arithmetic3A_2391, %eq3A_2392 : i32
    %jit3A_2394 = arith.constant 65 : i32
    %select_n3A_2395 = arith.select %eq3A_2393, %add3A_2389, %jit3A_2394 : i32
    %get3A_2396 = arith.index_cast %select_n3A_2395 : i32 to index
    %get3A_2397 = arith.constant 0 : index
    %get3A_2398 = tpu.vector_load %arg4[%get3A_2396, %get3A_2397] {strides = array<i32>} : memref<66x16xf32, #tpu.memory_space<vmem>>, vector<1x16xf32>,
    %get3A_2399 = vector.shape_cast %get3A_2398 : vector<1x16xf32> to vector<16xf32>
    %swap3A_2400 = arith.constant 1 : i32
    %swap3A_2401 = arith.index_cast %swap3A_2400 : i32 to index
    %swap3A_2402 = arith.constant 880 : index
    %swap3A_2403 = tpu.vector_load %arg5[%swap3A_2401, %swap3A_2402] {strides = array<i32>} : memref<4x1024xf32, #tpu.memory_space<vmem>>, vector<1x16xf32>,
    %swap3A_2404 = vector.shape_cast %swap3A_2403 : vector<1x16xf32> to vector<16xf32>
    %swap3A_2405 = vector.shape_cast %get3A_2399 : vector<16xf32> to vector<1x16xf32>
    tpu.vector_store %arg5[%swap3A_2401, %swap3A_2402], %swap3A_2405 {strides = array<i32>} : memref<4x1024xf32, #tpu.memory_space<vmem>>, vector<1x16xf32>,
    %sub3A_2406 = arith.constant 56 : i32
    %sub3A_2407 = arith.subi %add3A_1285, %sub3A_2406 : i32
    %add3A_2408 = arith.constant 32 : i32
    %add3A_2409 = arith.addi %sub3A_2407, %add3A_2408 : i32
    %shift_right_arithmetic3A_2410 = arith.constant 5 : i32
    %shift_right_arithmetic3A_2411 = arith.shrsi %add3A_1285, %shift_right_arithmetic3A_2410 : i32
    %eq3A_2412 = arith.constant 1 : i32
    %eq3A_2413 = arith.cmpi eq, %shift_right_arithmetic3A_2411, %eq3A_2412 : i32
    %jit3A_2414 = arith.constant 65 : i32
    %select_n3A_2415 = arith.select %eq3A_2413, %add3A_2409, %jit3A_2414 : i32
    %get3A_2416 = arith.index_cast %select_n3A_2415 : i32 to index
    %get3A_2417 = arith.constant 0 : index
    %get3A_2418 = tpu.vector_load %arg4[%get3A_2416, %get3A_2417] {strides = array<i32>} : memref<66x16xf32, #tpu.memory_space<vmem>>, vector<1x16xf32>,
    %get3A_2419 = vector.shape_cast %get3A_2418 : vector<1x16xf32> to vector<16xf32>
    %swap3A_2420 = arith.constant 1 : i32
    %swap3A_2421 = arith.index_cast %swap3A_2420 : i32 to index
    %swap3A_2422 = arith.constant 896 : index
    %swap3A_2423 = tpu.vector_load %arg5[%swap3A_2421, %swap3A_2422] {strides = array<i32>} : memref<4x1024xf32, #tpu.memory_space<vmem>>, vector<1x16xf32>,
    %swap3A_2424 = vector.shape_cast %swap3A_2423 : vector<1x16xf32> to vector<16xf32>
    %swap3A_2425 = vector.shape_cast %get3A_2419 : vector<16xf32> to vector<1x16xf32>
    tpu.vector_store %arg5[%swap3A_2421, %swap3A_2422], %swap3A_2425 {strides = array<i32>} : memref<4x1024xf32, #tpu.memory_space<vmem>>, vector<1x16xf32>,
    %sub3A_2426 = arith.constant 57 : i32
    %sub3A_2427 = arith.subi %add3A_1285, %sub3A_2426 : i32
    %add3A_2428 = arith.constant 32 : i32
    %add3A_2429 = arith.addi %sub3A_2427, %add3A_2428 : i32
    %shift_right_arithmetic3A_2430 = arith.constant 5 : i32
    %shift_right_arithmetic3A_2431 = arith.shrsi %add3A_1285, %shift_right_arithmetic3A_2430 : i32
    %eq3A_2432 = arith.constant 1 : i32
    %eq3A_2433 = arith.cmpi eq, %shift_right_arithmetic3A_2431, %eq3A_2432 : i32
    %jit3A_2434 = arith.constant 65 : i32
    %select_n3A_2435 = arith.select %eq3A_2433, %add3A_2429, %jit3A_2434 : i32
    %get3A_2436 = arith.index_cast %select_n3A_2435 : i32 to index
    %get3A_2437 = arith.constant 0 : index
    %get3A_2438 = tpu.vector_load %arg4[%get3A_2436, %get3A_2437] {strides = array<i32>} : memref<66x16xf32, #tpu.memory_space<vmem>>, vector<1x16xf32>,
    %get3A_2439 = vector.shape_cast %get3A_2438 : vector<1x16xf32> to vector<16xf32>
    %swap3A_2440 = arith.constant 1 : i32
    %swap3A_2441 = arith.index_cast %swap3A_2440 : i32 to index
    %swap3A_2442 = arith.constant 912 : index
    %swap3A_2443 = tpu.vector_load %arg5[%swap3A_2441, %swap3A_2442] {strides = array<i32>} : memref<4x1024xf32, #tpu.memory_space<vmem>>, vector<1x16xf32>,
    %swap3A_2444 = vector.shape_cast %swap3A_2443 : vector<1x16xf32> to vector<16xf32>
    %swap3A_2445 = vector.shape_cast %get3A_2439 : vector<16xf32> to vector<1x16xf32>
    tpu.vector_store %arg5[%swap3A_2441, %swap3A_2442], %swap3A_2445 {strides = array<i32>} : memref<4x1024xf32, #tpu.memory_space<vmem>>, vector<1x16xf32>,
    %sub3A_2446 = arith.constant 58 : i32
    %sub3A_2447 = arith.subi %add3A_1285, %sub3A_2446 : i32
    %add3A_2448 = arith.constant 32 : i32
    %add3A_2449 = arith.addi %sub3A_2447, %add3A_2448 : i32
    %shift_right_arithmetic3A_2450 = arith.constant 5 : i32
    %shift_right_arithmetic3A_2451 = arith.shrsi %add3A_1285, %shift_right_arithmetic3A_2450 : i32
    %eq3A_2452 = arith.constant 1 : i32
    %eq3A_2453 = arith.cmpi eq, %shift_right_arithmetic3A_2451, %eq3A_2452 : i32
    %jit3A_2454 = arith.constant 65 : i32
    %select_n3A_2455 = arith.select %eq3A_2453, %add3A_2449, %jit3A_2454 : i32
    %get3A_2456 = arith.index_cast %select_n3A_2455 : i32 to index
    %get3A_2457 = arith.constant 0 : index
    %get3A_2458 = tpu.vector_load %arg4[%get3A_2456, %get3A_2457] {strides = array<i32>} : memref<66x16xf32, #tpu.memory_space<vmem>>, vector<1x16xf32>,
    %get3A_2459 = vector.shape_cast %get3A_2458 : vector<1x16xf32> to vector<16xf32>
    %swap3A_2460 = arith.constant 1 : i32
    %swap3A_2461 = arith.index_cast %swap3A_2460 : i32 to index
    %swap3A_2462 = arith.constant 928 : index
    %swap3A_2463 = tpu.vector_load %arg5[%swap3A_2461, %swap3A_2462] {strides = array<i32>} : memref<4x1024xf32, #tpu.memory_space<vmem>>, vector<1x16xf32>,
    %swap3A_2464 = vector.shape_cast %swap3A_2463 : vector<1x16xf32> to vector<16xf32>
    %swap3A_2465 = vector.shape_cast %get3A_2459 : vector<16xf32> to vector<1x16xf32>
    tpu.vector_store %arg5[%swap3A_2461, %swap3A_2462], %swap3A_2465 {strides = array<i32>} : memref<4x1024xf32, #tpu.memory_space<vmem>>, vector<1x16xf32>,
    %sub3A_2466 = arith.constant 59 : i32
    %sub3A_2467 = arith.subi %add3A_1285, %sub3A_2466 : i32
    %add3A_2468 = arith.constant 32 : i32
    %add3A_2469 = arith.addi %sub3A_2467, %add3A_2468 : i32
    %shift_right_arithmetic3A_2470 = arith.constant 5 : i32
    %shift_right_arithmetic3A_2471 = arith.shrsi %add3A_1285, %shift_right_arithmetic3A_2470 : i32
    %eq3A_2472 = arith.constant 1 : i32
    %eq3A_2473 = arith.cmpi eq, %shift_right_arithmetic3A_2471, %eq3A_2472 : i32
    %jit3A_2474 = arith.constant 65 : i32
    %select_n3A_2475 = arith.select %eq3A_2473, %add3A_2469, %jit3A_2474 : i32
    %get3A_2476 = arith.index_cast %select_n3A_2475 : i32 to index
    %get3A_2477 = arith.constant 0 : index
    %get3A_2478 = tpu.vector_load %arg4[%get3A_2476, %get3A_2477] {strides = array<i32>} : memref<66x16xf32, #tpu.memory_space<vmem>>, vector<1x16xf32>,
    %get3A_2479 = vector.shape_cast %get3A_2478 : vector<1x16xf32> to vector<16xf32>
    %swap3A_2480 = arith.constant 1 : i32
    %swap3A_2481 = arith.index_cast %swap3A_2480 : i32 to index
    %swap3A_2482 = arith.constant 944 : index
    %swap3A_2483 = tpu.vector_load %arg5[%swap3A_2481, %swap3A_2482] {strides = array<i32>} : memref<4x1024xf32, #tpu.memory_space<vmem>>, vector<1x16xf32>,
    %swap3A_2484 = vector.shape_cast %swap3A_2483 : vector<1x16xf32> to vector<16xf32>
    %swap3A_2485 = vector.shape_cast %get3A_2479 : vector<16xf32> to vector<1x16xf32>
    tpu.vector_store %arg5[%swap3A_2481, %swap3A_2482], %swap3A_2485 {strides = array<i32>} : memref<4x1024xf32, #tpu.memory_space<vmem>>, vector<1x16xf32>,
    %sub3A_2486 = arith.constant 60 : i32
    %sub3A_2487 = arith.subi %add3A_1285, %sub3A_2486 : i32
    %add3A_2488 = arith.constant 32 : i32
    %add3A_2489 = arith.addi %sub3A_2487, %add3A_2488 : i32
    %shift_right_arithmetic3A_2490 = arith.constant 5 : i32
    %shift_right_arithmetic3A_2491 = arith.shrsi %add3A_1285, %shift_right_arithmetic3A_2490 : i32
    %eq3A_2492 = arith.constant 1 : i32
    %eq3A_2493 = arith.cmpi eq, %shift_right_arithmetic3A_2491, %eq3A_2492 : i32
    %jit3A_2494 = arith.constant 65 : i32
    %select_n3A_2495 = arith.select %eq3A_2493, %add3A_2489, %jit3A_2494 : i32
    %get3A_2496 = arith.index_cast %select_n3A_2495 : i32 to index
    %get3A_2497 = arith.constant 0 : index
    %get3A_2498 = tpu.vector_load %arg4[%get3A_2496, %get3A_2497] {strides = array<i32>} : memref<66x16xf32, #tpu.memory_space<vmem>>, vector<1x16xf32>,
    %get3A_2499 = vector.shape_cast %get3A_2498 : vector<1x16xf32> to vector<16xf32>
    %swap3A_2500 = arith.constant 1 : i32
    %swap3A_2501 = arith.index_cast %swap3A_2500 : i32 to index
    %swap3A_2502 = arith.constant 960 : index
    %swap3A_2503 = tpu.vector_load %arg5[%swap3A_2501, %swap3A_2502] {strides = array<i32>} : memref<4x1024xf32, #tpu.memory_space<vmem>>, vector<1x16xf32>,
    %swap3A_2504 = vector.shape_cast %swap3A_2503 : vector<1x16xf32> to vector<16xf32>
    %swap3A_2505 = vector.shape_cast %get3A_2499 : vector<16xf32> to vector<1x16xf32>
    tpu.vector_store %arg5[%swap3A_2501, %swap3A_2502], %swap3A_2505 {strides = array<i32>} : memref<4x1024xf32, #tpu.memory_space<vmem>>, vector<1x16xf32>,
    %sub3A_2506 = arith.constant 61 : i32
    %sub3A_2507 = arith.subi %add3A_1285, %sub3A_2506 : i32
    %add3A_2508 = arith.constant 32 : i32
    %add3A_2509 = arith.addi %sub3A_2507, %add3A_2508 : i32
    %shift_right_arithmetic3A_2510 = arith.constant 5 : i32
    %shift_right_arithmetic3A_2511 = arith.shrsi %add3A_1285, %shift_right_arithmetic3A_2510 : i32
    %eq3A_2512 = arith.constant 1 : i32
    %eq3A_2513 = arith.cmpi eq, %shift_right_arithmetic3A_2511, %eq3A_2512 : i32
    %jit3A_2514 = arith.constant 65 : i32
    %select_n3A_2515 = arith.select %eq3A_2513, %add3A_2509, %jit3A_2514 : i32
    %get3A_2516 = arith.index_cast %select_n3A_2515 : i32 to index
    %get3A_2517 = arith.constant 0 : index
    %get3A_2518 = tpu.vector_load %arg4[%get3A_2516, %get3A_2517] {strides = array<i32>} : memref<66x16xf32, #tpu.memory_space<vmem>>, vector<1x16xf32>,
    %get3A_2519 = vector.shape_cast %get3A_2518 : vector<1x16xf32> to vector<16xf32>
    %swap3A_2520 = arith.constant 1 : i32
    %swap3A_2521 = arith.index_cast %swap3A_2520 : i32 to index
    %swap3A_2522 = arith.constant 976 : index
    %swap3A_2523 = tpu.vector_load %arg5[%swap3A_2521, %swap3A_2522] {strides = array<i32>} : memref<4x1024xf32, #tpu.memory_space<vmem>>, vector<1x16xf32>,
    %swap3A_2524 = vector.shape_cast %swap3A_2523 : vector<1x16xf32> to vector<16xf32>
    %swap3A_2525 = vector.shape_cast %get3A_2519 : vector<16xf32> to vector<1x16xf32>
    tpu.vector_store %arg5[%swap3A_2521, %swap3A_2522], %swap3A_2525 {strides = array<i32>} : memref<4x1024xf32, #tpu.memory_space<vmem>>, vector<1x16xf32>,
    %sub3A_2526 = arith.constant 62 : i32
    %sub3A_2527 = arith.subi %add3A_1285, %sub3A_2526 : i32
    %add3A_2528 = arith.constant 32 : i32
    %add3A_2529 = arith.addi %sub3A_2527, %add3A_2528 : i32
    %shift_right_arithmetic3A_2530 = arith.constant 5 : i32
    %shift_right_arithmetic3A_2531 = arith.shrsi %add3A_1285, %shift_right_arithmetic3A_2530 : i32
    %eq3A_2532 = arith.constant 1 : i32
    %eq3A_2533 = arith.cmpi eq, %shift_right_arithmetic3A_2531, %eq3A_2532 : i32
    %jit3A_2534 = arith.constant 65 : i32
    %select_n3A_2535 = arith.select %eq3A_2533, %add3A_2529, %jit3A_2534 : i32
    %get3A_2536 = arith.index_cast %select_n3A_2535 : i32 to index
    %get3A_2537 = arith.constant 0 : index
    %get3A_2538 = tpu.vector_load %arg4[%get3A_2536, %get3A_2537] {strides = array<i32>} : memref<66x16xf32, #tpu.memory_space<vmem>>, vector<1x16xf32>,
    %get3A_2539 = vector.shape_cast %get3A_2538 : vector<1x16xf32> to vector<16xf32>
    %swap3A_2540 = arith.constant 1 : i32
    %swap3A_2541 = arith.index_cast %swap3A_2540 : i32 to index
    %swap3A_2542 = arith.constant 992 : index
    %swap3A_2543 = tpu.vector_load %arg5[%swap3A_2541, %swap3A_2542] {strides = array<i32>} : memref<4x1024xf32, #tpu.memory_space<vmem>>, vector<1x16xf32>,
    %swap3A_2544 = vector.shape_cast %swap3A_2543 : vector<1x16xf32> to vector<16xf32>
    %swap3A_2545 = vector.shape_cast %get3A_2539 : vector<16xf32> to vector<1x16xf32>
    tpu.vector_store %arg5[%swap3A_2541, %swap3A_2542], %swap3A_2545 {strides = array<i32>} : memref<4x1024xf32, #tpu.memory_space<vmem>>, vector<1x16xf32>,
    %sub3A_2546 = arith.constant 63 : i32
    %sub3A_2547 = arith.subi %add3A_1285, %sub3A_2546 : i32
    %add3A_2548 = arith.constant 32 : i32
    %add3A_2549 = arith.addi %sub3A_2547, %add3A_2548 : i32
    %shift_right_arithmetic3A_2550 = arith.constant 5 : i32
    %shift_right_arithmetic3A_2551 = arith.shrsi %add3A_1285, %shift_right_arithmetic3A_2550 : i32
    %eq3A_2552 = arith.constant 1 : i32
    %eq3A_2553 = arith.cmpi eq, %shift_right_arithmetic3A_2551, %eq3A_2552 : i32
    %jit3A_2554 = arith.constant 65 : i32
    %select_n3A_2555 = arith.select %eq3A_2553, %add3A_2549, %jit3A_2554 : i32
    %get3A_2556 = arith.index_cast %select_n3A_2555 : i32 to index
    %get3A_2557 = arith.constant 0 : index
    %get3A_2558 = tpu.vector_load %arg4[%get3A_2556, %get3A_2557] {strides = array<i32>} : memref<66x16xf32, #tpu.memory_space<vmem>>, vector<1x16xf32>,
    %get3A_2559 = vector.shape_cast %get3A_2558 : vector<1x16xf32> to vector<16xf32>
    %swap3A_2560 = arith.constant 1 : i32
    %swap3A_2561 = arith.index_cast %swap3A_2560 : i32 to index
    %swap3A_2562 = arith.constant 1008 : index
    %swap3A_2563 = tpu.vector_load %arg5[%swap3A_2561, %swap3A_2562] {strides = array<i32>} : memref<4x1024xf32, #tpu.memory_space<vmem>>, vector<1x16xf32>,
    %swap3A_2564 = vector.shape_cast %swap3A_2563 : vector<1x16xf32> to vector<16xf32>
    %swap3A_2565 = vector.shape_cast %get3A_2559 : vector<16xf32> to vector<1x16xf32>
    tpu.vector_store %arg5[%swap3A_2561, %swap3A_2562], %swap3A_2565 {strides = array<i32>} : memref<4x1024xf32, #tpu.memory_space<vmem>>, vector<1x16xf32>,
    %mul3A_2566 = arith.constant 4 : i32
    %mul3A_2567 = arith.muli %mul3A_2566, %arg1 : i32
    %add3A_2568 = arith.constant 2 : i32
    %add3A_2569 = arith.addi %mul3A_2567, %add3A_2568 : i32
    %sub3A_2570 = arith.constant 0 : i32
    %sub3A_2571 = arith.subi %add3A_2569, %sub3A_2570 : i32
    %add3A_2572 = arith.constant 32 : i32
    %add3A_2573 = arith.addi %sub3A_2571, %add3A_2572 : i32
    %shift_right_arithmetic3A_2574 = arith.constant 5 : i32
    %shift_right_arithmetic3A_2575 = arith.shrsi %add3A_2569, %shift_right_arithmetic3A_2574 : i32
    %eq3A_2576 = arith.constant 0 : i32
    %eq3A_2577 = arith.cmpi eq, %shift_right_arithmetic3A_2575, %eq3A_2576 : i32
    %jit3A_2578 = arith.constant 65 : i32
    %select_n3A_2579 = arith.select %eq3A_2577, %add3A_2573, %jit3A_2578 : i32
    %get3A_2580 = arith.index_cast %select_n3A_2579 : i32 to index
    %get3A_2581 = arith.constant 0 : index
    %get3A_2582 = tpu.vector_load %arg4[%get3A_2580, %get3A_2581] {strides = array<i32>} : memref<66x16xf32, #tpu.memory_space<vmem>>, vector<1x16xf32>,
    %get3A_2583 = vector.shape_cast %get3A_2582 : vector<1x16xf32> to vector<16xf32>
    %swap3A_2584 = arith.constant 2 : i32
    %swap3A_2585 = arith.index_cast %swap3A_2584 : i32 to index
    %swap3A_2586 = arith.constant 0 : index
    %swap3A_2587 = tpu.vector_load %arg5[%swap3A_2585, %swap3A_2586] {strides = array<i32>} : memref<4x1024xf32, #tpu.memory_space<vmem>>, vector<1x16xf32>,
    %swap3A_2588 = vector.shape_cast %swap3A_2587 : vector<1x16xf32> to vector<16xf32>
    %swap3A_2589 = vector.shape_cast %get3A_2583 : vector<16xf32> to vector<1x16xf32>
    tpu.vector_store %arg5[%swap3A_2585, %swap3A_2586], %swap3A_2589 {strides = array<i32>} : memref<4x1024xf32, #tpu.memory_space<vmem>>, vector<1x16xf32>,
    %sub3A_2590 = arith.constant 1 : i32
    %sub3A_2591 = arith.subi %add3A_2569, %sub3A_2590 : i32
    %add3A_2592 = arith.constant 32 : i32
    %add3A_2593 = arith.addi %sub3A_2591, %add3A_2592 : i32
    %shift_right_arithmetic3A_2594 = arith.constant 5 : i32
    %shift_right_arithmetic3A_2595 = arith.shrsi %add3A_2569, %shift_right_arithmetic3A_2594 : i32
    %eq3A_2596 = arith.constant 0 : i32
    %eq3A_2597 = arith.cmpi eq, %shift_right_arithmetic3A_2595, %eq3A_2596 : i32
    %jit3A_2598 = arith.constant 65 : i32
    %select_n3A_2599 = arith.select %eq3A_2597, %add3A_2593, %jit3A_2598 : i32
    %get3A_2600 = arith.index_cast %select_n3A_2599 : i32 to index
    %get3A_2601 = arith.constant 0 : index
    %get3A_2602 = tpu.vector_load %arg4[%get3A_2600, %get3A_2601] {strides = array<i32>} : memref<66x16xf32, #tpu.memory_space<vmem>>, vector<1x16xf32>,
    %get3A_2603 = vector.shape_cast %get3A_2602 : vector<1x16xf32> to vector<16xf32>
    %swap3A_2604 = arith.constant 2 : i32
    %swap3A_2605 = arith.index_cast %swap3A_2604 : i32 to index
    %swap3A_2606 = arith.constant 16 : index
    %swap3A_2607 = tpu.vector_load %arg5[%swap3A_2605, %swap3A_2606] {strides = array<i32>} : memref<4x1024xf32, #tpu.memory_space<vmem>>, vector<1x16xf32>,
    %swap3A_2608 = vector.shape_cast %swap3A_2607 : vector<1x16xf32> to vector<16xf32>
    %swap3A_2609 = vector.shape_cast %get3A_2603 : vector<16xf32> to vector<1x16xf32>
    tpu.vector_store %arg5[%swap3A_2605, %swap3A_2606], %swap3A_2609 {strides = array<i32>} : memref<4x1024xf32, #tpu.memory_space<vmem>>, vector<1x16xf32>,
    %sub3A_2610 = arith.constant 2 : i32
    %sub3A_2611 = arith.subi %add3A_2569, %sub3A_2610 : i32
    %add3A_2612 = arith.constant 32 : i32
    %add3A_2613 = arith.addi %sub3A_2611, %add3A_2612 : i32
    %shift_right_arithmetic3A_2614 = arith.constant 5 : i32
    %shift_right_arithmetic3A_2615 = arith.shrsi %add3A_2569, %shift_right_arithmetic3A_2614 : i32
    %eq3A_2616 = arith.constant 0 : i32
    %eq3A_2617 = arith.cmpi eq, %shift_right_arithmetic3A_2615, %eq3A_2616 : i32
    %jit3A_2618 = arith.constant 65 : i32
    %select_n3A_2619 = arith.select %eq3A_2617, %add3A_2613, %jit3A_2618 : i32
    %get3A_2620 = arith.index_cast %select_n3A_2619 : i32 to index
    %get3A_2621 = arith.constant 0 : index
    %get3A_2622 = tpu.vector_load %arg4[%get3A_2620, %get3A_2621] {strides = array<i32>} : memref<66x16xf32, #tpu.memory_space<vmem>>, vector<1x16xf32>,
    %get3A_2623 = vector.shape_cast %get3A_2622 : vector<1x16xf32> to vector<16xf32>
    %swap3A_2624 = arith.constant 2 : i32
    %swap3A_2625 = arith.index_cast %swap3A_2624 : i32 to index
    %swap3A_2626 = arith.constant 32 : index
    %swap3A_2627 = tpu.vector_load %arg5[%swap3A_2625, %swap3A_2626] {strides = array<i32>} : memref<4x1024xf32, #tpu.memory_space<vmem>>, vector<1x16xf32>,
    %swap3A_2628 = vector.shape_cast %swap3A_2627 : vector<1x16xf32> to vector<16xf32>
    %swap3A_2629 = vector.shape_cast %get3A_2623 : vector<16xf32> to vector<1x16xf32>
    tpu.vector_store %arg5[%swap3A_2625, %swap3A_2626], %swap3A_2629 {strides = array<i32>} : memref<4x1024xf32, #tpu.memory_space<vmem>>, vector<1x16xf32>,
    %sub3A_2630 = arith.constant 3 : i32
    %sub3A_2631 = arith.subi %add3A_2569, %sub3A_2630 : i32
    %add3A_2632 = arith.constant 32 : i32
    %add3A_2633 = arith.addi %sub3A_2631, %add3A_2632 : i32
    %shift_right_arithmetic3A_2634 = arith.constant 5 : i32
    %shift_right_arithmetic3A_2635 = arith.shrsi %add3A_2569, %shift_right_arithmetic3A_2634 : i32
    %eq3A_2636 = arith.constant 0 : i32
    %eq3A_2637 = arith.cmpi eq, %shift_right_arithmetic3A_2635, %eq3A_2636 : i32
    %jit3A_2638 = arith.constant 65 : i32
    %select_n3A_2639 = arith.select %eq3A_2637, %add3A_2633, %jit3A_2638 : i32
    %get3A_2640 = arith.index_cast %select_n3A_2639 : i32 to index
    %get3A_2641 = arith.constant 0 : index
    %get3A_2642 = tpu.vector_load %arg4[%get3A_2640, %get3A_2641] {strides = array<i32>} : memref<66x16xf32, #tpu.memory_space<vmem>>, vector<1x16xf32>,
    %get3A_2643 = vector.shape_cast %get3A_2642 : vector<1x16xf32> to vector<16xf32>
    %swap3A_2644 = arith.constant 2 : i32
    %swap3A_2645 = arith.index_cast %swap3A_2644 : i32 to index
    %swap3A_2646 = arith.constant 48 : index
    %swap3A_2647 = tpu.vector_load %arg5[%swap3A_2645, %swap3A_2646] {strides = array<i32>} : memref<4x1024xf32, #tpu.memory_space<vmem>>, vector<1x16xf32>,
    %swap3A_2648 = vector.shape_cast %swap3A_2647 : vector<1x16xf32> to vector<16xf32>
    %swap3A_2649 = vector.shape_cast %get3A_2643 : vector<16xf32> to vector<1x16xf32>
    tpu.vector_store %arg5[%swap3A_2645, %swap3A_2646], %swap3A_2649 {strides = array<i32>} : memref<4x1024xf32, #tpu.memory_space<vmem>>, vector<1x16xf32>,
    %sub3A_2650 = arith.constant 4 : i32
    %sub3A_2651 = arith.subi %add3A_2569, %sub3A_2650 : i32
    %add3A_2652 = arith.constant 32 : i32
    %add3A_2653 = arith.addi %sub3A_2651, %add3A_2652 : i32
    %shift_right_arithmetic3A_2654 = arith.constant 5 : i32
    %shift_right_arithmetic3A_2655 = arith.shrsi %add3A_2569, %shift_right_arithmetic3A_2654 : i32
    %eq3A_2656 = arith.constant 0 : i32
    %eq3A_2657 = arith.cmpi eq, %shift_right_arithmetic3A_2655, %eq3A_2656 : i32
    %jit3A_2658 = arith.constant 65 : i32
    %select_n3A_2659 = arith.select %eq3A_2657, %add3A_2653, %jit3A_2658 : i32
    %get3A_2660 = arith.index_cast %select_n3A_2659 : i32 to index
    %get3A_2661 = arith.constant 0 : index
    %get3A_2662 = tpu.vector_load %arg4[%get3A_2660, %get3A_2661] {strides = array<i32>} : memref<66x16xf32, #tpu.memory_space<vmem>>, vector<1x16xf32>,
    %get3A_2663 = vector.shape_cast %get3A_2662 : vector<1x16xf32> to vector<16xf32>
    %swap3A_2664 = arith.constant 2 : i32
    %swap3A_2665 = arith.index_cast %swap3A_2664 : i32 to index
    %swap3A_2666 = arith.constant 64 : index
    %swap3A_2667 = tpu.vector_load %arg5[%swap3A_2665, %swap3A_2666] {strides = array<i32>} : memref<4x1024xf32, #tpu.memory_space<vmem>>, vector<1x16xf32>,
    %swap3A_2668 = vector.shape_cast %swap3A_2667 : vector<1x16xf32> to vector<16xf32>
    %swap3A_2669 = vector.shape_cast %get3A_2663 : vector<16xf32> to vector<1x16xf32>
    tpu.vector_store %arg5[%swap3A_2665, %swap3A_2666], %swap3A_2669 {strides = array<i32>} : memref<4x1024xf32, #tpu.memory_space<vmem>>, vector<1x16xf32>,
    %sub3A_2670 = arith.constant 5 : i32
    %sub3A_2671 = arith.subi %add3A_2569, %sub3A_2670 : i32
    %add3A_2672 = arith.constant 32 : i32
    %add3A_2673 = arith.addi %sub3A_2671, %add3A_2672 : i32
    %shift_right_arithmetic3A_2674 = arith.constant 5 : i32
    %shift_right_arithmetic3A_2675 = arith.shrsi %add3A_2569, %shift_right_arithmetic3A_2674 : i32
    %eq3A_2676 = arith.constant 0 : i32
    %eq3A_2677 = arith.cmpi eq, %shift_right_arithmetic3A_2675, %eq3A_2676 : i32
    %jit3A_2678 = arith.constant 65 : i32
    %select_n3A_2679 = arith.select %eq3A_2677, %add3A_2673, %jit3A_2678 : i32
    %get3A_2680 = arith.index_cast %select_n3A_2679 : i32 to index
    %get3A_2681 = arith.constant 0 : index
    %get3A_2682 = tpu.vector_load %arg4[%get3A_2680, %get3A_2681] {strides = array<i32>} : memref<66x16xf32, #tpu.memory_space<vmem>>, vector<1x16xf32>,
    %get3A_2683 = vector.shape_cast %get3A_2682 : vector<1x16xf32> to vector<16xf32>
    %swap3A_2684 = arith.constant 2 : i32
    %swap3A_2685 = arith.index_cast %swap3A_2684 : i32 to index
    %swap3A_2686 = arith.constant 80 : index
    %swap3A_2687 = tpu.vector_load %arg5[%swap3A_2685, %swap3A_2686] {strides = array<i32>} : memref<4x1024xf32, #tpu.memory_space<vmem>>, vector<1x16xf32>,
    %swap3A_2688 = vector.shape_cast %swap3A_2687 : vector<1x16xf32> to vector<16xf32>
    %swap3A_2689 = vector.shape_cast %get3A_2683 : vector<16xf32> to vector<1x16xf32>
    tpu.vector_store %arg5[%swap3A_2685, %swap3A_2686], %swap3A_2689 {strides = array<i32>} : memref<4x1024xf32, #tpu.memory_space<vmem>>, vector<1x16xf32>,
    %sub3A_2690 = arith.constant 6 : i32
    %sub3A_2691 = arith.subi %add3A_2569, %sub3A_2690 : i32
    %add3A_2692 = arith.constant 32 : i32
    %add3A_2693 = arith.addi %sub3A_2691, %add3A_2692 : i32
    %shift_right_arithmetic3A_2694 = arith.constant 5 : i32
    %shift_right_arithmetic3A_2695 = arith.shrsi %add3A_2569, %shift_right_arithmetic3A_2694 : i32
    %eq3A_2696 = arith.constant 0 : i32
    %eq3A_2697 = arith.cmpi eq, %shift_right_arithmetic3A_2695, %eq3A_2696 : i32
    %jit3A_2698 = arith.constant 65 : i32
    %select_n3A_2699 = arith.select %eq3A_2697, %add3A_2693, %jit3A_2698 : i32
    %get3A_2700 = arith.index_cast %select_n3A_2699 : i32 to index
    %get3A_2701 = arith.constant 0 : index
    %get3A_2702 = tpu.vector_load %arg4[%get3A_2700, %get3A_2701] {strides = array<i32>} : memref<66x16xf32, #tpu.memory_space<vmem>>, vector<1x16xf32>,
    %get3A_2703 = vector.shape_cast %get3A_2702 : vector<1x16xf32> to vector<16xf32>
    %swap3A_2704 = arith.constant 2 : i32
    %swap3A_2705 = arith.index_cast %swap3A_2704 : i32 to index
    %swap3A_2706 = arith.constant 96 : index
    %swap3A_2707 = tpu.vector_load %arg5[%swap3A_2705, %swap3A_2706] {strides = array<i32>} : memref<4x1024xf32, #tpu.memory_space<vmem>>, vector<1x16xf32>,
    %swap3A_2708 = vector.shape_cast %swap3A_2707 : vector<1x16xf32> to vector<16xf32>
    %swap3A_2709 = vector.shape_cast %get3A_2703 : vector<16xf32> to vector<1x16xf32>
    tpu.vector_store %arg5[%swap3A_2705, %swap3A_2706], %swap3A_2709 {strides = array<i32>} : memref<4x1024xf32, #tpu.memory_space<vmem>>, vector<1x16xf32>,
    %sub3A_2710 = arith.constant 7 : i32
    %sub3A_2711 = arith.subi %add3A_2569, %sub3A_2710 : i32
    %add3A_2712 = arith.constant 32 : i32
    %add3A_2713 = arith.addi %sub3A_2711, %add3A_2712 : i32
    %shift_right_arithmetic3A_2714 = arith.constant 5 : i32
    %shift_right_arithmetic3A_2715 = arith.shrsi %add3A_2569, %shift_right_arithmetic3A_2714 : i32
    %eq3A_2716 = arith.constant 0 : i32
    %eq3A_2717 = arith.cmpi eq, %shift_right_arithmetic3A_2715, %eq3A_2716 : i32
    %jit3A_2718 = arith.constant 65 : i32
    %select_n3A_2719 = arith.select %eq3A_2717, %add3A_2713, %jit3A_2718 : i32
    %get3A_2720 = arith.index_cast %select_n3A_2719 : i32 to index
    %get3A_2721 = arith.constant 0 : index
    %get3A_2722 = tpu.vector_load %arg4[%get3A_2720, %get3A_2721] {strides = array<i32>} : memref<66x16xf32, #tpu.memory_space<vmem>>, vector<1x16xf32>,
    %get3A_2723 = vector.shape_cast %get3A_2722 : vector<1x16xf32> to vector<16xf32>
    %swap3A_2724 = arith.constant 2 : i32
    %swap3A_2725 = arith.index_cast %swap3A_2724 : i32 to index
    %swap3A_2726 = arith.constant 112 : index
    %swap3A_2727 = tpu.vector_load %arg5[%swap3A_2725, %swap3A_2726] {strides = array<i32>} : memref<4x1024xf32, #tpu.memory_space<vmem>>, vector<1x16xf32>,
    %swap3A_2728 = vector.shape_cast %swap3A_2727 : vector<1x16xf32> to vector<16xf32>
    %swap3A_2729 = vector.shape_cast %get3A_2723 : vector<16xf32> to vector<1x16xf32>
    tpu.vector_store %arg5[%swap3A_2725, %swap3A_2726], %swap3A_2729 {strides = array<i32>} : memref<4x1024xf32, #tpu.memory_space<vmem>>, vector<1x16xf32>,
    %sub3A_2730 = arith.constant 8 : i32
    %sub3A_2731 = arith.subi %add3A_2569, %sub3A_2730 : i32
    %add3A_2732 = arith.constant 32 : i32
    %add3A_2733 = arith.addi %sub3A_2731, %add3A_2732 : i32
    %shift_right_arithmetic3A_2734 = arith.constant 5 : i32
    %shift_right_arithmetic3A_2735 = arith.shrsi %add3A_2569, %shift_right_arithmetic3A_2734 : i32
    %eq3A_2736 = arith.constant 0 : i32
    %eq3A_2737 = arith.cmpi eq, %shift_right_arithmetic3A_2735, %eq3A_2736 : i32
    %jit3A_2738 = arith.constant 65 : i32
    %select_n3A_2739 = arith.select %eq3A_2737, %add3A_2733, %jit3A_2738 : i32
    %get3A_2740 = arith.index_cast %select_n3A_2739 : i32 to index
    %get3A_2741 = arith.constant 0 : index
    %get3A_2742 = tpu.vector_load %arg4[%get3A_2740, %get3A_2741] {strides = array<i32>} : memref<66x16xf32, #tpu.memory_space<vmem>>, vector<1x16xf32>,
    %get3A_2743 = vector.shape_cast %get3A_2742 : vector<1x16xf32> to vector<16xf32>
    %swap3A_2744 = arith.constant 2 : i32
    %swap3A_2745 = arith.index_cast %swap3A_2744 : i32 to index
    %swap3A_2746 = arith.constant 128 : index
    %swap3A_2747 = tpu.vector_load %arg5[%swap3A_2745, %swap3A_2746] {strides = array<i32>} : memref<4x1024xf32, #tpu.memory_space<vmem>>, vector<1x16xf32>,
    %swap3A_2748 = vector.shape_cast %swap3A_2747 : vector<1x16xf32> to vector<16xf32>
    %swap3A_2749 = vector.shape_cast %get3A_2743 : vector<16xf32> to vector<1x16xf32>
    tpu.vector_store %arg5[%swap3A_2745, %swap3A_2746], %swap3A_2749 {strides = array<i32>} : memref<4x1024xf32, #tpu.memory_space<vmem>>, vector<1x16xf32>,
    %sub3A_2750 = arith.constant 9 : i32
    %sub3A_2751 = arith.subi %add3A_2569, %sub3A_2750 : i32
    %add3A_2752 = arith.constant 32 : i32
    %add3A_2753 = arith.addi %sub3A_2751, %add3A_2752 : i32
    %shift_right_arithmetic3A_2754 = arith.constant 5 : i32
    %shift_right_arithmetic3A_2755 = arith.shrsi %add3A_2569, %shift_right_arithmetic3A_2754 : i32
    %eq3A_2756 = arith.constant 0 : i32
    %eq3A_2757 = arith.cmpi eq, %shift_right_arithmetic3A_2755, %eq3A_2756 : i32
    %jit3A_2758 = arith.constant 65 : i32
    %select_n3A_2759 = arith.select %eq3A_2757, %add3A_2753, %jit3A_2758 : i32
    %get3A_2760 = arith.index_cast %select_n3A_2759 : i32 to index
    %get3A_2761 = arith.constant 0 : index
    %get3A_2762 = tpu.vector_load %arg4[%get3A_2760, %get3A_2761] {strides = array<i32>} : memref<66x16xf32, #tpu.memory_space<vmem>>, vector<1x16xf32>,
    %get3A_2763 = vector.shape_cast %get3A_2762 : vector<1x16xf32> to vector<16xf32>
    %swap3A_2764 = arith.constant 2 : i32
    %swap3A_2765 = arith.index_cast %swap3A_2764 : i32 to index
    %swap3A_2766 = arith.constant 144 : index
    %swap3A_2767 = tpu.vector_load %arg5[%swap3A_2765, %swap3A_2766] {strides = array<i32>} : memref<4x1024xf32, #tpu.memory_space<vmem>>, vector<1x16xf32>,
    %swap3A_2768 = vector.shape_cast %swap3A_2767 : vector<1x16xf32> to vector<16xf32>
    %swap3A_2769 = vector.shape_cast %get3A_2763 : vector<16xf32> to vector<1x16xf32>
    tpu.vector_store %arg5[%swap3A_2765, %swap3A_2766], %swap3A_2769 {strides = array<i32>} : memref<4x1024xf32, #tpu.memory_space<vmem>>, vector<1x16xf32>,
    %sub3A_2770 = arith.constant 10 : i32
    %sub3A_2771 = arith.subi %add3A_2569, %sub3A_2770 : i32
    %add3A_2772 = arith.constant 32 : i32
    %add3A_2773 = arith.addi %sub3A_2771, %add3A_2772 : i32
    %shift_right_arithmetic3A_2774 = arith.constant 5 : i32
    %shift_right_arithmetic3A_2775 = arith.shrsi %add3A_2569, %shift_right_arithmetic3A_2774 : i32
    %eq3A_2776 = arith.constant 0 : i32
    %eq3A_2777 = arith.cmpi eq, %shift_right_arithmetic3A_2775, %eq3A_2776 : i32
    %jit3A_2778 = arith.constant 65 : i32
    %select_n3A_2779 = arith.select %eq3A_2777, %add3A_2773, %jit3A_2778 : i32
    %get3A_2780 = arith.index_cast %select_n3A_2779 : i32 to index
    %get3A_2781 = arith.constant 0 : index
    %get3A_2782 = tpu.vector_load %arg4[%get3A_2780, %get3A_2781] {strides = array<i32>} : memref<66x16xf32, #tpu.memory_space<vmem>>, vector<1x16xf32>,
    %get3A_2783 = vector.shape_cast %get3A_2782 : vector<1x16xf32> to vector<16xf32>
    %swap3A_2784 = arith.constant 2 : i32
    %swap3A_2785 = arith.index_cast %swap3A_2784 : i32 to index
    %swap3A_2786 = arith.constant 160 : index
    %swap3A_2787 = tpu.vector_load %arg5[%swap3A_2785, %swap3A_2786] {strides = array<i32>} : memref<4x1024xf32, #tpu.memory_space<vmem>>, vector<1x16xf32>,
    %swap3A_2788 = vector.shape_cast %swap3A_2787 : vector<1x16xf32> to vector<16xf32>
    %swap3A_2789 = vector.shape_cast %get3A_2783 : vector<16xf32> to vector<1x16xf32>
    tpu.vector_store %arg5[%swap3A_2785, %swap3A_2786], %swap3A_2789 {strides = array<i32>} : memref<4x1024xf32, #tpu.memory_space<vmem>>, vector<1x16xf32>,
    %sub3A_2790 = arith.constant 11 : i32
    %sub3A_2791 = arith.subi %add3A_2569, %sub3A_2790 : i32
    %add3A_2792 = arith.constant 32 : i32
    %add3A_2793 = arith.addi %sub3A_2791, %add3A_2792 : i32
    %shift_right_arithmetic3A_2794 = arith.constant 5 : i32
    %shift_right_arithmetic3A_2795 = arith.shrsi %add3A_2569, %shift_right_arithmetic3A_2794 : i32
    %eq3A_2796 = arith.constant 0 : i32
    %eq3A_2797 = arith.cmpi eq, %shift_right_arithmetic3A_2795, %eq3A_2796 : i32
    %jit3A_2798 = arith.constant 65 : i32
    %select_n3A_2799 = arith.select %eq3A_2797, %add3A_2793, %jit3A_2798 : i32
    %get3A_2800 = arith.index_cast %select_n3A_2799 : i32 to index
    %get3A_2801 = arith.constant 0 : index
    %get3A_2802 = tpu.vector_load %arg4[%get3A_2800, %get3A_2801] {strides = array<i32>} : memref<66x16xf32, #tpu.memory_space<vmem>>, vector<1x16xf32>,
    %get3A_2803 = vector.shape_cast %get3A_2802 : vector<1x16xf32> to vector<16xf32>
    %swap3A_2804 = arith.constant 2 : i32
    %swap3A_2805 = arith.index_cast %swap3A_2804 : i32 to index
    %swap3A_2806 = arith.constant 176 : index
    %swap3A_2807 = tpu.vector_load %arg5[%swap3A_2805, %swap3A_2806] {strides = array<i32>} : memref<4x1024xf32, #tpu.memory_space<vmem>>, vector<1x16xf32>,
    %swap3A_2808 = vector.shape_cast %swap3A_2807 : vector<1x16xf32> to vector<16xf32>
    %swap3A_2809 = vector.shape_cast %get3A_2803 : vector<16xf32> to vector<1x16xf32>
    tpu.vector_store %arg5[%swap3A_2805, %swap3A_2806], %swap3A_2809 {strides = array<i32>} : memref<4x1024xf32, #tpu.memory_space<vmem>>, vector<1x16xf32>,
    %sub3A_2810 = arith.constant 12 : i32
    %sub3A_2811 = arith.subi %add3A_2569, %sub3A_2810 : i32
    %add3A_2812 = arith.constant 32 : i32
    %add3A_2813 = arith.addi %sub3A_2811, %add3A_2812 : i32
    %shift_right_arithmetic3A_2814 = arith.constant 5 : i32
    %shift_right_arithmetic3A_2815 = arith.shrsi %add3A_2569, %shift_right_arithmetic3A_2814 : i32
    %eq3A_2816 = arith.constant 0 : i32
    %eq3A_2817 = arith.cmpi eq, %shift_right_arithmetic3A_2815, %eq3A_2816 : i32
    %jit3A_2818 = arith.constant 65 : i32
    %select_n3A_2819 = arith.select %eq3A_2817, %add3A_2813, %jit3A_2818 : i32
    %get3A_2820 = arith.index_cast %select_n3A_2819 : i32 to index
    %get3A_2821 = arith.constant 0 : index
    %get3A_2822 = tpu.vector_load %arg4[%get3A_2820, %get3A_2821] {strides = array<i32>} : memref<66x16xf32, #tpu.memory_space<vmem>>, vector<1x16xf32>,
    %get3A_2823 = vector.shape_cast %get3A_2822 : vector<1x16xf32> to vector<16xf32>
    %swap3A_2824 = arith.constant 2 : i32
    %swap3A_2825 = arith.index_cast %swap3A_2824 : i32 to index
    %swap3A_2826 = arith.constant 192 : index
    %swap3A_2827 = tpu.vector_load %arg5[%swap3A_2825, %swap3A_2826] {strides = array<i32>} : memref<4x1024xf32, #tpu.memory_space<vmem>>, vector<1x16xf32>,
    %swap3A_2828 = vector.shape_cast %swap3A_2827 : vector<1x16xf32> to vector<16xf32>
    %swap3A_2829 = vector.shape_cast %get3A_2823 : vector<16xf32> to vector<1x16xf32>
    tpu.vector_store %arg5[%swap3A_2825, %swap3A_2826], %swap3A_2829 {strides = array<i32>} : memref<4x1024xf32, #tpu.memory_space<vmem>>, vector<1x16xf32>,
    %sub3A_2830 = arith.constant 13 : i32
    %sub3A_2831 = arith.subi %add3A_2569, %sub3A_2830 : i32
    %add3A_2832 = arith.constant 32 : i32
    %add3A_2833 = arith.addi %sub3A_2831, %add3A_2832 : i32
    %shift_right_arithmetic3A_2834 = arith.constant 5 : i32
    %shift_right_arithmetic3A_2835 = arith.shrsi %add3A_2569, %shift_right_arithmetic3A_2834 : i32
    %eq3A_2836 = arith.constant 0 : i32
    %eq3A_2837 = arith.cmpi eq, %shift_right_arithmetic3A_2835, %eq3A_2836 : i32
    %jit3A_2838 = arith.constant 65 : i32
    %select_n3A_2839 = arith.select %eq3A_2837, %add3A_2833, %jit3A_2838 : i32
    %get3A_2840 = arith.index_cast %select_n3A_2839 : i32 to index
    %get3A_2841 = arith.constant 0 : index
    %get3A_2842 = tpu.vector_load %arg4[%get3A_2840, %get3A_2841] {strides = array<i32>} : memref<66x16xf32, #tpu.memory_space<vmem>>, vector<1x16xf32>,
    %get3A_2843 = vector.shape_cast %get3A_2842 : vector<1x16xf32> to vector<16xf32>
    %swap3A_2844 = arith.constant 2 : i32
    %swap3A_2845 = arith.index_cast %swap3A_2844 : i32 to index
    %swap3A_2846 = arith.constant 208 : index
    %swap3A_2847 = tpu.vector_load %arg5[%swap3A_2845, %swap3A_2846] {strides = array<i32>} : memref<4x1024xf32, #tpu.memory_space<vmem>>, vector<1x16xf32>,
    %swap3A_2848 = vector.shape_cast %swap3A_2847 : vector<1x16xf32> to vector<16xf32>
    %swap3A_2849 = vector.shape_cast %get3A_2843 : vector<16xf32> to vector<1x16xf32>
    tpu.vector_store %arg5[%swap3A_2845, %swap3A_2846], %swap3A_2849 {strides = array<i32>} : memref<4x1024xf32, #tpu.memory_space<vmem>>, vector<1x16xf32>,
    %sub3A_2850 = arith.constant 14 : i32
    %sub3A_2851 = arith.subi %add3A_2569, %sub3A_2850 : i32
    %add3A_2852 = arith.constant 32 : i32
    %add3A_2853 = arith.addi %sub3A_2851, %add3A_2852 : i32
    %shift_right_arithmetic3A_2854 = arith.constant 5 : i32
    %shift_right_arithmetic3A_2855 = arith.shrsi %add3A_2569, %shift_right_arithmetic3A_2854 : i32
    %eq3A_2856 = arith.constant 0 : i32
    %eq3A_2857 = arith.cmpi eq, %shift_right_arithmetic3A_2855, %eq3A_2856 : i32
    %jit3A_2858 = arith.constant 65 : i32
    %select_n3A_2859 = arith.select %eq3A_2857, %add3A_2853, %jit3A_2858 : i32
    %get3A_2860 = arith.index_cast %select_n3A_2859 : i32 to index
    %get3A_2861 = arith.constant 0 : index
    %get3A_2862 = tpu.vector_load %arg4[%get3A_2860, %get3A_2861] {strides = array<i32>} : memref<66x16xf32, #tpu.memory_space<vmem>>, vector<1x16xf32>,
    %get3A_2863 = vector.shape_cast %get3A_2862 : vector<1x16xf32> to vector<16xf32>
    %swap3A_2864 = arith.constant 2 : i32
    %swap3A_2865 = arith.index_cast %swap3A_2864 : i32 to index
    %swap3A_2866 = arith.constant 224 : index
    %swap3A_2867 = tpu.vector_load %arg5[%swap3A_2865, %swap3A_2866] {strides = array<i32>} : memref<4x1024xf32, #tpu.memory_space<vmem>>, vector<1x16xf32>,
    %swap3A_2868 = vector.shape_cast %swap3A_2867 : vector<1x16xf32> to vector<16xf32>
    %swap3A_2869 = vector.shape_cast %get3A_2863 : vector<16xf32> to vector<1x16xf32>
    tpu.vector_store %arg5[%swap3A_2865, %swap3A_2866], %swap3A_2869 {strides = array<i32>} : memref<4x1024xf32, #tpu.memory_space<vmem>>, vector<1x16xf32>,
    %sub3A_2870 = arith.constant 15 : i32
    %sub3A_2871 = arith.subi %add3A_2569, %sub3A_2870 : i32
    %add3A_2872 = arith.constant 32 : i32
    %add3A_2873 = arith.addi %sub3A_2871, %add3A_2872 : i32
    %shift_right_arithmetic3A_2874 = arith.constant 5 : i32
    %shift_right_arithmetic3A_2875 = arith.shrsi %add3A_2569, %shift_right_arithmetic3A_2874 : i32
    %eq3A_2876 = arith.constant 0 : i32
    %eq3A_2877 = arith.cmpi eq, %shift_right_arithmetic3A_2875, %eq3A_2876 : i32
    %jit3A_2878 = arith.constant 65 : i32
    %select_n3A_2879 = arith.select %eq3A_2877, %add3A_2873, %jit3A_2878 : i32
    %get3A_2880 = arith.index_cast %select_n3A_2879 : i32 to index
    %get3A_2881 = arith.constant 0 : index
    %get3A_2882 = tpu.vector_load %arg4[%get3A_2880, %get3A_2881] {strides = array<i32>} : memref<66x16xf32, #tpu.memory_space<vmem>>, vector<1x16xf32>,
    %get3A_2883 = vector.shape_cast %get3A_2882 : vector<1x16xf32> to vector<16xf32>
    %swap3A_2884 = arith.constant 2 : i32
    %swap3A_2885 = arith.index_cast %swap3A_2884 : i32 to index
    %swap3A_2886 = arith.constant 240 : index
    %swap3A_2887 = tpu.vector_load %arg5[%swap3A_2885, %swap3A_2886] {strides = array<i32>} : memref<4x1024xf32, #tpu.memory_space<vmem>>, vector<1x16xf32>,
    %swap3A_2888 = vector.shape_cast %swap3A_2887 : vector<1x16xf32> to vector<16xf32>
    %swap3A_2889 = vector.shape_cast %get3A_2883 : vector<16xf32> to vector<1x16xf32>
    tpu.vector_store %arg5[%swap3A_2885, %swap3A_2886], %swap3A_2889 {strides = array<i32>} : memref<4x1024xf32, #tpu.memory_space<vmem>>, vector<1x16xf32>,
    %sub3A_2890 = arith.constant 16 : i32
    %sub3A_2891 = arith.subi %add3A_2569, %sub3A_2890 : i32
    %add3A_2892 = arith.constant 32 : i32
    %add3A_2893 = arith.addi %sub3A_2891, %add3A_2892 : i32
    %shift_right_arithmetic3A_2894 = arith.constant 5 : i32
    %shift_right_arithmetic3A_2895 = arith.shrsi %add3A_2569, %shift_right_arithmetic3A_2894 : i32
    %eq3A_2896 = arith.constant 0 : i32
    %eq3A_2897 = arith.cmpi eq, %shift_right_arithmetic3A_2895, %eq3A_2896 : i32
    %jit3A_2898 = arith.constant 65 : i32
    %select_n3A_2899 = arith.select %eq3A_2897, %add3A_2893, %jit3A_2898 : i32
    %get3A_2900 = arith.index_cast %select_n3A_2899 : i32 to index
    %get3A_2901 = arith.constant 0 : index
    %get3A_2902 = tpu.vector_load %arg4[%get3A_2900, %get3A_2901] {strides = array<i32>} : memref<66x16xf32, #tpu.memory_space<vmem>>, vector<1x16xf32>,
    %get3A_2903 = vector.shape_cast %get3A_2902 : vector<1x16xf32> to vector<16xf32>
    %swap3A_2904 = arith.constant 2 : i32
    %swap3A_2905 = arith.index_cast %swap3A_2904 : i32 to index
    %swap3A_2906 = arith.constant 256 : index
    %swap3A_2907 = tpu.vector_load %arg5[%swap3A_2905, %swap3A_2906] {strides = array<i32>} : memref<4x1024xf32, #tpu.memory_space<vmem>>, vector<1x16xf32>,
    %swap3A_2908 = vector.shape_cast %swap3A_2907 : vector<1x16xf32> to vector<16xf32>
    %swap3A_2909 = vector.shape_cast %get3A_2903 : vector<16xf32> to vector<1x16xf32>
    tpu.vector_store %arg5[%swap3A_2905, %swap3A_2906], %swap3A_2909 {strides = array<i32>} : memref<4x1024xf32, #tpu.memory_space<vmem>>, vector<1x16xf32>,
    %sub3A_2910 = arith.constant 17 : i32
    %sub3A_2911 = arith.subi %add3A_2569, %sub3A_2910 : i32
    %add3A_2912 = arith.constant 32 : i32
    %add3A_2913 = arith.addi %sub3A_2911, %add3A_2912 : i32
    %shift_right_arithmetic3A_2914 = arith.constant 5 : i32
    %shift_right_arithmetic3A_2915 = arith.shrsi %add3A_2569, %shift_right_arithmetic3A_2914 : i32
    %eq3A_2916 = arith.constant 0 : i32
    %eq3A_2917 = arith.cmpi eq, %shift_right_arithmetic3A_2915, %eq3A_2916 : i32
    %jit3A_2918 = arith.constant 65 : i32
    %select_n3A_2919 = arith.select %eq3A_2917, %add3A_2913, %jit3A_2918 : i32
    %get3A_2920 = arith.index_cast %select_n3A_2919 : i32 to index
    %get3A_2921 = arith.constant 0 : index
    %get3A_2922 = tpu.vector_load %arg4[%get3A_2920, %get3A_2921] {strides = array<i32>} : memref<66x16xf32, #tpu.memory_space<vmem>>, vector<1x16xf32>,
    %get3A_2923 = vector.shape_cast %get3A_2922 : vector<1x16xf32> to vector<16xf32>
    %swap3A_2924 = arith.constant 2 : i32
    %swap3A_2925 = arith.index_cast %swap3A_2924 : i32 to index
    %swap3A_2926 = arith.constant 272 : index
    %swap3A_2927 = tpu.vector_load %arg5[%swap3A_2925, %swap3A_2926] {strides = array<i32>} : memref<4x1024xf32, #tpu.memory_space<vmem>>, vector<1x16xf32>,
    %swap3A_2928 = vector.shape_cast %swap3A_2927 : vector<1x16xf32> to vector<16xf32>
    %swap3A_2929 = vector.shape_cast %get3A_2923 : vector<16xf32> to vector<1x16xf32>
    tpu.vector_store %arg5[%swap3A_2925, %swap3A_2926], %swap3A_2929 {strides = array<i32>} : memref<4x1024xf32, #tpu.memory_space<vmem>>, vector<1x16xf32>,
    %sub3A_2930 = arith.constant 18 : i32
    %sub3A_2931 = arith.subi %add3A_2569, %sub3A_2930 : i32
    %add3A_2932 = arith.constant 32 : i32
    %add3A_2933 = arith.addi %sub3A_2931, %add3A_2932 : i32
    %shift_right_arithmetic3A_2934 = arith.constant 5 : i32
    %shift_right_arithmetic3A_2935 = arith.shrsi %add3A_2569, %shift_right_arithmetic3A_2934 : i32
    %eq3A_2936 = arith.constant 0 : i32
    %eq3A_2937 = arith.cmpi eq, %shift_right_arithmetic3A_2935, %eq3A_2936 : i32
    %jit3A_2938 = arith.constant 65 : i32
    %select_n3A_2939 = arith.select %eq3A_2937, %add3A_2933, %jit3A_2938 : i32
    %get3A_2940 = arith.index_cast %select_n3A_2939 : i32 to index
    %get3A_2941 = arith.constant 0 : index
    %get3A_2942 = tpu.vector_load %arg4[%get3A_2940, %get3A_2941] {strides = array<i32>} : memref<66x16xf32, #tpu.memory_space<vmem>>, vector<1x16xf32>,
    %get3A_2943 = vector.shape_cast %get3A_2942 : vector<1x16xf32> to vector<16xf32>
    %swap3A_2944 = arith.constant 2 : i32
    %swap3A_2945 = arith.index_cast %swap3A_2944 : i32 to index
    %swap3A_2946 = arith.constant 288 : index
    %swap3A_2947 = tpu.vector_load %arg5[%swap3A_2945, %swap3A_2946] {strides = array<i32>} : memref<4x1024xf32, #tpu.memory_space<vmem>>, vector<1x16xf32>,
    %swap3A_2948 = vector.shape_cast %swap3A_2947 : vector<1x16xf32> to vector<16xf32>
    %swap3A_2949 = vector.shape_cast %get3A_2943 : vector<16xf32> to vector<1x16xf32>
    tpu.vector_store %arg5[%swap3A_2945, %swap3A_2946], %swap3A_2949 {strides = array<i32>} : memref<4x1024xf32, #tpu.memory_space<vmem>>, vector<1x16xf32>,
    %sub3A_2950 = arith.constant 19 : i32
    %sub3A_2951 = arith.subi %add3A_2569, %sub3A_2950 : i32
    %add3A_2952 = arith.constant 32 : i32
    %add3A_2953 = arith.addi %sub3A_2951, %add3A_2952 : i32
    %shift_right_arithmetic3A_2954 = arith.constant 5 : i32
    %shift_right_arithmetic3A_2955 = arith.shrsi %add3A_2569, %shift_right_arithmetic3A_2954 : i32
    %eq3A_2956 = arith.constant 0 : i32
    %eq3A_2957 = arith.cmpi eq, %shift_right_arithmetic3A_2955, %eq3A_2956 : i32
    %jit3A_2958 = arith.constant 65 : i32
    %select_n3A_2959 = arith.select %eq3A_2957, %add3A_2953, %jit3A_2958 : i32
    %get3A_2960 = arith.index_cast %select_n3A_2959 : i32 to index
    %get3A_2961 = arith.constant 0 : index
    %get3A_2962 = tpu.vector_load %arg4[%get3A_2960, %get3A_2961] {strides = array<i32>} : memref<66x16xf32, #tpu.memory_space<vmem>>, vector<1x16xf32>,
    %get3A_2963 = vector.shape_cast %get3A_2962 : vector<1x16xf32> to vector<16xf32>
    %swap3A_2964 = arith.constant 2 : i32
    %swap3A_2965 = arith.index_cast %swap3A_2964 : i32 to index
    %swap3A_2966 = arith.constant 304 : index
    %swap3A_2967 = tpu.vector_load %arg5[%swap3A_2965, %swap3A_2966] {strides = array<i32>} : memref<4x1024xf32, #tpu.memory_space<vmem>>, vector<1x16xf32>,
    %swap3A_2968 = vector.shape_cast %swap3A_2967 : vector<1x16xf32> to vector<16xf32>
    %swap3A_2969 = vector.shape_cast %get3A_2963 : vector<16xf32> to vector<1x16xf32>
    tpu.vector_store %arg5[%swap3A_2965, %swap3A_2966], %swap3A_2969 {strides = array<i32>} : memref<4x1024xf32, #tpu.memory_space<vmem>>, vector<1x16xf32>,
    %sub3A_2970 = arith.constant 20 : i32
    %sub3A_2971 = arith.subi %add3A_2569, %sub3A_2970 : i32
    %add3A_2972 = arith.constant 32 : i32
    %add3A_2973 = arith.addi %sub3A_2971, %add3A_2972 : i32
    %shift_right_arithmetic3A_2974 = arith.constant 5 : i32
    %shift_right_arithmetic3A_2975 = arith.shrsi %add3A_2569, %shift_right_arithmetic3A_2974 : i32
    %eq3A_2976 = arith.constant 0 : i32
    %eq3A_2977 = arith.cmpi eq, %shift_right_arithmetic3A_2975, %eq3A_2976 : i32
    %jit3A_2978 = arith.constant 65 : i32
    %select_n3A_2979 = arith.select %eq3A_2977, %add3A_2973, %jit3A_2978 : i32
    %get3A_2980 = arith.index_cast %select_n3A_2979 : i32 to index
    %get3A_2981 = arith.constant 0 : index
    %get3A_2982 = tpu.vector_load %arg4[%get3A_2980, %get3A_2981] {strides = array<i32>} : memref<66x16xf32, #tpu.memory_space<vmem>>, vector<1x16xf32>,
    %get3A_2983 = vector.shape_cast %get3A_2982 : vector<1x16xf32> to vector<16xf32>
    %swap3A_2984 = arith.constant 2 : i32
    %swap3A_2985 = arith.index_cast %swap3A_2984 : i32 to index
    %swap3A_2986 = arith.constant 320 : index
    %swap3A_2987 = tpu.vector_load %arg5[%swap3A_2985, %swap3A_2986] {strides = array<i32>} : memref<4x1024xf32, #tpu.memory_space<vmem>>, vector<1x16xf32>,
    %swap3A_2988 = vector.shape_cast %swap3A_2987 : vector<1x16xf32> to vector<16xf32>
    %swap3A_2989 = vector.shape_cast %get3A_2983 : vector<16xf32> to vector<1x16xf32>
    tpu.vector_store %arg5[%swap3A_2985, %swap3A_2986], %swap3A_2989 {strides = array<i32>} : memref<4x1024xf32, #tpu.memory_space<vmem>>, vector<1x16xf32>,
    %sub3A_2990 = arith.constant 21 : i32
    %sub3A_2991 = arith.subi %add3A_2569, %sub3A_2990 : i32
    %add3A_2992 = arith.constant 32 : i32
    %add3A_2993 = arith.addi %sub3A_2991, %add3A_2992 : i32
    %shift_right_arithmetic3A_2994 = arith.constant 5 : i32
    %shift_right_arithmetic3A_2995 = arith.shrsi %add3A_2569, %shift_right_arithmetic3A_2994 : i32
    %eq3A_2996 = arith.constant 0 : i32
    %eq3A_2997 = arith.cmpi eq, %shift_right_arithmetic3A_2995, %eq3A_2996 : i32
    %jit3A_2998 = arith.constant 65 : i32
    %select_n3A_2999 = arith.select %eq3A_2997, %add3A_2993, %jit3A_2998 : i32
    %get3A_3000 = arith.index_cast %select_n3A_2999 : i32 to index
    %get3A_3001 = arith.constant 0 : index
    %get3A_3002 = tpu.vector_load %arg4[%get3A_3000, %get3A_3001] {strides = array<i32>} : memref<66x16xf32, #tpu.memory_space<vmem>>, vector<1x16xf32>,
    %get3A_3003 = vector.shape_cast %get3A_3002 : vector<1x16xf32> to vector<16xf32>
    %swap3A_3004 = arith.constant 2 : i32
    %swap3A_3005 = arith.index_cast %swap3A_3004 : i32 to index
    %swap3A_3006 = arith.constant 336 : index
    %swap3A_3007 = tpu.vector_load %arg5[%swap3A_3005, %swap3A_3006] {strides = array<i32>} : memref<4x1024xf32, #tpu.memory_space<vmem>>, vector<1x16xf32>,
    %swap3A_3008 = vector.shape_cast %swap3A_3007 : vector<1x16xf32> to vector<16xf32>
    %swap3A_3009 = vector.shape_cast %get3A_3003 : vector<16xf32> to vector<1x16xf32>
    tpu.vector_store %arg5[%swap3A_3005, %swap3A_3006], %swap3A_3009 {strides = array<i32>} : memref<4x1024xf32, #tpu.memory_space<vmem>>, vector<1x16xf32>,
    %sub3A_3010 = arith.constant 22 : i32
    %sub3A_3011 = arith.subi %add3A_2569, %sub3A_3010 : i32
    %add3A_3012 = arith.constant 32 : i32
    %add3A_3013 = arith.addi %sub3A_3011, %add3A_3012 : i32
    %shift_right_arithmetic3A_3014 = arith.constant 5 : i32
    %shift_right_arithmetic3A_3015 = arith.shrsi %add3A_2569, %shift_right_arithmetic3A_3014 : i32
    %eq3A_3016 = arith.constant 0 : i32
    %eq3A_3017 = arith.cmpi eq, %shift_right_arithmetic3A_3015, %eq3A_3016 : i32
    %jit3A_3018 = arith.constant 65 : i32
    %select_n3A_3019 = arith.select %eq3A_3017, %add3A_3013, %jit3A_3018 : i32
    %get3A_3020 = arith.index_cast %select_n3A_3019 : i32 to index
    %get3A_3021 = arith.constant 0 : index
    %get3A_3022 = tpu.vector_load %arg4[%get3A_3020, %get3A_3021] {strides = array<i32>} : memref<66x16xf32, #tpu.memory_space<vmem>>, vector<1x16xf32>,
    %get3A_3023 = vector.shape_cast %get3A_3022 : vector<1x16xf32> to vector<16xf32>
    %swap3A_3024 = arith.constant 2 : i32
    %swap3A_3025 = arith.index_cast %swap3A_3024 : i32 to index
    %swap3A_3026 = arith.constant 352 : index
    %swap3A_3027 = tpu.vector_load %arg5[%swap3A_3025, %swap3A_3026] {strides = array<i32>} : memref<4x1024xf32, #tpu.memory_space<vmem>>, vector<1x16xf32>,
    %swap3A_3028 = vector.shape_cast %swap3A_3027 : vector<1x16xf32> to vector<16xf32>
    %swap3A_3029 = vector.shape_cast %get3A_3023 : vector<16xf32> to vector<1x16xf32>
    tpu.vector_store %arg5[%swap3A_3025, %swap3A_3026], %swap3A_3029 {strides = array<i32>} : memref<4x1024xf32, #tpu.memory_space<vmem>>, vector<1x16xf32>,
    %sub3A_3030 = arith.constant 23 : i32
    %sub3A_3031 = arith.subi %add3A_2569, %sub3A_3030 : i32
    %add3A_3032 = arith.constant 32 : i32
    %add3A_3033 = arith.addi %sub3A_3031, %add3A_3032 : i32
    %shift_right_arithmetic3A_3034 = arith.constant 5 : i32
    %shift_right_arithmetic3A_3035 = arith.shrsi %add3A_2569, %shift_right_arithmetic3A_3034 : i32
    %eq3A_3036 = arith.constant 0 : i32
    %eq3A_3037 = arith.cmpi eq, %shift_right_arithmetic3A_3035, %eq3A_3036 : i32
    %jit3A_3038 = arith.constant 65 : i32
    %select_n3A_3039 = arith.select %eq3A_3037, %add3A_3033, %jit3A_3038 : i32
    %get3A_3040 = arith.index_cast %select_n3A_3039 : i32 to index
    %get3A_3041 = arith.constant 0 : index
    %get3A_3042 = tpu.vector_load %arg4[%get3A_3040, %get3A_3041] {strides = array<i32>} : memref<66x16xf32, #tpu.memory_space<vmem>>, vector<1x16xf32>,
    %get3A_3043 = vector.shape_cast %get3A_3042 : vector<1x16xf32> to vector<16xf32>
    %swap3A_3044 = arith.constant 2 : i32
    %swap3A_3045 = arith.index_cast %swap3A_3044 : i32 to index
    %swap3A_3046 = arith.constant 368 : index
    %swap3A_3047 = tpu.vector_load %arg5[%swap3A_3045, %swap3A_3046] {strides = array<i32>} : memref<4x1024xf32, #tpu.memory_space<vmem>>, vector<1x16xf32>,
    %swap3A_3048 = vector.shape_cast %swap3A_3047 : vector<1x16xf32> to vector<16xf32>
    %swap3A_3049 = vector.shape_cast %get3A_3043 : vector<16xf32> to vector<1x16xf32>
    tpu.vector_store %arg5[%swap3A_3045, %swap3A_3046], %swap3A_3049 {strides = array<i32>} : memref<4x1024xf32, #tpu.memory_space<vmem>>, vector<1x16xf32>,
    %sub3A_3050 = arith.constant 24 : i32
    %sub3A_3051 = arith.subi %add3A_2569, %sub3A_3050 : i32
    %add3A_3052 = arith.constant 32 : i32
    %add3A_3053 = arith.addi %sub3A_3051, %add3A_3052 : i32
    %shift_right_arithmetic3A_3054 = arith.constant 5 : i32
    %shift_right_arithmetic3A_3055 = arith.shrsi %add3A_2569, %shift_right_arithmetic3A_3054 : i32
    %eq3A_3056 = arith.constant 0 : i32
    %eq3A_3057 = arith.cmpi eq, %shift_right_arithmetic3A_3055, %eq3A_3056 : i32
    %jit3A_3058 = arith.constant 65 : i32
    %select_n3A_3059 = arith.select %eq3A_3057, %add3A_3053, %jit3A_3058 : i32
    %get3A_3060 = arith.index_cast %select_n3A_3059 : i32 to index
    %get3A_3061 = arith.constant 0 : index
    %get3A_3062 = tpu.vector_load %arg4[%get3A_3060, %get3A_3061] {strides = array<i32>} : memref<66x16xf32, #tpu.memory_space<vmem>>, vector<1x16xf32>,
    %get3A_3063 = vector.shape_cast %get3A_3062 : vector<1x16xf32> to vector<16xf32>
    %swap3A_3064 = arith.constant 2 : i32
    %swap3A_3065 = arith.index_cast %swap3A_3064 : i32 to index
    %swap3A_3066 = arith.constant 384 : index
    %swap3A_3067 = tpu.vector_load %arg5[%swap3A_3065, %swap3A_3066] {strides = array<i32>} : memref<4x1024xf32, #tpu.memory_space<vmem>>, vector<1x16xf32>,
    %swap3A_3068 = vector.shape_cast %swap3A_3067 : vector<1x16xf32> to vector<16xf32>
    %swap3A_3069 = vector.shape_cast %get3A_3063 : vector<16xf32> to vector<1x16xf32>
    tpu.vector_store %arg5[%swap3A_3065, %swap3A_3066], %swap3A_3069 {strides = array<i32>} : memref<4x1024xf32, #tpu.memory_space<vmem>>, vector<1x16xf32>,
    %sub3A_3070 = arith.constant 25 : i32
    %sub3A_3071 = arith.subi %add3A_2569, %sub3A_3070 : i32
    %add3A_3072 = arith.constant 32 : i32
    %add3A_3073 = arith.addi %sub3A_3071, %add3A_3072 : i32
    %shift_right_arithmetic3A_3074 = arith.constant 5 : i32
    %shift_right_arithmetic3A_3075 = arith.shrsi %add3A_2569, %shift_right_arithmetic3A_3074 : i32
    %eq3A_3076 = arith.constant 0 : i32
    %eq3A_3077 = arith.cmpi eq, %shift_right_arithmetic3A_3075, %eq3A_3076 : i32
    %jit3A_3078 = arith.constant 65 : i32
    %select_n3A_3079 = arith.select %eq3A_3077, %add3A_3073, %jit3A_3078 : i32
    %get3A_3080 = arith.index_cast %select_n3A_3079 : i32 to index
    %get3A_3081 = arith.constant 0 : index
    %get3A_3082 = tpu.vector_load %arg4[%get3A_3080, %get3A_3081] {strides = array<i32>} : memref<66x16xf32, #tpu.memory_space<vmem>>, vector<1x16xf32>,
    %get3A_3083 = vector.shape_cast %get3A_3082 : vector<1x16xf32> to vector<16xf32>
    %swap3A_3084 = arith.constant 2 : i32
    %swap3A_3085 = arith.index_cast %swap3A_3084 : i32 to index
    %swap3A_3086 = arith.constant 400 : index
    %swap3A_3087 = tpu.vector_load %arg5[%swap3A_3085, %swap3A_3086] {strides = array<i32>} : memref<4x1024xf32, #tpu.memory_space<vmem>>, vector<1x16xf32>,
    %swap3A_3088 = vector.shape_cast %swap3A_3087 : vector<1x16xf32> to vector<16xf32>
    %swap3A_3089 = vector.shape_cast %get3A_3083 : vector<16xf32> to vector<1x16xf32>
    tpu.vector_store %arg5[%swap3A_3085, %swap3A_3086], %swap3A_3089 {strides = array<i32>} : memref<4x1024xf32, #tpu.memory_space<vmem>>, vector<1x16xf32>,
    %sub3A_3090 = arith.constant 26 : i32
    %sub3A_3091 = arith.subi %add3A_2569, %sub3A_3090 : i32
    %add3A_3092 = arith.constant 32 : i32
    %add3A_3093 = arith.addi %sub3A_3091, %add3A_3092 : i32
    %shift_right_arithmetic3A_3094 = arith.constant 5 : i32
    %shift_right_arithmetic3A_3095 = arith.shrsi %add3A_2569, %shift_right_arithmetic3A_3094 : i32
    %eq3A_3096 = arith.constant 0 : i32
    %eq3A_3097 = arith.cmpi eq, %shift_right_arithmetic3A_3095, %eq3A_3096 : i32
    %jit3A_3098 = arith.constant 65 : i32
    %select_n3A_3099 = arith.select %eq3A_3097, %add3A_3093, %jit3A_3098 : i32
    %get3A_3100 = arith.index_cast %select_n3A_3099 : i32 to index
    %get3A_3101 = arith.constant 0 : index
    %get3A_3102 = tpu.vector_load %arg4[%get3A_3100, %get3A_3101] {strides = array<i32>} : memref<66x16xf32, #tpu.memory_space<vmem>>, vector<1x16xf32>,
    %get3A_3103 = vector.shape_cast %get3A_3102 : vector<1x16xf32> to vector<16xf32>
    %swap3A_3104 = arith.constant 2 : i32
    %swap3A_3105 = arith.index_cast %swap3A_3104 : i32 to index
    %swap3A_3106 = arith.constant 416 : index
    %swap3A_3107 = tpu.vector_load %arg5[%swap3A_3105, %swap3A_3106] {strides = array<i32>} : memref<4x1024xf32, #tpu.memory_space<vmem>>, vector<1x16xf32>,
    %swap3A_3108 = vector.shape_cast %swap3A_3107 : vector<1x16xf32> to vector<16xf32>
    %swap3A_3109 = vector.shape_cast %get3A_3103 : vector<16xf32> to vector<1x16xf32>
    tpu.vector_store %arg5[%swap3A_3105, %swap3A_3106], %swap3A_3109 {strides = array<i32>} : memref<4x1024xf32, #tpu.memory_space<vmem>>, vector<1x16xf32>,
    %sub3A_3110 = arith.constant 27 : i32
    %sub3A_3111 = arith.subi %add3A_2569, %sub3A_3110 : i32
    %add3A_3112 = arith.constant 32 : i32
    %add3A_3113 = arith.addi %sub3A_3111, %add3A_3112 : i32
    %shift_right_arithmetic3A_3114 = arith.constant 5 : i32
    %shift_right_arithmetic3A_3115 = arith.shrsi %add3A_2569, %shift_right_arithmetic3A_3114 : i32
    %eq3A_3116 = arith.constant 0 : i32
    %eq3A_3117 = arith.cmpi eq, %shift_right_arithmetic3A_3115, %eq3A_3116 : i32
    %jit3A_3118 = arith.constant 65 : i32
    %select_n3A_3119 = arith.select %eq3A_3117, %add3A_3113, %jit3A_3118 : i32
    %get3A_3120 = arith.index_cast %select_n3A_3119 : i32 to index
    %get3A_3121 = arith.constant 0 : index
    %get3A_3122 = tpu.vector_load %arg4[%get3A_3120, %get3A_3121] {strides = array<i32>} : memref<66x16xf32, #tpu.memory_space<vmem>>, vector<1x16xf32>,
    %get3A_3123 = vector.shape_cast %get3A_3122 : vector<1x16xf32> to vector<16xf32>
    %swap3A_3124 = arith.constant 2 : i32
    %swap3A_3125 = arith.index_cast %swap3A_3124 : i32 to index
    %swap3A_3126 = arith.constant 432 : index
    %swap3A_3127 = tpu.vector_load %arg5[%swap3A_3125, %swap3A_3126] {strides = array<i32>} : memref<4x1024xf32, #tpu.memory_space<vmem>>, vector<1x16xf32>,
    %swap3A_3128 = vector.shape_cast %swap3A_3127 : vector<1x16xf32> to vector<16xf32>
    %swap3A_3129 = vector.shape_cast %get3A_3123 : vector<16xf32> to vector<1x16xf32>
    tpu.vector_store %arg5[%swap3A_3125, %swap3A_3126], %swap3A_3129 {strides = array<i32>} : memref<4x1024xf32, #tpu.memory_space<vmem>>, vector<1x16xf32>,
    %sub3A_3130 = arith.constant 28 : i32
    %sub3A_3131 = arith.subi %add3A_2569, %sub3A_3130 : i32
    %add3A_3132 = arith.constant 32 : i32
    %add3A_3133 = arith.addi %sub3A_3131, %add3A_3132 : i32
    %shift_right_arithmetic3A_3134 = arith.constant 5 : i32
    %shift_right_arithmetic3A_3135 = arith.shrsi %add3A_2569, %shift_right_arithmetic3A_3134 : i32
    %eq3A_3136 = arith.constant 0 : i32
    %eq3A_3137 = arith.cmpi eq, %shift_right_arithmetic3A_3135, %eq3A_3136 : i32
    %jit3A_3138 = arith.constant 65 : i32
    %select_n3A_3139 = arith.select %eq3A_3137, %add3A_3133, %jit3A_3138 : i32
    %get3A_3140 = arith.index_cast %select_n3A_3139 : i32 to index
    %get3A_3141 = arith.constant 0 : index
    %get3A_3142 = tpu.vector_load %arg4[%get3A_3140, %get3A_3141] {strides = array<i32>} : memref<66x16xf32, #tpu.memory_space<vmem>>, vector<1x16xf32>,
    %get3A_3143 = vector.shape_cast %get3A_3142 : vector<1x16xf32> to vector<16xf32>
    %swap3A_3144 = arith.constant 2 : i32
    %swap3A_3145 = arith.index_cast %swap3A_3144 : i32 to index
    %swap3A_3146 = arith.constant 448 : index
    %swap3A_3147 = tpu.vector_load %arg5[%swap3A_3145, %swap3A_3146] {strides = array<i32>} : memref<4x1024xf32, #tpu.memory_space<vmem>>, vector<1x16xf32>,
    %swap3A_3148 = vector.shape_cast %swap3A_3147 : vector<1x16xf32> to vector<16xf32>
    %swap3A_3149 = vector.shape_cast %get3A_3143 : vector<16xf32> to vector<1x16xf32>
    tpu.vector_store %arg5[%swap3A_3145, %swap3A_3146], %swap3A_3149 {strides = array<i32>} : memref<4x1024xf32, #tpu.memory_space<vmem>>, vector<1x16xf32>,
    %sub3A_3150 = arith.constant 29 : i32
    %sub3A_3151 = arith.subi %add3A_2569, %sub3A_3150 : i32
    %add3A_3152 = arith.constant 32 : i32
    %add3A_3153 = arith.addi %sub3A_3151, %add3A_3152 : i32
    %shift_right_arithmetic3A_3154 = arith.constant 5 : i32
    %shift_right_arithmetic3A_3155 = arith.shrsi %add3A_2569, %shift_right_arithmetic3A_3154 : i32
    %eq3A_3156 = arith.constant 0 : i32
    %eq3A_3157 = arith.cmpi eq, %shift_right_arithmetic3A_3155, %eq3A_3156 : i32
    %jit3A_3158 = arith.constant 65 : i32
    %select_n3A_3159 = arith.select %eq3A_3157, %add3A_3153, %jit3A_3158 : i32
    %get3A_3160 = arith.index_cast %select_n3A_3159 : i32 to index
    %get3A_3161 = arith.constant 0 : index
    %get3A_3162 = tpu.vector_load %arg4[%get3A_3160, %get3A_3161] {strides = array<i32>} : memref<66x16xf32, #tpu.memory_space<vmem>>, vector<1x16xf32>,
    %get3A_3163 = vector.shape_cast %get3A_3162 : vector<1x16xf32> to vector<16xf32>
    %swap3A_3164 = arith.constant 2 : i32
    %swap3A_3165 = arith.index_cast %swap3A_3164 : i32 to index
    %swap3A_3166 = arith.constant 464 : index
    %swap3A_3167 = tpu.vector_load %arg5[%swap3A_3165, %swap3A_3166] {strides = array<i32>} : memref<4x1024xf32, #tpu.memory_space<vmem>>, vector<1x16xf32>,
    %swap3A_3168 = vector.shape_cast %swap3A_3167 : vector<1x16xf32> to vector<16xf32>
    %swap3A_3169 = vector.shape_cast %get3A_3163 : vector<16xf32> to vector<1x16xf32>
    tpu.vector_store %arg5[%swap3A_3165, %swap3A_3166], %swap3A_3169 {strides = array<i32>} : memref<4x1024xf32, #tpu.memory_space<vmem>>, vector<1x16xf32>,
    %sub3A_3170 = arith.constant 30 : i32
    %sub3A_3171 = arith.subi %add3A_2569, %sub3A_3170 : i32
    %add3A_3172 = arith.constant 32 : i32
    %add3A_3173 = arith.addi %sub3A_3171, %add3A_3172 : i32
    %shift_right_arithmetic3A_3174 = arith.constant 5 : i32
    %shift_right_arithmetic3A_3175 = arith.shrsi %add3A_2569, %shift_right_arithmetic3A_3174 : i32
    %eq3A_3176 = arith.constant 0 : i32
    %eq3A_3177 = arith.cmpi eq, %shift_right_arithmetic3A_3175, %eq3A_3176 : i32
    %jit3A_3178 = arith.constant 65 : i32
    %select_n3A_3179 = arith.select %eq3A_3177, %add3A_3173, %jit3A_3178 : i32
    %get3A_3180 = arith.index_cast %select_n3A_3179 : i32 to index
    %get3A_3181 = arith.constant 0 : index
    %get3A_3182 = tpu.vector_load %arg4[%get3A_3180, %get3A_3181] {strides = array<i32>} : memref<66x16xf32, #tpu.memory_space<vmem>>, vector<1x16xf32>,
    %get3A_3183 = vector.shape_cast %get3A_3182 : vector<1x16xf32> to vector<16xf32>
    %swap3A_3184 = arith.constant 2 : i32
    %swap3A_3185 = arith.index_cast %swap3A_3184 : i32 to index
    %swap3A_3186 = arith.constant 480 : index
    %swap3A_3187 = tpu.vector_load %arg5[%swap3A_3185, %swap3A_3186] {strides = array<i32>} : memref<4x1024xf32, #tpu.memory_space<vmem>>, vector<1x16xf32>,
    %swap3A_3188 = vector.shape_cast %swap3A_3187 : vector<1x16xf32> to vector<16xf32>
    %swap3A_3189 = vector.shape_cast %get3A_3183 : vector<16xf32> to vector<1x16xf32>
    tpu.vector_store %arg5[%swap3A_3185, %swap3A_3186], %swap3A_3189 {strides = array<i32>} : memref<4x1024xf32, #tpu.memory_space<vmem>>, vector<1x16xf32>,
    %sub3A_3190 = arith.constant 31 : i32
    %sub3A_3191 = arith.subi %add3A_2569, %sub3A_3190 : i32
    %add3A_3192 = arith.constant 32 : i32
    %add3A_3193 = arith.addi %sub3A_3191, %add3A_3192 : i32
    %shift_right_arithmetic3A_3194 = arith.constant 5 : i32
    %shift_right_arithmetic3A_3195 = arith.shrsi %add3A_2569, %shift_right_arithmetic3A_3194 : i32
    %eq3A_3196 = arith.constant 0 : i32
    %eq3A_3197 = arith.cmpi eq, %shift_right_arithmetic3A_3195, %eq3A_3196 : i32
    %jit3A_3198 = arith.constant 65 : i32
    %select_n3A_3199 = arith.select %eq3A_3197, %add3A_3193, %jit3A_3198 : i32
    %get3A_3200 = arith.index_cast %select_n3A_3199 : i32 to index
    %get3A_3201 = arith.constant 0 : index
    %get3A_3202 = tpu.vector_load %arg4[%get3A_3200, %get3A_3201] {strides = array<i32>} : memref<66x16xf32, #tpu.memory_space<vmem>>, vector<1x16xf32>,
    %get3A_3203 = vector.shape_cast %get3A_3202 : vector<1x16xf32> to vector<16xf32>
    %swap3A_3204 = arith.constant 2 : i32
    %swap3A_3205 = arith.index_cast %swap3A_3204 : i32 to index
    %swap3A_3206 = arith.constant 496 : index
    %swap3A_3207 = tpu.vector_load %arg5[%swap3A_3205, %swap3A_3206] {strides = array<i32>} : memref<4x1024xf32, #tpu.memory_space<vmem>>, vector<1x16xf32>,
    %swap3A_3208 = vector.shape_cast %swap3A_3207 : vector<1x16xf32> to vector<16xf32>
    %swap3A_3209 = vector.shape_cast %get3A_3203 : vector<16xf32> to vector<1x16xf32>
    tpu.vector_store %arg5[%swap3A_3205, %swap3A_3206], %swap3A_3209 {strides = array<i32>} : memref<4x1024xf32, #tpu.memory_space<vmem>>, vector<1x16xf32>,
    %sub3A_3210 = arith.constant 32 : i32
    %sub3A_3211 = arith.subi %add3A_2569, %sub3A_3210 : i32
    %add3A_3212 = arith.constant 32 : i32
    %add3A_3213 = arith.addi %sub3A_3211, %add3A_3212 : i32
    %shift_right_arithmetic3A_3214 = arith.constant 5 : i32
    %shift_right_arithmetic3A_3215 = arith.shrsi %add3A_2569, %shift_right_arithmetic3A_3214 : i32
    %eq3A_3216 = arith.constant 1 : i32
    %eq3A_3217 = arith.cmpi eq, %shift_right_arithmetic3A_3215, %eq3A_3216 : i32
    %jit3A_3218 = arith.constant 65 : i32
    %select_n3A_3219 = arith.select %eq3A_3217, %add3A_3213, %jit3A_3218 : i32
    %get3A_3220 = arith.index_cast %select_n3A_3219 : i32 to index
    %get3A_3221 = arith.constant 0 : index
    %get3A_3222 = tpu.vector_load %arg4[%get3A_3220, %get3A_3221] {strides = array<i32>} : memref<66x16xf32, #tpu.memory_space<vmem>>, vector<1x16xf32>,
    %get3A_3223 = vector.shape_cast %get3A_3222 : vector<1x16xf32> to vector<16xf32>
    %swap3A_3224 = arith.constant 2 : i32
    %swap3A_3225 = arith.index_cast %swap3A_3224 : i32 to index
    %swap3A_3226 = arith.constant 512 : index
    %swap3A_3227 = tpu.vector_load %arg5[%swap3A_3225, %swap3A_3226] {strides = array<i32>} : memref<4x1024xf32, #tpu.memory_space<vmem>>, vector<1x16xf32>,
    %swap3A_3228 = vector.shape_cast %swap3A_3227 : vector<1x16xf32> to vector<16xf32>
    %swap3A_3229 = vector.shape_cast %get3A_3223 : vector<16xf32> to vector<1x16xf32>
    tpu.vector_store %arg5[%swap3A_3225, %swap3A_3226], %swap3A_3229 {strides = array<i32>} : memref<4x1024xf32, #tpu.memory_space<vmem>>, vector<1x16xf32>,
    %sub3A_3230 = arith.constant 33 : i32
    %sub3A_3231 = arith.subi %add3A_2569, %sub3A_3230 : i32
    %add3A_3232 = arith.constant 32 : i32
    %add3A_3233 = arith.addi %sub3A_3231, %add3A_3232 : i32
    %shift_right_arithmetic3A_3234 = arith.constant 5 : i32
    %shift_right_arithmetic3A_3235 = arith.shrsi %add3A_2569, %shift_right_arithmetic3A_3234 : i32
    %eq3A_3236 = arith.constant 1 : i32
    %eq3A_3237 = arith.cmpi eq, %shift_right_arithmetic3A_3235, %eq3A_3236 : i32
    %jit3A_3238 = arith.constant 65 : i32
    %select_n3A_3239 = arith.select %eq3A_3237, %add3A_3233, %jit3A_3238 : i32
    %get3A_3240 = arith.index_cast %select_n3A_3239 : i32 to index
    %get3A_3241 = arith.constant 0 : index
    %get3A_3242 = tpu.vector_load %arg4[%get3A_3240, %get3A_3241] {strides = array<i32>} : memref<66x16xf32, #tpu.memory_space<vmem>>, vector<1x16xf32>,
    %get3A_3243 = vector.shape_cast %get3A_3242 : vector<1x16xf32> to vector<16xf32>
    %swap3A_3244 = arith.constant 2 : i32
    %swap3A_3245 = arith.index_cast %swap3A_3244 : i32 to index
    %swap3A_3246 = arith.constant 528 : index
    %swap3A_3247 = tpu.vector_load %arg5[%swap3A_3245, %swap3A_3246] {strides = array<i32>} : memref<4x1024xf32, #tpu.memory_space<vmem>>, vector<1x16xf32>,
    %swap3A_3248 = vector.shape_cast %swap3A_3247 : vector<1x16xf32> to vector<16xf32>
    %swap3A_3249 = vector.shape_cast %get3A_3243 : vector<16xf32> to vector<1x16xf32>
    tpu.vector_store %arg5[%swap3A_3245, %swap3A_3246], %swap3A_3249 {strides = array<i32>} : memref<4x1024xf32, #tpu.memory_space<vmem>>, vector<1x16xf32>,
    %sub3A_3250 = arith.constant 34 : i32
    %sub3A_3251 = arith.subi %add3A_2569, %sub3A_3250 : i32
    %add3A_3252 = arith.constant 32 : i32
    %add3A_3253 = arith.addi %sub3A_3251, %add3A_3252 : i32
    %shift_right_arithmetic3A_3254 = arith.constant 5 : i32
    %shift_right_arithmetic3A_3255 = arith.shrsi %add3A_2569, %shift_right_arithmetic3A_3254 : i32
    %eq3A_3256 = arith.constant 1 : i32
    %eq3A_3257 = arith.cmpi eq, %shift_right_arithmetic3A_3255, %eq3A_3256 : i32
    %jit3A_3258 = arith.constant 65 : i32
    %select_n3A_3259 = arith.select %eq3A_3257, %add3A_3253, %jit3A_3258 : i32
    %get3A_3260 = arith.index_cast %select_n3A_3259 : i32 to index
    %get3A_3261 = arith.constant 0 : index
    %get3A_3262 = tpu.vector_load %arg4[%get3A_3260, %get3A_3261] {strides = array<i32>} : memref<66x16xf32, #tpu.memory_space<vmem>>, vector<1x16xf32>,
    %get3A_3263 = vector.shape_cast %get3A_3262 : vector<1x16xf32> to vector<16xf32>
    %swap3A_3264 = arith.constant 2 : i32
    %swap3A_3265 = arith.index_cast %swap3A_3264 : i32 to index
    %swap3A_3266 = arith.constant 544 : index
    %swap3A_3267 = tpu.vector_load %arg5[%swap3A_3265, %swap3A_3266] {strides = array<i32>} : memref<4x1024xf32, #tpu.memory_space<vmem>>, vector<1x16xf32>,
    %swap3A_3268 = vector.shape_cast %swap3A_3267 : vector<1x16xf32> to vector<16xf32>
    %swap3A_3269 = vector.shape_cast %get3A_3263 : vector<16xf32> to vector<1x16xf32>
    tpu.vector_store %arg5[%swap3A_3265, %swap3A_3266], %swap3A_3269 {strides = array<i32>} : memref<4x1024xf32, #tpu.memory_space<vmem>>, vector<1x16xf32>,
    %sub3A_3270 = arith.constant 35 : i32
    %sub3A_3271 = arith.subi %add3A_2569, %sub3A_3270 : i32
    %add3A_3272 = arith.constant 32 : i32
    %add3A_3273 = arith.addi %sub3A_3271, %add3A_3272 : i32
    %shift_right_arithmetic3A_3274 = arith.constant 5 : i32
    %shift_right_arithmetic3A_3275 = arith.shrsi %add3A_2569, %shift_right_arithmetic3A_3274 : i32
    %eq3A_3276 = arith.constant 1 : i32
    %eq3A_3277 = arith.cmpi eq, %shift_right_arithmetic3A_3275, %eq3A_3276 : i32
    %jit3A_3278 = arith.constant 65 : i32
    %select_n3A_3279 = arith.select %eq3A_3277, %add3A_3273, %jit3A_3278 : i32
    %get3A_3280 = arith.index_cast %select_n3A_3279 : i32 to index
    %get3A_3281 = arith.constant 0 : index
    %get3A_3282 = tpu.vector_load %arg4[%get3A_3280, %get3A_3281] {strides = array<i32>} : memref<66x16xf32, #tpu.memory_space<vmem>>, vector<1x16xf32>,
    %get3A_3283 = vector.shape_cast %get3A_3282 : vector<1x16xf32> to vector<16xf32>
    %swap3A_3284 = arith.constant 2 : i32
    %swap3A_3285 = arith.index_cast %swap3A_3284 : i32 to index
    %swap3A_3286 = arith.constant 560 : index
    %swap3A_3287 = tpu.vector_load %arg5[%swap3A_3285, %swap3A_3286] {strides = array<i32>} : memref<4x1024xf32, #tpu.memory_space<vmem>>, vector<1x16xf32>,
    %swap3A_3288 = vector.shape_cast %swap3A_3287 : vector<1x16xf32> to vector<16xf32>
    %swap3A_3289 = vector.shape_cast %get3A_3283 : vector<16xf32> to vector<1x16xf32>
    tpu.vector_store %arg5[%swap3A_3285, %swap3A_3286], %swap3A_3289 {strides = array<i32>} : memref<4x1024xf32, #tpu.memory_space<vmem>>, vector<1x16xf32>,
    %sub3A_3290 = arith.constant 36 : i32
    %sub3A_3291 = arith.subi %add3A_2569, %sub3A_3290 : i32
    %add3A_3292 = arith.constant 32 : i32
    %add3A_3293 = arith.addi %sub3A_3291, %add3A_3292 : i32
    %shift_right_arithmetic3A_3294 = arith.constant 5 : i32
    %shift_right_arithmetic3A_3295 = arith.shrsi %add3A_2569, %shift_right_arithmetic3A_3294 : i32
    %eq3A_3296 = arith.constant 1 : i32
    %eq3A_3297 = arith.cmpi eq, %shift_right_arithmetic3A_3295, %eq3A_3296 : i32
    %jit3A_3298 = arith.constant 65 : i32
    %select_n3A_3299 = arith.select %eq3A_3297, %add3A_3293, %jit3A_3298 : i32
    %get3A_3300 = arith.index_cast %select_n3A_3299 : i32 to index
    %get3A_3301 = arith.constant 0 : index
    %get3A_3302 = tpu.vector_load %arg4[%get3A_3300, %get3A_3301] {strides = array<i32>} : memref<66x16xf32, #tpu.memory_space<vmem>>, vector<1x16xf32>,
    %get3A_3303 = vector.shape_cast %get3A_3302 : vector<1x16xf32> to vector<16xf32>
    %swap3A_3304 = arith.constant 2 : i32
    %swap3A_3305 = arith.index_cast %swap3A_3304 : i32 to index
    %swap3A_3306 = arith.constant 576 : index
    %swap3A_3307 = tpu.vector_load %arg5[%swap3A_3305, %swap3A_3306] {strides = array<i32>} : memref<4x1024xf32, #tpu.memory_space<vmem>>, vector<1x16xf32>,
    %swap3A_3308 = vector.shape_cast %swap3A_3307 : vector<1x16xf32> to vector<16xf32>
    %swap3A_3309 = vector.shape_cast %get3A_3303 : vector<16xf32> to vector<1x16xf32>
    tpu.vector_store %arg5[%swap3A_3305, %swap3A_3306], %swap3A_3309 {strides = array<i32>} : memref<4x1024xf32, #tpu.memory_space<vmem>>, vector<1x16xf32>,
    %sub3A_3310 = arith.constant 37 : i32
    %sub3A_3311 = arith.subi %add3A_2569, %sub3A_3310 : i32
    %add3A_3312 = arith.constant 32 : i32
    %add3A_3313 = arith.addi %sub3A_3311, %add3A_3312 : i32
    %shift_right_arithmetic3A_3314 = arith.constant 5 : i32
    %shift_right_arithmetic3A_3315 = arith.shrsi %add3A_2569, %shift_right_arithmetic3A_3314 : i32
    %eq3A_3316 = arith.constant 1 : i32
    %eq3A_3317 = arith.cmpi eq, %shift_right_arithmetic3A_3315, %eq3A_3316 : i32
    %jit3A_3318 = arith.constant 65 : i32
    %select_n3A_3319 = arith.select %eq3A_3317, %add3A_3313, %jit3A_3318 : i32
    %get3A_3320 = arith.index_cast %select_n3A_3319 : i32 to index
    %get3A_3321 = arith.constant 0 : index
    %get3A_3322 = tpu.vector_load %arg4[%get3A_3320, %get3A_3321] {strides = array<i32>} : memref<66x16xf32, #tpu.memory_space<vmem>>, vector<1x16xf32>,
    %get3A_3323 = vector.shape_cast %get3A_3322 : vector<1x16xf32> to vector<16xf32>
    %swap3A_3324 = arith.constant 2 : i32
    %swap3A_3325 = arith.index_cast %swap3A_3324 : i32 to index
    %swap3A_3326 = arith.constant 592 : index
    %swap3A_3327 = tpu.vector_load %arg5[%swap3A_3325, %swap3A_3326] {strides = array<i32>} : memref<4x1024xf32, #tpu.memory_space<vmem>>, vector<1x16xf32>,
    %swap3A_3328 = vector.shape_cast %swap3A_3327 : vector<1x16xf32> to vector<16xf32>
    %swap3A_3329 = vector.shape_cast %get3A_3323 : vector<16xf32> to vector<1x16xf32>
    tpu.vector_store %arg5[%swap3A_3325, %swap3A_3326], %swap3A_3329 {strides = array<i32>} : memref<4x1024xf32, #tpu.memory_space<vmem>>, vector<1x16xf32>,
    %sub3A_3330 = arith.constant 38 : i32
    %sub3A_3331 = arith.subi %add3A_2569, %sub3A_3330 : i32
    %add3A_3332 = arith.constant 32 : i32
    %add3A_3333 = arith.addi %sub3A_3331, %add3A_3332 : i32
    %shift_right_arithmetic3A_3334 = arith.constant 5 : i32
    %shift_right_arithmetic3A_3335 = arith.shrsi %add3A_2569, %shift_right_arithmetic3A_3334 : i32
    %eq3A_3336 = arith.constant 1 : i32
    %eq3A_3337 = arith.cmpi eq, %shift_right_arithmetic3A_3335, %eq3A_3336 : i32
    %jit3A_3338 = arith.constant 65 : i32
    %select_n3A_3339 = arith.select %eq3A_3337, %add3A_3333, %jit3A_3338 : i32
    %get3A_3340 = arith.index_cast %select_n3A_3339 : i32 to index
    %get3A_3341 = arith.constant 0 : index
    %get3A_3342 = tpu.vector_load %arg4[%get3A_3340, %get3A_3341] {strides = array<i32>} : memref<66x16xf32, #tpu.memory_space<vmem>>, vector<1x16xf32>,
    %get3A_3343 = vector.shape_cast %get3A_3342 : vector<1x16xf32> to vector<16xf32>
    %swap3A_3344 = arith.constant 2 : i32
    %swap3A_3345 = arith.index_cast %swap3A_3344 : i32 to index
    %swap3A_3346 = arith.constant 608 : index
    %swap3A_3347 = tpu.vector_load %arg5[%swap3A_3345, %swap3A_3346] {strides = array<i32>} : memref<4x1024xf32, #tpu.memory_space<vmem>>, vector<1x16xf32>,
    %swap3A_3348 = vector.shape_cast %swap3A_3347 : vector<1x16xf32> to vector<16xf32>
    %swap3A_3349 = vector.shape_cast %get3A_3343 : vector<16xf32> to vector<1x16xf32>
    tpu.vector_store %arg5[%swap3A_3345, %swap3A_3346], %swap3A_3349 {strides = array<i32>} : memref<4x1024xf32, #tpu.memory_space<vmem>>, vector<1x16xf32>,
    %sub3A_3350 = arith.constant 39 : i32
    %sub3A_3351 = arith.subi %add3A_2569, %sub3A_3350 : i32
    %add3A_3352 = arith.constant 32 : i32
    %add3A_3353 = arith.addi %sub3A_3351, %add3A_3352 : i32
    %shift_right_arithmetic3A_3354 = arith.constant 5 : i32
    %shift_right_arithmetic3A_3355 = arith.shrsi %add3A_2569, %shift_right_arithmetic3A_3354 : i32
    %eq3A_3356 = arith.constant 1 : i32
    %eq3A_3357 = arith.cmpi eq, %shift_right_arithmetic3A_3355, %eq3A_3356 : i32
    %jit3A_3358 = arith.constant 65 : i32
    %select_n3A_3359 = arith.select %eq3A_3357, %add3A_3353, %jit3A_3358 : i32
    %get3A_3360 = arith.index_cast %select_n3A_3359 : i32 to index
    %get3A_3361 = arith.constant 0 : index
    %get3A_3362 = tpu.vector_load %arg4[%get3A_3360, %get3A_3361] {strides = array<i32>} : memref<66x16xf32, #tpu.memory_space<vmem>>, vector<1x16xf32>,
    %get3A_3363 = vector.shape_cast %get3A_3362 : vector<1x16xf32> to vector<16xf32>
    %swap3A_3364 = arith.constant 2 : i32
    %swap3A_3365 = arith.index_cast %swap3A_3364 : i32 to index
    %swap3A_3366 = arith.constant 624 : index
    %swap3A_3367 = tpu.vector_load %arg5[%swap3A_3365, %swap3A_3366] {strides = array<i32>} : memref<4x1024xf32, #tpu.memory_space<vmem>>, vector<1x16xf32>,
    %swap3A_3368 = vector.shape_cast %swap3A_3367 : vector<1x16xf32> to vector<16xf32>
    %swap3A_3369 = vector.shape_cast %get3A_3363 : vector<16xf32> to vector<1x16xf32>
    tpu.vector_store %arg5[%swap3A_3365, %swap3A_3366], %swap3A_3369 {strides = array<i32>} : memref<4x1024xf32, #tpu.memory_space<vmem>>, vector<1x16xf32>,
    %sub3A_3370 = arith.constant 40 : i32
    %sub3A_3371 = arith.subi %add3A_2569, %sub3A_3370 : i32
    %add3A_3372 = arith.constant 32 : i32
    %add3A_3373 = arith.addi %sub3A_3371, %add3A_3372 : i32
    %shift_right_arithmetic3A_3374 = arith.constant 5 : i32
    %shift_right_arithmetic3A_3375 = arith.shrsi %add3A_2569, %shift_right_arithmetic3A_3374 : i32
    %eq3A_3376 = arith.constant 1 : i32
    %eq3A_3377 = arith.cmpi eq, %shift_right_arithmetic3A_3375, %eq3A_3376 : i32
    %jit3A_3378 = arith.constant 65 : i32
    %select_n3A_3379 = arith.select %eq3A_3377, %add3A_3373, %jit3A_3378 : i32
    %get3A_3380 = arith.index_cast %select_n3A_3379 : i32 to index
    %get3A_3381 = arith.constant 0 : index
    %get3A_3382 = tpu.vector_load %arg4[%get3A_3380, %get3A_3381] {strides = array<i32>} : memref<66x16xf32, #tpu.memory_space<vmem>>, vector<1x16xf32>,
    %get3A_3383 = vector.shape_cast %get3A_3382 : vector<1x16xf32> to vector<16xf32>
    %swap3A_3384 = arith.constant 2 : i32
    %swap3A_3385 = arith.index_cast %swap3A_3384 : i32 to index
    %swap3A_3386 = arith.constant 640 : index
    %swap3A_3387 = tpu.vector_load %arg5[%swap3A_3385, %swap3A_3386] {strides = array<i32>} : memref<4x1024xf32, #tpu.memory_space<vmem>>, vector<1x16xf32>,
    %swap3A_3388 = vector.shape_cast %swap3A_3387 : vector<1x16xf32> to vector<16xf32>
    %swap3A_3389 = vector.shape_cast %get3A_3383 : vector<16xf32> to vector<1x16xf32>
    tpu.vector_store %arg5[%swap3A_3385, %swap3A_3386], %swap3A_3389 {strides = array<i32>} : memref<4x1024xf32, #tpu.memory_space<vmem>>, vector<1x16xf32>,
    %sub3A_3390 = arith.constant 41 : i32
    %sub3A_3391 = arith.subi %add3A_2569, %sub3A_3390 : i32
    %add3A_3392 = arith.constant 32 : i32
    %add3A_3393 = arith.addi %sub3A_3391, %add3A_3392 : i32
    %shift_right_arithmetic3A_3394 = arith.constant 5 : i32
    %shift_right_arithmetic3A_3395 = arith.shrsi %add3A_2569, %shift_right_arithmetic3A_3394 : i32
    %eq3A_3396 = arith.constant 1 : i32
    %eq3A_3397 = arith.cmpi eq, %shift_right_arithmetic3A_3395, %eq3A_3396 : i32
    %jit3A_3398 = arith.constant 65 : i32
    %select_n3A_3399 = arith.select %eq3A_3397, %add3A_3393, %jit3A_3398 : i32
    %get3A_3400 = arith.index_cast %select_n3A_3399 : i32 to index
    %get3A_3401 = arith.constant 0 : index
    %get3A_3402 = tpu.vector_load %arg4[%get3A_3400, %get3A_3401] {strides = array<i32>} : memref<66x16xf32, #tpu.memory_space<vmem>>, vector<1x16xf32>,
    %get3A_3403 = vector.shape_cast %get3A_3402 : vector<1x16xf32> to vector<16xf32>
    %swap3A_3404 = arith.constant 2 : i32
    %swap3A_3405 = arith.index_cast %swap3A_3404 : i32 to index
    %swap3A_3406 = arith.constant 656 : index
    %swap3A_3407 = tpu.vector_load %arg5[%swap3A_3405, %swap3A_3406] {strides = array<i32>} : memref<4x1024xf32, #tpu.memory_space<vmem>>, vector<1x16xf32>,
    %swap3A_3408 = vector.shape_cast %swap3A_3407 : vector<1x16xf32> to vector<16xf32>
    %swap3A_3409 = vector.shape_cast %get3A_3403 : vector<16xf32> to vector<1x16xf32>
    tpu.vector_store %arg5[%swap3A_3405, %swap3A_3406], %swap3A_3409 {strides = array<i32>} : memref<4x1024xf32, #tpu.memory_space<vmem>>, vector<1x16xf32>,
    %sub3A_3410 = arith.constant 42 : i32
    %sub3A_3411 = arith.subi %add3A_2569, %sub3A_3410 : i32
    %add3A_3412 = arith.constant 32 : i32
    %add3A_3413 = arith.addi %sub3A_3411, %add3A_3412 : i32
    %shift_right_arithmetic3A_3414 = arith.constant 5 : i32
    %shift_right_arithmetic3A_3415 = arith.shrsi %add3A_2569, %shift_right_arithmetic3A_3414 : i32
    %eq3A_3416 = arith.constant 1 : i32
    %eq3A_3417 = arith.cmpi eq, %shift_right_arithmetic3A_3415, %eq3A_3416 : i32
    %jit3A_3418 = arith.constant 65 : i32
    %select_n3A_3419 = arith.select %eq3A_3417, %add3A_3413, %jit3A_3418 : i32
    %get3A_3420 = arith.index_cast %select_n3A_3419 : i32 to index
    %get3A_3421 = arith.constant 0 : index
    %get3A_3422 = tpu.vector_load %arg4[%get3A_3420, %get3A_3421] {strides = array<i32>} : memref<66x16xf32, #tpu.memory_space<vmem>>, vector<1x16xf32>,
    %get3A_3423 = vector.shape_cast %get3A_3422 : vector<1x16xf32> to vector<16xf32>
    %swap3A_3424 = arith.constant 2 : i32
    %swap3A_3425 = arith.index_cast %swap3A_3424 : i32 to index
    %swap3A_3426 = arith.constant 672 : index
    %swap3A_3427 = tpu.vector_load %arg5[%swap3A_3425, %swap3A_3426] {strides = array<i32>} : memref<4x1024xf32, #tpu.memory_space<vmem>>, vector<1x16xf32>,
    %swap3A_3428 = vector.shape_cast %swap3A_3427 : vector<1x16xf32> to vector<16xf32>
    %swap3A_3429 = vector.shape_cast %get3A_3423 : vector<16xf32> to vector<1x16xf32>
    tpu.vector_store %arg5[%swap3A_3425, %swap3A_3426], %swap3A_3429 {strides = array<i32>} : memref<4x1024xf32, #tpu.memory_space<vmem>>, vector<1x16xf32>,
    %sub3A_3430 = arith.constant 43 : i32
    %sub3A_3431 = arith.subi %add3A_2569, %sub3A_3430 : i32
    %add3A_3432 = arith.constant 32 : i32
    %add3A_3433 = arith.addi %sub3A_3431, %add3A_3432 : i32
    %shift_right_arithmetic3A_3434 = arith.constant 5 : i32
    %shift_right_arithmetic3A_3435 = arith.shrsi %add3A_2569, %shift_right_arithmetic3A_3434 : i32
    %eq3A_3436 = arith.constant 1 : i32
    %eq3A_3437 = arith.cmpi eq, %shift_right_arithmetic3A_3435, %eq3A_3436 : i32
    %jit3A_3438 = arith.constant 65 : i32
    %select_n3A_3439 = arith.select %eq3A_3437, %add3A_3433, %jit3A_3438 : i32
    %get3A_3440 = arith.index_cast %select_n3A_3439 : i32 to index
    %get3A_3441 = arith.constant 0 : index
    %get3A_3442 = tpu.vector_load %arg4[%get3A_3440, %get3A_3441] {strides = array<i32>} : memref<66x16xf32, #tpu.memory_space<vmem>>, vector<1x16xf32>,
    %get3A_3443 = vector.shape_cast %get3A_3442 : vector<1x16xf32> to vector<16xf32>
    %swap3A_3444 = arith.constant 2 : i32
    %swap3A_3445 = arith.index_cast %swap3A_3444 : i32 to index
    %swap3A_3446 = arith.constant 688 : index
    %swap3A_3447 = tpu.vector_load %arg5[%swap3A_3445, %swap3A_3446] {strides = array<i32>} : memref<4x1024xf32, #tpu.memory_space<vmem>>, vector<1x16xf32>,
    %swap3A_3448 = vector.shape_cast %swap3A_3447 : vector<1x16xf32> to vector<16xf32>
    %swap3A_3449 = vector.shape_cast %get3A_3443 : vector<16xf32> to vector<1x16xf32>
    tpu.vector_store %arg5[%swap3A_3445, %swap3A_3446], %swap3A_3449 {strides = array<i32>} : memref<4x1024xf32, #tpu.memory_space<vmem>>, vector<1x16xf32>,
    %sub3A_3450 = arith.constant 44 : i32
    %sub3A_3451 = arith.subi %add3A_2569, %sub3A_3450 : i32
    %add3A_3452 = arith.constant 32 : i32
    %add3A_3453 = arith.addi %sub3A_3451, %add3A_3452 : i32
    %shift_right_arithmetic3A_3454 = arith.constant 5 : i32
    %shift_right_arithmetic3A_3455 = arith.shrsi %add3A_2569, %shift_right_arithmetic3A_3454 : i32
    %eq3A_3456 = arith.constant 1 : i32
    %eq3A_3457 = arith.cmpi eq, %shift_right_arithmetic3A_3455, %eq3A_3456 : i32
    %jit3A_3458 = arith.constant 65 : i32
    %select_n3A_3459 = arith.select %eq3A_3457, %add3A_3453, %jit3A_3458 : i32
    %get3A_3460 = arith.index_cast %select_n3A_3459 : i32 to index
    %get3A_3461 = arith.constant 0 : index
    %get3A_3462 = tpu.vector_load %arg4[%get3A_3460, %get3A_3461] {strides = array<i32>} : memref<66x16xf32, #tpu.memory_space<vmem>>, vector<1x16xf32>,
    %get3A_3463 = vector.shape_cast %get3A_3462 : vector<1x16xf32> to vector<16xf32>
    %swap3A_3464 = arith.constant 2 : i32
    %swap3A_3465 = arith.index_cast %swap3A_3464 : i32 to index
    %swap3A_3466 = arith.constant 704 : index
    %swap3A_3467 = tpu.vector_load %arg5[%swap3A_3465, %swap3A_3466] {strides = array<i32>} : memref<4x1024xf32, #tpu.memory_space<vmem>>, vector<1x16xf32>,
    %swap3A_3468 = vector.shape_cast %swap3A_3467 : vector<1x16xf32> to vector<16xf32>
    %swap3A_3469 = vector.shape_cast %get3A_3463 : vector<16xf32> to vector<1x16xf32>
    tpu.vector_store %arg5[%swap3A_3465, %swap3A_3466], %swap3A_3469 {strides = array<i32>} : memref<4x1024xf32, #tpu.memory_space<vmem>>, vector<1x16xf32>,
    %sub3A_3470 = arith.constant 45 : i32
    %sub3A_3471 = arith.subi %add3A_2569, %sub3A_3470 : i32
    %add3A_3472 = arith.constant 32 : i32
    %add3A_3473 = arith.addi %sub3A_3471, %add3A_3472 : i32
    %shift_right_arithmetic3A_3474 = arith.constant 5 : i32
    %shift_right_arithmetic3A_3475 = arith.shrsi %add3A_2569, %shift_right_arithmetic3A_3474 : i32
    %eq3A_3476 = arith.constant 1 : i32
    %eq3A_3477 = arith.cmpi eq, %shift_right_arithmetic3A_3475, %eq3A_3476 : i32
    %jit3A_3478 = arith.constant 65 : i32
    %select_n3A_3479 = arith.select %eq3A_3477, %add3A_3473, %jit3A_3478 : i32
    %get3A_3480 = arith.index_cast %select_n3A_3479 : i32 to index
    %get3A_3481 = arith.constant 0 : index
    %get3A_3482 = tpu.vector_load %arg4[%get3A_3480, %get3A_3481] {strides = array<i32>} : memref<66x16xf32, #tpu.memory_space<vmem>>, vector<1x16xf32>,
    %get3A_3483 = vector.shape_cast %get3A_3482 : vector<1x16xf32> to vector<16xf32>
    %swap3A_3484 = arith.constant 2 : i32
    %swap3A_3485 = arith.index_cast %swap3A_3484 : i32 to index
    %swap3A_3486 = arith.constant 720 : index
    %swap3A_3487 = tpu.vector_load %arg5[%swap3A_3485, %swap3A_3486] {strides = array<i32>} : memref<4x1024xf32, #tpu.memory_space<vmem>>, vector<1x16xf32>,
    %swap3A_3488 = vector.shape_cast %swap3A_3487 : vector<1x16xf32> to vector<16xf32>
    %swap3A_3489 = vector.shape_cast %get3A_3483 : vector<16xf32> to vector<1x16xf32>
    tpu.vector_store %arg5[%swap3A_3485, %swap3A_3486], %swap3A_3489 {strides = array<i32>} : memref<4x1024xf32, #tpu.memory_space<vmem>>, vector<1x16xf32>,
    %sub3A_3490 = arith.constant 46 : i32
    %sub3A_3491 = arith.subi %add3A_2569, %sub3A_3490 : i32
    %add3A_3492 = arith.constant 32 : i32
    %add3A_3493 = arith.addi %sub3A_3491, %add3A_3492 : i32
    %shift_right_arithmetic3A_3494 = arith.constant 5 : i32
    %shift_right_arithmetic3A_3495 = arith.shrsi %add3A_2569, %shift_right_arithmetic3A_3494 : i32
    %eq3A_3496 = arith.constant 1 : i32
    %eq3A_3497 = arith.cmpi eq, %shift_right_arithmetic3A_3495, %eq3A_3496 : i32
    %jit3A_3498 = arith.constant 65 : i32
    %select_n3A_3499 = arith.select %eq3A_3497, %add3A_3493, %jit3A_3498 : i32
    %get3A_3500 = arith.index_cast %select_n3A_3499 : i32 to index
    %get3A_3501 = arith.constant 0 : index
    %get3A_3502 = tpu.vector_load %arg4[%get3A_3500, %get3A_3501] {strides = array<i32>} : memref<66x16xf32, #tpu.memory_space<vmem>>, vector<1x16xf32>,
    %get3A_3503 = vector.shape_cast %get3A_3502 : vector<1x16xf32> to vector<16xf32>
    %swap3A_3504 = arith.constant 2 : i32
    %swap3A_3505 = arith.index_cast %swap3A_3504 : i32 to index
    %swap3A_3506 = arith.constant 736 : index
    %swap3A_3507 = tpu.vector_load %arg5[%swap3A_3505, %swap3A_3506] {strides = array<i32>} : memref<4x1024xf32, #tpu.memory_space<vmem>>, vector<1x16xf32>,
    %swap3A_3508 = vector.shape_cast %swap3A_3507 : vector<1x16xf32> to vector<16xf32>
    %swap3A_3509 = vector.shape_cast %get3A_3503 : vector<16xf32> to vector<1x16xf32>
    tpu.vector_store %arg5[%swap3A_3505, %swap3A_3506], %swap3A_3509 {strides = array<i32>} : memref<4x1024xf32, #tpu.memory_space<vmem>>, vector<1x16xf32>,
    %sub3A_3510 = arith.constant 47 : i32
    %sub3A_3511 = arith.subi %add3A_2569, %sub3A_3510 : i32
    %add3A_3512 = arith.constant 32 : i32
    %add3A_3513 = arith.addi %sub3A_3511, %add3A_3512 : i32
    %shift_right_arithmetic3A_3514 = arith.constant 5 : i32
    %shift_right_arithmetic3A_3515 = arith.shrsi %add3A_2569, %shift_right_arithmetic3A_3514 : i32
    %eq3A_3516 = arith.constant 1 : i32
    %eq3A_3517 = arith.cmpi eq, %shift_right_arithmetic3A_3515, %eq3A_3516 : i32
    %jit3A_3518 = arith.constant 65 : i32
    %select_n3A_3519 = arith.select %eq3A_3517, %add3A_3513, %jit3A_3518 : i32
    %get3A_3520 = arith.index_cast %select_n3A_3519 : i32 to index
    %get3A_3521 = arith.constant 0 : index
    %get3A_3522 = tpu.vector_load %arg4[%get3A_3520, %get3A_3521] {strides = array<i32>} : memref<66x16xf32, #tpu.memory_space<vmem>>, vector<1x16xf32>,
    %get3A_3523 = vector.shape_cast %get3A_3522 : vector<1x16xf32> to vector<16xf32>
    %swap3A_3524 = arith.constant 2 : i32
    %swap3A_3525 = arith.index_cast %swap3A_3524 : i32 to index
    %swap3A_3526 = arith.constant 752 : index
    %swap3A_3527 = tpu.vector_load %arg5[%swap3A_3525, %swap3A_3526] {strides = array<i32>} : memref<4x1024xf32, #tpu.memory_space<vmem>>, vector<1x16xf32>,
    %swap3A_3528 = vector.shape_cast %swap3A_3527 : vector<1x16xf32> to vector<16xf32>
    %swap3A_3529 = vector.shape_cast %get3A_3523 : vector<16xf32> to vector<1x16xf32>
    tpu.vector_store %arg5[%swap3A_3525, %swap3A_3526], %swap3A_3529 {strides = array<i32>} : memref<4x1024xf32, #tpu.memory_space<vmem>>, vector<1x16xf32>,
    %sub3A_3530 = arith.constant 48 : i32
    %sub3A_3531 = arith.subi %add3A_2569, %sub3A_3530 : i32
    %add3A_3532 = arith.constant 32 : i32
    %add3A_3533 = arith.addi %sub3A_3531, %add3A_3532 : i32
    %shift_right_arithmetic3A_3534 = arith.constant 5 : i32
    %shift_right_arithmetic3A_3535 = arith.shrsi %add3A_2569, %shift_right_arithmetic3A_3534 : i32
    %eq3A_3536 = arith.constant 1 : i32
    %eq3A_3537 = arith.cmpi eq, %shift_right_arithmetic3A_3535, %eq3A_3536 : i32
    %jit3A_3538 = arith.constant 65 : i32
    %select_n3A_3539 = arith.select %eq3A_3537, %add3A_3533, %jit3A_3538 : i32
    %get3A_3540 = arith.index_cast %select_n3A_3539 : i32 to index
    %get3A_3541 = arith.constant 0 : index
    %get3A_3542 = tpu.vector_load %arg4[%get3A_3540, %get3A_3541] {strides = array<i32>} : memref<66x16xf32, #tpu.memory_space<vmem>>, vector<1x16xf32>,
    %get3A_3543 = vector.shape_cast %get3A_3542 : vector<1x16xf32> to vector<16xf32>
    %swap3A_3544 = arith.constant 2 : i32
    %swap3A_3545 = arith.index_cast %swap3A_3544 : i32 to index
    %swap3A_3546 = arith.constant 768 : index
    %swap3A_3547 = tpu.vector_load %arg5[%swap3A_3545, %swap3A_3546] {strides = array<i32>} : memref<4x1024xf32, #tpu.memory_space<vmem>>, vector<1x16xf32>,
    %swap3A_3548 = vector.shape_cast %swap3A_3547 : vector<1x16xf32> to vector<16xf32>
    %swap3A_3549 = vector.shape_cast %get3A_3543 : vector<16xf32> to vector<1x16xf32>
    tpu.vector_store %arg5[%swap3A_3545, %swap3A_3546], %swap3A_3549 {strides = array<i32>} : memref<4x1024xf32, #tpu.memory_space<vmem>>, vector<1x16xf32>,
    %sub3A_3550 = arith.constant 49 : i32
    %sub3A_3551 = arith.subi %add3A_2569, %sub3A_3550 : i32
    %add3A_3552 = arith.constant 32 : i32
    %add3A_3553 = arith.addi %sub3A_3551, %add3A_3552 : i32
    %shift_right_arithmetic3A_3554 = arith.constant 5 : i32
    %shift_right_arithmetic3A_3555 = arith.shrsi %add3A_2569, %shift_right_arithmetic3A_3554 : i32
    %eq3A_3556 = arith.constant 1 : i32
    %eq3A_3557 = arith.cmpi eq, %shift_right_arithmetic3A_3555, %eq3A_3556 : i32
    %jit3A_3558 = arith.constant 65 : i32
    %select_n3A_3559 = arith.select %eq3A_3557, %add3A_3553, %jit3A_3558 : i32
    %get3A_3560 = arith.index_cast %select_n3A_3559 : i32 to index
    %get3A_3561 = arith.constant 0 : index
    %get3A_3562 = tpu.vector_load %arg4[%get3A_3560, %get3A_3561] {strides = array<i32>} : memref<66x16xf32, #tpu.memory_space<vmem>>, vector<1x16xf32>,
    %get3A_3563 = vector.shape_cast %get3A_3562 : vector<1x16xf32> to vector<16xf32>
    %swap3A_3564 = arith.constant 2 : i32
    %swap3A_3565 = arith.index_cast %swap3A_3564 : i32 to index
    %swap3A_3566 = arith.constant 784 : index
    %swap3A_3567 = tpu.vector_load %arg5[%swap3A_3565, %swap3A_3566] {strides = array<i32>} : memref<4x1024xf32, #tpu.memory_space<vmem>>, vector<1x16xf32>,
    %swap3A_3568 = vector.shape_cast %swap3A_3567 : vector<1x16xf32> to vector<16xf32>
    %swap3A_3569 = vector.shape_cast %get3A_3563 : vector<16xf32> to vector<1x16xf32>
    tpu.vector_store %arg5[%swap3A_3565, %swap3A_3566], %swap3A_3569 {strides = array<i32>} : memref<4x1024xf32, #tpu.memory_space<vmem>>, vector<1x16xf32>,
    %sub3A_3570 = arith.constant 50 : i32
    %sub3A_3571 = arith.subi %add3A_2569, %sub3A_3570 : i32
    %add3A_3572 = arith.constant 32 : i32
    %add3A_3573 = arith.addi %sub3A_3571, %add3A_3572 : i32
    %shift_right_arithmetic3A_3574 = arith.constant 5 : i32
    %shift_right_arithmetic3A_3575 = arith.shrsi %add3A_2569, %shift_right_arithmetic3A_3574 : i32
    %eq3A_3576 = arith.constant 1 : i32
    %eq3A_3577 = arith.cmpi eq, %shift_right_arithmetic3A_3575, %eq3A_3576 : i32
    %jit3A_3578 = arith.constant 65 : i32
    %select_n3A_3579 = arith.select %eq3A_3577, %add3A_3573, %jit3A_3578 : i32
    %get3A_3580 = arith.index_cast %select_n3A_3579 : i32 to index
    %get3A_3581 = arith.constant 0 : index
    %get3A_3582 = tpu.vector_load %arg4[%get3A_3580, %get3A_3581] {strides = array<i32>} : memref<66x16xf32, #tpu.memory_space<vmem>>, vector<1x16xf32>,
    %get3A_3583 = vector.shape_cast %get3A_3582 : vector<1x16xf32> to vector<16xf32>
    %swap3A_3584 = arith.constant 2 : i32
    %swap3A_3585 = arith.index_cast %swap3A_3584 : i32 to index
    %swap3A_3586 = arith.constant 800 : index
    %swap3A_3587 = tpu.vector_load %arg5[%swap3A_3585, %swap3A_3586] {strides = array<i32>} : memref<4x1024xf32, #tpu.memory_space<vmem>>, vector<1x16xf32>,
    %swap3A_3588 = vector.shape_cast %swap3A_3587 : vector<1x16xf32> to vector<16xf32>
    %swap3A_3589 = vector.shape_cast %get3A_3583 : vector<16xf32> to vector<1x16xf32>
    tpu.vector_store %arg5[%swap3A_3585, %swap3A_3586], %swap3A_3589 {strides = array<i32>} : memref<4x1024xf32, #tpu.memory_space<vmem>>, vector<1x16xf32>,
    %sub3A_3590 = arith.constant 51 : i32
    %sub3A_3591 = arith.subi %add3A_2569, %sub3A_3590 : i32
    %add3A_3592 = arith.constant 32 : i32
    %add3A_3593 = arith.addi %sub3A_3591, %add3A_3592 : i32
    %shift_right_arithmetic3A_3594 = arith.constant 5 : i32
    %shift_right_arithmetic3A_3595 = arith.shrsi %add3A_2569, %shift_right_arithmetic3A_3594 : i32
    %eq3A_3596 = arith.constant 1 : i32
    %eq3A_3597 = arith.cmpi eq, %shift_right_arithmetic3A_3595, %eq3A_3596 : i32
    %jit3A_3598 = arith.constant 65 : i32
    %select_n3A_3599 = arith.select %eq3A_3597, %add3A_3593, %jit3A_3598 : i32
    %get3A_3600 = arith.index_cast %select_n3A_3599 : i32 to index
    %get3A_3601 = arith.constant 0 : index
    %get3A_3602 = tpu.vector_load %arg4[%get3A_3600, %get3A_3601] {strides = array<i32>} : memref<66x16xf32, #tpu.memory_space<vmem>>, vector<1x16xf32>,
    %get3A_3603 = vector.shape_cast %get3A_3602 : vector<1x16xf32> to vector<16xf32>
    %swap3A_3604 = arith.constant 2 : i32
    %swap3A_3605 = arith.index_cast %swap3A_3604 : i32 to index
    %swap3A_3606 = arith.constant 816 : index
    %swap3A_3607 = tpu.vector_load %arg5[%swap3A_3605, %swap3A_3606] {strides = array<i32>} : memref<4x1024xf32, #tpu.memory_space<vmem>>, vector<1x16xf32>,
    %swap3A_3608 = vector.shape_cast %swap3A_3607 : vector<1x16xf32> to vector<16xf32>
    %swap3A_3609 = vector.shape_cast %get3A_3603 : vector<16xf32> to vector<1x16xf32>
    tpu.vector_store %arg5[%swap3A_3605, %swap3A_3606], %swap3A_3609 {strides = array<i32>} : memref<4x1024xf32, #tpu.memory_space<vmem>>, vector<1x16xf32>,
    %sub3A_3610 = arith.constant 52 : i32
    %sub3A_3611 = arith.subi %add3A_2569, %sub3A_3610 : i32
    %add3A_3612 = arith.constant 32 : i32
    %add3A_3613 = arith.addi %sub3A_3611, %add3A_3612 : i32
    %shift_right_arithmetic3A_3614 = arith.constant 5 : i32
    %shift_right_arithmetic3A_3615 = arith.shrsi %add3A_2569, %shift_right_arithmetic3A_3614 : i32
    %eq3A_3616 = arith.constant 1 : i32
    %eq3A_3617 = arith.cmpi eq, %shift_right_arithmetic3A_3615, %eq3A_3616 : i32
    %jit3A_3618 = arith.constant 65 : i32
    %select_n3A_3619 = arith.select %eq3A_3617, %add3A_3613, %jit3A_3618 : i32
    %get3A_3620 = arith.index_cast %select_n3A_3619 : i32 to index
    %get3A_3621 = arith.constant 0 : index
    %get3A_3622 = tpu.vector_load %arg4[%get3A_3620, %get3A_3621] {strides = array<i32>} : memref<66x16xf32, #tpu.memory_space<vmem>>, vector<1x16xf32>,
    %get3A_3623 = vector.shape_cast %get3A_3622 : vector<1x16xf32> to vector<16xf32>
    %swap3A_3624 = arith.constant 2 : i32
    %swap3A_3625 = arith.index_cast %swap3A_3624 : i32 to index
    %swap3A_3626 = arith.constant 832 : index
    %swap3A_3627 = tpu.vector_load %arg5[%swap3A_3625, %swap3A_3626] {strides = array<i32>} : memref<4x1024xf32, #tpu.memory_space<vmem>>, vector<1x16xf32>,
    %swap3A_3628 = vector.shape_cast %swap3A_3627 : vector<1x16xf32> to vector<16xf32>
    %swap3A_3629 = vector.shape_cast %get3A_3623 : vector<16xf32> to vector<1x16xf32>
    tpu.vector_store %arg5[%swap3A_3625, %swap3A_3626], %swap3A_3629 {strides = array<i32>} : memref<4x1024xf32, #tpu.memory_space<vmem>>, vector<1x16xf32>,
    %sub3A_3630 = arith.constant 53 : i32
    %sub3A_3631 = arith.subi %add3A_2569, %sub3A_3630 : i32
    %add3A_3632 = arith.constant 32 : i32
    %add3A_3633 = arith.addi %sub3A_3631, %add3A_3632 : i32
    %shift_right_arithmetic3A_3634 = arith.constant 5 : i32
    %shift_right_arithmetic3A_3635 = arith.shrsi %add3A_2569, %shift_right_arithmetic3A_3634 : i32
    %eq3A_3636 = arith.constant 1 : i32
    %eq3A_3637 = arith.cmpi eq, %shift_right_arithmetic3A_3635, %eq3A_3636 : i32
    %jit3A_3638 = arith.constant 65 : i32
    %select_n3A_3639 = arith.select %eq3A_3637, %add3A_3633, %jit3A_3638 : i32
    %get3A_3640 = arith.index_cast %select_n3A_3639 : i32 to index
    %get3A_3641 = arith.constant 0 : index
    %get3A_3642 = tpu.vector_load %arg4[%get3A_3640, %get3A_3641] {strides = array<i32>} : memref<66x16xf32, #tpu.memory_space<vmem>>, vector<1x16xf32>,
    %get3A_3643 = vector.shape_cast %get3A_3642 : vector<1x16xf32> to vector<16xf32>
    %swap3A_3644 = arith.constant 2 : i32
    %swap3A_3645 = arith.index_cast %swap3A_3644 : i32 to index
    %swap3A_3646 = arith.constant 848 : index
    %swap3A_3647 = tpu.vector_load %arg5[%swap3A_3645, %swap3A_3646] {strides = array<i32>} : memref<4x1024xf32, #tpu.memory_space<vmem>>, vector<1x16xf32>,
    %swap3A_3648 = vector.shape_cast %swap3A_3647 : vector<1x16xf32> to vector<16xf32>
    %swap3A_3649 = vector.shape_cast %get3A_3643 : vector<16xf32> to vector<1x16xf32>
    tpu.vector_store %arg5[%swap3A_3645, %swap3A_3646], %swap3A_3649 {strides = array<i32>} : memref<4x1024xf32, #tpu.memory_space<vmem>>, vector<1x16xf32>,
    %sub3A_3650 = arith.constant 54 : i32
    %sub3A_3651 = arith.subi %add3A_2569, %sub3A_3650 : i32
    %add3A_3652 = arith.constant 32 : i32
    %add3A_3653 = arith.addi %sub3A_3651, %add3A_3652 : i32
    %shift_right_arithmetic3A_3654 = arith.constant 5 : i32
    %shift_right_arithmetic3A_3655 = arith.shrsi %add3A_2569, %shift_right_arithmetic3A_3654 : i32
    %eq3A_3656 = arith.constant 1 : i32
    %eq3A_3657 = arith.cmpi eq, %shift_right_arithmetic3A_3655, %eq3A_3656 : i32
    %jit3A_3658 = arith.constant 65 : i32
    %select_n3A_3659 = arith.select %eq3A_3657, %add3A_3653, %jit3A_3658 : i32
    %get3A_3660 = arith.index_cast %select_n3A_3659 : i32 to index
    %get3A_3661 = arith.constant 0 : index
    %get3A_3662 = tpu.vector_load %arg4[%get3A_3660, %get3A_3661] {strides = array<i32>} : memref<66x16xf32, #tpu.memory_space<vmem>>, vector<1x16xf32>,
    %get3A_3663 = vector.shape_cast %get3A_3662 : vector<1x16xf32> to vector<16xf32>
    %swap3A_3664 = arith.constant 2 : i32
    %swap3A_3665 = arith.index_cast %swap3A_3664 : i32 to index
    %swap3A_3666 = arith.constant 864 : index
    %swap3A_3667 = tpu.vector_load %arg5[%swap3A_3665, %swap3A_3666] {strides = array<i32>} : memref<4x1024xf32, #tpu.memory_space<vmem>>, vector<1x16xf32>,
    %swap3A_3668 = vector.shape_cast %swap3A_3667 : vector<1x16xf32> to vector<16xf32>
    %swap3A_3669 = vector.shape_cast %get3A_3663 : vector<16xf32> to vector<1x16xf32>
    tpu.vector_store %arg5[%swap3A_3665, %swap3A_3666], %swap3A_3669 {strides = array<i32>} : memref<4x1024xf32, #tpu.memory_space<vmem>>, vector<1x16xf32>,
    %sub3A_3670 = arith.constant 55 : i32
    %sub3A_3671 = arith.subi %add3A_2569, %sub3A_3670 : i32
    %add3A_3672 = arith.constant 32 : i32
    %add3A_3673 = arith.addi %sub3A_3671, %add3A_3672 : i32
    %shift_right_arithmetic3A_3674 = arith.constant 5 : i32
    %shift_right_arithmetic3A_3675 = arith.shrsi %add3A_2569, %shift_right_arithmetic3A_3674 : i32
    %eq3A_3676 = arith.constant 1 : i32
    %eq3A_3677 = arith.cmpi eq, %shift_right_arithmetic3A_3675, %eq3A_3676 : i32
    %jit3A_3678 = arith.constant 65 : i32
    %select_n3A_3679 = arith.select %eq3A_3677, %add3A_3673, %jit3A_3678 : i32
    %get3A_3680 = arith.index_cast %select_n3A_3679 : i32 to index
    %get3A_3681 = arith.constant 0 : index
    %get3A_3682 = tpu.vector_load %arg4[%get3A_3680, %get3A_3681] {strides = array<i32>} : memref<66x16xf32, #tpu.memory_space<vmem>>, vector<1x16xf32>,
    %get3A_3683 = vector.shape_cast %get3A_3682 : vector<1x16xf32> to vector<16xf32>
    %swap3A_3684 = arith.constant 2 : i32
    %swap3A_3685 = arith.index_cast %swap3A_3684 : i32 to index
    %swap3A_3686 = arith.constant 880 : index
    %swap3A_3687 = tpu.vector_load %arg5[%swap3A_3685, %swap3A_3686] {strides = array<i32>} : memref<4x1024xf32, #tpu.memory_space<vmem>>, vector<1x16xf32>,
    %swap3A_3688 = vector.shape_cast %swap3A_3687 : vector<1x16xf32> to vector<16xf32>
    %swap3A_3689 = vector.shape_cast %get3A_3683 : vector<16xf32> to vector<1x16xf32>
    tpu.vector_store %arg5[%swap3A_3685, %swap3A_3686], %swap3A_3689 {strides = array<i32>} : memref<4x1024xf32, #tpu.memory_space<vmem>>, vector<1x16xf32>,
    %sub3A_3690 = arith.constant 56 : i32
    %sub3A_3691 = arith.subi %add3A_2569, %sub3A_3690 : i32
    %add3A_3692 = arith.constant 32 : i32
    %add3A_3693 = arith.addi %sub3A_3691, %add3A_3692 : i32
    %shift_right_arithmetic3A_3694 = arith.constant 5 : i32
    %shift_right_arithmetic3A_3695 = arith.shrsi %add3A_2569, %shift_right_arithmetic3A_3694 : i32
    %eq3A_3696 = arith.constant 1 : i32
    %eq3A_3697 = arith.cmpi eq, %shift_right_arithmetic3A_3695, %eq3A_3696 : i32
    %jit3A_3698 = arith.constant 65 : i32
    %select_n3A_3699 = arith.select %eq3A_3697, %add3A_3693, %jit3A_3698 : i32
    %get3A_3700 = arith.index_cast %select_n3A_3699 : i32 to index
    %get3A_3701 = arith.constant 0 : index
    %get3A_3702 = tpu.vector_load %arg4[%get3A_3700, %get3A_3701] {strides = array<i32>} : memref<66x16xf32, #tpu.memory_space<vmem>>, vector<1x16xf32>,
    %get3A_3703 = vector.shape_cast %get3A_3702 : vector<1x16xf32> to vector<16xf32>
    %swap3A_3704 = arith.constant 2 : i32
    %swap3A_3705 = arith.index_cast %swap3A_3704 : i32 to index
    %swap3A_3706 = arith.constant 896 : index
    %swap3A_3707 = tpu.vector_load %arg5[%swap3A_3705, %swap3A_3706] {strides = array<i32>} : memref<4x1024xf32, #tpu.memory_space<vmem>>, vector<1x16xf32>,
    %swap3A_3708 = vector.shape_cast %swap3A_3707 : vector<1x16xf32> to vector<16xf32>
    %swap3A_3709 = vector.shape_cast %get3A_3703 : vector<16xf32> to vector<1x16xf32>
    tpu.vector_store %arg5[%swap3A_3705, %swap3A_3706], %swap3A_3709 {strides = array<i32>} : memref<4x1024xf32, #tpu.memory_space<vmem>>, vector<1x16xf32>,
    %sub3A_3710 = arith.constant 57 : i32
    %sub3A_3711 = arith.subi %add3A_2569, %sub3A_3710 : i32
    %add3A_3712 = arith.constant 32 : i32
    %add3A_3713 = arith.addi %sub3A_3711, %add3A_3712 : i32
    %shift_right_arithmetic3A_3714 = arith.constant 5 : i32
    %shift_right_arithmetic3A_3715 = arith.shrsi %add3A_2569, %shift_right_arithmetic3A_3714 : i32
    %eq3A_3716 = arith.constant 1 : i32
    %eq3A_3717 = arith.cmpi eq, %shift_right_arithmetic3A_3715, %eq3A_3716 : i32
    %jit3A_3718 = arith.constant 65 : i32
    %select_n3A_3719 = arith.select %eq3A_3717, %add3A_3713, %jit3A_3718 : i32
    %get3A_3720 = arith.index_cast %select_n3A_3719 : i32 to index
    %get3A_3721 = arith.constant 0 : index
    %get3A_3722 = tpu.vector_load %arg4[%get3A_3720, %get3A_3721] {strides = array<i32>} : memref<66x16xf32, #tpu.memory_space<vmem>>, vector<1x16xf32>,
    %get3A_3723 = vector.shape_cast %get3A_3722 : vector<1x16xf32> to vector<16xf32>
    %swap3A_3724 = arith.constant 2 : i32
    %swap3A_3725 = arith.index_cast %swap3A_3724 : i32 to index
    %swap3A_3726 = arith.constant 912 : index
    %swap3A_3727 = tpu.vector_load %arg5[%swap3A_3725, %swap3A_3726] {strides = array<i32>} : memref<4x1024xf32, #tpu.memory_space<vmem>>, vector<1x16xf32>,
    %swap3A_3728 = vector.shape_cast %swap3A_3727 : vector<1x16xf32> to vector<16xf32>
    %swap3A_3729 = vector.shape_cast %get3A_3723 : vector<16xf32> to vector<1x16xf32>
    tpu.vector_store %arg5[%swap3A_3725, %swap3A_3726], %swap3A_3729 {strides = array<i32>} : memref<4x1024xf32, #tpu.memory_space<vmem>>, vector<1x16xf32>,
    %sub3A_3730 = arith.constant 58 : i32
    %sub3A_3731 = arith.subi %add3A_2569, %sub3A_3730 : i32
    %add3A_3732 = arith.constant 32 : i32
    %add3A_3733 = arith.addi %sub3A_3731, %add3A_3732 : i32
    %shift_right_arithmetic3A_3734 = arith.constant 5 : i32
    %shift_right_arithmetic3A_3735 = arith.shrsi %add3A_2569, %shift_right_arithmetic3A_3734 : i32
    %eq3A_3736 = arith.constant 1 : i32
    %eq3A_3737 = arith.cmpi eq, %shift_right_arithmetic3A_3735, %eq3A_3736 : i32
    %jit3A_3738 = arith.constant 65 : i32
    %select_n3A_3739 = arith.select %eq3A_3737, %add3A_3733, %jit3A_3738 : i32
    %get3A_3740 = arith.index_cast %select_n3A_3739 : i32 to index
    %get3A_3741 = arith.constant 0 : index
    %get3A_3742 = tpu.vector_load %arg4[%get3A_3740, %get3A_3741] {strides = array<i32>} : memref<66x16xf32, #tpu.memory_space<vmem>>, vector<1x16xf32>,
    %get3A_3743 = vector.shape_cast %get3A_3742 : vector<1x16xf32> to vector<16xf32>
    %swap3A_3744 = arith.constant 2 : i32
    %swap3A_3745 = arith.index_cast %swap3A_3744 : i32 to index
    %swap3A_3746 = arith.constant 928 : index
    %swap3A_3747 = tpu.vector_load %arg5[%swap3A_3745, %swap3A_3746] {strides = array<i32>} : memref<4x1024xf32, #tpu.memory_space<vmem>>, vector<1x16xf32>,
    %swap3A_3748 = vector.shape_cast %swap3A_3747 : vector<1x16xf32> to vector<16xf32>
    %swap3A_3749 = vector.shape_cast %get3A_3743 : vector<16xf32> to vector<1x16xf32>
    tpu.vector_store %arg5[%swap3A_3745, %swap3A_3746], %swap3A_3749 {strides = array<i32>} : memref<4x1024xf32, #tpu.memory_space<vmem>>, vector<1x16xf32>,
    %sub3A_3750 = arith.constant 59 : i32
    %sub3A_3751 = arith.subi %add3A_2569, %sub3A_3750 : i32
    %add3A_3752 = arith.constant 32 : i32
    %add3A_3753 = arith.addi %sub3A_3751, %add3A_3752 : i32
    %shift_right_arithmetic3A_3754 = arith.constant 5 : i32
    %shift_right_arithmetic3A_3755 = arith.shrsi %add3A_2569, %shift_right_arithmetic3A_3754 : i32
    %eq3A_3756 = arith.constant 1 : i32
    %eq3A_3757 = arith.cmpi eq, %shift_right_arithmetic3A_3755, %eq3A_3756 : i32
    %jit3A_3758 = arith.constant 65 : i32
    %select_n3A_3759 = arith.select %eq3A_3757, %add3A_3753, %jit3A_3758 : i32
    %get3A_3760 = arith.index_cast %select_n3A_3759 : i32 to index
    %get3A_3761 = arith.constant 0 : index
    %get3A_3762 = tpu.vector_load %arg4[%get3A_3760, %get3A_3761] {strides = array<i32>} : memref<66x16xf32, #tpu.memory_space<vmem>>, vector<1x16xf32>,
    %get3A_3763 = vector.shape_cast %get3A_3762 : vector<1x16xf32> to vector<16xf32>
    %swap3A_3764 = arith.constant 2 : i32
    %swap3A_3765 = arith.index_cast %swap3A_3764 : i32 to index
    %swap3A_3766 = arith.constant 944 : index
    %swap3A_3767 = tpu.vector_load %arg5[%swap3A_3765, %swap3A_3766] {strides = array<i32>} : memref<4x1024xf32, #tpu.memory_space<vmem>>, vector<1x16xf32>,
    %swap3A_3768 = vector.shape_cast %swap3A_3767 : vector<1x16xf32> to vector<16xf32>
    %swap3A_3769 = vector.shape_cast %get3A_3763 : vector<16xf32> to vector<1x16xf32>
    tpu.vector_store %arg5[%swap3A_3765, %swap3A_3766], %swap3A_3769 {strides = array<i32>} : memref<4x1024xf32, #tpu.memory_space<vmem>>, vector<1x16xf32>,
    %sub3A_3770 = arith.constant 60 : i32
    %sub3A_3771 = arith.subi %add3A_2569, %sub3A_3770 : i32
    %add3A_3772 = arith.constant 32 : i32
    %add3A_3773 = arith.addi %sub3A_3771, %add3A_3772 : i32
    %shift_right_arithmetic3A_3774 = arith.constant 5 : i32
    %shift_right_arithmetic3A_3775 = arith.shrsi %add3A_2569, %shift_right_arithmetic3A_3774 : i32
    %eq3A_3776 = arith.constant 1 : i32
    %eq3A_3777 = arith.cmpi eq, %shift_right_arithmetic3A_3775, %eq3A_3776 : i32
    %jit3A_3778 = arith.constant 65 : i32
    %select_n3A_3779 = arith.select %eq3A_3777, %add3A_3773, %jit3A_3778 : i32
    %get3A_3780 = arith.index_cast %select_n3A_3779 : i32 to index
    %get3A_3781 = arith.constant 0 : index
    %get3A_3782 = tpu.vector_load %arg4[%get3A_3780, %get3A_3781] {strides = array<i32>} : memref<66x16xf32, #tpu.memory_space<vmem>>, vector<1x16xf32>,
    %get3A_3783 = vector.shape_cast %get3A_3782 : vector<1x16xf32> to vector<16xf32>
    %swap3A_3784 = arith.constant 2 : i32
    %swap3A_3785 = arith.index_cast %swap3A_3784 : i32 to index
    %swap3A_3786 = arith.constant 960 : index
    %swap3A_3787 = tpu.vector_load %arg5[%swap3A_3785, %swap3A_3786] {strides = array<i32>} : memref<4x1024xf32, #tpu.memory_space<vmem>>, vector<1x16xf32>,
    %swap3A_3788 = vector.shape_cast %swap3A_3787 : vector<1x16xf32> to vector<16xf32>
    %swap3A_3789 = vector.shape_cast %get3A_3783 : vector<16xf32> to vector<1x16xf32>
    tpu.vector_store %arg5[%swap3A_3785, %swap3A_3786], %swap3A_3789 {strides = array<i32>} : memref<4x1024xf32, #tpu.memory_space<vmem>>, vector<1x16xf32>,
    %sub3A_3790 = arith.constant 61 : i32
    %sub3A_3791 = arith.subi %add3A_2569, %sub3A_3790 : i32
    %add3A_3792 = arith.constant 32 : i32
    %add3A_3793 = arith.addi %sub3A_3791, %add3A_3792 : i32
    %shift_right_arithmetic3A_3794 = arith.constant 5 : i32
    %shift_right_arithmetic3A_3795 = arith.shrsi %add3A_2569, %shift_right_arithmetic3A_3794 : i32
    %eq3A_3796 = arith.constant 1 : i32
    %eq3A_3797 = arith.cmpi eq, %shift_right_arithmetic3A_3795, %eq3A_3796 : i32
    %jit3A_3798 = arith.constant 65 : i32
    %select_n3A_3799 = arith.select %eq3A_3797, %add3A_3793, %jit3A_3798 : i32
    %get3A_3800 = arith.index_cast %select_n3A_3799 : i32 to index
    %get3A_3801 = arith.constant 0 : index
    %get3A_3802 = tpu.vector_load %arg4[%get3A_3800, %get3A_3801] {strides = array<i32>} : memref<66x16xf32, #tpu.memory_space<vmem>>, vector<1x16xf32>,
    %get3A_3803 = vector.shape_cast %get3A_3802 : vector<1x16xf32> to vector<16xf32>
    %swap3A_3804 = arith.constant 2 : i32
    %swap3A_3805 = arith.index_cast %swap3A_3804 : i32 to index
    %swap3A_3806 = arith.constant 976 : index
    %swap3A_3807 = tpu.vector_load %arg5[%swap3A_3805, %swap3A_3806] {strides = array<i32>} : memref<4x1024xf32, #tpu.memory_space<vmem>>, vector<1x16xf32>,
    %swap3A_3808 = vector.shape_cast %swap3A_3807 : vector<1x16xf32> to vector<16xf32>
    %swap3A_3809 = vector.shape_cast %get3A_3803 : vector<16xf32> to vector<1x16xf32>
    tpu.vector_store %arg5[%swap3A_3805, %swap3A_3806], %swap3A_3809 {strides = array<i32>} : memref<4x1024xf32, #tpu.memory_space<vmem>>, vector<1x16xf32>,
    %sub3A_3810 = arith.constant 62 : i32
    %sub3A_3811 = arith.subi %add3A_2569, %sub3A_3810 : i32
    %add3A_3812 = arith.constant 32 : i32
    %add3A_3813 = arith.addi %sub3A_3811, %add3A_3812 : i32
    %shift_right_arithmetic3A_3814 = arith.constant 5 : i32
    %shift_right_arithmetic3A_3815 = arith.shrsi %add3A_2569, %shift_right_arithmetic3A_3814 : i32
    %eq3A_3816 = arith.constant 1 : i32
    %eq3A_3817 = arith.cmpi eq, %shift_right_arithmetic3A_3815, %eq3A_3816 : i32
    %jit3A_3818 = arith.constant 65 : i32
    %select_n3A_3819 = arith.select %eq3A_3817, %add3A_3813, %jit3A_3818 : i32
    %get3A_3820 = arith.index_cast %select_n3A_3819 : i32 to index
    %get3A_3821 = arith.constant 0 : index
    %get3A_3822 = tpu.vector_load %arg4[%get3A_3820, %get3A_3821] {strides = array<i32>} : memref<66x16xf32, #tpu.memory_space<vmem>>, vector<1x16xf32>,
    %get3A_3823 = vector.shape_cast %get3A_3822 : vector<1x16xf32> to vector<16xf32>
    %swap3A_3824 = arith.constant 2 : i32
    %swap3A_3825 = arith.index_cast %swap3A_3824 : i32 to index
    %swap3A_3826 = arith.constant 992 : index
    %swap3A_3827 = tpu.vector_load %arg5[%swap3A_3825, %swap3A_3826] {strides = array<i32>} : memref<4x1024xf32, #tpu.memory_space<vmem>>, vector<1x16xf32>,
    %swap3A_3828 = vector.shape_cast %swap3A_3827 : vector<1x16xf32> to vector<16xf32>
    %swap3A_3829 = vector.shape_cast %get3A_3823 : vector<16xf32> to vector<1x16xf32>
    tpu.vector_store %arg5[%swap3A_3825, %swap3A_3826], %swap3A_3829 {strides = array<i32>} : memref<4x1024xf32, #tpu.memory_space<vmem>>, vector<1x16xf32>,
    %sub3A_3830 = arith.constant 63 : i32
    %sub3A_3831 = arith.subi %add3A_2569, %sub3A_3830 : i32
    %add3A_3832 = arith.constant 32 : i32
    %add3A_3833 = arith.addi %sub3A_3831, %add3A_3832 : i32
    %shift_right_arithmetic3A_3834 = arith.constant 5 : i32
    %shift_right_arithmetic3A_3835 = arith.shrsi %add3A_2569, %shift_right_arithmetic3A_3834 : i32
    %eq3A_3836 = arith.constant 1 : i32
    %eq3A_3837 = arith.cmpi eq, %shift_right_arithmetic3A_3835, %eq3A_3836 : i32
    %jit3A_3838 = arith.constant 65 : i32
    %select_n3A_3839 = arith.select %eq3A_3837, %add3A_3833, %jit3A_3838 : i32
    %get3A_3840 = arith.index_cast %select_n3A_3839 : i32 to index
    %get3A_3841 = arith.constant 0 : index
    %get3A_3842 = tpu.vector_load %arg4[%get3A_3840, %get3A_3841] {strides = array<i32>} : memref<66x16xf32, #tpu.memory_space<vmem>>, vector<1x16xf32>,
    %get3A_3843 = vector.shape_cast %get3A_3842 : vector<1x16xf32> to vector<16xf32>
    %swap3A_3844 = arith.constant 2 : i32
    %swap3A_3845 = arith.index_cast %swap3A_3844 : i32 to index
    %swap3A_3846 = arith.constant 1008 : index
    %swap3A_3847 = tpu.vector_load %arg5[%swap3A_3845, %swap3A_3846] {strides = array<i32>} : memref<4x1024xf32, #tpu.memory_space<vmem>>, vector<1x16xf32>,
    %swap3A_3848 = vector.shape_cast %swap3A_3847 : vector<1x16xf32> to vector<16xf32>
    %swap3A_3849 = vector.shape_cast %get3A_3843 : vector<16xf32> to vector<1x16xf32>
    tpu.vector_store %arg5[%swap3A_3845, %swap3A_3846], %swap3A_3849 {strides = array<i32>} : memref<4x1024xf32, #tpu.memory_space<vmem>>, vector<1x16xf32>,
    %mul3A_3850 = arith.constant 4 : i32
    %mul3A_3851 = arith.muli %mul3A_3850, %arg1 : i32
    %add3A_3852 = arith.constant 3 : i32
    %add3A_3853 = arith.addi %mul3A_3851, %add3A_3852 : i32
    %sub3A_3854 = arith.constant 0 : i32
    %sub3A_3855 = arith.subi %add3A_3853, %sub3A_3854 : i32
    %add3A_3856 = arith.constant 32 : i32
    %add3A_3857 = arith.addi %sub3A_3855, %add3A_3856 : i32
    %shift_right_arithmetic3A_3858 = arith.constant 5 : i32
    %shift_right_arithmetic3A_3859 = arith.shrsi %add3A_3853, %shift_right_arithmetic3A_3858 : i32
    %eq3A_3860 = arith.constant 0 : i32
    %eq3A_3861 = arith.cmpi eq, %shift_right_arithmetic3A_3859, %eq3A_3860 : i32
    %jit3A_3862 = arith.constant 65 : i32
    %select_n3A_3863 = arith.select %eq3A_3861, %add3A_3857, %jit3A_3862 : i32
    %get3A_3864 = arith.index_cast %select_n3A_3863 : i32 to index
    %get3A_3865 = arith.constant 0 : index
    %get3A_3866 = tpu.vector_load %arg4[%get3A_3864, %get3A_3865] {strides = array<i32>} : memref<66x16xf32, #tpu.memory_space<vmem>>, vector<1x16xf32>,
    %get3A_3867 = vector.shape_cast %get3A_3866 : vector<1x16xf32> to vector<16xf32>
    %swap3A_3868 = arith.constant 3 : i32
    %swap3A_3869 = arith.index_cast %swap3A_3868 : i32 to index
    %swap3A_3870 = arith.constant 0 : index
    %swap3A_3871 = tpu.vector_load %arg5[%swap3A_3869, %swap3A_3870] {strides = array<i32>} : memref<4x1024xf32, #tpu.memory_space<vmem>>, vector<1x16xf32>,
    %swap3A_3872 = vector.shape_cast %swap3A_3871 : vector<1x16xf32> to vector<16xf32>
    %swap3A_3873 = vector.shape_cast %get3A_3867 : vector<16xf32> to vector<1x16xf32>
    tpu.vector_store %arg5[%swap3A_3869, %swap3A_3870], %swap3A_3873 {strides = array<i32>} : memref<4x1024xf32, #tpu.memory_space<vmem>>, vector<1x16xf32>,
    %sub3A_3874 = arith.constant 1 : i32
    %sub3A_3875 = arith.subi %add3A_3853, %sub3A_3874 : i32
    %add3A_3876 = arith.constant 32 : i32
    %add3A_3877 = arith.addi %sub3A_3875, %add3A_3876 : i32
    %shift_right_arithmetic3A_3878 = arith.constant 5 : i32
    %shift_right_arithmetic3A_3879 = arith.shrsi %add3A_3853, %shift_right_arithmetic3A_3878 : i32
    %eq3A_3880 = arith.constant 0 : i32
    %eq3A_3881 = arith.cmpi eq, %shift_right_arithmetic3A_3879, %eq3A_3880 : i32
    %jit3A_3882 = arith.constant 65 : i32
    %select_n3A_3883 = arith.select %eq3A_3881, %add3A_3877, %jit3A_3882 : i32
    %get3A_3884 = arith.index_cast %select_n3A_3883 : i32 to index
    %get3A_3885 = arith.constant 0 : index
    %get3A_3886 = tpu.vector_load %arg4[%get3A_3884, %get3A_3885] {strides = array<i32>} : memref<66x16xf32, #tpu.memory_space<vmem>>, vector<1x16xf32>,
    %get3A_3887 = vector.shape_cast %get3A_3886 : vector<1x16xf32> to vector<16xf32>
    %swap3A_3888 = arith.constant 3 : i32
    %swap3A_3889 = arith.index_cast %swap3A_3888 : i32 to index
    %swap3A_3890 = arith.constant 16 : index
    %swap3A_3891 = tpu.vector_load %arg5[%swap3A_3889, %swap3A_3890] {strides = array<i32>} : memref<4x1024xf32, #tpu.memory_space<vmem>>, vector<1x16xf32>,
    %swap3A_3892 = vector.shape_cast %swap3A_3891 : vector<1x16xf32> to vector<16xf32>
    %swap3A_3893 = vector.shape_cast %get3A_3887 : vector<16xf32> to vector<1x16xf32>
    tpu.vector_store %arg5[%swap3A_3889, %swap3A_3890], %swap3A_3893 {strides = array<i32>} : memref<4x1024xf32, #tpu.memory_space<vmem>>, vector<1x16xf32>,
    %sub3A_3894 = arith.constant 2 : i32
    %sub3A_3895 = arith.subi %add3A_3853, %sub3A_3894 : i32
    %add3A_3896 = arith.constant 32 : i32
    %add3A_3897 = arith.addi %sub3A_3895, %add3A_3896 : i32
    %shift_right_arithmetic3A_3898 = arith.constant 5 : i32
    %shift_right_arithmetic3A_3899 = arith.shrsi %add3A_3853, %shift_right_arithmetic3A_3898 : i32
    %eq3A_3900 = arith.constant 0 : i32
    %eq3A_3901 = arith.cmpi eq, %shift_right_arithmetic3A_3899, %eq3A_3900 : i32
    %jit3A_3902 = arith.constant 65 : i32
    %select_n3A_3903 = arith.select %eq3A_3901, %add3A_3897, %jit3A_3902 : i32
    %get3A_3904 = arith.index_cast %select_n3A_3903 : i32 to index
    %get3A_3905 = arith.constant 0 : index
    %get3A_3906 = tpu.vector_load %arg4[%get3A_3904, %get3A_3905] {strides = array<i32>} : memref<66x16xf32, #tpu.memory_space<vmem>>, vector<1x16xf32>,
    %get3A_3907 = vector.shape_cast %get3A_3906 : vector<1x16xf32> to vector<16xf32>
    %swap3A_3908 = arith.constant 3 : i32
    %swap3A_3909 = arith.index_cast %swap3A_3908 : i32 to index
    %swap3A_3910 = arith.constant 32 : index
    %swap3A_3911 = tpu.vector_load %arg5[%swap3A_3909, %swap3A_3910] {strides = array<i32>} : memref<4x1024xf32, #tpu.memory_space<vmem>>, vector<1x16xf32>,
    %swap3A_3912 = vector.shape_cast %swap3A_3911 : vector<1x16xf32> to vector<16xf32>
    %swap3A_3913 = vector.shape_cast %get3A_3907 : vector<16xf32> to vector<1x16xf32>
    tpu.vector_store %arg5[%swap3A_3909, %swap3A_3910], %swap3A_3913 {strides = array<i32>} : memref<4x1024xf32, #tpu.memory_space<vmem>>, vector<1x16xf32>,
    %sub3A_3914 = arith.constant 3 : i32
    %sub3A_3915 = arith.subi %add3A_3853, %sub3A_3914 : i32
    %add3A_3916 = arith.constant 32 : i32
    %add3A_3917 = arith.addi %sub3A_3915, %add3A_3916 : i32
    %shift_right_arithmetic3A_3918 = arith.constant 5 : i32
    %shift_right_arithmetic3A_3919 = arith.shrsi %add3A_3853, %shift_right_arithmetic3A_3918 : i32
    %eq3A_3920 = arith.constant 0 : i32
    %eq3A_3921 = arith.cmpi eq, %shift_right_arithmetic3A_3919, %eq3A_3920 : i32
    %jit3A_3922 = arith.constant 65 : i32
    %select_n3A_3923 = arith.select %eq3A_3921, %add3A_3917, %jit3A_3922 : i32
    %get3A_3924 = arith.index_cast %select_n3A_3923 : i32 to index
    %get3A_3925 = arith.constant 0 : index
    %get3A_3926 = tpu.vector_load %arg4[%get3A_3924, %get3A_3925] {strides = array<i32>} : memref<66x16xf32, #tpu.memory_space<vmem>>, vector<1x16xf32>,
    %get3A_3927 = vector.shape_cast %get3A_3926 : vector<1x16xf32> to vector<16xf32>
    %swap3A_3928 = arith.constant 3 : i32
    %swap3A_3929 = arith.index_cast %swap3A_3928 : i32 to index
    %swap3A_3930 = arith.constant 48 : index
    %swap3A_3931 = tpu.vector_load %arg5[%swap3A_3929, %swap3A_3930] {strides = array<i32>} : memref<4x1024xf32, #tpu.memory_space<vmem>>, vector<1x16xf32>,
    %swap3A_3932 = vector.shape_cast %swap3A_3931 : vector<1x16xf32> to vector<16xf32>
    %swap3A_3933 = vector.shape_cast %get3A_3927 : vector<16xf32> to vector<1x16xf32>
    tpu.vector_store %arg5[%swap3A_3929, %swap3A_3930], %swap3A_3933 {strides = array<i32>} : memref<4x1024xf32, #tpu.memory_space<vmem>>, vector<1x16xf32>,
    %sub3A_3934 = arith.constant 4 : i32
    %sub3A_3935 = arith.subi %add3A_3853, %sub3A_3934 : i32
    %add3A_3936 = arith.constant 32 : i32
    %add3A_3937 = arith.addi %sub3A_3935, %add3A_3936 : i32
    %shift_right_arithmetic3A_3938 = arith.constant 5 : i32
    %shift_right_arithmetic3A_3939 = arith.shrsi %add3A_3853, %shift_right_arithmetic3A_3938 : i32
    %eq3A_3940 = arith.constant 0 : i32
    %eq3A_3941 = arith.cmpi eq, %shift_right_arithmetic3A_3939, %eq3A_3940 : i32
    %jit3A_3942 = arith.constant 65 : i32
    %select_n3A_3943 = arith.select %eq3A_3941, %add3A_3937, %jit3A_3942 : i32
    %get3A_3944 = arith.index_cast %select_n3A_3943 : i32 to index
    %get3A_3945 = arith.constant 0 : index
    %get3A_3946 = tpu.vector_load %arg4[%get3A_3944, %get3A_3945] {strides = array<i32>} : memref<66x16xf32, #tpu.memory_space<vmem>>, vector<1x16xf32>,
    %get3A_3947 = vector.shape_cast %get3A_3946 : vector<1x16xf32> to vector<16xf32>
    %swap3A_3948 = arith.constant 3 : i32
    %swap3A_3949 = arith.index_cast %swap3A_3948 : i32 to index
    %swap3A_3950 = arith.constant 64 : index
    %swap3A_3951 = tpu.vector_load %arg5[%swap3A_3949, %swap3A_3950] {strides = array<i32>} : memref<4x1024xf32, #tpu.memory_space<vmem>>, vector<1x16xf32>,
    %swap3A_3952 = vector.shape_cast %swap3A_3951 : vector<1x16xf32> to vector<16xf32>
    %swap3A_3953 = vector.shape_cast %get3A_3947 : vector<16xf32> to vector<1x16xf32>
    tpu.vector_store %arg5[%swap3A_3949, %swap3A_3950], %swap3A_3953 {strides = array<i32>} : memref<4x1024xf32, #tpu.memory_space<vmem>>, vector<1x16xf32>,
    %sub3A_3954 = arith.constant 5 : i32
    %sub3A_3955 = arith.subi %add3A_3853, %sub3A_3954 : i32
    %add3A_3956 = arith.constant 32 : i32
    %add3A_3957 = arith.addi %sub3A_3955, %add3A_3956 : i32
    %shift_right_arithmetic3A_3958 = arith.constant 5 : i32
    %shift_right_arithmetic3A_3959 = arith.shrsi %add3A_3853, %shift_right_arithmetic3A_3958 : i32
    %eq3A_3960 = arith.constant 0 : i32
    %eq3A_3961 = arith.cmpi eq, %shift_right_arithmetic3A_3959, %eq3A_3960 : i32
    %jit3A_3962 = arith.constant 65 : i32
    %select_n3A_3963 = arith.select %eq3A_3961, %add3A_3957, %jit3A_3962 : i32
    %get3A_3964 = arith.index_cast %select_n3A_3963 : i32 to index
    %get3A_3965 = arith.constant 0 : index
    %get3A_3966 = tpu.vector_load %arg4[%get3A_3964, %get3A_3965] {strides = array<i32>} : memref<66x16xf32, #tpu.memory_space<vmem>>, vector<1x16xf32>,
    %get3A_3967 = vector.shape_cast %get3A_3966 : vector<1x16xf32> to vector<16xf32>
    %swap3A_3968 = arith.constant 3 : i32
    %swap3A_3969 = arith.index_cast %swap3A_3968 : i32 to index
    %swap3A_3970 = arith.constant 80 : index
    %swap3A_3971 = tpu.vector_load %arg5[%swap3A_3969, %swap3A_3970] {strides = array<i32>} : memref<4x1024xf32, #tpu.memory_space<vmem>>, vector<1x16xf32>,
    %swap3A_3972 = vector.shape_cast %swap3A_3971 : vector<1x16xf32> to vector<16xf32>
    %swap3A_3973 = vector.shape_cast %get3A_3967 : vector<16xf32> to vector<1x16xf32>
    tpu.vector_store %arg5[%swap3A_3969, %swap3A_3970], %swap3A_3973 {strides = array<i32>} : memref<4x1024xf32, #tpu.memory_space<vmem>>, vector<1x16xf32>,
    %sub3A_3974 = arith.constant 6 : i32
    %sub3A_3975 = arith.subi %add3A_3853, %sub3A_3974 : i32
    %add3A_3976 = arith.constant 32 : i32
    %add3A_3977 = arith.addi %sub3A_3975, %add3A_3976 : i32
    %shift_right_arithmetic3A_3978 = arith.constant 5 : i32
    %shift_right_arithmetic3A_3979 = arith.shrsi %add3A_3853, %shift_right_arithmetic3A_3978 : i32
    %eq3A_3980 = arith.constant 0 : i32
    %eq3A_3981 = arith.cmpi eq, %shift_right_arithmetic3A_3979, %eq3A_3980 : i32
    %jit3A_3982 = arith.constant 65 : i32
    %select_n3A_3983 = arith.select %eq3A_3981, %add3A_3977, %jit3A_3982 : i32
    %get3A_3984 = arith.index_cast %select_n3A_3983 : i32 to index
    %get3A_3985 = arith.constant 0 : index
    %get3A_3986 = tpu.vector_load %arg4[%get3A_3984, %get3A_3985] {strides = array<i32>} : memref<66x16xf32, #tpu.memory_space<vmem>>, vector<1x16xf32>,
    %get3A_3987 = vector.shape_cast %get3A_3986 : vector<1x16xf32> to vector<16xf32>
    %swap3A_3988 = arith.constant 3 : i32
    %swap3A_3989 = arith.index_cast %swap3A_3988 : i32 to index
    %swap3A_3990 = arith.constant 96 : index
    %swap3A_3991 = tpu.vector_load %arg5[%swap3A_3989, %swap3A_3990] {strides = array<i32>} : memref<4x1024xf32, #tpu.memory_space<vmem>>, vector<1x16xf32>,
    %swap3A_3992 = vector.shape_cast %swap3A_3991 : vector<1x16xf32> to vector<16xf32>
    %swap3A_3993 = vector.shape_cast %get3A_3987 : vector<16xf32> to vector<1x16xf32>
    tpu.vector_store %arg5[%swap3A_3989, %swap3A_3990], %swap3A_3993 {strides = array<i32>} : memref<4x1024xf32, #tpu.memory_space<vmem>>, vector<1x16xf32>,
    %sub3A_3994 = arith.constant 7 : i32
    %sub3A_3995 = arith.subi %add3A_3853, %sub3A_3994 : i32
    %add3A_3996 = arith.constant 32 : i32
    %add3A_3997 = arith.addi %sub3A_3995, %add3A_3996 : i32
    %shift_right_arithmetic3A_3998 = arith.constant 5 : i32
    %shift_right_arithmetic3A_3999 = arith.shrsi %add3A_3853, %shift_right_arithmetic3A_3998 : i32
    %eq3A_4000 = arith.constant 0 : i32
    %eq3A_4001 = arith.cmpi eq, %shift_right_arithmetic3A_3999, %eq3A_4000 : i32
    %jit3A_4002 = arith.constant 65 : i32
    %select_n3A_4003 = arith.select %eq3A_4001, %add3A_3997, %jit3A_4002 : i32
    %get3A_4004 = arith.index_cast %select_n3A_4003 : i32 to index
    %get3A_4005 = arith.constant 0 : index
    %get3A_4006 = tpu.vector_load %arg4[%get3A_4004, %get3A_4005] {strides = array<i32>} : memref<66x16xf32, #tpu.memory_space<vmem>>, vector<1x16xf32>,
    %get3A_4007 = vector.shape_cast %get3A_4006 : vector<1x16xf32> to vector<16xf32>
    %swap3A_4008 = arith.constant 3 : i32
    %swap3A_4009 = arith.index_cast %swap3A_4008 : i32 to index
    %swap3A_4010 = arith.constant 112 : index
    %swap3A_4011 = tpu.vector_load %arg5[%swap3A_4009, %swap3A_4010] {strides = array<i32>} : memref<4x1024xf32, #tpu.memory_space<vmem>>, vector<1x16xf32>,
    %swap3A_4012 = vector.shape_cast %swap3A_4011 : vector<1x16xf32> to vector<16xf32>
    %swap3A_4013 = vector.shape_cast %get3A_4007 : vector<16xf32> to vector<1x16xf32>
    tpu.vector_store %arg5[%swap3A_4009, %swap3A_4010], %swap3A_4013 {strides = array<i32>} : memref<4x1024xf32, #tpu.memory_space<vmem>>, vector<1x16xf32>,
    %sub3A_4014 = arith.constant 8 : i32
    %sub3A_4015 = arith.subi %add3A_3853, %sub3A_4014 : i32
    %add3A_4016 = arith.constant 32 : i32
    %add3A_4017 = arith.addi %sub3A_4015, %add3A_4016 : i32
    %shift_right_arithmetic3A_4018 = arith.constant 5 : i32
    %shift_right_arithmetic3A_4019 = arith.shrsi %add3A_3853, %shift_right_arithmetic3A_4018 : i32
    %eq3A_4020 = arith.constant 0 : i32
    %eq3A_4021 = arith.cmpi eq, %shift_right_arithmetic3A_4019, %eq3A_4020 : i32
    %jit3A_4022 = arith.constant 65 : i32
    %select_n3A_4023 = arith.select %eq3A_4021, %add3A_4017, %jit3A_4022 : i32
    %get3A_4024 = arith.index_cast %select_n3A_4023 : i32 to index
    %get3A_4025 = arith.constant 0 : index
    %get3A_4026 = tpu.vector_load %arg4[%get3A_4024, %get3A_4025] {strides = array<i32>} : memref<66x16xf32, #tpu.memory_space<vmem>>, vector<1x16xf32>,
    %get3A_4027 = vector.shape_cast %get3A_4026 : vector<1x16xf32> to vector<16xf32>
    %swap3A_4028 = arith.constant 3 : i32
    %swap3A_4029 = arith.index_cast %swap3A_4028 : i32 to index
    %swap3A_4030 = arith.constant 128 : index
    %swap3A_4031 = tpu.vector_load %arg5[%swap3A_4029, %swap3A_4030] {strides = array<i32>} : memref<4x1024xf32, #tpu.memory_space<vmem>>, vector<1x16xf32>,
    %swap3A_4032 = vector.shape_cast %swap3A_4031 : vector<1x16xf32> to vector<16xf32>
    %swap3A_4033 = vector.shape_cast %get3A_4027 : vector<16xf32> to vector<1x16xf32>
    tpu.vector_store %arg5[%swap3A_4029, %swap3A_4030], %swap3A_4033 {strides = array<i32>} : memref<4x1024xf32, #tpu.memory_space<vmem>>, vector<1x16xf32>,
    %sub3A_4034 = arith.constant 9 : i32
    %sub3A_4035 = arith.subi %add3A_3853, %sub3A_4034 : i32
    %add3A_4036 = arith.constant 32 : i32
    %add3A_4037 = arith.addi %sub3A_4035, %add3A_4036 : i32
    %shift_right_arithmetic3A_4038 = arith.constant 5 : i32
    %shift_right_arithmetic3A_4039 = arith.shrsi %add3A_3853, %shift_right_arithmetic3A_4038 : i32
    %eq3A_4040 = arith.constant 0 : i32
    %eq3A_4041 = arith.cmpi eq, %shift_right_arithmetic3A_4039, %eq3A_4040 : i32
    %jit3A_4042 = arith.constant 65 : i32
    %select_n3A_4043 = arith.select %eq3A_4041, %add3A_4037, %jit3A_4042 : i32
    %get3A_4044 = arith.index_cast %select_n3A_4043 : i32 to index
    %get3A_4045 = arith.constant 0 : index
    %get3A_4046 = tpu.vector_load %arg4[%get3A_4044, %get3A_4045] {strides = array<i32>} : memref<66x16xf32, #tpu.memory_space<vmem>>, vector<1x16xf32>,
    %get3A_4047 = vector.shape_cast %get3A_4046 : vector<1x16xf32> to vector<16xf32>
    %swap3A_4048 = arith.constant 3 : i32
    %swap3A_4049 = arith.index_cast %swap3A_4048 : i32 to index
    %swap3A_4050 = arith.constant 144 : index
    %swap3A_4051 = tpu.vector_load %arg5[%swap3A_4049, %swap3A_4050] {strides = array<i32>} : memref<4x1024xf32, #tpu.memory_space<vmem>>, vector<1x16xf32>,
    %swap3A_4052 = vector.shape_cast %swap3A_4051 : vector<1x16xf32> to vector<16xf32>
    %swap3A_4053 = vector.shape_cast %get3A_4047 : vector<16xf32> to vector<1x16xf32>
    tpu.vector_store %arg5[%swap3A_4049, %swap3A_4050], %swap3A_4053 {strides = array<i32>} : memref<4x1024xf32, #tpu.memory_space<vmem>>, vector<1x16xf32>,
    %sub3A_4054 = arith.constant 10 : i32
    %sub3A_4055 = arith.subi %add3A_3853, %sub3A_4054 : i32
    %add3A_4056 = arith.constant 32 : i32
    %add3A_4057 = arith.addi %sub3A_4055, %add3A_4056 : i32
    %shift_right_arithmetic3A_4058 = arith.constant 5 : i32
    %shift_right_arithmetic3A_4059 = arith.shrsi %add3A_3853, %shift_right_arithmetic3A_4058 : i32
    %eq3A_4060 = arith.constant 0 : i32
    %eq3A_4061 = arith.cmpi eq, %shift_right_arithmetic3A_4059, %eq3A_4060 : i32
    %jit3A_4062 = arith.constant 65 : i32
    %select_n3A_4063 = arith.select %eq3A_4061, %add3A_4057, %jit3A_4062 : i32
    %get3A_4064 = arith.index_cast %select_n3A_4063 : i32 to index
    %get3A_4065 = arith.constant 0 : index
    %get3A_4066 = tpu.vector_load %arg4[%get3A_4064, %get3A_4065] {strides = array<i32>} : memref<66x16xf32, #tpu.memory_space<vmem>>, vector<1x16xf32>,
    %get3A_4067 = vector.shape_cast %get3A_4066 : vector<1x16xf32> to vector<16xf32>
    %swap3A_4068 = arith.constant 3 : i32
    %swap3A_4069 = arith.index_cast %swap3A_4068 : i32 to index
    %swap3A_4070 = arith.constant 160 : index
    %swap3A_4071 = tpu.vector_load %arg5[%swap3A_4069, %swap3A_4070] {strides = array<i32>} : memref<4x1024xf32, #tpu.memory_space<vmem>>, vector<1x16xf32>,
    %swap3A_4072 = vector.shape_cast %swap3A_4071 : vector<1x16xf32> to vector<16xf32>
    %swap3A_4073 = vector.shape_cast %get3A_4067 : vector<16xf32> to vector<1x16xf32>
    tpu.vector_store %arg5[%swap3A_4069, %swap3A_4070], %swap3A_4073 {strides = array<i32>} : memref<4x1024xf32, #tpu.memory_space<vmem>>, vector<1x16xf32>,
    %sub3A_4074 = arith.constant 11 : i32
    %sub3A_4075 = arith.subi %add3A_3853, %sub3A_4074 : i32
    %add3A_4076 = arith.constant 32 : i32
    %add3A_4077 = arith.addi %sub3A_4075, %add3A_4076 : i32
    %shift_right_arithmetic3A_4078 = arith.constant 5 : i32
    %shift_right_arithmetic3A_4079 = arith.shrsi %add3A_3853, %shift_right_arithmetic3A_4078 : i32
    %eq3A_4080 = arith.constant 0 : i32
    %eq3A_4081 = arith.cmpi eq, %shift_right_arithmetic3A_4079, %eq3A_4080 : i32
    %jit3A_4082 = arith.constant 65 : i32
    %select_n3A_4083 = arith.select %eq3A_4081, %add3A_4077, %jit3A_4082 : i32
    %get3A_4084 = arith.index_cast %select_n3A_4083 : i32 to index
    %get3A_4085 = arith.constant 0 : index
    %get3A_4086 = tpu.vector_load %arg4[%get3A_4084, %get3A_4085] {strides = array<i32>} : memref<66x16xf32, #tpu.memory_space<vmem>>, vector<1x16xf32>,
    %get3A_4087 = vector.shape_cast %get3A_4086 : vector<1x16xf32> to vector<16xf32>
    %swap3A_4088 = arith.constant 3 : i32
    %swap3A_4089 = arith.index_cast %swap3A_4088 : i32 to index
    %swap3A_4090 = arith.constant 176 : index
    %swap3A_4091 = tpu.vector_load %arg5[%swap3A_4089, %swap3A_4090] {strides = array<i32>} : memref<4x1024xf32, #tpu.memory_space<vmem>>, vector<1x16xf32>,
    %swap3A_4092 = vector.shape_cast %swap3A_4091 : vector<1x16xf32> to vector<16xf32>
    %swap3A_4093 = vector.shape_cast %get3A_4087 : vector<16xf32> to vector<1x16xf32>
    tpu.vector_store %arg5[%swap3A_4089, %swap3A_4090], %swap3A_4093 {strides = array<i32>} : memref<4x1024xf32, #tpu.memory_space<vmem>>, vector<1x16xf32>,
    %sub3A_4094 = arith.constant 12 : i32
    %sub3A_4095 = arith.subi %add3A_3853, %sub3A_4094 : i32
    %add3A_4096 = arith.constant 32 : i32
    %add3A_4097 = arith.addi %sub3A_4095, %add3A_4096 : i32
    %shift_right_arithmetic3A_4098 = arith.constant 5 : i32
    %shift_right_arithmetic3A_4099 = arith.shrsi %add3A_3853, %shift_right_arithmetic3A_4098 : i32
    %eq3A_4100 = arith.constant 0 : i32
    %eq3A_4101 = arith.cmpi eq, %shift_right_arithmetic3A_4099, %eq3A_4100 : i32
    %jit3A_4102 = arith.constant 65 : i32
    %select_n3A_4103 = arith.select %eq3A_4101, %add3A_4097, %jit3A_4102 : i32
    %get3A_4104 = arith.index_cast %select_n3A_4103 : i32 to index
    %get3A_4105 = arith.constant 0 : index
    %get3A_4106 = tpu.vector_load %arg4[%get3A_4104, %get3A_4105] {strides = array<i32>} : memref<66x16xf32, #tpu.memory_space<vmem>>, vector<1x16xf32>,
    %get3A_4107 = vector.shape_cast %get3A_4106 : vector<1x16xf32> to vector<16xf32>
    %swap3A_4108 = arith.constant 3 : i32
    %swap3A_4109 = arith.index_cast %swap3A_4108 : i32 to index
    %swap3A_4110 = arith.constant 192 : index
    %swap3A_4111 = tpu.vector_load %arg5[%swap3A_4109, %swap3A_4110] {strides = array<i32>} : memref<4x1024xf32, #tpu.memory_space<vmem>>, vector<1x16xf32>,
    %swap3A_4112 = vector.shape_cast %swap3A_4111 : vector<1x16xf32> to vector<16xf32>
    %swap3A_4113 = vector.shape_cast %get3A_4107 : vector<16xf32> to vector<1x16xf32>
    tpu.vector_store %arg5[%swap3A_4109, %swap3A_4110], %swap3A_4113 {strides = array<i32>} : memref<4x1024xf32, #tpu.memory_space<vmem>>, vector<1x16xf32>,
    %sub3A_4114 = arith.constant 13 : i32
    %sub3A_4115 = arith.subi %add3A_3853, %sub3A_4114 : i32
    %add3A_4116 = arith.constant 32 : i32
    %add3A_4117 = arith.addi %sub3A_4115, %add3A_4116 : i32
    %shift_right_arithmetic3A_4118 = arith.constant 5 : i32
    %shift_right_arithmetic3A_4119 = arith.shrsi %add3A_3853, %shift_right_arithmetic3A_4118 : i32
    %eq3A_4120 = arith.constant 0 : i32
    %eq3A_4121 = arith.cmpi eq, %shift_right_arithmetic3A_4119, %eq3A_4120 : i32
    %jit3A_4122 = arith.constant 65 : i32
    %select_n3A_4123 = arith.select %eq3A_4121, %add3A_4117, %jit3A_4122 : i32
    %get3A_4124 = arith.index_cast %select_n3A_4123 : i32 to index
    %get3A_4125 = arith.constant 0 : index
    %get3A_4126 = tpu.vector_load %arg4[%get3A_4124, %get3A_4125] {strides = array<i32>} : memref<66x16xf32, #tpu.memory_space<vmem>>, vector<1x16xf32>,
    %get3A_4127 = vector.shape_cast %get3A_4126 : vector<1x16xf32> to vector<16xf32>
    %swap3A_4128 = arith.constant 3 : i32
    %swap3A_4129 = arith.index_cast %swap3A_4128 : i32 to index
    %swap3A_4130 = arith.constant 208 : index
    %swap3A_4131 = tpu.vector_load %arg5[%swap3A_4129, %swap3A_4130] {strides = array<i32>} : memref<4x1024xf32, #tpu.memory_space<vmem>>, vector<1x16xf32>,
    %swap3A_4132 = vector.shape_cast %swap3A_4131 : vector<1x16xf32> to vector<16xf32>
    %swap3A_4133 = vector.shape_cast %get3A_4127 : vector<16xf32> to vector<1x16xf32>
    tpu.vector_store %arg5[%swap3A_4129, %swap3A_4130], %swap3A_4133 {strides = array<i32>} : memref<4x1024xf32, #tpu.memory_space<vmem>>, vector<1x16xf32>,
    %sub3A_4134 = arith.constant 14 : i32
    %sub3A_4135 = arith.subi %add3A_3853, %sub3A_4134 : i32
    %add3A_4136 = arith.constant 32 : i32
    %add3A_4137 = arith.addi %sub3A_4135, %add3A_4136 : i32
    %shift_right_arithmetic3A_4138 = arith.constant 5 : i32
    %shift_right_arithmetic3A_4139 = arith.shrsi %add3A_3853, %shift_right_arithmetic3A_4138 : i32
    %eq3A_4140 = arith.constant 0 : i32
    %eq3A_4141 = arith.cmpi eq, %shift_right_arithmetic3A_4139, %eq3A_4140 : i32
    %jit3A_4142 = arith.constant 65 : i32
    %select_n3A_4143 = arith.select %eq3A_4141, %add3A_4137, %jit3A_4142 : i32
    %get3A_4144 = arith.index_cast %select_n3A_4143 : i32 to index
    %get3A_4145 = arith.constant 0 : index
    %get3A_4146 = tpu.vector_load %arg4[%get3A_4144, %get3A_4145] {strides = array<i32>} : memref<66x16xf32, #tpu.memory_space<vmem>>, vector<1x16xf32>,
    %get3A_4147 = vector.shape_cast %get3A_4146 : vector<1x16xf32> to vector<16xf32>
    %swap3A_4148 = arith.constant 3 : i32
    %swap3A_4149 = arith.index_cast %swap3A_4148 : i32 to index
    %swap3A_4150 = arith.constant 224 : index
    %swap3A_4151 = tpu.vector_load %arg5[%swap3A_4149, %swap3A_4150] {strides = array<i32>} : memref<4x1024xf32, #tpu.memory_space<vmem>>, vector<1x16xf32>,
    %swap3A_4152 = vector.shape_cast %swap3A_4151 : vector<1x16xf32> to vector<16xf32>
    %swap3A_4153 = vector.shape_cast %get3A_4147 : vector<16xf32> to vector<1x16xf32>
    tpu.vector_store %arg5[%swap3A_4149, %swap3A_4150], %swap3A_4153 {strides = array<i32>} : memref<4x1024xf32, #tpu.memory_space<vmem>>, vector<1x16xf32>,
    %sub3A_4154 = arith.constant 15 : i32
    %sub3A_4155 = arith.subi %add3A_3853, %sub3A_4154 : i32
    %add3A_4156 = arith.constant 32 : i32
    %add3A_4157 = arith.addi %sub3A_4155, %add3A_4156 : i32
    %shift_right_arithmetic3A_4158 = arith.constant 5 : i32
    %shift_right_arithmetic3A_4159 = arith.shrsi %add3A_3853, %shift_right_arithmetic3A_4158 : i32
    %eq3A_4160 = arith.constant 0 : i32
    %eq3A_4161 = arith.cmpi eq, %shift_right_arithmetic3A_4159, %eq3A_4160 : i32
    %jit3A_4162 = arith.constant 65 : i32
    %select_n3A_4163 = arith.select %eq3A_4161, %add3A_4157, %jit3A_4162 : i32
    %get3A_4164 = arith.index_cast %select_n3A_4163 : i32 to index
    %get3A_4165 = arith.constant 0 : index
    %get3A_4166 = tpu.vector_load %arg4[%get3A_4164, %get3A_4165] {strides = array<i32>} : memref<66x16xf32, #tpu.memory_space<vmem>>, vector<1x16xf32>,
    %get3A_4167 = vector.shape_cast %get3A_4166 : vector<1x16xf32> to vector<16xf32>
    %swap3A_4168 = arith.constant 3 : i32
    %swap3A_4169 = arith.index_cast %swap3A_4168 : i32 to index
    %swap3A_4170 = arith.constant 240 : index
    %swap3A_4171 = tpu.vector_load %arg5[%swap3A_4169, %swap3A_4170] {strides = array<i32>} : memref<4x1024xf32, #tpu.memory_space<vmem>>, vector<1x16xf32>,
    %swap3A_4172 = vector.shape_cast %swap3A_4171 : vector<1x16xf32> to vector<16xf32>
    %swap3A_4173 = vector.shape_cast %get3A_4167 : vector<16xf32> to vector<1x16xf32>
    tpu.vector_store %arg5[%swap3A_4169, %swap3A_4170], %swap3A_4173 {strides = array<i32>} : memref<4x1024xf32, #tpu.memory_space<vmem>>, vector<1x16xf32>,
    %sub3A_4174 = arith.constant 16 : i32
    %sub3A_4175 = arith.subi %add3A_3853, %sub3A_4174 : i32
    %add3A_4176 = arith.constant 32 : i32
    %add3A_4177 = arith.addi %sub3A_4175, %add3A_4176 : i32
    %shift_right_arithmetic3A_4178 = arith.constant 5 : i32
    %shift_right_arithmetic3A_4179 = arith.shrsi %add3A_3853, %shift_right_arithmetic3A_4178 : i32
    %eq3A_4180 = arith.constant 0 : i32
    %eq3A_4181 = arith.cmpi eq, %shift_right_arithmetic3A_4179, %eq3A_4180 : i32
    %jit3A_4182 = arith.constant 65 : i32
    %select_n3A_4183 = arith.select %eq3A_4181, %add3A_4177, %jit3A_4182 : i32
    %get3A_4184 = arith.index_cast %select_n3A_4183 : i32 to index
    %get3A_4185 = arith.constant 0 : index
    %get3A_4186 = tpu.vector_load %arg4[%get3A_4184, %get3A_4185] {strides = array<i32>} : memref<66x16xf32, #tpu.memory_space<vmem>>, vector<1x16xf32>,
    %get3A_4187 = vector.shape_cast %get3A_4186 : vector<1x16xf32> to vector<16xf32>
    %swap3A_4188 = arith.constant 3 : i32
    %swap3A_4189 = arith.index_cast %swap3A_4188 : i32 to index
    %swap3A_4190 = arith.constant 256 : index
    %swap3A_4191 = tpu.vector_load %arg5[%swap3A_4189, %swap3A_4190] {strides = array<i32>} : memref<4x1024xf32, #tpu.memory_space<vmem>>, vector<1x16xf32>,
    %swap3A_4192 = vector.shape_cast %swap3A_4191 : vector<1x16xf32> to vector<16xf32>
    %swap3A_4193 = vector.shape_cast %get3A_4187 : vector<16xf32> to vector<1x16xf32>
    tpu.vector_store %arg5[%swap3A_4189, %swap3A_4190], %swap3A_4193 {strides = array<i32>} : memref<4x1024xf32, #tpu.memory_space<vmem>>, vector<1x16xf32>,
    %sub3A_4194 = arith.constant 17 : i32
    %sub3A_4195 = arith.subi %add3A_3853, %sub3A_4194 : i32
    %add3A_4196 = arith.constant 32 : i32
    %add3A_4197 = arith.addi %sub3A_4195, %add3A_4196 : i32
    %shift_right_arithmetic3A_4198 = arith.constant 5 : i32
    %shift_right_arithmetic3A_4199 = arith.shrsi %add3A_3853, %shift_right_arithmetic3A_4198 : i32
    %eq3A_4200 = arith.constant 0 : i32
    %eq3A_4201 = arith.cmpi eq, %shift_right_arithmetic3A_4199, %eq3A_4200 : i32
    %jit3A_4202 = arith.constant 65 : i32
    %select_n3A_4203 = arith.select %eq3A_4201, %add3A_4197, %jit3A_4202 : i32
    %get3A_4204 = arith.index_cast %select_n3A_4203 : i32 to index
    %get3A_4205 = arith.constant 0 : index
    %get3A_4206 = tpu.vector_load %arg4[%get3A_4204, %get3A_4205] {strides = array<i32>} : memref<66x16xf32, #tpu.memory_space<vmem>>, vector<1x16xf32>,
    %get3A_4207 = vector.shape_cast %get3A_4206 : vector<1x16xf32> to vector<16xf32>
    %swap3A_4208 = arith.constant 3 : i32
    %swap3A_4209 = arith.index_cast %swap3A_4208 : i32 to index
    %swap3A_4210 = arith.constant 272 : index
    %swap3A_4211 = tpu.vector_load %arg5[%swap3A_4209, %swap3A_4210] {strides = array<i32>} : memref<4x1024xf32, #tpu.memory_space<vmem>>, vector<1x16xf32>,
    %swap3A_4212 = vector.shape_cast %swap3A_4211 : vector<1x16xf32> to vector<16xf32>
    %swap3A_4213 = vector.shape_cast %get3A_4207 : vector<16xf32> to vector<1x16xf32>
    tpu.vector_store %arg5[%swap3A_4209, %swap3A_4210], %swap3A_4213 {strides = array<i32>} : memref<4x1024xf32, #tpu.memory_space<vmem>>, vector<1x16xf32>,
    %sub3A_4214 = arith.constant 18 : i32
    %sub3A_4215 = arith.subi %add3A_3853, %sub3A_4214 : i32
    %add3A_4216 = arith.constant 32 : i32
    %add3A_4217 = arith.addi %sub3A_4215, %add3A_4216 : i32
    %shift_right_arithmetic3A_4218 = arith.constant 5 : i32
    %shift_right_arithmetic3A_4219 = arith.shrsi %add3A_3853, %shift_right_arithmetic3A_4218 : i32
    %eq3A_4220 = arith.constant 0 : i32
    %eq3A_4221 = arith.cmpi eq, %shift_right_arithmetic3A_4219, %eq3A_4220 : i32
    %jit3A_4222 = arith.constant 65 : i32
    %select_n3A_4223 = arith.select %eq3A_4221, %add3A_4217, %jit3A_4222 : i32
    %get3A_4224 = arith.index_cast %select_n3A_4223 : i32 to index
    %get3A_4225 = arith.constant 0 : index
    %get3A_4226 = tpu.vector_load %arg4[%get3A_4224, %get3A_4225] {strides = array<i32>} : memref<66x16xf32, #tpu.memory_space<vmem>>, vector<1x16xf32>,
    %get3A_4227 = vector.shape_cast %get3A_4226 : vector<1x16xf32> to vector<16xf32>
    %swap3A_4228 = arith.constant 3 : i32
    %swap3A_4229 = arith.index_cast %swap3A_4228 : i32 to index
    %swap3A_4230 = arith.constant 288 : index
    %swap3A_4231 = tpu.vector_load %arg5[%swap3A_4229, %swap3A_4230] {strides = array<i32>} : memref<4x1024xf32, #tpu.memory_space<vmem>>, vector<1x16xf32>,
    %swap3A_4232 = vector.shape_cast %swap3A_4231 : vector<1x16xf32> to vector<16xf32>
    %swap3A_4233 = vector.shape_cast %get3A_4227 : vector<16xf32> to vector<1x16xf32>
    tpu.vector_store %arg5[%swap3A_4229, %swap3A_4230], %swap3A_4233 {strides = array<i32>} : memref<4x1024xf32, #tpu.memory_space<vmem>>, vector<1x16xf32>,
    %sub3A_4234 = arith.constant 19 : i32
    %sub3A_4235 = arith.subi %add3A_3853, %sub3A_4234 : i32
    %add3A_4236 = arith.constant 32 : i32
    %add3A_4237 = arith.addi %sub3A_4235, %add3A_4236 : i32
    %shift_right_arithmetic3A_4238 = arith.constant 5 : i32
    %shift_right_arithmetic3A_4239 = arith.shrsi %add3A_3853, %shift_right_arithmetic3A_4238 : i32
    %eq3A_4240 = arith.constant 0 : i32
    %eq3A_4241 = arith.cmpi eq, %shift_right_arithmetic3A_4239, %eq3A_4240 : i32
    %jit3A_4242 = arith.constant 65 : i32
    %select_n3A_4243 = arith.select %eq3A_4241, %add3A_4237, %jit3A_4242 : i32
    %get3A_4244 = arith.index_cast %select_n3A_4243 : i32 to index
    %get3A_4245 = arith.constant 0 : index
    %get3A_4246 = tpu.vector_load %arg4[%get3A_4244, %get3A_4245] {strides = array<i32>} : memref<66x16xf32, #tpu.memory_space<vmem>>, vector<1x16xf32>,
    %get3A_4247 = vector.shape_cast %get3A_4246 : vector<1x16xf32> to vector<16xf32>
    %swap3A_4248 = arith.constant 3 : i32
    %swap3A_4249 = arith.index_cast %swap3A_4248 : i32 to index
    %swap3A_4250 = arith.constant 304 : index
    %swap3A_4251 = tpu.vector_load %arg5[%swap3A_4249, %swap3A_4250] {strides = array<i32>} : memref<4x1024xf32, #tpu.memory_space<vmem>>, vector<1x16xf32>,
    %swap3A_4252 = vector.shape_cast %swap3A_4251 : vector<1x16xf32> to vector<16xf32>
    %swap3A_4253 = vector.shape_cast %get3A_4247 : vector<16xf32> to vector<1x16xf32>
    tpu.vector_store %arg5[%swap3A_4249, %swap3A_4250], %swap3A_4253 {strides = array<i32>} : memref<4x1024xf32, #tpu.memory_space<vmem>>, vector<1x16xf32>,
    %sub3A_4254 = arith.constant 20 : i32
    %sub3A_4255 = arith.subi %add3A_3853, %sub3A_4254 : i32
    %add3A_4256 = arith.constant 32 : i32
    %add3A_4257 = arith.addi %sub3A_4255, %add3A_4256 : i32
    %shift_right_arithmetic3A_4258 = arith.constant 5 : i32
    %shift_right_arithmetic3A_4259 = arith.shrsi %add3A_3853, %shift_right_arithmetic3A_4258 : i32
    %eq3A_4260 = arith.constant 0 : i32
    %eq3A_4261 = arith.cmpi eq, %shift_right_arithmetic3A_4259, %eq3A_4260 : i32
    %jit3A_4262 = arith.constant 65 : i32
    %select_n3A_4263 = arith.select %eq3A_4261, %add3A_4257, %jit3A_4262 : i32
    %get3A_4264 = arith.index_cast %select_n3A_4263 : i32 to index
    %get3A_4265 = arith.constant 0 : index
    %get3A_4266 = tpu.vector_load %arg4[%get3A_4264, %get3A_4265] {strides = array<i32>} : memref<66x16xf32, #tpu.memory_space<vmem>>, vector<1x16xf32>,
    %get3A_4267 = vector.shape_cast %get3A_4266 : vector<1x16xf32> to vector<16xf32>
    %swap3A_4268 = arith.constant 3 : i32
    %swap3A_4269 = arith.index_cast %swap3A_4268 : i32 to index
    %swap3A_4270 = arith.constant 320 : index
    %swap3A_4271 = tpu.vector_load %arg5[%swap3A_4269, %swap3A_4270] {strides = array<i32>} : memref<4x1024xf32, #tpu.memory_space<vmem>>, vector<1x16xf32>,
    %swap3A_4272 = vector.shape_cast %swap3A_4271 : vector<1x16xf32> to vector<16xf32>
    %swap3A_4273 = vector.shape_cast %get3A_4267 : vector<16xf32> to vector<1x16xf32>
    tpu.vector_store %arg5[%swap3A_4269, %swap3A_4270], %swap3A_4273 {strides = array<i32>} : memref<4x1024xf32, #tpu.memory_space<vmem>>, vector<1x16xf32>,
    %sub3A_4274 = arith.constant 21 : i32
    %sub3A_4275 = arith.subi %add3A_3853, %sub3A_4274 : i32
    %add3A_4276 = arith.constant 32 : i32
    %add3A_4277 = arith.addi %sub3A_4275, %add3A_4276 : i32
    %shift_right_arithmetic3A_4278 = arith.constant 5 : i32
    %shift_right_arithmetic3A_4279 = arith.shrsi %add3A_3853, %shift_right_arithmetic3A_4278 : i32
    %eq3A_4280 = arith.constant 0 : i32
    %eq3A_4281 = arith.cmpi eq, %shift_right_arithmetic3A_4279, %eq3A_4280 : i32
    %jit3A_4282 = arith.constant 65 : i32
    %select_n3A_4283 = arith.select %eq3A_4281, %add3A_4277, %jit3A_4282 : i32
    %get3A_4284 = arith.index_cast %select_n3A_4283 : i32 to index
    %get3A_4285 = arith.constant 0 : index
    %get3A_4286 = tpu.vector_load %arg4[%get3A_4284, %get3A_4285] {strides = array<i32>} : memref<66x16xf32, #tpu.memory_space<vmem>>, vector<1x16xf32>,
    %get3A_4287 = vector.shape_cast %get3A_4286 : vector<1x16xf32> to vector<16xf32>
    %swap3A_4288 = arith.constant 3 : i32
    %swap3A_4289 = arith.index_cast %swap3A_4288 : i32 to index
    %swap3A_4290 = arith.constant 336 : index
    %swap3A_4291 = tpu.vector_load %arg5[%swap3A_4289, %swap3A_4290] {strides = array<i32>} : memref<4x1024xf32, #tpu.memory_space<vmem>>, vector<1x16xf32>,
    %swap3A_4292 = vector.shape_cast %swap3A_4291 : vector<1x16xf32> to vector<16xf32>
    %swap3A_4293 = vector.shape_cast %get3A_4287 : vector<16xf32> to vector<1x16xf32>
    tpu.vector_store %arg5[%swap3A_4289, %swap3A_4290], %swap3A_4293 {strides = array<i32>} : memref<4x1024xf32, #tpu.memory_space<vmem>>, vector<1x16xf32>,
    %sub3A_4294 = arith.constant 22 : i32
    %sub3A_4295 = arith.subi %add3A_3853, %sub3A_4294 : i32
    %add3A_4296 = arith.constant 32 : i32
    %add3A_4297 = arith.addi %sub3A_4295, %add3A_4296 : i32
    %shift_right_arithmetic3A_4298 = arith.constant 5 : i32
    %shift_right_arithmetic3A_4299 = arith.shrsi %add3A_3853, %shift_right_arithmetic3A_4298 : i32
    %eq3A_4300 = arith.constant 0 : i32
    %eq3A_4301 = arith.cmpi eq, %shift_right_arithmetic3A_4299, %eq3A_4300 : i32
    %jit3A_4302 = arith.constant 65 : i32
    %select_n3A_4303 = arith.select %eq3A_4301, %add3A_4297, %jit3A_4302 : i32
    %get3A_4304 = arith.index_cast %select_n3A_4303 : i32 to index
    %get3A_4305 = arith.constant 0 : index
    %get3A_4306 = tpu.vector_load %arg4[%get3A_4304, %get3A_4305] {strides = array<i32>} : memref<66x16xf32, #tpu.memory_space<vmem>>, vector<1x16xf32>,
    %get3A_4307 = vector.shape_cast %get3A_4306 : vector<1x16xf32> to vector<16xf32>
    %swap3A_4308 = arith.constant 3 : i32
    %swap3A_4309 = arith.index_cast %swap3A_4308 : i32 to index
    %swap3A_4310 = arith.constant 352 : index
    %swap3A_4311 = tpu.vector_load %arg5[%swap3A_4309, %swap3A_4310] {strides = array<i32>} : memref<4x1024xf32, #tpu.memory_space<vmem>>, vector<1x16xf32>,
    %swap3A_4312 = vector.shape_cast %swap3A_4311 : vector<1x16xf32> to vector<16xf32>
    %swap3A_4313 = vector.shape_cast %get3A_4307 : vector<16xf32> to vector<1x16xf32>
    tpu.vector_store %arg5[%swap3A_4309, %swap3A_4310], %swap3A_4313 {strides = array<i32>} : memref<4x1024xf32, #tpu.memory_space<vmem>>, vector<1x16xf32>,
    %sub3A_4314 = arith.constant 23 : i32
    %sub3A_4315 = arith.subi %add3A_3853, %sub3A_4314 : i32
    %add3A_4316 = arith.constant 32 : i32
    %add3A_4317 = arith.addi %sub3A_4315, %add3A_4316 : i32
    %shift_right_arithmetic3A_4318 = arith.constant 5 : i32
    %shift_right_arithmetic3A_4319 = arith.shrsi %add3A_3853, %shift_right_arithmetic3A_4318 : i32
    %eq3A_4320 = arith.constant 0 : i32
    %eq3A_4321 = arith.cmpi eq, %shift_right_arithmetic3A_4319, %eq3A_4320 : i32
    %jit3A_4322 = arith.constant 65 : i32
    %select_n3A_4323 = arith.select %eq3A_4321, %add3A_4317, %jit3A_4322 : i32
    %get3A_4324 = arith.index_cast %select_n3A_4323 : i32 to index
    %get3A_4325 = arith.constant 0 : index
    %get3A_4326 = tpu.vector_load %arg4[%get3A_4324, %get3A_4325] {strides = array<i32>} : memref<66x16xf32, #tpu.memory_space<vmem>>, vector<1x16xf32>,
    %get3A_4327 = vector.shape_cast %get3A_4326 : vector<1x16xf32> to vector<16xf32>
    %swap3A_4328 = arith.constant 3 : i32
    %swap3A_4329 = arith.index_cast %swap3A_4328 : i32 to index
    %swap3A_4330 = arith.constant 368 : index
    %swap3A_4331 = tpu.vector_load %arg5[%swap3A_4329, %swap3A_4330] {strides = array<i32>} : memref<4x1024xf32, #tpu.memory_space<vmem>>, vector<1x16xf32>,
    %swap3A_4332 = vector.shape_cast %swap3A_4331 : vector<1x16xf32> to vector<16xf32>
    %swap3A_4333 = vector.shape_cast %get3A_4327 : vector<16xf32> to vector<1x16xf32>
    tpu.vector_store %arg5[%swap3A_4329, %swap3A_4330], %swap3A_4333 {strides = array<i32>} : memref<4x1024xf32, #tpu.memory_space<vmem>>, vector<1x16xf32>,
    %sub3A_4334 = arith.constant 24 : i32
    %sub3A_4335 = arith.subi %add3A_3853, %sub3A_4334 : i32
    %add3A_4336 = arith.constant 32 : i32
    %add3A_4337 = arith.addi %sub3A_4335, %add3A_4336 : i32
    %shift_right_arithmetic3A_4338 = arith.constant 5 : i32
    %shift_right_arithmetic3A_4339 = arith.shrsi %add3A_3853, %shift_right_arithmetic3A_4338 : i32
    %eq3A_4340 = arith.constant 0 : i32
    %eq3A_4341 = arith.cmpi eq, %shift_right_arithmetic3A_4339, %eq3A_4340 : i32
    %jit3A_4342 = arith.constant 65 : i32
    %select_n3A_4343 = arith.select %eq3A_4341, %add3A_4337, %jit3A_4342 : i32
    %get3A_4344 = arith.index_cast %select_n3A_4343 : i32 to index
    %get3A_4345 = arith.constant 0 : index
    %get3A_4346 = tpu.vector_load %arg4[%get3A_4344, %get3A_4345] {strides = array<i32>} : memref<66x16xf32, #tpu.memory_space<vmem>>, vector<1x16xf32>,
    %get3A_4347 = vector.shape_cast %get3A_4346 : vector<1x16xf32> to vector<16xf32>
    %swap3A_4348 = arith.constant 3 : i32
    %swap3A_4349 = arith.index_cast %swap3A_4348 : i32 to index
    %swap3A_4350 = arith.constant 384 : index
    %swap3A_4351 = tpu.vector_load %arg5[%swap3A_4349, %swap3A_4350] {strides = array<i32>} : memref<4x1024xf32, #tpu.memory_space<vmem>>, vector<1x16xf32>,
    %swap3A_4352 = vector.shape_cast %swap3A_4351 : vector<1x16xf32> to vector<16xf32>
    %swap3A_4353 = vector.shape_cast %get3A_4347 : vector<16xf32> to vector<1x16xf32>
    tpu.vector_store %arg5[%swap3A_4349, %swap3A_4350], %swap3A_4353 {strides = array<i32>} : memref<4x1024xf32, #tpu.memory_space<vmem>>, vector<1x16xf32>,
    %sub3A_4354 = arith.constant 25 : i32
    %sub3A_4355 = arith.subi %add3A_3853, %sub3A_4354 : i32
    %add3A_4356 = arith.constant 32 : i32
    %add3A_4357 = arith.addi %sub3A_4355, %add3A_4356 : i32
    %shift_right_arithmetic3A_4358 = arith.constant 5 : i32
    %shift_right_arithmetic3A_4359 = arith.shrsi %add3A_3853, %shift_right_arithmetic3A_4358 : i32
    %eq3A_4360 = arith.constant 0 : i32
    %eq3A_4361 = arith.cmpi eq, %shift_right_arithmetic3A_4359, %eq3A_4360 : i32
    %jit3A_4362 = arith.constant 65 : i32
    %select_n3A_4363 = arith.select %eq3A_4361, %add3A_4357, %jit3A_4362 : i32
    %get3A_4364 = arith.index_cast %select_n3A_4363 : i32 to index
    %get3A_4365 = arith.constant 0 : index
    %get3A_4366 = tpu.vector_load %arg4[%get3A_4364, %get3A_4365] {strides = array<i32>} : memref<66x16xf32, #tpu.memory_space<vmem>>, vector<1x16xf32>,
    %get3A_4367 = vector.shape_cast %get3A_4366 : vector<1x16xf32> to vector<16xf32>
    %swap3A_4368 = arith.constant 3 : i32
    %swap3A_4369 = arith.index_cast %swap3A_4368 : i32 to index
    %swap3A_4370 = arith.constant 400 : index
    %swap3A_4371 = tpu.vector_load %arg5[%swap3A_4369, %swap3A_4370] {strides = array<i32>} : memref<4x1024xf32, #tpu.memory_space<vmem>>, vector<1x16xf32>,
    %swap3A_4372 = vector.shape_cast %swap3A_4371 : vector<1x16xf32> to vector<16xf32>
    %swap3A_4373 = vector.shape_cast %get3A_4367 : vector<16xf32> to vector<1x16xf32>
    tpu.vector_store %arg5[%swap3A_4369, %swap3A_4370], %swap3A_4373 {strides = array<i32>} : memref<4x1024xf32, #tpu.memory_space<vmem>>, vector<1x16xf32>,
    %sub3A_4374 = arith.constant 26 : i32
    %sub3A_4375 = arith.subi %add3A_3853, %sub3A_4374 : i32
    %add3A_4376 = arith.constant 32 : i32
    %add3A_4377 = arith.addi %sub3A_4375, %add3A_4376 : i32
    %shift_right_arithmetic3A_4378 = arith.constant 5 : i32
    %shift_right_arithmetic3A_4379 = arith.shrsi %add3A_3853, %shift_right_arithmetic3A_4378 : i32
    %eq3A_4380 = arith.constant 0 : i32
    %eq3A_4381 = arith.cmpi eq, %shift_right_arithmetic3A_4379, %eq3A_4380 : i32
    %jit3A_4382 = arith.constant 65 : i32
    %select_n3A_4383 = arith.select %eq3A_4381, %add3A_4377, %jit3A_4382 : i32
    %get3A_4384 = arith.index_cast %select_n3A_4383 : i32 to index
    %get3A_4385 = arith.constant 0 : index
    %get3A_4386 = tpu.vector_load %arg4[%get3A_4384, %get3A_4385] {strides = array<i32>} : memref<66x16xf32, #tpu.memory_space<vmem>>, vector<1x16xf32>,
    %get3A_4387 = vector.shape_cast %get3A_4386 : vector<1x16xf32> to vector<16xf32>
    %swap3A_4388 = arith.constant 3 : i32
    %swap3A_4389 = arith.index_cast %swap3A_4388 : i32 to index
    %swap3A_4390 = arith.constant 416 : index
    %swap3A_4391 = tpu.vector_load %arg5[%swap3A_4389, %swap3A_4390] {strides = array<i32>} : memref<4x1024xf32, #tpu.memory_space<vmem>>, vector<1x16xf32>,
    %swap3A_4392 = vector.shape_cast %swap3A_4391 : vector<1x16xf32> to vector<16xf32>
    %swap3A_4393 = vector.shape_cast %get3A_4387 : vector<16xf32> to vector<1x16xf32>
    tpu.vector_store %arg5[%swap3A_4389, %swap3A_4390], %swap3A_4393 {strides = array<i32>} : memref<4x1024xf32, #tpu.memory_space<vmem>>, vector<1x16xf32>,
    %sub3A_4394 = arith.constant 27 : i32
    %sub3A_4395 = arith.subi %add3A_3853, %sub3A_4394 : i32
    %add3A_4396 = arith.constant 32 : i32
    %add3A_4397 = arith.addi %sub3A_4395, %add3A_4396 : i32
    %shift_right_arithmetic3A_4398 = arith.constant 5 : i32
    %shift_right_arithmetic3A_4399 = arith.shrsi %add3A_3853, %shift_right_arithmetic3A_4398 : i32
    %eq3A_4400 = arith.constant 0 : i32
    %eq3A_4401 = arith.cmpi eq, %shift_right_arithmetic3A_4399, %eq3A_4400 : i32
    %jit3A_4402 = arith.constant 65 : i32
    %select_n3A_4403 = arith.select %eq3A_4401, %add3A_4397, %jit3A_4402 : i32
    %get3A_4404 = arith.index_cast %select_n3A_4403 : i32 to index
    %get3A_4405 = arith.constant 0 : index
    %get3A_4406 = tpu.vector_load %arg4[%get3A_4404, %get3A_4405] {strides = array<i32>} : memref<66x16xf32, #tpu.memory_space<vmem>>, vector<1x16xf32>,
    %get3A_4407 = vector.shape_cast %get3A_4406 : vector<1x16xf32> to vector<16xf32>
    %swap3A_4408 = arith.constant 3 : i32
    %swap3A_4409 = arith.index_cast %swap3A_4408 : i32 to index
    %swap3A_4410 = arith.constant 432 : index
    %swap3A_4411 = tpu.vector_load %arg5[%swap3A_4409, %swap3A_4410] {strides = array<i32>} : memref<4x1024xf32, #tpu.memory_space<vmem>>, vector<1x16xf32>,
    %swap3A_4412 = vector.shape_cast %swap3A_4411 : vector<1x16xf32> to vector<16xf32>
    %swap3A_4413 = vector.shape_cast %get3A_4407 : vector<16xf32> to vector<1x16xf32>
    tpu.vector_store %arg5[%swap3A_4409, %swap3A_4410], %swap3A_4413 {strides = array<i32>} : memref<4x1024xf32, #tpu.memory_space<vmem>>, vector<1x16xf32>,
    %sub3A_4414 = arith.constant 28 : i32
    %sub3A_4415 = arith.subi %add3A_3853, %sub3A_4414 : i32
    %add3A_4416 = arith.constant 32 : i32
    %add3A_4417 = arith.addi %sub3A_4415, %add3A_4416 : i32
    %shift_right_arithmetic3A_4418 = arith.constant 5 : i32
    %shift_right_arithmetic3A_4419 = arith.shrsi %add3A_3853, %shift_right_arithmetic3A_4418 : i32
    %eq3A_4420 = arith.constant 0 : i32
    %eq3A_4421 = arith.cmpi eq, %shift_right_arithmetic3A_4419, %eq3A_4420 : i32
    %jit3A_4422 = arith.constant 65 : i32
    %select_n3A_4423 = arith.select %eq3A_4421, %add3A_4417, %jit3A_4422 : i32
    %get3A_4424 = arith.index_cast %select_n3A_4423 : i32 to index
    %get3A_4425 = arith.constant 0 : index
    %get3A_4426 = tpu.vector_load %arg4[%get3A_4424, %get3A_4425] {strides = array<i32>} : memref<66x16xf32, #tpu.memory_space<vmem>>, vector<1x16xf32>,
    %get3A_4427 = vector.shape_cast %get3A_4426 : vector<1x16xf32> to vector<16xf32>
    %swap3A_4428 = arith.constant 3 : i32
    %swap3A_4429 = arith.index_cast %swap3A_4428 : i32 to index
    %swap3A_4430 = arith.constant 448 : index
    %swap3A_4431 = tpu.vector_load %arg5[%swap3A_4429, %swap3A_4430] {strides = array<i32>} : memref<4x1024xf32, #tpu.memory_space<vmem>>, vector<1x16xf32>,
    %swap3A_4432 = vector.shape_cast %swap3A_4431 : vector<1x16xf32> to vector<16xf32>
    %swap3A_4433 = vector.shape_cast %get3A_4427 : vector<16xf32> to vector<1x16xf32>
    tpu.vector_store %arg5[%swap3A_4429, %swap3A_4430], %swap3A_4433 {strides = array<i32>} : memref<4x1024xf32, #tpu.memory_space<vmem>>, vector<1x16xf32>,
    %sub3A_4434 = arith.constant 29 : i32
    %sub3A_4435 = arith.subi %add3A_3853, %sub3A_4434 : i32
    %add3A_4436 = arith.constant 32 : i32
    %add3A_4437 = arith.addi %sub3A_4435, %add3A_4436 : i32
    %shift_right_arithmetic3A_4438 = arith.constant 5 : i32
    %shift_right_arithmetic3A_4439 = arith.shrsi %add3A_3853, %shift_right_arithmetic3A_4438 : i32
    %eq3A_4440 = arith.constant 0 : i32
    %eq3A_4441 = arith.cmpi eq, %shift_right_arithmetic3A_4439, %eq3A_4440 : i32
    %jit3A_4442 = arith.constant 65 : i32
    %select_n3A_4443 = arith.select %eq3A_4441, %add3A_4437, %jit3A_4442 : i32
    %get3A_4444 = arith.index_cast %select_n3A_4443 : i32 to index
    %get3A_4445 = arith.constant 0 : index
    %get3A_4446 = tpu.vector_load %arg4[%get3A_4444, %get3A_4445] {strides = array<i32>} : memref<66x16xf32, #tpu.memory_space<vmem>>, vector<1x16xf32>,
    %get3A_4447 = vector.shape_cast %get3A_4446 : vector<1x16xf32> to vector<16xf32>
    %swap3A_4448 = arith.constant 3 : i32
    %swap3A_4449 = arith.index_cast %swap3A_4448 : i32 to index
    %swap3A_4450 = arith.constant 464 : index
    %swap3A_4451 = tpu.vector_load %arg5[%swap3A_4449, %swap3A_4450] {strides = array<i32>} : memref<4x1024xf32, #tpu.memory_space<vmem>>, vector<1x16xf32>,
    %swap3A_4452 = vector.shape_cast %swap3A_4451 : vector<1x16xf32> to vector<16xf32>
    %swap3A_4453 = vector.shape_cast %get3A_4447 : vector<16xf32> to vector<1x16xf32>
    tpu.vector_store %arg5[%swap3A_4449, %swap3A_4450], %swap3A_4453 {strides = array<i32>} : memref<4x1024xf32, #tpu.memory_space<vmem>>, vector<1x16xf32>,
    %sub3A_4454 = arith.constant 30 : i32
    %sub3A_4455 = arith.subi %add3A_3853, %sub3A_4454 : i32
    %add3A_4456 = arith.constant 32 : i32
    %add3A_4457 = arith.addi %sub3A_4455, %add3A_4456 : i32
    %shift_right_arithmetic3A_4458 = arith.constant 5 : i32
    %shift_right_arithmetic3A_4459 = arith.shrsi %add3A_3853, %shift_right_arithmetic3A_4458 : i32
    %eq3A_4460 = arith.constant 0 : i32
    %eq3A_4461 = arith.cmpi eq, %shift_right_arithmetic3A_4459, %eq3A_4460 : i32
    %jit3A_4462 = arith.constant 65 : i32
    %select_n3A_4463 = arith.select %eq3A_4461, %add3A_4457, %jit3A_4462 : i32
    %get3A_4464 = arith.index_cast %select_n3A_4463 : i32 to index
    %get3A_4465 = arith.constant 0 : index
    %get3A_4466 = tpu.vector_load %arg4[%get3A_4464, %get3A_4465] {strides = array<i32>} : memref<66x16xf32, #tpu.memory_space<vmem>>, vector<1x16xf32>,
    %get3A_4467 = vector.shape_cast %get3A_4466 : vector<1x16xf32> to vector<16xf32>
    %swap3A_4468 = arith.constant 3 : i32
    %swap3A_4469 = arith.index_cast %swap3A_4468 : i32 to index
    %swap3A_4470 = arith.constant 480 : index
    %swap3A_4471 = tpu.vector_load %arg5[%swap3A_4469, %swap3A_4470] {strides = array<i32>} : memref<4x1024xf32, #tpu.memory_space<vmem>>, vector<1x16xf32>,
    %swap3A_4472 = vector.shape_cast %swap3A_4471 : vector<1x16xf32> to vector<16xf32>
    %swap3A_4473 = vector.shape_cast %get3A_4467 : vector<16xf32> to vector<1x16xf32>
    tpu.vector_store %arg5[%swap3A_4469, %swap3A_4470], %swap3A_4473 {strides = array<i32>} : memref<4x1024xf32, #tpu.memory_space<vmem>>, vector<1x16xf32>,
    %sub3A_4474 = arith.constant 31 : i32
    %sub3A_4475 = arith.subi %add3A_3853, %sub3A_4474 : i32
    %add3A_4476 = arith.constant 32 : i32
    %add3A_4477 = arith.addi %sub3A_4475, %add3A_4476 : i32
    %shift_right_arithmetic3A_4478 = arith.constant 5 : i32
    %shift_right_arithmetic3A_4479 = arith.shrsi %add3A_3853, %shift_right_arithmetic3A_4478 : i32
    %eq3A_4480 = arith.constant 0 : i32
    %eq3A_4481 = arith.cmpi eq, %shift_right_arithmetic3A_4479, %eq3A_4480 : i32
    %jit3A_4482 = arith.constant 65 : i32
    %select_n3A_4483 = arith.select %eq3A_4481, %add3A_4477, %jit3A_4482 : i32
    %get3A_4484 = arith.index_cast %select_n3A_4483 : i32 to index
    %get3A_4485 = arith.constant 0 : index
    %get3A_4486 = tpu.vector_load %arg4[%get3A_4484, %get3A_4485] {strides = array<i32>} : memref<66x16xf32, #tpu.memory_space<vmem>>, vector<1x16xf32>,
    %get3A_4487 = vector.shape_cast %get3A_4486 : vector<1x16xf32> to vector<16xf32>
    %swap3A_4488 = arith.constant 3 : i32
    %swap3A_4489 = arith.index_cast %swap3A_4488 : i32 to index
    %swap3A_4490 = arith.constant 496 : index
    %swap3A_4491 = tpu.vector_load %arg5[%swap3A_4489, %swap3A_4490] {strides = array<i32>} : memref<4x1024xf32, #tpu.memory_space<vmem>>, vector<1x16xf32>,
    %swap3A_4492 = vector.shape_cast %swap3A_4491 : vector<1x16xf32> to vector<16xf32>
    %swap3A_4493 = vector.shape_cast %get3A_4487 : vector<16xf32> to vector<1x16xf32>
    tpu.vector_store %arg5[%swap3A_4489, %swap3A_4490], %swap3A_4493 {strides = array<i32>} : memref<4x1024xf32, #tpu.memory_space<vmem>>, vector<1x16xf32>,
    %sub3A_4494 = arith.constant 32 : i32
    %sub3A_4495 = arith.subi %add3A_3853, %sub3A_4494 : i32
    %add3A_4496 = arith.constant 32 : i32
    %add3A_4497 = arith.addi %sub3A_4495, %add3A_4496 : i32
    %shift_right_arithmetic3A_4498 = arith.constant 5 : i32
    %shift_right_arithmetic3A_4499 = arith.shrsi %add3A_3853, %shift_right_arithmetic3A_4498 : i32
    %eq3A_4500 = arith.constant 1 : i32
    %eq3A_4501 = arith.cmpi eq, %shift_right_arithmetic3A_4499, %eq3A_4500 : i32
    %jit3A_4502 = arith.constant 65 : i32
    %select_n3A_4503 = arith.select %eq3A_4501, %add3A_4497, %jit3A_4502 : i32
    %get3A_4504 = arith.index_cast %select_n3A_4503 : i32 to index
    %get3A_4505 = arith.constant 0 : index
    %get3A_4506 = tpu.vector_load %arg4[%get3A_4504, %get3A_4505] {strides = array<i32>} : memref<66x16xf32, #tpu.memory_space<vmem>>, vector<1x16xf32>,
    %get3A_4507 = vector.shape_cast %get3A_4506 : vector<1x16xf32> to vector<16xf32>
    %swap3A_4508 = arith.constant 3 : i32
    %swap3A_4509 = arith.index_cast %swap3A_4508 : i32 to index
    %swap3A_4510 = arith.constant 512 : index
    %swap3A_4511 = tpu.vector_load %arg5[%swap3A_4509, %swap3A_4510] {strides = array<i32>} : memref<4x1024xf32, #tpu.memory_space<vmem>>, vector<1x16xf32>,
    %swap3A_4512 = vector.shape_cast %swap3A_4511 : vector<1x16xf32> to vector<16xf32>
    %swap3A_4513 = vector.shape_cast %get3A_4507 : vector<16xf32> to vector<1x16xf32>
    tpu.vector_store %arg5[%swap3A_4509, %swap3A_4510], %swap3A_4513 {strides = array<i32>} : memref<4x1024xf32, #tpu.memory_space<vmem>>, vector<1x16xf32>,
    %sub3A_4514 = arith.constant 33 : i32
    %sub3A_4515 = arith.subi %add3A_3853, %sub3A_4514 : i32
    %add3A_4516 = arith.constant 32 : i32
    %add3A_4517 = arith.addi %sub3A_4515, %add3A_4516 : i32
    %shift_right_arithmetic3A_4518 = arith.constant 5 : i32
    %shift_right_arithmetic3A_4519 = arith.shrsi %add3A_3853, %shift_right_arithmetic3A_4518 : i32
    %eq3A_4520 = arith.constant 1 : i32
    %eq3A_4521 = arith.cmpi eq, %shift_right_arithmetic3A_4519, %eq3A_4520 : i32
    %jit3A_4522 = arith.constant 65 : i32
    %select_n3A_4523 = arith.select %eq3A_4521, %add3A_4517, %jit3A_4522 : i32
    %get3A_4524 = arith.index_cast %select_n3A_4523 : i32 to index
    %get3A_4525 = arith.constant 0 : index
    %get3A_4526 = tpu.vector_load %arg4[%get3A_4524, %get3A_4525] {strides = array<i32>} : memref<66x16xf32, #tpu.memory_space<vmem>>, vector<1x16xf32>,
    %get3A_4527 = vector.shape_cast %get3A_4526 : vector<1x16xf32> to vector<16xf32>
    %swap3A_4528 = arith.constant 3 : i32
    %swap3A_4529 = arith.index_cast %swap3A_4528 : i32 to index
    %swap3A_4530 = arith.constant 528 : index
    %swap3A_4531 = tpu.vector_load %arg5[%swap3A_4529, %swap3A_4530] {strides = array<i32>} : memref<4x1024xf32, #tpu.memory_space<vmem>>, vector<1x16xf32>,
    %swap3A_4532 = vector.shape_cast %swap3A_4531 : vector<1x16xf32> to vector<16xf32>
    %swap3A_4533 = vector.shape_cast %get3A_4527 : vector<16xf32> to vector<1x16xf32>
    tpu.vector_store %arg5[%swap3A_4529, %swap3A_4530], %swap3A_4533 {strides = array<i32>} : memref<4x1024xf32, #tpu.memory_space<vmem>>, vector<1x16xf32>,
    %sub3A_4534 = arith.constant 34 : i32
    %sub3A_4535 = arith.subi %add3A_3853, %sub3A_4534 : i32
    %add3A_4536 = arith.constant 32 : i32
    %add3A_4537 = arith.addi %sub3A_4535, %add3A_4536 : i32
    %shift_right_arithmetic3A_4538 = arith.constant 5 : i32
    %shift_right_arithmetic3A_4539 = arith.shrsi %add3A_3853, %shift_right_arithmetic3A_4538 : i32
    %eq3A_4540 = arith.constant 1 : i32
    %eq3A_4541 = arith.cmpi eq, %shift_right_arithmetic3A_4539, %eq3A_4540 : i32
    %jit3A_4542 = arith.constant 65 : i32
    %select_n3A_4543 = arith.select %eq3A_4541, %add3A_4537, %jit3A_4542 : i32
    %get3A_4544 = arith.index_cast %select_n3A_4543 : i32 to index
    %get3A_4545 = arith.constant 0 : index
    %get3A_4546 = tpu.vector_load %arg4[%get3A_4544, %get3A_4545] {strides = array<i32>} : memref<66x16xf32, #tpu.memory_space<vmem>>, vector<1x16xf32>,
    %get3A_4547 = vector.shape_cast %get3A_4546 : vector<1x16xf32> to vector<16xf32>
    %swap3A_4548 = arith.constant 3 : i32
    %swap3A_4549 = arith.index_cast %swap3A_4548 : i32 to index
    %swap3A_4550 = arith.constant 544 : index
    %swap3A_4551 = tpu.vector_load %arg5[%swap3A_4549, %swap3A_4550] {strides = array<i32>} : memref<4x1024xf32, #tpu.memory_space<vmem>>, vector<1x16xf32>,
    %swap3A_4552 = vector.shape_cast %swap3A_4551 : vector<1x16xf32> to vector<16xf32>
    %swap3A_4553 = vector.shape_cast %get3A_4547 : vector<16xf32> to vector<1x16xf32>
    tpu.vector_store %arg5[%swap3A_4549, %swap3A_4550], %swap3A_4553 {strides = array<i32>} : memref<4x1024xf32, #tpu.memory_space<vmem>>, vector<1x16xf32>,
    %sub3A_4554 = arith.constant 35 : i32
    %sub3A_4555 = arith.subi %add3A_3853, %sub3A_4554 : i32
    %add3A_4556 = arith.constant 32 : i32
    %add3A_4557 = arith.addi %sub3A_4555, %add3A_4556 : i32
    %shift_right_arithmetic3A_4558 = arith.constant 5 : i32
    %shift_right_arithmetic3A_4559 = arith.shrsi %add3A_3853, %shift_right_arithmetic3A_4558 : i32
    %eq3A_4560 = arith.constant 1 : i32
    %eq3A_4561 = arith.cmpi eq, %shift_right_arithmetic3A_4559, %eq3A_4560 : i32
    %jit3A_4562 = arith.constant 65 : i32
    %select_n3A_4563 = arith.select %eq3A_4561, %add3A_4557, %jit3A_4562 : i32
    %get3A_4564 = arith.index_cast %select_n3A_4563 : i32 to index
    %get3A_4565 = arith.constant 0 : index
    %get3A_4566 = tpu.vector_load %arg4[%get3A_4564, %get3A_4565] {strides = array<i32>} : memref<66x16xf32, #tpu.memory_space<vmem>>, vector<1x16xf32>,
    %get3A_4567 = vector.shape_cast %get3A_4566 : vector<1x16xf32> to vector<16xf32>
    %swap3A_4568 = arith.constant 3 : i32
    %swap3A_4569 = arith.index_cast %swap3A_4568 : i32 to index
    %swap3A_4570 = arith.constant 560 : index
    %swap3A_4571 = tpu.vector_load %arg5[%swap3A_4569, %swap3A_4570] {strides = array<i32>} : memref<4x1024xf32, #tpu.memory_space<vmem>>, vector<1x16xf32>,
    %swap3A_4572 = vector.shape_cast %swap3A_4571 : vector<1x16xf32> to vector<16xf32>
    %swap3A_4573 = vector.shape_cast %get3A_4567 : vector<16xf32> to vector<1x16xf32>
    tpu.vector_store %arg5[%swap3A_4569, %swap3A_4570], %swap3A_4573 {strides = array<i32>} : memref<4x1024xf32, #tpu.memory_space<vmem>>, vector<1x16xf32>,
    %sub3A_4574 = arith.constant 36 : i32
    %sub3A_4575 = arith.subi %add3A_3853, %sub3A_4574 : i32
    %add3A_4576 = arith.constant 32 : i32
    %add3A_4577 = arith.addi %sub3A_4575, %add3A_4576 : i32
    %shift_right_arithmetic3A_4578 = arith.constant 5 : i32
    %shift_right_arithmetic3A_4579 = arith.shrsi %add3A_3853, %shift_right_arithmetic3A_4578 : i32
    %eq3A_4580 = arith.constant 1 : i32
    %eq3A_4581 = arith.cmpi eq, %shift_right_arithmetic3A_4579, %eq3A_4580 : i32
    %jit3A_4582 = arith.constant 65 : i32
    %select_n3A_4583 = arith.select %eq3A_4581, %add3A_4577, %jit3A_4582 : i32
    %get3A_4584 = arith.index_cast %select_n3A_4583 : i32 to index
    %get3A_4585 = arith.constant 0 : index
    %get3A_4586 = tpu.vector_load %arg4[%get3A_4584, %get3A_4585] {strides = array<i32>} : memref<66x16xf32, #tpu.memory_space<vmem>>, vector<1x16xf32>,
    %get3A_4587 = vector.shape_cast %get3A_4586 : vector<1x16xf32> to vector<16xf32>
    %swap3A_4588 = arith.constant 3 : i32
    %swap3A_4589 = arith.index_cast %swap3A_4588 : i32 to index
    %swap3A_4590 = arith.constant 576 : index
    %swap3A_4591 = tpu.vector_load %arg5[%swap3A_4589, %swap3A_4590] {strides = array<i32>} : memref<4x1024xf32, #tpu.memory_space<vmem>>, vector<1x16xf32>,
    %swap3A_4592 = vector.shape_cast %swap3A_4591 : vector<1x16xf32> to vector<16xf32>
    %swap3A_4593 = vector.shape_cast %get3A_4587 : vector<16xf32> to vector<1x16xf32>
    tpu.vector_store %arg5[%swap3A_4589, %swap3A_4590], %swap3A_4593 {strides = array<i32>} : memref<4x1024xf32, #tpu.memory_space<vmem>>, vector<1x16xf32>,
    %sub3A_4594 = arith.constant 37 : i32
    %sub3A_4595 = arith.subi %add3A_3853, %sub3A_4594 : i32
    %add3A_4596 = arith.constant 32 : i32
    %add3A_4597 = arith.addi %sub3A_4595, %add3A_4596 : i32
    %shift_right_arithmetic3A_4598 = arith.constant 5 : i32
    %shift_right_arithmetic3A_4599 = arith.shrsi %add3A_3853, %shift_right_arithmetic3A_4598 : i32
    %eq3A_4600 = arith.constant 1 : i32
    %eq3A_4601 = arith.cmpi eq, %shift_right_arithmetic3A_4599, %eq3A_4600 : i32
    %jit3A_4602 = arith.constant 65 : i32
    %select_n3A_4603 = arith.select %eq3A_4601, %add3A_4597, %jit3A_4602 : i32
    %get3A_4604 = arith.index_cast %select_n3A_4603 : i32 to index
    %get3A_4605 = arith.constant 0 : index
    %get3A_4606 = tpu.vector_load %arg4[%get3A_4604, %get3A_4605] {strides = array<i32>} : memref<66x16xf32, #tpu.memory_space<vmem>>, vector<1x16xf32>,
    %get3A_4607 = vector.shape_cast %get3A_4606 : vector<1x16xf32> to vector<16xf32>
    %swap3A_4608 = arith.constant 3 : i32
    %swap3A_4609 = arith.index_cast %swap3A_4608 : i32 to index
    %swap3A_4610 = arith.constant 592 : index
    %swap3A_4611 = tpu.vector_load %arg5[%swap3A_4609, %swap3A_4610] {strides = array<i32>} : memref<4x1024xf32, #tpu.memory_space<vmem>>, vector<1x16xf32>,
    %swap3A_4612 = vector.shape_cast %swap3A_4611 : vector<1x16xf32> to vector<16xf32>
    %swap3A_4613 = vector.shape_cast %get3A_4607 : vector<16xf32> to vector<1x16xf32>
    tpu.vector_store %arg5[%swap3A_4609, %swap3A_4610], %swap3A_4613 {strides = array<i32>} : memref<4x1024xf32, #tpu.memory_space<vmem>>, vector<1x16xf32>,
    %sub3A_4614 = arith.constant 38 : i32
    %sub3A_4615 = arith.subi %add3A_3853, %sub3A_4614 : i32
    %add3A_4616 = arith.constant 32 : i32
    %add3A_4617 = arith.addi %sub3A_4615, %add3A_4616 : i32
    %shift_right_arithmetic3A_4618 = arith.constant 5 : i32
    %shift_right_arithmetic3A_4619 = arith.shrsi %add3A_3853, %shift_right_arithmetic3A_4618 : i32
    %eq3A_4620 = arith.constant 1 : i32
    %eq3A_4621 = arith.cmpi eq, %shift_right_arithmetic3A_4619, %eq3A_4620 : i32
    %jit3A_4622 = arith.constant 65 : i32
    %select_n3A_4623 = arith.select %eq3A_4621, %add3A_4617, %jit3A_4622 : i32
    %get3A_4624 = arith.index_cast %select_n3A_4623 : i32 to index
    %get3A_4625 = arith.constant 0 : index
    %get3A_4626 = tpu.vector_load %arg4[%get3A_4624, %get3A_4625] {strides = array<i32>} : memref<66x16xf32, #tpu.memory_space<vmem>>, vector<1x16xf32>,
    %get3A_4627 = vector.shape_cast %get3A_4626 : vector<1x16xf32> to vector<16xf32>
    %swap3A_4628 = arith.constant 3 : i32
    %swap3A_4629 = arith.index_cast %swap3A_4628 : i32 to index
    %swap3A_4630 = arith.constant 608 : index
    %swap3A_4631 = tpu.vector_load %arg5[%swap3A_4629, %swap3A_4630] {strides = array<i32>} : memref<4x1024xf32, #tpu.memory_space<vmem>>, vector<1x16xf32>,
    %swap3A_4632 = vector.shape_cast %swap3A_4631 : vector<1x16xf32> to vector<16xf32>
    %swap3A_4633 = vector.shape_cast %get3A_4627 : vector<16xf32> to vector<1x16xf32>
    tpu.vector_store %arg5[%swap3A_4629, %swap3A_4630], %swap3A_4633 {strides = array<i32>} : memref<4x1024xf32, #tpu.memory_space<vmem>>, vector<1x16xf32>,
    %sub3A_4634 = arith.constant 39 : i32
    %sub3A_4635 = arith.subi %add3A_3853, %sub3A_4634 : i32
    %add3A_4636 = arith.constant 32 : i32
    %add3A_4637 = arith.addi %sub3A_4635, %add3A_4636 : i32
    %shift_right_arithmetic3A_4638 = arith.constant 5 : i32
    %shift_right_arithmetic3A_4639 = arith.shrsi %add3A_3853, %shift_right_arithmetic3A_4638 : i32
    %eq3A_4640 = arith.constant 1 : i32
    %eq3A_4641 = arith.cmpi eq, %shift_right_arithmetic3A_4639, %eq3A_4640 : i32
    %jit3A_4642 = arith.constant 65 : i32
    %select_n3A_4643 = arith.select %eq3A_4641, %add3A_4637, %jit3A_4642 : i32
    %get3A_4644 = arith.index_cast %select_n3A_4643 : i32 to index
    %get3A_4645 = arith.constant 0 : index
    %get3A_4646 = tpu.vector_load %arg4[%get3A_4644, %get3A_4645] {strides = array<i32>} : memref<66x16xf32, #tpu.memory_space<vmem>>, vector<1x16xf32>,
    %get3A_4647 = vector.shape_cast %get3A_4646 : vector<1x16xf32> to vector<16xf32>
    %swap3A_4648 = arith.constant 3 : i32
    %swap3A_4649 = arith.index_cast %swap3A_4648 : i32 to index
    %swap3A_4650 = arith.constant 624 : index
    %swap3A_4651 = tpu.vector_load %arg5[%swap3A_4649, %swap3A_4650] {strides = array<i32>} : memref<4x1024xf32, #tpu.memory_space<vmem>>, vector<1x16xf32>,
    %swap3A_4652 = vector.shape_cast %swap3A_4651 : vector<1x16xf32> to vector<16xf32>
    %swap3A_4653 = vector.shape_cast %get3A_4647 : vector<16xf32> to vector<1x16xf32>
    tpu.vector_store %arg5[%swap3A_4649, %swap3A_4650], %swap3A_4653 {strides = array<i32>} : memref<4x1024xf32, #tpu.memory_space<vmem>>, vector<1x16xf32>,
    %sub3A_4654 = arith.constant 40 : i32
    %sub3A_4655 = arith.subi %add3A_3853, %sub3A_4654 : i32
    %add3A_4656 = arith.constant 32 : i32
    %add3A_4657 = arith.addi %sub3A_4655, %add3A_4656 : i32
    %shift_right_arithmetic3A_4658 = arith.constant 5 : i32
    %shift_right_arithmetic3A_4659 = arith.shrsi %add3A_3853, %shift_right_arithmetic3A_4658 : i32
    %eq3A_4660 = arith.constant 1 : i32
    %eq3A_4661 = arith.cmpi eq, %shift_right_arithmetic3A_4659, %eq3A_4660 : i32
    %jit3A_4662 = arith.constant 65 : i32
    %select_n3A_4663 = arith.select %eq3A_4661, %add3A_4657, %jit3A_4662 : i32
    %get3A_4664 = arith.index_cast %select_n3A_4663 : i32 to index
    %get3A_4665 = arith.constant 0 : index
    %get3A_4666 = tpu.vector_load %arg4[%get3A_4664, %get3A_4665] {strides = array<i32>} : memref<66x16xf32, #tpu.memory_space<vmem>>, vector<1x16xf32>,
    %get3A_4667 = vector.shape_cast %get3A_4666 : vector<1x16xf32> to vector<16xf32>
    %swap3A_4668 = arith.constant 3 : i32
    %swap3A_4669 = arith.index_cast %swap3A_4668 : i32 to index
    %swap3A_4670 = arith.constant 640 : index
    %swap3A_4671 = tpu.vector_load %arg5[%swap3A_4669, %swap3A_4670] {strides = array<i32>} : memref<4x1024xf32, #tpu.memory_space<vmem>>, vector<1x16xf32>,
    %swap3A_4672 = vector.shape_cast %swap3A_4671 : vector<1x16xf32> to vector<16xf32>
    %swap3A_4673 = vector.shape_cast %get3A_4667 : vector<16xf32> to vector<1x16xf32>
    tpu.vector_store %arg5[%swap3A_4669, %swap3A_4670], %swap3A_4673 {strides = array<i32>} : memref<4x1024xf32, #tpu.memory_space<vmem>>, vector<1x16xf32>,
    %sub3A_4674 = arith.constant 41 : i32
    %sub3A_4675 = arith.subi %add3A_3853, %sub3A_4674 : i32
    %add3A_4676 = arith.constant 32 : i32
    %add3A_4677 = arith.addi %sub3A_4675, %add3A_4676 : i32
    %shift_right_arithmetic3A_4678 = arith.constant 5 : i32
    %shift_right_arithmetic3A_4679 = arith.shrsi %add3A_3853, %shift_right_arithmetic3A_4678 : i32
    %eq3A_4680 = arith.constant 1 : i32
    %eq3A_4681 = arith.cmpi eq, %shift_right_arithmetic3A_4679, %eq3A_4680 : i32
    %jit3A_4682 = arith.constant 65 : i32
    %select_n3A_4683 = arith.select %eq3A_4681, %add3A_4677, %jit3A_4682 : i32
    %get3A_4684 = arith.index_cast %select_n3A_4683 : i32 to index
    %get3A_4685 = arith.constant 0 : index
    %get3A_4686 = tpu.vector_load %arg4[%get3A_4684, %get3A_4685] {strides = array<i32>} : memref<66x16xf32, #tpu.memory_space<vmem>>, vector<1x16xf32>,
    %get3A_4687 = vector.shape_cast %get3A_4686 : vector<1x16xf32> to vector<16xf32>
    %swap3A_4688 = arith.constant 3 : i32
    %swap3A_4689 = arith.index_cast %swap3A_4688 : i32 to index
    %swap3A_4690 = arith.constant 656 : index
    %swap3A_4691 = tpu.vector_load %arg5[%swap3A_4689, %swap3A_4690] {strides = array<i32>} : memref<4x1024xf32, #tpu.memory_space<vmem>>, vector<1x16xf32>,
    %swap3A_4692 = vector.shape_cast %swap3A_4691 : vector<1x16xf32> to vector<16xf32>
    %swap3A_4693 = vector.shape_cast %get3A_4687 : vector<16xf32> to vector<1x16xf32>
    tpu.vector_store %arg5[%swap3A_4689, %swap3A_4690], %swap3A_4693 {strides = array<i32>} : memref<4x1024xf32, #tpu.memory_space<vmem>>, vector<1x16xf32>,
    %sub3A_4694 = arith.constant 42 : i32
    %sub3A_4695 = arith.subi %add3A_3853, %sub3A_4694 : i32
    %add3A_4696 = arith.constant 32 : i32
    %add3A_4697 = arith.addi %sub3A_4695, %add3A_4696 : i32
    %shift_right_arithmetic3A_4698 = arith.constant 5 : i32
    %shift_right_arithmetic3A_4699 = arith.shrsi %add3A_3853, %shift_right_arithmetic3A_4698 : i32
    %eq3A_4700 = arith.constant 1 : i32
    %eq3A_4701 = arith.cmpi eq, %shift_right_arithmetic3A_4699, %eq3A_4700 : i32
    %jit3A_4702 = arith.constant 65 : i32
    %select_n3A_4703 = arith.select %eq3A_4701, %add3A_4697, %jit3A_4702 : i32
    %get3A_4704 = arith.index_cast %select_n3A_4703 : i32 to index
    %get3A_4705 = arith.constant 0 : index
    %get3A_4706 = tpu.vector_load %arg4[%get3A_4704, %get3A_4705] {strides = array<i32>} : memref<66x16xf32, #tpu.memory_space<vmem>>, vector<1x16xf32>,
    %get3A_4707 = vector.shape_cast %get3A_4706 : vector<1x16xf32> to vector<16xf32>
    %swap3A_4708 = arith.constant 3 : i32
    %swap3A_4709 = arith.index_cast %swap3A_4708 : i32 to index
    %swap3A_4710 = arith.constant 672 : index
    %swap3A_4711 = tpu.vector_load %arg5[%swap3A_4709, %swap3A_4710] {strides = array<i32>} : memref<4x1024xf32, #tpu.memory_space<vmem>>, vector<1x16xf32>,
    %swap3A_4712 = vector.shape_cast %swap3A_4711 : vector<1x16xf32> to vector<16xf32>
    %swap3A_4713 = vector.shape_cast %get3A_4707 : vector<16xf32> to vector<1x16xf32>
    tpu.vector_store %arg5[%swap3A_4709, %swap3A_4710], %swap3A_4713 {strides = array<i32>} : memref<4x1024xf32, #tpu.memory_space<vmem>>, vector<1x16xf32>,
    %sub3A_4714 = arith.constant 43 : i32
    %sub3A_4715 = arith.subi %add3A_3853, %sub3A_4714 : i32
    %add3A_4716 = arith.constant 32 : i32
    %add3A_4717 = arith.addi %sub3A_4715, %add3A_4716 : i32
    %shift_right_arithmetic3A_4718 = arith.constant 5 : i32
    %shift_right_arithmetic3A_4719 = arith.shrsi %add3A_3853, %shift_right_arithmetic3A_4718 : i32
    %eq3A_4720 = arith.constant 1 : i32
    %eq3A_4721 = arith.cmpi eq, %shift_right_arithmetic3A_4719, %eq3A_4720 : i32
    %jit3A_4722 = arith.constant 65 : i32
    %select_n3A_4723 = arith.select %eq3A_4721, %add3A_4717, %jit3A_4722 : i32
    %get3A_4724 = arith.index_cast %select_n3A_4723 : i32 to index
    %get3A_4725 = arith.constant 0 : index
    %get3A_4726 = tpu.vector_load %arg4[%get3A_4724, %get3A_4725] {strides = array<i32>} : memref<66x16xf32, #tpu.memory_space<vmem>>, vector<1x16xf32>,
    %get3A_4727 = vector.shape_cast %get3A_4726 : vector<1x16xf32> to vector<16xf32>
    %swap3A_4728 = arith.constant 3 : i32
    %swap3A_4729 = arith.index_cast %swap3A_4728 : i32 to index
    %swap3A_4730 = arith.constant 688 : index
    %swap3A_4731 = tpu.vector_load %arg5[%swap3A_4729, %swap3A_4730] {strides = array<i32>} : memref<4x1024xf32, #tpu.memory_space<vmem>>, vector<1x16xf32>,
    %swap3A_4732 = vector.shape_cast %swap3A_4731 : vector<1x16xf32> to vector<16xf32>
    %swap3A_4733 = vector.shape_cast %get3A_4727 : vector<16xf32> to vector<1x16xf32>
    tpu.vector_store %arg5[%swap3A_4729, %swap3A_4730], %swap3A_4733 {strides = array<i32>} : memref<4x1024xf32, #tpu.memory_space<vmem>>, vector<1x16xf32>,
    %sub3A_4734 = arith.constant 44 : i32
    %sub3A_4735 = arith.subi %add3A_3853, %sub3A_4734 : i32
    %add3A_4736 = arith.constant 32 : i32
    %add3A_4737 = arith.addi %sub3A_4735, %add3A_4736 : i32
    %shift_right_arithmetic3A_4738 = arith.constant 5 : i32
    %shift_right_arithmetic3A_4739 = arith.shrsi %add3A_3853, %shift_right_arithmetic3A_4738 : i32
    %eq3A_4740 = arith.constant 1 : i32
    %eq3A_4741 = arith.cmpi eq, %shift_right_arithmetic3A_4739, %eq3A_4740 : i32
    %jit3A_4742 = arith.constant 65 : i32
    %select_n3A_4743 = arith.select %eq3A_4741, %add3A_4737, %jit3A_4742 : i32
    %get3A_4744 = arith.index_cast %select_n3A_4743 : i32 to index
    %get3A_4745 = arith.constant 0 : index
    %get3A_4746 = tpu.vector_load %arg4[%get3A_4744, %get3A_4745] {strides = array<i32>} : memref<66x16xf32, #tpu.memory_space<vmem>>, vector<1x16xf32>,
    %get3A_4747 = vector.shape_cast %get3A_4746 : vector<1x16xf32> to vector<16xf32>
    %swap3A_4748 = arith.constant 3 : i32
    %swap3A_4749 = arith.index_cast %swap3A_4748 : i32 to index
    %swap3A_4750 = arith.constant 704 : index
    %swap3A_4751 = tpu.vector_load %arg5[%swap3A_4749, %swap3A_4750] {strides = array<i32>} : memref<4x1024xf32, #tpu.memory_space<vmem>>, vector<1x16xf32>,
    %swap3A_4752 = vector.shape_cast %swap3A_4751 : vector<1x16xf32> to vector<16xf32>
    %swap3A_4753 = vector.shape_cast %get3A_4747 : vector<16xf32> to vector<1x16xf32>
    tpu.vector_store %arg5[%swap3A_4749, %swap3A_4750], %swap3A_4753 {strides = array<i32>} : memref<4x1024xf32, #tpu.memory_space<vmem>>, vector<1x16xf32>,
    %sub3A_4754 = arith.constant 45 : i32
    %sub3A_4755 = arith.subi %add3A_3853, %sub3A_4754 : i32
    %add3A_4756 = arith.constant 32 : i32
    %add3A_4757 = arith.addi %sub3A_4755, %add3A_4756 : i32
    %shift_right_arithmetic3A_4758 = arith.constant 5 : i32
    %shift_right_arithmetic3A_4759 = arith.shrsi %add3A_3853, %shift_right_arithmetic3A_4758 : i32
    %eq3A_4760 = arith.constant 1 : i32
    %eq3A_4761 = arith.cmpi eq, %shift_right_arithmetic3A_4759, %eq3A_4760 : i32
    %jit3A_4762 = arith.constant 65 : i32
    %select_n3A_4763 = arith.select %eq3A_4761, %add3A_4757, %jit3A_4762 : i32
    %get3A_4764 = arith.index_cast %select_n3A_4763 : i32 to index
    %get3A_4765 = arith.constant 0 : index
    %get3A_4766 = tpu.vector_load %arg4[%get3A_4764, %get3A_4765] {strides = array<i32>} : memref<66x16xf32, #tpu.memory_space<vmem>>, vector<1x16xf32>,
    %get3A_4767 = vector.shape_cast %get3A_4766 : vector<1x16xf32> to vector<16xf32>
    %swap3A_4768 = arith.constant 3 : i32
    %swap3A_4769 = arith.index_cast %swap3A_4768 : i32 to index
    %swap3A_4770 = arith.constant 720 : index
    %swap3A_4771 = tpu.vector_load %arg5[%swap3A_4769, %swap3A_4770] {strides = array<i32>} : memref<4x1024xf32, #tpu.memory_space<vmem>>, vector<1x16xf32>,
    %swap3A_4772 = vector.shape_cast %swap3A_4771 : vector<1x16xf32> to vector<16xf32>
    %swap3A_4773 = vector.shape_cast %get3A_4767 : vector<16xf32> to vector<1x16xf32>
    tpu.vector_store %arg5[%swap3A_4769, %swap3A_4770], %swap3A_4773 {strides = array<i32>} : memref<4x1024xf32, #tpu.memory_space<vmem>>, vector<1x16xf32>,
    %sub3A_4774 = arith.constant 46 : i32
    %sub3A_4775 = arith.subi %add3A_3853, %sub3A_4774 : i32
    %add3A_4776 = arith.constant 32 : i32
    %add3A_4777 = arith.addi %sub3A_4775, %add3A_4776 : i32
    %shift_right_arithmetic3A_4778 = arith.constant 5 : i32
    %shift_right_arithmetic3A_4779 = arith.shrsi %add3A_3853, %shift_right_arithmetic3A_4778 : i32
    %eq3A_4780 = arith.constant 1 : i32
    %eq3A_4781 = arith.cmpi eq, %shift_right_arithmetic3A_4779, %eq3A_4780 : i32
    %jit3A_4782 = arith.constant 65 : i32
    %select_n3A_4783 = arith.select %eq3A_4781, %add3A_4777, %jit3A_4782 : i32
    %get3A_4784 = arith.index_cast %select_n3A_4783 : i32 to index
    %get3A_4785 = arith.constant 0 : index
    %get3A_4786 = tpu.vector_load %arg4[%get3A_4784, %get3A_4785] {strides = array<i32>} : memref<66x16xf32, #tpu.memory_space<vmem>>, vector<1x16xf32>,
    %get3A_4787 = vector.shape_cast %get3A_4786 : vector<1x16xf32> to vector<16xf32>
    %swap3A_4788 = arith.constant 3 : i32
    %swap3A_4789 = arith.index_cast %swap3A_4788 : i32 to index
    %swap3A_4790 = arith.constant 736 : index
    %swap3A_4791 = tpu.vector_load %arg5[%swap3A_4789, %swap3A_4790] {strides = array<i32>} : memref<4x1024xf32, #tpu.memory_space<vmem>>, vector<1x16xf32>,
    %swap3A_4792 = vector.shape_cast %swap3A_4791 : vector<1x16xf32> to vector<16xf32>
    %swap3A_4793 = vector.shape_cast %get3A_4787 : vector<16xf32> to vector<1x16xf32>
    tpu.vector_store %arg5[%swap3A_4789, %swap3A_4790], %swap3A_4793 {strides = array<i32>} : memref<4x1024xf32, #tpu.memory_space<vmem>>, vector<1x16xf32>,
    %sub3A_4794 = arith.constant 47 : i32
    %sub3A_4795 = arith.subi %add3A_3853, %sub3A_4794 : i32
    %add3A_4796 = arith.constant 32 : i32
    %add3A_4797 = arith.addi %sub3A_4795, %add3A_4796 : i32
    %shift_right_arithmetic3A_4798 = arith.constant 5 : i32
    %shift_right_arithmetic3A_4799 = arith.shrsi %add3A_3853, %shift_right_arithmetic3A_4798 : i32
    %eq3A_4800 = arith.constant 1 : i32
    %eq3A_4801 = arith.cmpi eq, %shift_right_arithmetic3A_4799, %eq3A_4800 : i32
    %jit3A_4802 = arith.constant 65 : i32
    %select_n3A_4803 = arith.select %eq3A_4801, %add3A_4797, %jit3A_4802 : i32
    %get3A_4804 = arith.index_cast %select_n3A_4803 : i32 to index
    %get3A_4805 = arith.constant 0 : index
    %get3A_4806 = tpu.vector_load %arg4[%get3A_4804, %get3A_4805] {strides = array<i32>} : memref<66x16xf32, #tpu.memory_space<vmem>>, vector<1x16xf32>,
    %get3A_4807 = vector.shape_cast %get3A_4806 : vector<1x16xf32> to vector<16xf32>
    %swap3A_4808 = arith.constant 3 : i32
    %swap3A_4809 = arith.index_cast %swap3A_4808 : i32 to index
    %swap3A_4810 = arith.constant 752 : index
    %swap3A_4811 = tpu.vector_load %arg5[%swap3A_4809, %swap3A_4810] {strides = array<i32>} : memref<4x1024xf32, #tpu.memory_space<vmem>>, vector<1x16xf32>,
    %swap3A_4812 = vector.shape_cast %swap3A_4811 : vector<1x16xf32> to vector<16xf32>
    %swap3A_4813 = vector.shape_cast %get3A_4807 : vector<16xf32> to vector<1x16xf32>
    tpu.vector_store %arg5[%swap3A_4809, %swap3A_4810], %swap3A_4813 {strides = array<i32>} : memref<4x1024xf32, #tpu.memory_space<vmem>>, vector<1x16xf32>,
    %sub3A_4814 = arith.constant 48 : i32
    %sub3A_4815 = arith.subi %add3A_3853, %sub3A_4814 : i32
    %add3A_4816 = arith.constant 32 : i32
    %add3A_4817 = arith.addi %sub3A_4815, %add3A_4816 : i32
    %shift_right_arithmetic3A_4818 = arith.constant 5 : i32
    %shift_right_arithmetic3A_4819 = arith.shrsi %add3A_3853, %shift_right_arithmetic3A_4818 : i32
    %eq3A_4820 = arith.constant 1 : i32
    %eq3A_4821 = arith.cmpi eq, %shift_right_arithmetic3A_4819, %eq3A_4820 : i32
    %jit3A_4822 = arith.constant 65 : i32
    %select_n3A_4823 = arith.select %eq3A_4821, %add3A_4817, %jit3A_4822 : i32
    %get3A_4824 = arith.index_cast %select_n3A_4823 : i32 to index
    %get3A_4825 = arith.constant 0 : index
    %get3A_4826 = tpu.vector_load %arg4[%get3A_4824, %get3A_4825] {strides = array<i32>} : memref<66x16xf32, #tpu.memory_space<vmem>>, vector<1x16xf32>,
    %get3A_4827 = vector.shape_cast %get3A_4826 : vector<1x16xf32> to vector<16xf32>
    %swap3A_4828 = arith.constant 3 : i32
    %swap3A_4829 = arith.index_cast %swap3A_4828 : i32 to index
    %swap3A_4830 = arith.constant 768 : index
    %swap3A_4831 = tpu.vector_load %arg5[%swap3A_4829, %swap3A_4830] {strides = array<i32>} : memref<4x1024xf32, #tpu.memory_space<vmem>>, vector<1x16xf32>,
    %swap3A_4832 = vector.shape_cast %swap3A_4831 : vector<1x16xf32> to vector<16xf32>
    %swap3A_4833 = vector.shape_cast %get3A_4827 : vector<16xf32> to vector<1x16xf32>
    tpu.vector_store %arg5[%swap3A_4829, %swap3A_4830], %swap3A_4833 {strides = array<i32>} : memref<4x1024xf32, #tpu.memory_space<vmem>>, vector<1x16xf32>,
    %sub3A_4834 = arith.constant 49 : i32
    %sub3A_4835 = arith.subi %add3A_3853, %sub3A_4834 : i32
    %add3A_4836 = arith.constant 32 : i32
    %add3A_4837 = arith.addi %sub3A_4835, %add3A_4836 : i32
    %shift_right_arithmetic3A_4838 = arith.constant 5 : i32
    %shift_right_arithmetic3A_4839 = arith.shrsi %add3A_3853, %shift_right_arithmetic3A_4838 : i32
    %eq3A_4840 = arith.constant 1 : i32
    %eq3A_4841 = arith.cmpi eq, %shift_right_arithmetic3A_4839, %eq3A_4840 : i32
    %jit3A_4842 = arith.constant 65 : i32
    %select_n3A_4843 = arith.select %eq3A_4841, %add3A_4837, %jit3A_4842 : i32
    %get3A_4844 = arith.index_cast %select_n3A_4843 : i32 to index
    %get3A_4845 = arith.constant 0 : index
    %get3A_4846 = tpu.vector_load %arg4[%get3A_4844, %get3A_4845] {strides = array<i32>} : memref<66x16xf32, #tpu.memory_space<vmem>>, vector<1x16xf32>,
    %get3A_4847 = vector.shape_cast %get3A_4846 : vector<1x16xf32> to vector<16xf32>
    %swap3A_4848 = arith.constant 3 : i32
    %swap3A_4849 = arith.index_cast %swap3A_4848 : i32 to index
    %swap3A_4850 = arith.constant 784 : index
    %swap3A_4851 = tpu.vector_load %arg5[%swap3A_4849, %swap3A_4850] {strides = array<i32>} : memref<4x1024xf32, #tpu.memory_space<vmem>>, vector<1x16xf32>,
    %swap3A_4852 = vector.shape_cast %swap3A_4851 : vector<1x16xf32> to vector<16xf32>
    %swap3A_4853 = vector.shape_cast %get3A_4847 : vector<16xf32> to vector<1x16xf32>
    tpu.vector_store %arg5[%swap3A_4849, %swap3A_4850], %swap3A_4853 {strides = array<i32>} : memref<4x1024xf32, #tpu.memory_space<vmem>>, vector<1x16xf32>,
    %sub3A_4854 = arith.constant 50 : i32
    %sub3A_4855 = arith.subi %add3A_3853, %sub3A_4854 : i32
    %add3A_4856 = arith.constant 32 : i32
    %add3A_4857 = arith.addi %sub3A_4855, %add3A_4856 : i32
    %shift_right_arithmetic3A_4858 = arith.constant 5 : i32
    %shift_right_arithmetic3A_4859 = arith.shrsi %add3A_3853, %shift_right_arithmetic3A_4858 : i32
    %eq3A_4860 = arith.constant 1 : i32
    %eq3A_4861 = arith.cmpi eq, %shift_right_arithmetic3A_4859, %eq3A_4860 : i32
    %jit3A_4862 = arith.constant 65 : i32
    %select_n3A_4863 = arith.select %eq3A_4861, %add3A_4857, %jit3A_4862 : i32
    %get3A_4864 = arith.index_cast %select_n3A_4863 : i32 to index
    %get3A_4865 = arith.constant 0 : index
    %get3A_4866 = tpu.vector_load %arg4[%get3A_4864, %get3A_4865] {strides = array<i32>} : memref<66x16xf32, #tpu.memory_space<vmem>>, vector<1x16xf32>,
    %get3A_4867 = vector.shape_cast %get3A_4866 : vector<1x16xf32> to vector<16xf32>
    %swap3A_4868 = arith.constant 3 : i32
    %swap3A_4869 = arith.index_cast %swap3A_4868 : i32 to index
    %swap3A_4870 = arith.constant 800 : index
    %swap3A_4871 = tpu.vector_load %arg5[%swap3A_4869, %swap3A_4870] {strides = array<i32>} : memref<4x1024xf32, #tpu.memory_space<vmem>>, vector<1x16xf32>,
    %swap3A_4872 = vector.shape_cast %swap3A_4871 : vector<1x16xf32> to vector<16xf32>
    %swap3A_4873 = vector.shape_cast %get3A_4867 : vector<16xf32> to vector<1x16xf32>
    tpu.vector_store %arg5[%swap3A_4869, %swap3A_4870], %swap3A_4873 {strides = array<i32>} : memref<4x1024xf32, #tpu.memory_space<vmem>>, vector<1x16xf32>,
    %sub3A_4874 = arith.constant 51 : i32
    %sub3A_4875 = arith.subi %add3A_3853, %sub3A_4874 : i32
    %add3A_4876 = arith.constant 32 : i32
    %add3A_4877 = arith.addi %sub3A_4875, %add3A_4876 : i32
    %shift_right_arithmetic3A_4878 = arith.constant 5 : i32
    %shift_right_arithmetic3A_4879 = arith.shrsi %add3A_3853, %shift_right_arithmetic3A_4878 : i32
    %eq3A_4880 = arith.constant 1 : i32
    %eq3A_4881 = arith.cmpi eq, %shift_right_arithmetic3A_4879, %eq3A_4880 : i32
    %jit3A_4882 = arith.constant 65 : i32
    %select_n3A_4883 = arith.select %eq3A_4881, %add3A_4877, %jit3A_4882 : i32
    %get3A_4884 = arith.index_cast %select_n3A_4883 : i32 to index
    %get3A_4885 = arith.constant 0 : index
    %get3A_4886 = tpu.vector_load %arg4[%get3A_4884, %get3A_4885] {strides = array<i32>} : memref<66x16xf32, #tpu.memory_space<vmem>>, vector<1x16xf32>,
    %get3A_4887 = vector.shape_cast %get3A_4886 : vector<1x16xf32> to vector<16xf32>
    %swap3A_4888 = arith.constant 3 : i32
    %swap3A_4889 = arith.index_cast %swap3A_4888 : i32 to index
    %swap3A_4890 = arith.constant 816 : index
    %swap3A_4891 = tpu.vector_load %arg5[%swap3A_4889, %swap3A_4890] {strides = array<i32>} : memref<4x1024xf32, #tpu.memory_space<vmem>>, vector<1x16xf32>,
    %swap3A_4892 = vector.shape_cast %swap3A_4891 : vector<1x16xf32> to vector<16xf32>
    %swap3A_4893 = vector.shape_cast %get3A_4887 : vector<16xf32> to vector<1x16xf32>
    tpu.vector_store %arg5[%swap3A_4889, %swap3A_4890], %swap3A_4893 {strides = array<i32>} : memref<4x1024xf32, #tpu.memory_space<vmem>>, vector<1x16xf32>,
    %sub3A_4894 = arith.constant 52 : i32
    %sub3A_4895 = arith.subi %add3A_3853, %sub3A_4894 : i32
    %add3A_4896 = arith.constant 32 : i32
    %add3A_4897 = arith.addi %sub3A_4895, %add3A_4896 : i32
    %shift_right_arithmetic3A_4898 = arith.constant 5 : i32
    %shift_right_arithmetic3A_4899 = arith.shrsi %add3A_3853, %shift_right_arithmetic3A_4898 : i32
    %eq3A_4900 = arith.constant 1 : i32
    %eq3A_4901 = arith.cmpi eq, %shift_right_arithmetic3A_4899, %eq3A_4900 : i32
    %jit3A_4902 = arith.constant 65 : i32
    %select_n3A_4903 = arith.select %eq3A_4901, %add3A_4897, %jit3A_4902 : i32
    %get3A_4904 = arith.index_cast %select_n3A_4903 : i32 to index
    %get3A_4905 = arith.constant 0 : index
    %get3A_4906 = tpu.vector_load %arg4[%get3A_4904, %get3A_4905] {strides = array<i32>} : memref<66x16xf32, #tpu.memory_space<vmem>>, vector<1x16xf32>,
    %get3A_4907 = vector.shape_cast %get3A_4906 : vector<1x16xf32> to vector<16xf32>
    %swap3A_4908 = arith.constant 3 : i32
    %swap3A_4909 = arith.index_cast %swap3A_4908 : i32 to index
    %swap3A_4910 = arith.constant 832 : index
    %swap3A_4911 = tpu.vector_load %arg5[%swap3A_4909, %swap3A_4910] {strides = array<i32>} : memref<4x1024xf32, #tpu.memory_space<vmem>>, vector<1x16xf32>,
    %swap3A_4912 = vector.shape_cast %swap3A_4911 : vector<1x16xf32> to vector<16xf32>
    %swap3A_4913 = vector.shape_cast %get3A_4907 : vector<16xf32> to vector<1x16xf32>
    tpu.vector_store %arg5[%swap3A_4909, %swap3A_4910], %swap3A_4913 {strides = array<i32>} : memref<4x1024xf32, #tpu.memory_space<vmem>>, vector<1x16xf32>,
    %sub3A_4914 = arith.constant 53 : i32
    %sub3A_4915 = arith.subi %add3A_3853, %sub3A_4914 : i32
    %add3A_4916 = arith.constant 32 : i32
    %add3A_4917 = arith.addi %sub3A_4915, %add3A_4916 : i32
    %shift_right_arithmetic3A_4918 = arith.constant 5 : i32
    %shift_right_arithmetic3A_4919 = arith.shrsi %add3A_3853, %shift_right_arithmetic3A_4918 : i32
    %eq3A_4920 = arith.constant 1 : i32
    %eq3A_4921 = arith.cmpi eq, %shift_right_arithmetic3A_4919, %eq3A_4920 : i32
    %jit3A_4922 = arith.constant 65 : i32
    %select_n3A_4923 = arith.select %eq3A_4921, %add3A_4917, %jit3A_4922 : i32
    %get3A_4924 = arith.index_cast %select_n3A_4923 : i32 to index
    %get3A_4925 = arith.constant 0 : index
    %get3A_4926 = tpu.vector_load %arg4[%get3A_4924, %get3A_4925] {strides = array<i32>} : memref<66x16xf32, #tpu.memory_space<vmem>>, vector<1x16xf32>,
    %get3A_4927 = vector.shape_cast %get3A_4926 : vector<1x16xf32> to vector<16xf32>
    %swap3A_4928 = arith.constant 3 : i32
    %swap3A_4929 = arith.index_cast %swap3A_4928 : i32 to index
    %swap3A_4930 = arith.constant 848 : index
    %swap3A_4931 = tpu.vector_load %arg5[%swap3A_4929, %swap3A_4930] {strides = array<i32>} : memref<4x1024xf32, #tpu.memory_space<vmem>>, vector<1x16xf32>,
    %swap3A_4932 = vector.shape_cast %swap3A_4931 : vector<1x16xf32> to vector<16xf32>
    %swap3A_4933 = vector.shape_cast %get3A_4927 : vector<16xf32> to vector<1x16xf32>
    tpu.vector_store %arg5[%swap3A_4929, %swap3A_4930], %swap3A_4933 {strides = array<i32>} : memref<4x1024xf32, #tpu.memory_space<vmem>>, vector<1x16xf32>,
    %sub3A_4934 = arith.constant 54 : i32
    %sub3A_4935 = arith.subi %add3A_3853, %sub3A_4934 : i32
    %add3A_4936 = arith.constant 32 : i32
    %add3A_4937 = arith.addi %sub3A_4935, %add3A_4936 : i32
    %shift_right_arithmetic3A_4938 = arith.constant 5 : i32
    %shift_right_arithmetic3A_4939 = arith.shrsi %add3A_3853, %shift_right_arithmetic3A_4938 : i32
    %eq3A_4940 = arith.constant 1 : i32
    %eq3A_4941 = arith.cmpi eq, %shift_right_arithmetic3A_4939, %eq3A_4940 : i32
    %jit3A_4942 = arith.constant 65 : i32
    %select_n3A_4943 = arith.select %eq3A_4941, %add3A_4937, %jit3A_4942 : i32
    %get3A_4944 = arith.index_cast %select_n3A_4943 : i32 to index
    %get3A_4945 = arith.constant 0 : index
    %get3A_4946 = tpu.vector_load %arg4[%get3A_4944, %get3A_4945] {strides = array<i32>} : memref<66x16xf32, #tpu.memory_space<vmem>>, vector<1x16xf32>,
    %get3A_4947 = vector.shape_cast %get3A_4946 : vector<1x16xf32> to vector<16xf32>
    %swap3A_4948 = arith.constant 3 : i32
    %swap3A_4949 = arith.index_cast %swap3A_4948 : i32 to index
    %swap3A_4950 = arith.constant 864 : index
    %swap3A_4951 = tpu.vector_load %arg5[%swap3A_4949, %swap3A_4950] {strides = array<i32>} : memref<4x1024xf32, #tpu.memory_space<vmem>>, vector<1x16xf32>,
    %swap3A_4952 = vector.shape_cast %swap3A_4951 : vector<1x16xf32> to vector<16xf32>
    %swap3A_4953 = vector.shape_cast %get3A_4947 : vector<16xf32> to vector<1x16xf32>
    tpu.vector_store %arg5[%swap3A_4949, %swap3A_4950], %swap3A_4953 {strides = array<i32>} : memref<4x1024xf32, #tpu.memory_space<vmem>>, vector<1x16xf32>,
    %sub3A_4954 = arith.constant 55 : i32
    %sub3A_4955 = arith.subi %add3A_3853, %sub3A_4954 : i32
    %add3A_4956 = arith.constant 32 : i32
    %add3A_4957 = arith.addi %sub3A_4955, %add3A_4956 : i32
    %shift_right_arithmetic3A_4958 = arith.constant 5 : i32
    %shift_right_arithmetic3A_4959 = arith.shrsi %add3A_3853, %shift_right_arithmetic3A_4958 : i32
    %eq3A_4960 = arith.constant 1 : i32
    %eq3A_4961 = arith.cmpi eq, %shift_right_arithmetic3A_4959, %eq3A_4960 : i32
    %jit3A_4962 = arith.constant 65 : i32
    %select_n3A_4963 = arith.select %eq3A_4961, %add3A_4957, %jit3A_4962 : i32
    %get3A_4964 = arith.index_cast %select_n3A_4963 : i32 to index
    %get3A_4965 = arith.constant 0 : index
    %get3A_4966 = tpu.vector_load %arg4[%get3A_4964, %get3A_4965] {strides = array<i32>} : memref<66x16xf32, #tpu.memory_space<vmem>>, vector<1x16xf32>,
    %get3A_4967 = vector.shape_cast %get3A_4966 : vector<1x16xf32> to vector<16xf32>
    %swap3A_4968 = arith.constant 3 : i32
    %swap3A_4969 = arith.index_cast %swap3A_4968 : i32 to index
    %swap3A_4970 = arith.constant 880 : index
    %swap3A_4971 = tpu.vector_load %arg5[%swap3A_4969, %swap3A_4970] {strides = array<i32>} : memref<4x1024xf32, #tpu.memory_space<vmem>>, vector<1x16xf32>,
    %swap3A_4972 = vector.shape_cast %swap3A_4971 : vector<1x16xf32> to vector<16xf32>
    %swap3A_4973 = vector.shape_cast %get3A_4967 : vector<16xf32> to vector<1x16xf32>
    tpu.vector_store %arg5[%swap3A_4969, %swap3A_4970], %swap3A_4973 {strides = array<i32>} : memref<4x1024xf32, #tpu.memory_space<vmem>>, vector<1x16xf32>,
    %sub3A_4974 = arith.constant 56 : i32
    %sub3A_4975 = arith.subi %add3A_3853, %sub3A_4974 : i32
    %add3A_4976 = arith.constant 32 : i32
    %add3A_4977 = arith.addi %sub3A_4975, %add3A_4976 : i32
    %shift_right_arithmetic3A_4978 = arith.constant 5 : i32
    %shift_right_arithmetic3A_4979 = arith.shrsi %add3A_3853, %shift_right_arithmetic3A_4978 : i32
    %eq3A_4980 = arith.constant 1 : i32
    %eq3A_4981 = arith.cmpi eq, %shift_right_arithmetic3A_4979, %eq3A_4980 : i32
    %jit3A_4982 = arith.constant 65 : i32
    %select_n3A_4983 = arith.select %eq3A_4981, %add3A_4977, %jit3A_4982 : i32
    %get3A_4984 = arith.index_cast %select_n3A_4983 : i32 to index
    %get3A_4985 = arith.constant 0 : index
    %get3A_4986 = tpu.vector_load %arg4[%get3A_4984, %get3A_4985] {strides = array<i32>} : memref<66x16xf32, #tpu.memory_space<vmem>>, vector<1x16xf32>,
    %get3A_4987 = vector.shape_cast %get3A_4986 : vector<1x16xf32> to vector<16xf32>
    %swap3A_4988 = arith.constant 3 : i32
    %swap3A_4989 = arith.index_cast %swap3A_4988 : i32 to index
    %swap3A_4990 = arith.constant 896 : index
    %swap3A_4991 = tpu.vector_load %arg5[%swap3A_4989, %swap3A_4990] {strides = array<i32>} : memref<4x1024xf32, #tpu.memory_space<vmem>>, vector<1x16xf32>,
    %swap3A_4992 = vector.shape_cast %swap3A_4991 : vector<1x16xf32> to vector<16xf32>
    %swap3A_4993 = vector.shape_cast %get3A_4987 : vector<16xf32> to vector<1x16xf32>
    tpu.vector_store %arg5[%swap3A_4989, %swap3A_4990], %swap3A_4993 {strides = array<i32>} : memref<4x1024xf32, #tpu.memory_space<vmem>>, vector<1x16xf32>,
    %sub3A_4994 = arith.constant 57 : i32
    %sub3A_4995 = arith.subi %add3A_3853, %sub3A_4994 : i32
    %add3A_4996 = arith.constant 32 : i32
    %add3A_4997 = arith.addi %sub3A_4995, %add3A_4996 : i32
    %shift_right_arithmetic3A_4998 = arith.constant 5 : i32
    %shift_right_arithmetic3A_4999 = arith.shrsi %add3A_3853, %shift_right_arithmetic3A_4998 : i32
    %eq3A_5000 = arith.constant 1 : i32
    %eq3A_5001 = arith.cmpi eq, %shift_right_arithmetic3A_4999, %eq3A_5000 : i32
    %jit3A_5002 = arith.constant 65 : i32
    %select_n3A_5003 = arith.select %eq3A_5001, %add3A_4997, %jit3A_5002 : i32
    %get3A_5004 = arith.index_cast %select_n3A_5003 : i32 to index
    %get3A_5005 = arith.constant 0 : index
    %get3A_5006 = tpu.vector_load %arg4[%get3A_5004, %get3A_5005] {strides = array<i32>} : memref<66x16xf32, #tpu.memory_space<vmem>>, vector<1x16xf32>,
    %get3A_5007 = vector.shape_cast %get3A_5006 : vector<1x16xf32> to vector<16xf32>
    %swap3A_5008 = arith.constant 3 : i32
    %swap3A_5009 = arith.index_cast %swap3A_5008 : i32 to index
    %swap3A_5010 = arith.constant 912 : index
    %swap3A_5011 = tpu.vector_load %arg5[%swap3A_5009, %swap3A_5010] {strides = array<i32>} : memref<4x1024xf32, #tpu.memory_space<vmem>>, vector<1x16xf32>,
    %swap3A_5012 = vector.shape_cast %swap3A_5011 : vector<1x16xf32> to vector<16xf32>
    %swap3A_5013 = vector.shape_cast %get3A_5007 : vector<16xf32> to vector<1x16xf32>
    tpu.vector_store %arg5[%swap3A_5009, %swap3A_5010], %swap3A_5013 {strides = array<i32>} : memref<4x1024xf32, #tpu.memory_space<vmem>>, vector<1x16xf32>,
    %sub3A_5014 = arith.constant 58 : i32
    %sub3A_5015 = arith.subi %add3A_3853, %sub3A_5014 : i32
    %add3A_5016 = arith.constant 32 : i32
    %add3A_5017 = arith.addi %sub3A_5015, %add3A_5016 : i32
    %shift_right_arithmetic3A_5018 = arith.constant 5 : i32
    %shift_right_arithmetic3A_5019 = arith.shrsi %add3A_3853, %shift_right_arithmetic3A_5018 : i32
    %eq3A_5020 = arith.constant 1 : i32
    %eq3A_5021 = arith.cmpi eq, %shift_right_arithmetic3A_5019, %eq3A_5020 : i32
    %jit3A_5022 = arith.constant 65 : i32
    %select_n3A_5023 = arith.select %eq3A_5021, %add3A_5017, %jit3A_5022 : i32
    %get3A_5024 = arith.index_cast %select_n3A_5023 : i32 to index
    %get3A_5025 = arith.constant 0 : index
    %get3A_5026 = tpu.vector_load %arg4[%get3A_5024, %get3A_5025] {strides = array<i32>} : memref<66x16xf32, #tpu.memory_space<vmem>>, vector<1x16xf32>,
    %get3A_5027 = vector.shape_cast %get3A_5026 : vector<1x16xf32> to vector<16xf32>
    %swap3A_5028 = arith.constant 3 : i32
    %swap3A_5029 = arith.index_cast %swap3A_5028 : i32 to index
    %swap3A_5030 = arith.constant 928 : index
    %swap3A_5031 = tpu.vector_load %arg5[%swap3A_5029, %swap3A_5030] {strides = array<i32>} : memref<4x1024xf32, #tpu.memory_space<vmem>>, vector<1x16xf32>,
    %swap3A_5032 = vector.shape_cast %swap3A_5031 : vector<1x16xf32> to vector<16xf32>
    %swap3A_5033 = vector.shape_cast %get3A_5027 : vector<16xf32> to vector<1x16xf32>
    tpu.vector_store %arg5[%swap3A_5029, %swap3A_5030], %swap3A_5033 {strides = array<i32>} : memref<4x1024xf32, #tpu.memory_space<vmem>>, vector<1x16xf32>,
    %sub3A_5034 = arith.constant 59 : i32
    %sub3A_5035 = arith.subi %add3A_3853, %sub3A_5034 : i32
    %add3A_5036 = arith.constant 32 : i32
    %add3A_5037 = arith.addi %sub3A_5035, %add3A_5036 : i32
    %shift_right_arithmetic3A_5038 = arith.constant 5 : i32
    %shift_right_arithmetic3A_5039 = arith.shrsi %add3A_3853, %shift_right_arithmetic3A_5038 : i32
    %eq3A_5040 = arith.constant 1 : i32
    %eq3A_5041 = arith.cmpi eq, %shift_right_arithmetic3A_5039, %eq3A_5040 : i32
    %jit3A_5042 = arith.constant 65 : i32
    %select_n3A_5043 = arith.select %eq3A_5041, %add3A_5037, %jit3A_5042 : i32
    %get3A_5044 = arith.index_cast %select_n3A_5043 : i32 to index
    %get3A_5045 = arith.constant 0 : index
    %get3A_5046 = tpu.vector_load %arg4[%get3A_5044, %get3A_5045] {strides = array<i32>} : memref<66x16xf32, #tpu.memory_space<vmem>>, vector<1x16xf32>,
    %get3A_5047 = vector.shape_cast %get3A_5046 : vector<1x16xf32> to vector<16xf32>
    %swap3A_5048 = arith.constant 3 : i32
    %swap3A_5049 = arith.index_cast %swap3A_5048 : i32 to index
    %swap3A_5050 = arith.constant 944 : index
    %swap3A_5051 = tpu.vector_load %arg5[%swap3A_5049, %swap3A_5050] {strides = array<i32>} : memref<4x1024xf32, #tpu.memory_space<vmem>>, vector<1x16xf32>,
    %swap3A_5052 = vector.shape_cast %swap3A_5051 : vector<1x16xf32> to vector<16xf32>
    %swap3A_5053 = vector.shape_cast %get3A_5047 : vector<16xf32> to vector<1x16xf32>
    tpu.vector_store %arg5[%swap3A_5049, %swap3A_5050], %swap3A_5053 {strides = array<i32>} : memref<4x1024xf32, #tpu.memory_space<vmem>>, vector<1x16xf32>,
    %sub3A_5054 = arith.constant 60 : i32
    %sub3A_5055 = arith.subi %add3A_3853, %sub3A_5054 : i32
    %add3A_5056 = arith.constant 32 : i32
    %add3A_5057 = arith.addi %sub3A_5055, %add3A_5056 : i32
    %shift_right_arithmetic3A_5058 = arith.constant 5 : i32
    %shift_right_arithmetic3A_5059 = arith.shrsi %add3A_3853, %shift_right_arithmetic3A_5058 : i32
    %eq3A_5060 = arith.constant 1 : i32
    %eq3A_5061 = arith.cmpi eq, %shift_right_arithmetic3A_5059, %eq3A_5060 : i32
    %jit3A_5062 = arith.constant 65 : i32
    %select_n3A_5063 = arith.select %eq3A_5061, %add3A_5057, %jit3A_5062 : i32
    %get3A_5064 = arith.index_cast %select_n3A_5063 : i32 to index
    %get3A_5065 = arith.constant 0 : index
    %get3A_5066 = tpu.vector_load %arg4[%get3A_5064, %get3A_5065] {strides = array<i32>} : memref<66x16xf32, #tpu.memory_space<vmem>>, vector<1x16xf32>,
    %get3A_5067 = vector.shape_cast %get3A_5066 : vector<1x16xf32> to vector<16xf32>
    %swap3A_5068 = arith.constant 3 : i32
    %swap3A_5069 = arith.index_cast %swap3A_5068 : i32 to index
    %swap3A_5070 = arith.constant 960 : index
    %swap3A_5071 = tpu.vector_load %arg5[%swap3A_5069, %swap3A_5070] {strides = array<i32>} : memref<4x1024xf32, #tpu.memory_space<vmem>>, vector<1x16xf32>,
    %swap3A_5072 = vector.shape_cast %swap3A_5071 : vector<1x16xf32> to vector<16xf32>
    %swap3A_5073 = vector.shape_cast %get3A_5067 : vector<16xf32> to vector<1x16xf32>
    tpu.vector_store %arg5[%swap3A_5069, %swap3A_5070], %swap3A_5073 {strides = array<i32>} : memref<4x1024xf32, #tpu.memory_space<vmem>>, vector<1x16xf32>,
    %sub3A_5074 = arith.constant 61 : i32
    %sub3A_5075 = arith.subi %add3A_3853, %sub3A_5074 : i32
    %add3A_5076 = arith.constant 32 : i32
    %add3A_5077 = arith.addi %sub3A_5075, %add3A_5076 : i32
    %shift_right_arithmetic3A_5078 = arith.constant 5 : i32
    %shift_right_arithmetic3A_5079 = arith.shrsi %add3A_3853, %shift_right_arithmetic3A_5078 : i32
    %eq3A_5080 = arith.constant 1 : i32
    %eq3A_5081 = arith.cmpi eq, %shift_right_arithmetic3A_5079, %eq3A_5080 : i32
    %jit3A_5082 = arith.constant 65 : i32
    %select_n3A_5083 = arith.select %eq3A_5081, %add3A_5077, %jit3A_5082 : i32
    %get3A_5084 = arith.index_cast %select_n3A_5083 : i32 to index
    %get3A_5085 = arith.constant 0 : index
    %get3A_5086 = tpu.vector_load %arg4[%get3A_5084, %get3A_5085] {strides = array<i32>} : memref<66x16xf32, #tpu.memory_space<vmem>>, vector<1x16xf32>,
    %get3A_5087 = vector.shape_cast %get3A_5086 : vector<1x16xf32> to vector<16xf32>
    %swap3A_5088 = arith.constant 3 : i32
    %swap3A_5089 = arith.index_cast %swap3A_5088 : i32 to index
    %swap3A_5090 = arith.constant 976 : index
    %swap3A_5091 = tpu.vector_load %arg5[%swap3A_5089, %swap3A_5090] {strides = array<i32>} : memref<4x1024xf32, #tpu.memory_space<vmem>>, vector<1x16xf32>,
    %swap3A_5092 = vector.shape_cast %swap3A_5091 : vector<1x16xf32> to vector<16xf32>
    %swap3A_5093 = vector.shape_cast %get3A_5087 : vector<16xf32> to vector<1x16xf32>
    tpu.vector_store %arg5[%swap3A_5089, %swap3A_5090], %swap3A_5093 {strides = array<i32>} : memref<4x1024xf32, #tpu.memory_space<vmem>>, vector<1x16xf32>,
    %sub3A_5094 = arith.constant 62 : i32
    %sub3A_5095 = arith.subi %add3A_3853, %sub3A_5094 : i32
    %add3A_5096 = arith.constant 32 : i32
    %add3A_5097 = arith.addi %sub3A_5095, %add3A_5096 : i32
    %shift_right_arithmetic3A_5098 = arith.constant 5 : i32
    %shift_right_arithmetic3A_5099 = arith.shrsi %add3A_3853, %shift_right_arithmetic3A_5098 : i32
    %eq3A_5100 = arith.constant 1 : i32
    %eq3A_5101 = arith.cmpi eq, %shift_right_arithmetic3A_5099, %eq3A_5100 : i32
    %jit3A_5102 = arith.constant 65 : i32
    %select_n3A_5103 = arith.select %eq3A_5101, %add3A_5097, %jit3A_5102 : i32
    %get3A_5104 = arith.index_cast %select_n3A_5103 : i32 to index
    %get3A_5105 = arith.constant 0 : index
    %get3A_5106 = tpu.vector_load %arg4[%get3A_5104, %get3A_5105] {strides = array<i32>} : memref<66x16xf32, #tpu.memory_space<vmem>>, vector<1x16xf32>,
    %get3A_5107 = vector.shape_cast %get3A_5106 : vector<1x16xf32> to vector<16xf32>
    %swap3A_5108 = arith.constant 3 : i32
    %swap3A_5109 = arith.index_cast %swap3A_5108 : i32 to index
    %swap3A_5110 = arith.constant 992 : index
    %swap3A_5111 = tpu.vector_load %arg5[%swap3A_5109, %swap3A_5110] {strides = array<i32>} : memref<4x1024xf32, #tpu.memory_space<vmem>>, vector<1x16xf32>,
    %swap3A_5112 = vector.shape_cast %swap3A_5111 : vector<1x16xf32> to vector<16xf32>
    %swap3A_5113 = vector.shape_cast %get3A_5107 : vector<16xf32> to vector<1x16xf32>
    tpu.vector_store %arg5[%swap3A_5109, %swap3A_5110], %swap3A_5113 {strides = array<i32>} : memref<4x1024xf32, #tpu.memory_space<vmem>>, vector<1x16xf32>,
    %sub3A_5114 = arith.constant 63 : i32
    %sub3A_5115 = arith.subi %add3A_3853, %sub3A_5114 : i32
    %add3A_5116 = arith.constant 32 : i32
    %add3A_5117 = arith.addi %sub3A_5115, %add3A_5116 : i32
    %shift_right_arithmetic3A_5118 = arith.constant 5 : i32
    %shift_right_arithmetic3A_5119 = arith.shrsi %add3A_3853, %shift_right_arithmetic3A_5118 : i32
    %eq3A_5120 = arith.constant 1 : i32
    %eq3A_5121 = arith.cmpi eq, %shift_right_arithmetic3A_5119, %eq3A_5120 : i32
    %jit3A_5122 = arith.constant 65 : i32
    %select_n3A_5123 = arith.select %eq3A_5121, %add3A_5117, %jit3A_5122 : i32
    %get3A_5124 = arith.index_cast %select_n3A_5123 : i32 to index
    %get3A_5125 = arith.constant 0 : index
    %get3A_5126 = tpu.vector_load %arg4[%get3A_5124, %get3A_5125] {strides = array<i32>} : memref<66x16xf32, #tpu.memory_space<vmem>>, vector<1x16xf32>,
    %get3A_5127 = vector.shape_cast %get3A_5126 : vector<1x16xf32> to vector<16xf32>
    %swap3A_5128 = arith.constant 3 : i32
    %swap3A_5129 = arith.index_cast %swap3A_5128 : i32 to index
    %swap3A_5130 = arith.constant 1008 : index
    %swap3A_5131 = tpu.vector_load %arg5[%swap3A_5129, %swap3A_5130] {strides = array<i32>} : memref<4x1024xf32, #tpu.memory_space<vmem>>, vector<1x16xf32>,
    %swap3A_5132 = vector.shape_cast %swap3A_5131 : vector<1x16xf32> to vector<16xf32>
    %swap3A_5133 = vector.shape_cast %get3A_5127 : vector<16xf32> to vector<1x16xf32>
    tpu.vector_store %arg5[%swap3A_5129, %swap3A_5130], %swap3A_5133 {strides = array<i32>} : memref<4x1024xf32, #tpu.memory_space<vmem>>, vector<1x16xf32>,
    %mul3A_5134 = arith.constant 4 : i32
    %mul3A_5135 = arith.muli %mul3A_5134, %arg1 : i32
    "tpu.region"() ({
      %run_scoped3A = tpu.sem_alloc : memref<!tpu.dma_semaphore, #tpu.memory_space<semaphore_mem>>
      %dma_start3A = arith.constant 0 : i32
      %dma_start3A_5136 = tpu.memref_slice %arg3[%mul3A_5135, %dma_start3A] : memref<64x1024xf32, #tpu.memory_space<hbm>> -> memref<4x1024xf32, #tpu.memory_space<hbm>>
      %dma_start3A_5137 = arith.constant 0 : i32
      %dma_start3A_5138 = tpu.memref_slice %arg3[%mul3A_5135, %dma_start3A_5137] : memref<64x1024xf32, #tpu.memory_space<hbm>> -> memref<4x1024xf32, #tpu.memory_space<hbm>>
      tpu.enqueue_dma source(%arg5 : memref<4x1024xf32, #tpu.memory_space<vmem>>) target(%dma_start3A_5138 : memref<4x1024xf32, #tpu.memory_space<hbm>>) target_semaphore(%run_scoped3A : memref<!tpu.dma_semaphore, #tpu.memory_space<semaphore_mem>>)
      %dma_wait3A = arith.constant 0 : i32
      %dma_wait3A_5139 = tpu.memref_slice %arg3[%mul3A_5135, %dma_wait3A] : memref<64x1024xf32, #tpu.memory_space<hbm>> -> memref<4x1024xf32, #tpu.memory_space<hbm>>
      %dma_wait3A_5140 = arith.constant 0 : i32
      %dma_wait3A_5141 = tpu.memref_slice %arg3[%mul3A_5135, %dma_wait3A_5140] : memref<64x1024xf32, #tpu.memory_space<hbm>> -> memref<4x1024xf32, #tpu.memory_space<hbm>>
      tpu.wait_dma2 semaphore(%run_scoped3A : memref<!tpu.dma_semaphore, #tpu.memory_space<semaphore_mem>>) src(%arg5 : memref<4x1024xf32, #tpu.memory_space<vmem>>) dst(%dma_wait3A_5141 : memref<4x1024xf32, #tpu.memory_space<hbm>>)
      tpu.yield
    }) : () -> ()
    return
  }
}

module attributes {stable_mosaic.version = 14 : i64} {
  func.func @_tc_expand(%arg0: i32, %arg1: memref<64x1024xf32, #tpu.memory_space<vmem>>, %arg2: memref<16x1024x1024xf32, #tpu.memory_space<any>>, %arg3: memref<1x1024x1024xf32, #tpu.memory_space<vmem>>) attributes {dimension_semantics = [#tpu.dimension_semantics<arbitrary>], iteration_bounds = array<i64: 8>, scalar_prefetch = 0 : i64, scratch_operands = 0 : i64, tpu.core_type = #tpu.core_type<tc>, window_params = [{pipeline_mode = #tpu.pipeline_mode<synchronous>, transform_indices = @transform_0, window_bounds = array<i64: 64, 1024>}, {}, {transform_indices = @transform_2, window_bounds = array<i64: 1, 1024, 1024>}]} {
    %add3A = arith.constant 8 : i32
    %add3A_0 = arith.addi %arg0, %add3A : i32
    %iota3A = tpu.iota {dimensions = array<i32: 0>} : vector<1024x64xi32>
    %iota3A_1 = tpu.iota {dimensions = array<i32: 1>} : vector<1024x64xi32>
    %mul3A = arith.constant 16 : i32
    %mul3A_2 = vector.broadcast %mul3A : i32 to vector<1024x64xi32>
    %mul3A_3 = arith.muli %mul3A_2, %iota3A_1 : vector<1024x64xi32>
    %add3A_4 = vector.broadcast %add3A_0 : i32 to vector<1024x64xi32>
    %add3A_5 = arith.addi %mul3A_3, %add3A_4 : vector<1024x64xi32>
    %eq3A = arith.cmpi eq, %iota3A, %add3A_5 : vector<1024x64xi32>
    %jit3A = arith.constant 1.000000e+00 : f32
    %jit3A_6 = arith.constant 0.000000e+00 : f32
    %broadcast_in_dim3A = vector.broadcast %jit3A : f32 to vector<1024x64xf32>
    %broadcast_in_dim3A_7 = vector.broadcast %jit3A_6 : f32 to vector<1024x64xf32>
    %select_n3A = arith.select %eq3A, %broadcast_in_dim3A, %broadcast_in_dim3A_7 : vector<1024x64xi1>, vector<1024x64xf32>
    %get3A = arith.constant 0 : index
    %get3A_8 = arith.constant 0 : index
    %get3A_9 = vector.load %arg1[%get3A, %get3A_8] : memref<64x1024xf32, #tpu.memory_space<vmem>>, vector<64x1024xf32>
    %dot_general3A = arith.constant dense<0.000000e+00> : vector<64x64xf32>
    %dot_general3A_10 = tpu.matmul %get3A_9, %select_n3A, %dot_general3A {dimension_numbers = #tpu.dot_dimension_numbers<[1], [0], [0], [1], [0, 0, 1, 1], [], []>, transpose_lhs_hint = false} : vector<64x1024xf32>, vector<1024x64xf32>, vector<64x64xf32> -> vector<64x64xf32>
    %iota3A_11 = tpu.iota {dimensions = array<i32: 0>} : vector<1024x64xi32>
    %iota3A_12 = tpu.iota {dimensions = array<i32: 1>} : vector<1024x64xi32>
    %lt3A = arith.constant 32 : i32
    %lt3A_13 = vector.broadcast %lt3A : i32 to vector<1024x64xi32>
    %lt3A_14 = arith.cmpi slt, %iota3A_12, %lt3A_13 : vector<1024x64xi32>
    %shift_right_arithmetic3A = arith.constant 5 : i32
    %shift_right_arithmetic3A_15 = vector.broadcast %shift_right_arithmetic3A : i32 to vector<1024x64xi32>
    %shift_right_arithmetic3A_16 = arith.shrsi %iota3A_11, %shift_right_arithmetic3A_15 : vector<1024x64xi32>
    %and3A = arith.constant 31 : i32
    %and3A_17 = vector.broadcast %and3A : i32 to vector<1024x64xi32>
    %and3A_18 = arith.andi %iota3A_11, %and3A_17 : vector<1024x64xi32>
    %select_n3A_19 = arith.select %lt3A_14, %shift_right_arithmetic3A_16, %and3A_18 : vector<1024x64xi1>, vector<1024x64xi32>
    %lt3A_20 = arith.constant 32 : i32
    %lt3A_21 = vector.broadcast %lt3A_20 : i32 to vector<1024x64xi32>
    %lt3A_22 = arith.cmpi slt, %iota3A_12, %lt3A_21 : vector<1024x64xi32>
    %sub3A = arith.constant 32 : i32
    %sub3A_23 = vector.broadcast %sub3A : i32 to vector<1024x64xi32>
    %sub3A_24 = arith.subi %iota3A_12, %sub3A_23 : vector<1024x64xi32>
    %select_n3A_25 = arith.select %lt3A_22, %iota3A_12, %sub3A_24 : vector<1024x64xi1>, vector<1024x64xi32>
    %eq3A_26 = arith.cmpi eq, %select_n3A_19, %select_n3A_25 : vector<1024x64xi32>
    %jit3A_27 = arith.constant 1.000000e+00 : f32
    %jit3A_28 = arith.constant 0.000000e+00 : f32
    %broadcast_in_dim3A_29 = vector.broadcast %jit3A_27 : f32 to vector<1024x64xf32>
    %broadcast_in_dim3A_30 = vector.broadcast %jit3A_28 : f32 to vector<1024x64xf32>
    %select_n3A_31 = arith.select %eq3A_26, %broadcast_in_dim3A_29, %broadcast_in_dim3A_30 : vector<1024x64xi1>, vector<1024x64xf32>
    %iota3A_32 = tpu.iota {dimensions = array<i32: 0>} : vector<64x1024xi32>
    %iota3A_33 = tpu.iota {dimensions = array<i32: 1>} : vector<64x1024xi32>
    %lt3A_34 = arith.constant 32 : i32
    %lt3A_35 = vector.broadcast %lt3A_34 : i32 to vector<64x1024xi32>
    %lt3A_36 = arith.cmpi slt, %iota3A_32, %lt3A_35 : vector<64x1024xi32>
    %shift_right_arithmetic3A_37 = arith.constant 5 : i32
    %shift_right_arithmetic3A_38 = vector.broadcast %shift_right_arithmetic3A_37 : i32 to vector<64x1024xi32>
    %shift_right_arithmetic3A_39 = arith.shrsi %iota3A_33, %shift_right_arithmetic3A_38 : vector<64x1024xi32>
    %and3A_40 = arith.constant 31 : i32
    %and3A_41 = vector.broadcast %and3A_40 : i32 to vector<64x1024xi32>
    %and3A_42 = arith.andi %iota3A_33, %and3A_41 : vector<64x1024xi32>
    %select_n3A_43 = arith.select %lt3A_36, %shift_right_arithmetic3A_39, %and3A_42 : vector<64x1024xi1>, vector<64x1024xi32>
    %lt3A_44 = arith.constant 32 : i32
    %lt3A_45 = vector.broadcast %lt3A_44 : i32 to vector<64x1024xi32>
    %lt3A_46 = arith.cmpi slt, %iota3A_32, %lt3A_45 : vector<64x1024xi32>
    %sub3A_47 = arith.constant 32 : i32
    %sub3A_48 = vector.broadcast %sub3A_47 : i32 to vector<64x1024xi32>
    %sub3A_49 = arith.subi %iota3A_32, %sub3A_48 : vector<64x1024xi32>
    %select_n3A_50 = arith.select %lt3A_46, %iota3A_32, %sub3A_49 : vector<64x1024xi1>, vector<64x1024xi32>
    %eq3A_51 = arith.cmpi eq, %select_n3A_43, %select_n3A_50 : vector<64x1024xi32>
    %jit3A_52 = arith.constant 1.000000e+00 : f32
    %jit3A_53 = arith.constant 0.000000e+00 : f32
    %broadcast_in_dim3A_54 = vector.broadcast %jit3A_52 : f32 to vector<64x1024xf32>
    %broadcast_in_dim3A_55 = vector.broadcast %jit3A_53 : f32 to vector<64x1024xf32>
    %select_n3A_56 = arith.select %eq3A_51, %broadcast_in_dim3A_54, %broadcast_in_dim3A_55 : vector<64x1024xi1>, vector<64x1024xf32>
    %dot_general3A_57 = arith.constant dense<0.000000e+00> : vector<64x1024xf32>
    %dot_general3A_58 = tpu.matmul %dot_general3A_10, %select_n3A_56, %dot_general3A_57 {dimension_numbers = #tpu.dot_dimension_numbers<[1], [0], [0], [1], [0, 0, 1, 1], [], []>, transpose_lhs_hint = false} : vector<64x64xf32>, vector<64x1024xf32>, vector<64x1024xf32> -> vector<64x1024xf32>
    %dot_general3A_59 = arith.constant dense<0.000000e+00> : vector<1024x1024xf32>
    %dot_general3A_60 = tpu.matmul %select_n3A_31, %dot_general3A_58, %dot_general3A_59 {dimension_numbers = #tpu.dot_dimension_numbers<[1], [0], [0], [1], [0, 0, 1, 1], [], []>, transpose_lhs_hint = false} : vector<1024x64xf32>, vector<64x1024xf32>, vector<1024x1024xf32> -> vector<1024x1024xf32>
    %swap3A = arith.constant 0 : index
    %swap3A_61 = arith.constant 0 : index
    %swap3A_62 = arith.constant 0 : index
    %swap3A_63 = vector.load %arg3[%swap3A, %swap3A_61, %swap3A_62] : memref<1x1024x1024xf32, #tpu.memory_space<vmem>>, vector<1x1024x1024xf32>
    %swap3A_64 = vector.shape_cast %swap3A_63 : vector<1x1024x1024xf32> to vector<1024x1024xf32>
    %swap3A_65 = vector.shape_cast %dot_general3A_60 : vector<1024x1024xf32> to vector<1x1024x1024xf32>
    tpu.vector_store %arg3[%swap3A, %swap3A_61, %swap3A_62], %swap3A_65 {strides = array<i32>} : memref<1x1024x1024xf32, #tpu.memory_space<vmem>>, vector<1x1024x1024xf32>,
    return
  }
  func.func @transform_0(%arg0: i32) -> (i32, i32) {
    %c0_i32 = arith.constant 0 : i32
    %c0_i32_0 = arith.constant 0 : i32
    %c0_i32_1 = arith.constant 0 : i32
    return %c0_i32, %c0_i32_0 : i32, i32
  }
  func.func @transform_2(%arg0: i32) -> (i32, i32, i32) {
    %add3A = arith.constant 8 : i32
    %add3A_0 = arith.addi %arg0, %add3A : i32
    %c0_i32 = arith.constant 0 : i32
    %c0_i32_1 = arith.constant 0 : i32
    %c0_i32_2 = arith.constant 0 : i32
    return %add3A_0, %c0_i32, %c0_i32_1 : i32, i32, i32
  }
}

module attributes {stable_mosaic.version = 14 : i64} {
  func.func @_tc_expand_a(%arg0: i32, %arg1: memref<65x16xf32, #tpu.memory_space<smem>>, %arg2: memref<1x1024x1024xf32, #tpu.memory_space<vmem>>) attributes {dimension_semantics = [#tpu.dimension_semantics<arbitrary>], iteration_bounds = array<i64: 8>, scalar_prefetch = 0 : i64, scratch_operands = 0 : i64, tpu.core_type = #tpu.core_type<tc>, window_params = [{transform_indices = @transform_0, window_bounds = array<i64: 65, 16>}, {transform_indices = @transform_1, window_bounds = array<i64: 1, 1024, 1024>}]} {
    %iota3A = tpu.iota {dimensions = array<i32: 0>} : vector<64x64xi32>
    %iota3A_0 = tpu.iota {dimensions = array<i32: 1>} : vector<64x64xi32>
    %sub3A = arith.subi %iota3A, %iota3A_0 : vector<64x64xi32>
    %add3A = arith.constant 32 : i32
    %add3A_1 = vector.broadcast %add3A : i32 to vector<64x64xi32>
    %add3A_2 = arith.addi %sub3A, %add3A_1 : vector<64x64xi32>
    %lt3A = arith.constant 32 : i32
    %lt3A_3 = vector.broadcast %lt3A : i32 to vector<64x64xi32>
    %lt3A_4 = arith.cmpi slt, %iota3A, %lt3A_3 : vector<64x64xi32>
    %lt3A_5 = arith.constant 32 : i32
    %lt3A_6 = vector.broadcast %lt3A_5 : i32 to vector<64x64xi32>
    %lt3A_7 = arith.cmpi slt, %iota3A_0, %lt3A_6 : vector<64x64xi32>
    %eq3A = arith.xori %lt3A_4, %lt3A_7 : vector<64x64xi1>
    %eq3A_8 = arith.constant dense<true> : vector<64x64xi1>
    %eq3A_9 = arith.xori %eq3A, %eq3A_8 : vector<64x64xi1>
    %broadcast_in_dim3A = arith.constant 0.000000e+00 : f32
    %broadcast_in_dim3A_10 = vector.broadcast %broadcast_in_dim3A : f32 to vector<64x64xf32>
    %eq3A_11 = arith.constant 1 : i32
    %eq3A_12 = vector.broadcast %eq3A_11 : i32 to vector<64x64xi32>
    %eq3A_13 = arith.cmpi eq, %add3A_2, %eq3A_12 : vector<64x64xi32>
    %get3A = arith.constant 1 : index
    %get3A_14 = arith.index_cast %arg0 : i32 to index
    %get3A_15 = memref.load %arg1[%get3A, %get3A_14] : memref<65x16xf32, #tpu.memory_space<smem>>
    %jit3A = arith.constant 0.000000e+00 : f32
    %broadcast_in_dim3A_16 = vector.broadcast %get3A_15 : f32 to vector<64x64xf32>
    %broadcast_in_dim3A_17 = vector.broadcast %jit3A : f32 to vector<64x64xf32>
    %select_n3A = arith.select %eq3A_13, %broadcast_in_dim3A_16, %broadcast_in_dim3A_17 : vector<64x64xi1>, vector<64x64xf32>
    %add3A_18 = arith.addf %broadcast_in_dim3A_10, %select_n3A : vector<64x64xf32>
    %eq3A_19 = arith.constant 2 : i32
    %eq3A_20 = vector.broadcast %eq3A_19 : i32 to vector<64x64xi32>
    %eq3A_21 = arith.cmpi eq, %add3A_2, %eq3A_20 : vector<64x64xi32>
    %get3A_22 = arith.constant 2 : index
    %get3A_23 = arith.index_cast %arg0 : i32 to index
    %get3A_24 = memref.load %arg1[%get3A_22, %get3A_23] : memref<65x16xf32, #tpu.memory_space<smem>>
    %jit3A_25 = arith.constant 0.000000e+00 : f32
    %broadcast_in_dim3A_26 = vector.broadcast %get3A_24 : f32 to vector<64x64xf32>
    %broadcast_in_dim3A_27 = vector.broadcast %jit3A_25 : f32 to vector<64x64xf32>
    %select_n3A_28 = arith.select %eq3A_21, %broadcast_in_dim3A_26, %broadcast_in_dim3A_27 : vector<64x64xi1>, vector<64x64xf32>
    %add3A_29 = arith.addf %add3A_18, %select_n3A_28 : vector<64x64xf32>
    %eq3A_30 = arith.constant 3 : i32
    %eq3A_31 = vector.broadcast %eq3A_30 : i32 to vector<64x64xi32>
    %eq3A_32 = arith.cmpi eq, %add3A_2, %eq3A_31 : vector<64x64xi32>
    %get3A_33 = arith.constant 3 : index
    %get3A_34 = arith.index_cast %arg0 : i32 to index
    %get3A_35 = memref.load %arg1[%get3A_33, %get3A_34] : memref<65x16xf32, #tpu.memory_space<smem>>
    %jit3A_36 = arith.constant 0.000000e+00 : f32
    %broadcast_in_dim3A_37 = vector.broadcast %get3A_35 : f32 to vector<64x64xf32>
    %broadcast_in_dim3A_38 = vector.broadcast %jit3A_36 : f32 to vector<64x64xf32>
    %select_n3A_39 = arith.select %eq3A_32, %broadcast_in_dim3A_37, %broadcast_in_dim3A_38 : vector<64x64xi1>, vector<64x64xf32>
    %add3A_40 = arith.addf %add3A_29, %select_n3A_39 : vector<64x64xf32>
    %eq3A_41 = arith.constant 4 : i32
    %eq3A_42 = vector.broadcast %eq3A_41 : i32 to vector<64x64xi32>
    %eq3A_43 = arith.cmpi eq, %add3A_2, %eq3A_42 : vector<64x64xi32>
    %get3A_44 = arith.constant 4 : index
    %get3A_45 = arith.index_cast %arg0 : i32 to index
    %get3A_46 = memref.load %arg1[%get3A_44, %get3A_45] : memref<65x16xf32, #tpu.memory_space<smem>>
    %jit3A_47 = arith.constant 0.000000e+00 : f32
    %broadcast_in_dim3A_48 = vector.broadcast %get3A_46 : f32 to vector<64x64xf32>
    %broadcast_in_dim3A_49 = vector.broadcast %jit3A_47 : f32 to vector<64x64xf32>
    %select_n3A_50 = arith.select %eq3A_43, %broadcast_in_dim3A_48, %broadcast_in_dim3A_49 : vector<64x64xi1>, vector<64x64xf32>
    %add3A_51 = arith.addf %add3A_40, %select_n3A_50 : vector<64x64xf32>
    %eq3A_52 = arith.constant 5 : i32
    %eq3A_53 = vector.broadcast %eq3A_52 : i32 to vector<64x64xi32>
    %eq3A_54 = arith.cmpi eq, %add3A_2, %eq3A_53 : vector<64x64xi32>
    %get3A_55 = arith.constant 5 : index
    %get3A_56 = arith.index_cast %arg0 : i32 to index
    %get3A_57 = memref.load %arg1[%get3A_55, %get3A_56] : memref<65x16xf32, #tpu.memory_space<smem>>
    %jit3A_58 = arith.constant 0.000000e+00 : f32
    %broadcast_in_dim3A_59 = vector.broadcast %get3A_57 : f32 to vector<64x64xf32>
    %broadcast_in_dim3A_60 = vector.broadcast %jit3A_58 : f32 to vector<64x64xf32>
    %select_n3A_61 = arith.select %eq3A_54, %broadcast_in_dim3A_59, %broadcast_in_dim3A_60 : vector<64x64xi1>, vector<64x64xf32>
    %add3A_62 = arith.addf %add3A_51, %select_n3A_61 : vector<64x64xf32>
    %eq3A_63 = arith.constant 6 : i32
    %eq3A_64 = vector.broadcast %eq3A_63 : i32 to vector<64x64xi32>
    %eq3A_65 = arith.cmpi eq, %add3A_2, %eq3A_64 : vector<64x64xi32>
    %get3A_66 = arith.constant 6 : index
    %get3A_67 = arith.index_cast %arg0 : i32 to index
    %get3A_68 = memref.load %arg1[%get3A_66, %get3A_67] : memref<65x16xf32, #tpu.memory_space<smem>>
    %jit3A_69 = arith.constant 0.000000e+00 : f32
    %broadcast_in_dim3A_70 = vector.broadcast %get3A_68 : f32 to vector<64x64xf32>
    %broadcast_in_dim3A_71 = vector.broadcast %jit3A_69 : f32 to vector<64x64xf32>
    %select_n3A_72 = arith.select %eq3A_65, %broadcast_in_dim3A_70, %broadcast_in_dim3A_71 : vector<64x64xi1>, vector<64x64xf32>
    %add3A_73 = arith.addf %add3A_62, %select_n3A_72 : vector<64x64xf32>
    %eq3A_74 = arith.constant 7 : i32
    %eq3A_75 = vector.broadcast %eq3A_74 : i32 to vector<64x64xi32>
    %eq3A_76 = arith.cmpi eq, %add3A_2, %eq3A_75 : vector<64x64xi32>
    %get3A_77 = arith.constant 7 : index
    %get3A_78 = arith.index_cast %arg0 : i32 to index
    %get3A_79 = memref.load %arg1[%get3A_77, %get3A_78] : memref<65x16xf32, #tpu.memory_space<smem>>
    %jit3A_80 = arith.constant 0.000000e+00 : f32
    %broadcast_in_dim3A_81 = vector.broadcast %get3A_79 : f32 to vector<64x64xf32>
    %broadcast_in_dim3A_82 = vector.broadcast %jit3A_80 : f32 to vector<64x64xf32>
    %select_n3A_83 = arith.select %eq3A_76, %broadcast_in_dim3A_81, %broadcast_in_dim3A_82 : vector<64x64xi1>, vector<64x64xf32>
    %add3A_84 = arith.addf %add3A_73, %select_n3A_83 : vector<64x64xf32>
    %eq3A_85 = arith.constant 8 : i32
    %eq3A_86 = vector.broadcast %eq3A_85 : i32 to vector<64x64xi32>
    %eq3A_87 = arith.cmpi eq, %add3A_2, %eq3A_86 : vector<64x64xi32>
    %get3A_88 = arith.constant 8 : index
    %get3A_89 = arith.index_cast %arg0 : i32 to index
    %get3A_90 = memref.load %arg1[%get3A_88, %get3A_89] : memref<65x16xf32, #tpu.memory_space<smem>>
    %jit3A_91 = arith.constant 0.000000e+00 : f32
    %broadcast_in_dim3A_92 = vector.broadcast %get3A_90 : f32 to vector<64x64xf32>
    %broadcast_in_dim3A_93 = vector.broadcast %jit3A_91 : f32 to vector<64x64xf32>
    %select_n3A_94 = arith.select %eq3A_87, %broadcast_in_dim3A_92, %broadcast_in_dim3A_93 : vector<64x64xi1>, vector<64x64xf32>
    %add3A_95 = arith.addf %add3A_84, %select_n3A_94 : vector<64x64xf32>
    %eq3A_96 = arith.constant 9 : i32
    %eq3A_97 = vector.broadcast %eq3A_96 : i32 to vector<64x64xi32>
    %eq3A_98 = arith.cmpi eq, %add3A_2, %eq3A_97 : vector<64x64xi32>
    %get3A_99 = arith.constant 9 : index
    %get3A_100 = arith.index_cast %arg0 : i32 to index
    %get3A_101 = memref.load %arg1[%get3A_99, %get3A_100] : memref<65x16xf32, #tpu.memory_space<smem>>
    %jit3A_102 = arith.constant 0.000000e+00 : f32
    %broadcast_in_dim3A_103 = vector.broadcast %get3A_101 : f32 to vector<64x64xf32>
    %broadcast_in_dim3A_104 = vector.broadcast %jit3A_102 : f32 to vector<64x64xf32>
    %select_n3A_105 = arith.select %eq3A_98, %broadcast_in_dim3A_103, %broadcast_in_dim3A_104 : vector<64x64xi1>, vector<64x64xf32>
    %add3A_106 = arith.addf %add3A_95, %select_n3A_105 : vector<64x64xf32>
    %eq3A_107 = arith.constant 10 : i32
    %eq3A_108 = vector.broadcast %eq3A_107 : i32 to vector<64x64xi32>
    %eq3A_109 = arith.cmpi eq, %add3A_2, %eq3A_108 : vector<64x64xi32>
    %get3A_110 = arith.constant 10 : index
    %get3A_111 = arith.index_cast %arg0 : i32 to index
    %get3A_112 = memref.load %arg1[%get3A_110, %get3A_111] : memref<65x16xf32, #tpu.memory_space<smem>>
    %jit3A_113 = arith.constant 0.000000e+00 : f32
    %broadcast_in_dim3A_114 = vector.broadcast %get3A_112 : f32 to vector<64x64xf32>
    %broadcast_in_dim3A_115 = vector.broadcast %jit3A_113 : f32 to vector<64x64xf32>
    %select_n3A_116 = arith.select %eq3A_109, %broadcast_in_dim3A_114, %broadcast_in_dim3A_115 : vector<64x64xi1>, vector<64x64xf32>
    %add3A_117 = arith.addf %add3A_106, %select_n3A_116 : vector<64x64xf32>
    %eq3A_118 = arith.constant 11 : i32
    %eq3A_119 = vector.broadcast %eq3A_118 : i32 to vector<64x64xi32>
    %eq3A_120 = arith.cmpi eq, %add3A_2, %eq3A_119 : vector<64x64xi32>
    %get3A_121 = arith.constant 11 : index
    %get3A_122 = arith.index_cast %arg0 : i32 to index
    %get3A_123 = memref.load %arg1[%get3A_121, %get3A_122] : memref<65x16xf32, #tpu.memory_space<smem>>
    %jit3A_124 = arith.constant 0.000000e+00 : f32
    %broadcast_in_dim3A_125 = vector.broadcast %get3A_123 : f32 to vector<64x64xf32>
    %broadcast_in_dim3A_126 = vector.broadcast %jit3A_124 : f32 to vector<64x64xf32>
    %select_n3A_127 = arith.select %eq3A_120, %broadcast_in_dim3A_125, %broadcast_in_dim3A_126 : vector<64x64xi1>, vector<64x64xf32>
    %add3A_128 = arith.addf %add3A_117, %select_n3A_127 : vector<64x64xf32>
    %eq3A_129 = arith.constant 12 : i32
    %eq3A_130 = vector.broadcast %eq3A_129 : i32 to vector<64x64xi32>
    %eq3A_131 = arith.cmpi eq, %add3A_2, %eq3A_130 : vector<64x64xi32>
    %get3A_132 = arith.constant 12 : index
    %get3A_133 = arith.index_cast %arg0 : i32 to index
    %get3A_134 = memref.load %arg1[%get3A_132, %get3A_133] : memref<65x16xf32, #tpu.memory_space<smem>>
    %jit3A_135 = arith.constant 0.000000e+00 : f32
    %broadcast_in_dim3A_136 = vector.broadcast %get3A_134 : f32 to vector<64x64xf32>
    %broadcast_in_dim3A_137 = vector.broadcast %jit3A_135 : f32 to vector<64x64xf32>
    %select_n3A_138 = arith.select %eq3A_131, %broadcast_in_dim3A_136, %broadcast_in_dim3A_137 : vector<64x64xi1>, vector<64x64xf32>
    %add3A_139 = arith.addf %add3A_128, %select_n3A_138 : vector<64x64xf32>
    %eq3A_140 = arith.constant 13 : i32
    %eq3A_141 = vector.broadcast %eq3A_140 : i32 to vector<64x64xi32>
    %eq3A_142 = arith.cmpi eq, %add3A_2, %eq3A_141 : vector<64x64xi32>
    %get3A_143 = arith.constant 13 : index
    %get3A_144 = arith.index_cast %arg0 : i32 to index
    %get3A_145 = memref.load %arg1[%get3A_143, %get3A_144] : memref<65x16xf32, #tpu.memory_space<smem>>
    %jit3A_146 = arith.constant 0.000000e+00 : f32
    %broadcast_in_dim3A_147 = vector.broadcast %get3A_145 : f32 to vector<64x64xf32>
    %broadcast_in_dim3A_148 = vector.broadcast %jit3A_146 : f32 to vector<64x64xf32>
    %select_n3A_149 = arith.select %eq3A_142, %broadcast_in_dim3A_147, %broadcast_in_dim3A_148 : vector<64x64xi1>, vector<64x64xf32>
    %add3A_150 = arith.addf %add3A_139, %select_n3A_149 : vector<64x64xf32>
    %eq3A_151 = arith.constant 14 : i32
    %eq3A_152 = vector.broadcast %eq3A_151 : i32 to vector<64x64xi32>
    %eq3A_153 = arith.cmpi eq, %add3A_2, %eq3A_152 : vector<64x64xi32>
    %get3A_154 = arith.constant 14 : index
    %get3A_155 = arith.index_cast %arg0 : i32 to index
    %get3A_156 = memref.load %arg1[%get3A_154, %get3A_155] : memref<65x16xf32, #tpu.memory_space<smem>>
    %jit3A_157 = arith.constant 0.000000e+00 : f32
    %broadcast_in_dim3A_158 = vector.broadcast %get3A_156 : f32 to vector<64x64xf32>
    %broadcast_in_dim3A_159 = vector.broadcast %jit3A_157 : f32 to vector<64x64xf32>
    %select_n3A_160 = arith.select %eq3A_153, %broadcast_in_dim3A_158, %broadcast_in_dim3A_159 : vector<64x64xi1>, vector<64x64xf32>
    %add3A_161 = arith.addf %add3A_150, %select_n3A_160 : vector<64x64xf32>
    %eq3A_162 = arith.constant 15 : i32
    %eq3A_163 = vector.broadcast %eq3A_162 : i32 to vector<64x64xi32>
    %eq3A_164 = arith.cmpi eq, %add3A_2, %eq3A_163 : vector<64x64xi32>
    %get3A_165 = arith.constant 15 : index
    %get3A_166 = arith.index_cast %arg0 : i32 to index
    %get3A_167 = memref.load %arg1[%get3A_165, %get3A_166] : memref<65x16xf32, #tpu.memory_space<smem>>
    %jit3A_168 = arith.constant 0.000000e+00 : f32
    %broadcast_in_dim3A_169 = vector.broadcast %get3A_167 : f32 to vector<64x64xf32>
    %broadcast_in_dim3A_170 = vector.broadcast %jit3A_168 : f32 to vector<64x64xf32>
    %select_n3A_171 = arith.select %eq3A_164, %broadcast_in_dim3A_169, %broadcast_in_dim3A_170 : vector<64x64xi1>, vector<64x64xf32>
    %add3A_172 = arith.addf %add3A_161, %select_n3A_171 : vector<64x64xf32>
    %eq3A_173 = arith.constant 16 : i32
    %eq3A_174 = vector.broadcast %eq3A_173 : i32 to vector<64x64xi32>
    %eq3A_175 = arith.cmpi eq, %add3A_2, %eq3A_174 : vector<64x64xi32>
    %get3A_176 = arith.constant 16 : index
    %get3A_177 = arith.index_cast %arg0 : i32 to index
    %get3A_178 = memref.load %arg1[%get3A_176, %get3A_177] : memref<65x16xf32, #tpu.memory_space<smem>>
    %jit3A_179 = arith.constant 0.000000e+00 : f32
    %broadcast_in_dim3A_180 = vector.broadcast %get3A_178 : f32 to vector<64x64xf32>
    %broadcast_in_dim3A_181 = vector.broadcast %jit3A_179 : f32 to vector<64x64xf32>
    %select_n3A_182 = arith.select %eq3A_175, %broadcast_in_dim3A_180, %broadcast_in_dim3A_181 : vector<64x64xi1>, vector<64x64xf32>
    %add3A_183 = arith.addf %add3A_172, %select_n3A_182 : vector<64x64xf32>
    %eq3A_184 = arith.constant 17 : i32
    %eq3A_185 = vector.broadcast %eq3A_184 : i32 to vector<64x64xi32>
    %eq3A_186 = arith.cmpi eq, %add3A_2, %eq3A_185 : vector<64x64xi32>
    %get3A_187 = arith.constant 17 : index
    %get3A_188 = arith.index_cast %arg0 : i32 to index
    %get3A_189 = memref.load %arg1[%get3A_187, %get3A_188] : memref<65x16xf32, #tpu.memory_space<smem>>
    %jit3A_190 = arith.constant 0.000000e+00 : f32
    %broadcast_in_dim3A_191 = vector.broadcast %get3A_189 : f32 to vector<64x64xf32>
    %broadcast_in_dim3A_192 = vector.broadcast %jit3A_190 : f32 to vector<64x64xf32>
    %select_n3A_193 = arith.select %eq3A_186, %broadcast_in_dim3A_191, %broadcast_in_dim3A_192 : vector<64x64xi1>, vector<64x64xf32>
    %add3A_194 = arith.addf %add3A_183, %select_n3A_193 : vector<64x64xf32>
    %eq3A_195 = arith.constant 18 : i32
    %eq3A_196 = vector.broadcast %eq3A_195 : i32 to vector<64x64xi32>
    %eq3A_197 = arith.cmpi eq, %add3A_2, %eq3A_196 : vector<64x64xi32>
    %get3A_198 = arith.constant 18 : index
    %get3A_199 = arith.index_cast %arg0 : i32 to index
    %get3A_200 = memref.load %arg1[%get3A_198, %get3A_199] : memref<65x16xf32, #tpu.memory_space<smem>>
    %jit3A_201 = arith.constant 0.000000e+00 : f32
    %broadcast_in_dim3A_202 = vector.broadcast %get3A_200 : f32 to vector<64x64xf32>
    %broadcast_in_dim3A_203 = vector.broadcast %jit3A_201 : f32 to vector<64x64xf32>
    %select_n3A_204 = arith.select %eq3A_197, %broadcast_in_dim3A_202, %broadcast_in_dim3A_203 : vector<64x64xi1>, vector<64x64xf32>
    %add3A_205 = arith.addf %add3A_194, %select_n3A_204 : vector<64x64xf32>
    %eq3A_206 = arith.constant 19 : i32
    %eq3A_207 = vector.broadcast %eq3A_206 : i32 to vector<64x64xi32>
    %eq3A_208 = arith.cmpi eq, %add3A_2, %eq3A_207 : vector<64x64xi32>
    %get3A_209 = arith.constant 19 : index
    %get3A_210 = arith.index_cast %arg0 : i32 to index
    %get3A_211 = memref.load %arg1[%get3A_209, %get3A_210] : memref<65x16xf32, #tpu.memory_space<smem>>
    %jit3A_212 = arith.constant 0.000000e+00 : f32
    %broadcast_in_dim3A_213 = vector.broadcast %get3A_211 : f32 to vector<64x64xf32>
    %broadcast_in_dim3A_214 = vector.broadcast %jit3A_212 : f32 to vector<64x64xf32>
    %select_n3A_215 = arith.select %eq3A_208, %broadcast_in_dim3A_213, %broadcast_in_dim3A_214 : vector<64x64xi1>, vector<64x64xf32>
    %add3A_216 = arith.addf %add3A_205, %select_n3A_215 : vector<64x64xf32>
    %eq3A_217 = arith.constant 20 : i32
    %eq3A_218 = vector.broadcast %eq3A_217 : i32 to vector<64x64xi32>
    %eq3A_219 = arith.cmpi eq, %add3A_2, %eq3A_218 : vector<64x64xi32>
    %get3A_220 = arith.constant 20 : index
    %get3A_221 = arith.index_cast %arg0 : i32 to index
    %get3A_222 = memref.load %arg1[%get3A_220, %get3A_221] : memref<65x16xf32, #tpu.memory_space<smem>>
    %jit3A_223 = arith.constant 0.000000e+00 : f32
    %broadcast_in_dim3A_224 = vector.broadcast %get3A_222 : f32 to vector<64x64xf32>
    %broadcast_in_dim3A_225 = vector.broadcast %jit3A_223 : f32 to vector<64x64xf32>
    %select_n3A_226 = arith.select %eq3A_219, %broadcast_in_dim3A_224, %broadcast_in_dim3A_225 : vector<64x64xi1>, vector<64x64xf32>
    %add3A_227 = arith.addf %add3A_216, %select_n3A_226 : vector<64x64xf32>
    %eq3A_228 = arith.constant 21 : i32
    %eq3A_229 = vector.broadcast %eq3A_228 : i32 to vector<64x64xi32>
    %eq3A_230 = arith.cmpi eq, %add3A_2, %eq3A_229 : vector<64x64xi32>
    %get3A_231 = arith.constant 21 : index
    %get3A_232 = arith.index_cast %arg0 : i32 to index
    %get3A_233 = memref.load %arg1[%get3A_231, %get3A_232] : memref<65x16xf32, #tpu.memory_space<smem>>
    %jit3A_234 = arith.constant 0.000000e+00 : f32
    %broadcast_in_dim3A_235 = vector.broadcast %get3A_233 : f32 to vector<64x64xf32>
    %broadcast_in_dim3A_236 = vector.broadcast %jit3A_234 : f32 to vector<64x64xf32>
    %select_n3A_237 = arith.select %eq3A_230, %broadcast_in_dim3A_235, %broadcast_in_dim3A_236 : vector<64x64xi1>, vector<64x64xf32>
    %add3A_238 = arith.addf %add3A_227, %select_n3A_237 : vector<64x64xf32>
    %eq3A_239 = arith.constant 22 : i32
    %eq3A_240 = vector.broadcast %eq3A_239 : i32 to vector<64x64xi32>
    %eq3A_241 = arith.cmpi eq, %add3A_2, %eq3A_240 : vector<64x64xi32>
    %get3A_242 = arith.constant 22 : index
    %get3A_243 = arith.index_cast %arg0 : i32 to index
    %get3A_244 = memref.load %arg1[%get3A_242, %get3A_243] : memref<65x16xf32, #tpu.memory_space<smem>>
    %jit3A_245 = arith.constant 0.000000e+00 : f32
    %broadcast_in_dim3A_246 = vector.broadcast %get3A_244 : f32 to vector<64x64xf32>
    %broadcast_in_dim3A_247 = vector.broadcast %jit3A_245 : f32 to vector<64x64xf32>
    %select_n3A_248 = arith.select %eq3A_241, %broadcast_in_dim3A_246, %broadcast_in_dim3A_247 : vector<64x64xi1>, vector<64x64xf32>
    %add3A_249 = arith.addf %add3A_238, %select_n3A_248 : vector<64x64xf32>
    %eq3A_250 = arith.constant 23 : i32
    %eq3A_251 = vector.broadcast %eq3A_250 : i32 to vector<64x64xi32>
    %eq3A_252 = arith.cmpi eq, %add3A_2, %eq3A_251 : vector<64x64xi32>
    %get3A_253 = arith.constant 23 : index
    %get3A_254 = arith.index_cast %arg0 : i32 to index
    %get3A_255 = memref.load %arg1[%get3A_253, %get3A_254] : memref<65x16xf32, #tpu.memory_space<smem>>
    %jit3A_256 = arith.constant 0.000000e+00 : f32
    %broadcast_in_dim3A_257 = vector.broadcast %get3A_255 : f32 to vector<64x64xf32>
    %broadcast_in_dim3A_258 = vector.broadcast %jit3A_256 : f32 to vector<64x64xf32>
    %select_n3A_259 = arith.select %eq3A_252, %broadcast_in_dim3A_257, %broadcast_in_dim3A_258 : vector<64x64xi1>, vector<64x64xf32>
    %add3A_260 = arith.addf %add3A_249, %select_n3A_259 : vector<64x64xf32>
    %eq3A_261 = arith.constant 24 : i32
    %eq3A_262 = vector.broadcast %eq3A_261 : i32 to vector<64x64xi32>
    %eq3A_263 = arith.cmpi eq, %add3A_2, %eq3A_262 : vector<64x64xi32>
    %get3A_264 = arith.constant 24 : index
    %get3A_265 = arith.index_cast %arg0 : i32 to index
    %get3A_266 = memref.load %arg1[%get3A_264, %get3A_265] : memref<65x16xf32, #tpu.memory_space<smem>>
    %jit3A_267 = arith.constant 0.000000e+00 : f32
    %broadcast_in_dim3A_268 = vector.broadcast %get3A_266 : f32 to vector<64x64xf32>
    %broadcast_in_dim3A_269 = vector.broadcast %jit3A_267 : f32 to vector<64x64xf32>
    %select_n3A_270 = arith.select %eq3A_263, %broadcast_in_dim3A_268, %broadcast_in_dim3A_269 : vector<64x64xi1>, vector<64x64xf32>
    %add3A_271 = arith.addf %add3A_260, %select_n3A_270 : vector<64x64xf32>
    %eq3A_272 = arith.constant 25 : i32
    %eq3A_273 = vector.broadcast %eq3A_272 : i32 to vector<64x64xi32>
    %eq3A_274 = arith.cmpi eq, %add3A_2, %eq3A_273 : vector<64x64xi32>
    %get3A_275 = arith.constant 25 : index
    %get3A_276 = arith.index_cast %arg0 : i32 to index
    %get3A_277 = memref.load %arg1[%get3A_275, %get3A_276] : memref<65x16xf32, #tpu.memory_space<smem>>
    %jit3A_278 = arith.constant 0.000000e+00 : f32
    %broadcast_in_dim3A_279 = vector.broadcast %get3A_277 : f32 to vector<64x64xf32>
    %broadcast_in_dim3A_280 = vector.broadcast %jit3A_278 : f32 to vector<64x64xf32>
    %select_n3A_281 = arith.select %eq3A_274, %broadcast_in_dim3A_279, %broadcast_in_dim3A_280 : vector<64x64xi1>, vector<64x64xf32>
    %add3A_282 = arith.addf %add3A_271, %select_n3A_281 : vector<64x64xf32>
    %eq3A_283 = arith.constant 26 : i32
    %eq3A_284 = vector.broadcast %eq3A_283 : i32 to vector<64x64xi32>
    %eq3A_285 = arith.cmpi eq, %add3A_2, %eq3A_284 : vector<64x64xi32>
    %get3A_286 = arith.constant 26 : index
    %get3A_287 = arith.index_cast %arg0 : i32 to index
    %get3A_288 = memref.load %arg1[%get3A_286, %get3A_287] : memref<65x16xf32, #tpu.memory_space<smem>>
    %jit3A_289 = arith.constant 0.000000e+00 : f32
    %broadcast_in_dim3A_290 = vector.broadcast %get3A_288 : f32 to vector<64x64xf32>
    %broadcast_in_dim3A_291 = vector.broadcast %jit3A_289 : f32 to vector<64x64xf32>
    %select_n3A_292 = arith.select %eq3A_285, %broadcast_in_dim3A_290, %broadcast_in_dim3A_291 : vector<64x64xi1>, vector<64x64xf32>
    %add3A_293 = arith.addf %add3A_282, %select_n3A_292 : vector<64x64xf32>
    %eq3A_294 = arith.constant 27 : i32
    %eq3A_295 = vector.broadcast %eq3A_294 : i32 to vector<64x64xi32>
    %eq3A_296 = arith.cmpi eq, %add3A_2, %eq3A_295 : vector<64x64xi32>
    %get3A_297 = arith.constant 27 : index
    %get3A_298 = arith.index_cast %arg0 : i32 to index
    %get3A_299 = memref.load %arg1[%get3A_297, %get3A_298] : memref<65x16xf32, #tpu.memory_space<smem>>
    %jit3A_300 = arith.constant 0.000000e+00 : f32
    %broadcast_in_dim3A_301 = vector.broadcast %get3A_299 : f32 to vector<64x64xf32>
    %broadcast_in_dim3A_302 = vector.broadcast %jit3A_300 : f32 to vector<64x64xf32>
    %select_n3A_303 = arith.select %eq3A_296, %broadcast_in_dim3A_301, %broadcast_in_dim3A_302 : vector<64x64xi1>, vector<64x64xf32>
    %add3A_304 = arith.addf %add3A_293, %select_n3A_303 : vector<64x64xf32>
    %eq3A_305 = arith.constant 28 : i32
    %eq3A_306 = vector.broadcast %eq3A_305 : i32 to vector<64x64xi32>
    %eq3A_307 = arith.cmpi eq, %add3A_2, %eq3A_306 : vector<64x64xi32>
    %get3A_308 = arith.constant 28 : index
    %get3A_309 = arith.index_cast %arg0 : i32 to index
    %get3A_310 = memref.load %arg1[%get3A_308, %get3A_309] : memref<65x16xf32, #tpu.memory_space<smem>>
    %jit3A_311 = arith.constant 0.000000e+00 : f32
    %broadcast_in_dim3A_312 = vector.broadcast %get3A_310 : f32 to vector<64x64xf32>
    %broadcast_in_dim3A_313 = vector.broadcast %jit3A_311 : f32 to vector<64x64xf32>
    %select_n3A_314 = arith.select %eq3A_307, %broadcast_in_dim3A_312, %broadcast_in_dim3A_313 : vector<64x64xi1>, vector<64x64xf32>
    %add3A_315 = arith.addf %add3A_304, %select_n3A_314 : vector<64x64xf32>
    %eq3A_316 = arith.constant 29 : i32
    %eq3A_317 = vector.broadcast %eq3A_316 : i32 to vector<64x64xi32>
    %eq3A_318 = arith.cmpi eq, %add3A_2, %eq3A_317 : vector<64x64xi32>
    %get3A_319 = arith.constant 29 : index
    %get3A_320 = arith.index_cast %arg0 : i32 to index
    %get3A_321 = memref.load %arg1[%get3A_319, %get3A_320] : memref<65x16xf32, #tpu.memory_space<smem>>
    %jit3A_322 = arith.constant 0.000000e+00 : f32
    %broadcast_in_dim3A_323 = vector.broadcast %get3A_321 : f32 to vector<64x64xf32>
    %broadcast_in_dim3A_324 = vector.broadcast %jit3A_322 : f32 to vector<64x64xf32>
    %select_n3A_325 = arith.select %eq3A_318, %broadcast_in_dim3A_323, %broadcast_in_dim3A_324 : vector<64x64xi1>, vector<64x64xf32>
    %add3A_326 = arith.addf %add3A_315, %select_n3A_325 : vector<64x64xf32>
    %eq3A_327 = arith.constant 30 : i32
    %eq3A_328 = vector.broadcast %eq3A_327 : i32 to vector<64x64xi32>
    %eq3A_329 = arith.cmpi eq, %add3A_2, %eq3A_328 : vector<64x64xi32>
    %get3A_330 = arith.constant 30 : index
    %get3A_331 = arith.index_cast %arg0 : i32 to index
    %get3A_332 = memref.load %arg1[%get3A_330, %get3A_331] : memref<65x16xf32, #tpu.memory_space<smem>>
    %jit3A_333 = arith.constant 0.000000e+00 : f32
    %broadcast_in_dim3A_334 = vector.broadcast %get3A_332 : f32 to vector<64x64xf32>
    %broadcast_in_dim3A_335 = vector.broadcast %jit3A_333 : f32 to vector<64x64xf32>
    %select_n3A_336 = arith.select %eq3A_329, %broadcast_in_dim3A_334, %broadcast_in_dim3A_335 : vector<64x64xi1>, vector<64x64xf32>
    %add3A_337 = arith.addf %add3A_326, %select_n3A_336 : vector<64x64xf32>
    %eq3A_338 = arith.constant 31 : i32
    %eq3A_339 = vector.broadcast %eq3A_338 : i32 to vector<64x64xi32>
    %eq3A_340 = arith.cmpi eq, %add3A_2, %eq3A_339 : vector<64x64xi32>
    %get3A_341 = arith.constant 31 : index
    %get3A_342 = arith.index_cast %arg0 : i32 to index
    %get3A_343 = memref.load %arg1[%get3A_341, %get3A_342] : memref<65x16xf32, #tpu.memory_space<smem>>
    %jit3A_344 = arith.constant 0.000000e+00 : f32
    %broadcast_in_dim3A_345 = vector.broadcast %get3A_343 : f32 to vector<64x64xf32>
    %broadcast_in_dim3A_346 = vector.broadcast %jit3A_344 : f32 to vector<64x64xf32>
    %select_n3A_347 = arith.select %eq3A_340, %broadcast_in_dim3A_345, %broadcast_in_dim3A_346 : vector<64x64xi1>, vector<64x64xf32>
    %add3A_348 = arith.addf %add3A_337, %select_n3A_347 : vector<64x64xf32>
    %eq3A_349 = arith.constant 32 : i32
    %eq3A_350 = vector.broadcast %eq3A_349 : i32 to vector<64x64xi32>
    %eq3A_351 = arith.cmpi eq, %add3A_2, %eq3A_350 : vector<64x64xi32>
    %get3A_352 = arith.constant 32 : index
    %get3A_353 = arith.index_cast %arg0 : i32 to index
    %get3A_354 = memref.load %arg1[%get3A_352, %get3A_353] : memref<65x16xf32, #tpu.memory_space<smem>>
    %jit3A_355 = arith.constant 0.000000e+00 : f32
    %broadcast_in_dim3A_356 = vector.broadcast %get3A_354 : f32 to vector<64x64xf32>
    %broadcast_in_dim3A_357 = vector.broadcast %jit3A_355 : f32 to vector<64x64xf32>
    %select_n3A_358 = arith.select %eq3A_351, %broadcast_in_dim3A_356, %broadcast_in_dim3A_357 : vector<64x64xi1>, vector<64x64xf32>
    %add3A_359 = arith.addf %add3A_348, %select_n3A_358 : vector<64x64xf32>
    %eq3A_360 = arith.constant 33 : i32
    %eq3A_361 = vector.broadcast %eq3A_360 : i32 to vector<64x64xi32>
    %eq3A_362 = arith.cmpi eq, %add3A_2, %eq3A_361 : vector<64x64xi32>
    %get3A_363 = arith.constant 33 : index
    %get3A_364 = arith.index_cast %arg0 : i32 to index
    %get3A_365 = memref.load %arg1[%get3A_363, %get3A_364] : memref<65x16xf32, #tpu.memory_space<smem>>
    %jit3A_366 = arith.constant 0.000000e+00 : f32
    %broadcast_in_dim3A_367 = vector.broadcast %get3A_365 : f32 to vector<64x64xf32>
    %broadcast_in_dim3A_368 = vector.broadcast %jit3A_366 : f32 to vector<64x64xf32>
    %select_n3A_369 = arith.select %eq3A_362, %broadcast_in_dim3A_367, %broadcast_in_dim3A_368 : vector<64x64xi1>, vector<64x64xf32>
    %add3A_370 = arith.addf %add3A_359, %select_n3A_369 : vector<64x64xf32>
    %eq3A_371 = arith.constant 34 : i32
    %eq3A_372 = vector.broadcast %eq3A_371 : i32 to vector<64x64xi32>
    %eq3A_373 = arith.cmpi eq, %add3A_2, %eq3A_372 : vector<64x64xi32>
    %get3A_374 = arith.constant 34 : index
    %get3A_375 = arith.index_cast %arg0 : i32 to index
    %get3A_376 = memref.load %arg1[%get3A_374, %get3A_375] : memref<65x16xf32, #tpu.memory_space<smem>>
    %jit3A_377 = arith.constant 0.000000e+00 : f32
    %broadcast_in_dim3A_378 = vector.broadcast %get3A_376 : f32 to vector<64x64xf32>
    %broadcast_in_dim3A_379 = vector.broadcast %jit3A_377 : f32 to vector<64x64xf32>
    %select_n3A_380 = arith.select %eq3A_373, %broadcast_in_dim3A_378, %broadcast_in_dim3A_379 : vector<64x64xi1>, vector<64x64xf32>
    %add3A_381 = arith.addf %add3A_370, %select_n3A_380 : vector<64x64xf32>
    %eq3A_382 = arith.constant 35 : i32
    %eq3A_383 = vector.broadcast %eq3A_382 : i32 to vector<64x64xi32>
    %eq3A_384 = arith.cmpi eq, %add3A_2, %eq3A_383 : vector<64x64xi32>
    %get3A_385 = arith.constant 35 : index
    %get3A_386 = arith.index_cast %arg0 : i32 to index
    %get3A_387 = memref.load %arg1[%get3A_385, %get3A_386] : memref<65x16xf32, #tpu.memory_space<smem>>
    %jit3A_388 = arith.constant 0.000000e+00 : f32
    %broadcast_in_dim3A_389 = vector.broadcast %get3A_387 : f32 to vector<64x64xf32>
    %broadcast_in_dim3A_390 = vector.broadcast %jit3A_388 : f32 to vector<64x64xf32>
    %select_n3A_391 = arith.select %eq3A_384, %broadcast_in_dim3A_389, %broadcast_in_dim3A_390 : vector<64x64xi1>, vector<64x64xf32>
    %add3A_392 = arith.addf %add3A_381, %select_n3A_391 : vector<64x64xf32>
    %eq3A_393 = arith.constant 36 : i32
    %eq3A_394 = vector.broadcast %eq3A_393 : i32 to vector<64x64xi32>
    %eq3A_395 = arith.cmpi eq, %add3A_2, %eq3A_394 : vector<64x64xi32>
    %get3A_396 = arith.constant 36 : index
    %get3A_397 = arith.index_cast %arg0 : i32 to index
    %get3A_398 = memref.load %arg1[%get3A_396, %get3A_397] : memref<65x16xf32, #tpu.memory_space<smem>>
    %jit3A_399 = arith.constant 0.000000e+00 : f32
    %broadcast_in_dim3A_400 = vector.broadcast %get3A_398 : f32 to vector<64x64xf32>
    %broadcast_in_dim3A_401 = vector.broadcast %jit3A_399 : f32 to vector<64x64xf32>
    %select_n3A_402 = arith.select %eq3A_395, %broadcast_in_dim3A_400, %broadcast_in_dim3A_401 : vector<64x64xi1>, vector<64x64xf32>
    %add3A_403 = arith.addf %add3A_392, %select_n3A_402 : vector<64x64xf32>
    %eq3A_404 = arith.constant 37 : i32
    %eq3A_405 = vector.broadcast %eq3A_404 : i32 to vector<64x64xi32>
    %eq3A_406 = arith.cmpi eq, %add3A_2, %eq3A_405 : vector<64x64xi32>
    %get3A_407 = arith.constant 37 : index
    %get3A_408 = arith.index_cast %arg0 : i32 to index
    %get3A_409 = memref.load %arg1[%get3A_407, %get3A_408] : memref<65x16xf32, #tpu.memory_space<smem>>
    %jit3A_410 = arith.constant 0.000000e+00 : f32
    %broadcast_in_dim3A_411 = vector.broadcast %get3A_409 : f32 to vector<64x64xf32>
    %broadcast_in_dim3A_412 = vector.broadcast %jit3A_410 : f32 to vector<64x64xf32>
    %select_n3A_413 = arith.select %eq3A_406, %broadcast_in_dim3A_411, %broadcast_in_dim3A_412 : vector<64x64xi1>, vector<64x64xf32>
    %add3A_414 = arith.addf %add3A_403, %select_n3A_413 : vector<64x64xf32>
    %eq3A_415 = arith.constant 38 : i32
    %eq3A_416 = vector.broadcast %eq3A_415 : i32 to vector<64x64xi32>
    %eq3A_417 = arith.cmpi eq, %add3A_2, %eq3A_416 : vector<64x64xi32>
    %get3A_418 = arith.constant 38 : index
    %get3A_419 = arith.index_cast %arg0 : i32 to index
    %get3A_420 = memref.load %arg1[%get3A_418, %get3A_419] : memref<65x16xf32, #tpu.memory_space<smem>>
    %jit3A_421 = arith.constant 0.000000e+00 : f32
    %broadcast_in_dim3A_422 = vector.broadcast %get3A_420 : f32 to vector<64x64xf32>
    %broadcast_in_dim3A_423 = vector.broadcast %jit3A_421 : f32 to vector<64x64xf32>
    %select_n3A_424 = arith.select %eq3A_417, %broadcast_in_dim3A_422, %broadcast_in_dim3A_423 : vector<64x64xi1>, vector<64x64xf32>
    %add3A_425 = arith.addf %add3A_414, %select_n3A_424 : vector<64x64xf32>
    %eq3A_426 = arith.constant 39 : i32
    %eq3A_427 = vector.broadcast %eq3A_426 : i32 to vector<64x64xi32>
    %eq3A_428 = arith.cmpi eq, %add3A_2, %eq3A_427 : vector<64x64xi32>
    %get3A_429 = arith.constant 39 : index
    %get3A_430 = arith.index_cast %arg0 : i32 to index
    %get3A_431 = memref.load %arg1[%get3A_429, %get3A_430] : memref<65x16xf32, #tpu.memory_space<smem>>
    %jit3A_432 = arith.constant 0.000000e+00 : f32
    %broadcast_in_dim3A_433 = vector.broadcast %get3A_431 : f32 to vector<64x64xf32>
    %broadcast_in_dim3A_434 = vector.broadcast %jit3A_432 : f32 to vector<64x64xf32>
    %select_n3A_435 = arith.select %eq3A_428, %broadcast_in_dim3A_433, %broadcast_in_dim3A_434 : vector<64x64xi1>, vector<64x64xf32>
    %add3A_436 = arith.addf %add3A_425, %select_n3A_435 : vector<64x64xf32>
    %eq3A_437 = arith.constant 40 : i32
    %eq3A_438 = vector.broadcast %eq3A_437 : i32 to vector<64x64xi32>
    %eq3A_439 = arith.cmpi eq, %add3A_2, %eq3A_438 : vector<64x64xi32>
    %get3A_440 = arith.constant 40 : index
    %get3A_441 = arith.index_cast %arg0 : i32 to index
    %get3A_442 = memref.load %arg1[%get3A_440, %get3A_441] : memref<65x16xf32, #tpu.memory_space<smem>>
    %jit3A_443 = arith.constant 0.000000e+00 : f32
    %broadcast_in_dim3A_444 = vector.broadcast %get3A_442 : f32 to vector<64x64xf32>
    %broadcast_in_dim3A_445 = vector.broadcast %jit3A_443 : f32 to vector<64x64xf32>
    %select_n3A_446 = arith.select %eq3A_439, %broadcast_in_dim3A_444, %broadcast_in_dim3A_445 : vector<64x64xi1>, vector<64x64xf32>
    %add3A_447 = arith.addf %add3A_436, %select_n3A_446 : vector<64x64xf32>
    %eq3A_448 = arith.constant 41 : i32
    %eq3A_449 = vector.broadcast %eq3A_448 : i32 to vector<64x64xi32>
    %eq3A_450 = arith.cmpi eq, %add3A_2, %eq3A_449 : vector<64x64xi32>
    %get3A_451 = arith.constant 41 : index
    %get3A_452 = arith.index_cast %arg0 : i32 to index
    %get3A_453 = memref.load %arg1[%get3A_451, %get3A_452] : memref<65x16xf32, #tpu.memory_space<smem>>
    %jit3A_454 = arith.constant 0.000000e+00 : f32
    %broadcast_in_dim3A_455 = vector.broadcast %get3A_453 : f32 to vector<64x64xf32>
    %broadcast_in_dim3A_456 = vector.broadcast %jit3A_454 : f32 to vector<64x64xf32>
    %select_n3A_457 = arith.select %eq3A_450, %broadcast_in_dim3A_455, %broadcast_in_dim3A_456 : vector<64x64xi1>, vector<64x64xf32>
    %add3A_458 = arith.addf %add3A_447, %select_n3A_457 : vector<64x64xf32>
    %eq3A_459 = arith.constant 42 : i32
    %eq3A_460 = vector.broadcast %eq3A_459 : i32 to vector<64x64xi32>
    %eq3A_461 = arith.cmpi eq, %add3A_2, %eq3A_460 : vector<64x64xi32>
    %get3A_462 = arith.constant 42 : index
    %get3A_463 = arith.index_cast %arg0 : i32 to index
    %get3A_464 = memref.load %arg1[%get3A_462, %get3A_463] : memref<65x16xf32, #tpu.memory_space<smem>>
    %jit3A_465 = arith.constant 0.000000e+00 : f32
    %broadcast_in_dim3A_466 = vector.broadcast %get3A_464 : f32 to vector<64x64xf32>
    %broadcast_in_dim3A_467 = vector.broadcast %jit3A_465 : f32 to vector<64x64xf32>
    %select_n3A_468 = arith.select %eq3A_461, %broadcast_in_dim3A_466, %broadcast_in_dim3A_467 : vector<64x64xi1>, vector<64x64xf32>
    %add3A_469 = arith.addf %add3A_458, %select_n3A_468 : vector<64x64xf32>
    %eq3A_470 = arith.constant 43 : i32
    %eq3A_471 = vector.broadcast %eq3A_470 : i32 to vector<64x64xi32>
    %eq3A_472 = arith.cmpi eq, %add3A_2, %eq3A_471 : vector<64x64xi32>
    %get3A_473 = arith.constant 43 : index
    %get3A_474 = arith.index_cast %arg0 : i32 to index
    %get3A_475 = memref.load %arg1[%get3A_473, %get3A_474] : memref<65x16xf32, #tpu.memory_space<smem>>
    %jit3A_476 = arith.constant 0.000000e+00 : f32
    %broadcast_in_dim3A_477 = vector.broadcast %get3A_475 : f32 to vector<64x64xf32>
    %broadcast_in_dim3A_478 = vector.broadcast %jit3A_476 : f32 to vector<64x64xf32>
    %select_n3A_479 = arith.select %eq3A_472, %broadcast_in_dim3A_477, %broadcast_in_dim3A_478 : vector<64x64xi1>, vector<64x64xf32>
    %add3A_480 = arith.addf %add3A_469, %select_n3A_479 : vector<64x64xf32>
    %eq3A_481 = arith.constant 44 : i32
    %eq3A_482 = vector.broadcast %eq3A_481 : i32 to vector<64x64xi32>
    %eq3A_483 = arith.cmpi eq, %add3A_2, %eq3A_482 : vector<64x64xi32>
    %get3A_484 = arith.constant 44 : index
    %get3A_485 = arith.index_cast %arg0 : i32 to index
    %get3A_486 = memref.load %arg1[%get3A_484, %get3A_485] : memref<65x16xf32, #tpu.memory_space<smem>>
    %jit3A_487 = arith.constant 0.000000e+00 : f32
    %broadcast_in_dim3A_488 = vector.broadcast %get3A_486 : f32 to vector<64x64xf32>
    %broadcast_in_dim3A_489 = vector.broadcast %jit3A_487 : f32 to vector<64x64xf32>
    %select_n3A_490 = arith.select %eq3A_483, %broadcast_in_dim3A_488, %broadcast_in_dim3A_489 : vector<64x64xi1>, vector<64x64xf32>
    %add3A_491 = arith.addf %add3A_480, %select_n3A_490 : vector<64x64xf32>
    %eq3A_492 = arith.constant 45 : i32
    %eq3A_493 = vector.broadcast %eq3A_492 : i32 to vector<64x64xi32>
    %eq3A_494 = arith.cmpi eq, %add3A_2, %eq3A_493 : vector<64x64xi32>
    %get3A_495 = arith.constant 45 : index
    %get3A_496 = arith.index_cast %arg0 : i32 to index
    %get3A_497 = memref.load %arg1[%get3A_495, %get3A_496] : memref<65x16xf32, #tpu.memory_space<smem>>
    %jit3A_498 = arith.constant 0.000000e+00 : f32
    %broadcast_in_dim3A_499 = vector.broadcast %get3A_497 : f32 to vector<64x64xf32>
    %broadcast_in_dim3A_500 = vector.broadcast %jit3A_498 : f32 to vector<64x64xf32>
    %select_n3A_501 = arith.select %eq3A_494, %broadcast_in_dim3A_499, %broadcast_in_dim3A_500 : vector<64x64xi1>, vector<64x64xf32>
    %add3A_502 = arith.addf %add3A_491, %select_n3A_501 : vector<64x64xf32>
    %eq3A_503 = arith.constant 46 : i32
    %eq3A_504 = vector.broadcast %eq3A_503 : i32 to vector<64x64xi32>
    %eq3A_505 = arith.cmpi eq, %add3A_2, %eq3A_504 : vector<64x64xi32>
    %get3A_506 = arith.constant 46 : index
    %get3A_507 = arith.index_cast %arg0 : i32 to index
    %get3A_508 = memref.load %arg1[%get3A_506, %get3A_507] : memref<65x16xf32, #tpu.memory_space<smem>>
    %jit3A_509 = arith.constant 0.000000e+00 : f32
    %broadcast_in_dim3A_510 = vector.broadcast %get3A_508 : f32 to vector<64x64xf32>
    %broadcast_in_dim3A_511 = vector.broadcast %jit3A_509 : f32 to vector<64x64xf32>
    %select_n3A_512 = arith.select %eq3A_505, %broadcast_in_dim3A_510, %broadcast_in_dim3A_511 : vector<64x64xi1>, vector<64x64xf32>
    %add3A_513 = arith.addf %add3A_502, %select_n3A_512 : vector<64x64xf32>
    %eq3A_514 = arith.constant 47 : i32
    %eq3A_515 = vector.broadcast %eq3A_514 : i32 to vector<64x64xi32>
    %eq3A_516 = arith.cmpi eq, %add3A_2, %eq3A_515 : vector<64x64xi32>
    %get3A_517 = arith.constant 47 : index
    %get3A_518 = arith.index_cast %arg0 : i32 to index
    %get3A_519 = memref.load %arg1[%get3A_517, %get3A_518] : memref<65x16xf32, #tpu.memory_space<smem>>
    %jit3A_520 = arith.constant 0.000000e+00 : f32
    %broadcast_in_dim3A_521 = vector.broadcast %get3A_519 : f32 to vector<64x64xf32>
    %broadcast_in_dim3A_522 = vector.broadcast %jit3A_520 : f32 to vector<64x64xf32>
    %select_n3A_523 = arith.select %eq3A_516, %broadcast_in_dim3A_521, %broadcast_in_dim3A_522 : vector<64x64xi1>, vector<64x64xf32>
    %add3A_524 = arith.addf %add3A_513, %select_n3A_523 : vector<64x64xf32>
    %eq3A_525 = arith.constant 48 : i32
    %eq3A_526 = vector.broadcast %eq3A_525 : i32 to vector<64x64xi32>
    %eq3A_527 = arith.cmpi eq, %add3A_2, %eq3A_526 : vector<64x64xi32>
    %get3A_528 = arith.constant 48 : index
    %get3A_529 = arith.index_cast %arg0 : i32 to index
    %get3A_530 = memref.load %arg1[%get3A_528, %get3A_529] : memref<65x16xf32, #tpu.memory_space<smem>>
    %jit3A_531 = arith.constant 0.000000e+00 : f32
    %broadcast_in_dim3A_532 = vector.broadcast %get3A_530 : f32 to vector<64x64xf32>
    %broadcast_in_dim3A_533 = vector.broadcast %jit3A_531 : f32 to vector<64x64xf32>
    %select_n3A_534 = arith.select %eq3A_527, %broadcast_in_dim3A_532, %broadcast_in_dim3A_533 : vector<64x64xi1>, vector<64x64xf32>
    %add3A_535 = arith.addf %add3A_524, %select_n3A_534 : vector<64x64xf32>
    %eq3A_536 = arith.constant 49 : i32
    %eq3A_537 = vector.broadcast %eq3A_536 : i32 to vector<64x64xi32>
    %eq3A_538 = arith.cmpi eq, %add3A_2, %eq3A_537 : vector<64x64xi32>
    %get3A_539 = arith.constant 49 : index
    %get3A_540 = arith.index_cast %arg0 : i32 to index
    %get3A_541 = memref.load %arg1[%get3A_539, %get3A_540] : memref<65x16xf32, #tpu.memory_space<smem>>
    %jit3A_542 = arith.constant 0.000000e+00 : f32
    %broadcast_in_dim3A_543 = vector.broadcast %get3A_541 : f32 to vector<64x64xf32>
    %broadcast_in_dim3A_544 = vector.broadcast %jit3A_542 : f32 to vector<64x64xf32>
    %select_n3A_545 = arith.select %eq3A_538, %broadcast_in_dim3A_543, %broadcast_in_dim3A_544 : vector<64x64xi1>, vector<64x64xf32>
    %add3A_546 = arith.addf %add3A_535, %select_n3A_545 : vector<64x64xf32>
    %eq3A_547 = arith.constant 50 : i32
    %eq3A_548 = vector.broadcast %eq3A_547 : i32 to vector<64x64xi32>
    %eq3A_549 = arith.cmpi eq, %add3A_2, %eq3A_548 : vector<64x64xi32>
    %get3A_550 = arith.constant 50 : index
    %get3A_551 = arith.index_cast %arg0 : i32 to index
    %get3A_552 = memref.load %arg1[%get3A_550, %get3A_551] : memref<65x16xf32, #tpu.memory_space<smem>>
    %jit3A_553 = arith.constant 0.000000e+00 : f32
    %broadcast_in_dim3A_554 = vector.broadcast %get3A_552 : f32 to vector<64x64xf32>
    %broadcast_in_dim3A_555 = vector.broadcast %jit3A_553 : f32 to vector<64x64xf32>
    %select_n3A_556 = arith.select %eq3A_549, %broadcast_in_dim3A_554, %broadcast_in_dim3A_555 : vector<64x64xi1>, vector<64x64xf32>
    %add3A_557 = arith.addf %add3A_546, %select_n3A_556 : vector<64x64xf32>
    %eq3A_558 = arith.constant 51 : i32
    %eq3A_559 = vector.broadcast %eq3A_558 : i32 to vector<64x64xi32>
    %eq3A_560 = arith.cmpi eq, %add3A_2, %eq3A_559 : vector<64x64xi32>
    %get3A_561 = arith.constant 51 : index
    %get3A_562 = arith.index_cast %arg0 : i32 to index
    %get3A_563 = memref.load %arg1[%get3A_561, %get3A_562] : memref<65x16xf32, #tpu.memory_space<smem>>
    %jit3A_564 = arith.constant 0.000000e+00 : f32
    %broadcast_in_dim3A_565 = vector.broadcast %get3A_563 : f32 to vector<64x64xf32>
    %broadcast_in_dim3A_566 = vector.broadcast %jit3A_564 : f32 to vector<64x64xf32>
    %select_n3A_567 = arith.select %eq3A_560, %broadcast_in_dim3A_565, %broadcast_in_dim3A_566 : vector<64x64xi1>, vector<64x64xf32>
    %add3A_568 = arith.addf %add3A_557, %select_n3A_567 : vector<64x64xf32>
    %eq3A_569 = arith.constant 52 : i32
    %eq3A_570 = vector.broadcast %eq3A_569 : i32 to vector<64x64xi32>
    %eq3A_571 = arith.cmpi eq, %add3A_2, %eq3A_570 : vector<64x64xi32>
    %get3A_572 = arith.constant 52 : index
    %get3A_573 = arith.index_cast %arg0 : i32 to index
    %get3A_574 = memref.load %arg1[%get3A_572, %get3A_573] : memref<65x16xf32, #tpu.memory_space<smem>>
    %jit3A_575 = arith.constant 0.000000e+00 : f32
    %broadcast_in_dim3A_576 = vector.broadcast %get3A_574 : f32 to vector<64x64xf32>
    %broadcast_in_dim3A_577 = vector.broadcast %jit3A_575 : f32 to vector<64x64xf32>
    %select_n3A_578 = arith.select %eq3A_571, %broadcast_in_dim3A_576, %broadcast_in_dim3A_577 : vector<64x64xi1>, vector<64x64xf32>
    %add3A_579 = arith.addf %add3A_568, %select_n3A_578 : vector<64x64xf32>
    %eq3A_580 = arith.constant 53 : i32
    %eq3A_581 = vector.broadcast %eq3A_580 : i32 to vector<64x64xi32>
    %eq3A_582 = arith.cmpi eq, %add3A_2, %eq3A_581 : vector<64x64xi32>
    %get3A_583 = arith.constant 53 : index
    %get3A_584 = arith.index_cast %arg0 : i32 to index
    %get3A_585 = memref.load %arg1[%get3A_583, %get3A_584] : memref<65x16xf32, #tpu.memory_space<smem>>
    %jit3A_586 = arith.constant 0.000000e+00 : f32
    %broadcast_in_dim3A_587 = vector.broadcast %get3A_585 : f32 to vector<64x64xf32>
    %broadcast_in_dim3A_588 = vector.broadcast %jit3A_586 : f32 to vector<64x64xf32>
    %select_n3A_589 = arith.select %eq3A_582, %broadcast_in_dim3A_587, %broadcast_in_dim3A_588 : vector<64x64xi1>, vector<64x64xf32>
    %add3A_590 = arith.addf %add3A_579, %select_n3A_589 : vector<64x64xf32>
    %eq3A_591 = arith.constant 54 : i32
    %eq3A_592 = vector.broadcast %eq3A_591 : i32 to vector<64x64xi32>
    %eq3A_593 = arith.cmpi eq, %add3A_2, %eq3A_592 : vector<64x64xi32>
    %get3A_594 = arith.constant 54 : index
    %get3A_595 = arith.index_cast %arg0 : i32 to index
    %get3A_596 = memref.load %arg1[%get3A_594, %get3A_595] : memref<65x16xf32, #tpu.memory_space<smem>>
    %jit3A_597 = arith.constant 0.000000e+00 : f32
    %broadcast_in_dim3A_598 = vector.broadcast %get3A_596 : f32 to vector<64x64xf32>
    %broadcast_in_dim3A_599 = vector.broadcast %jit3A_597 : f32 to vector<64x64xf32>
    %select_n3A_600 = arith.select %eq3A_593, %broadcast_in_dim3A_598, %broadcast_in_dim3A_599 : vector<64x64xi1>, vector<64x64xf32>
    %add3A_601 = arith.addf %add3A_590, %select_n3A_600 : vector<64x64xf32>
    %eq3A_602 = arith.constant 55 : i32
    %eq3A_603 = vector.broadcast %eq3A_602 : i32 to vector<64x64xi32>
    %eq3A_604 = arith.cmpi eq, %add3A_2, %eq3A_603 : vector<64x64xi32>
    %get3A_605 = arith.constant 55 : index
    %get3A_606 = arith.index_cast %arg0 : i32 to index
    %get3A_607 = memref.load %arg1[%get3A_605, %get3A_606] : memref<65x16xf32, #tpu.memory_space<smem>>
    %jit3A_608 = arith.constant 0.000000e+00 : f32
    %broadcast_in_dim3A_609 = vector.broadcast %get3A_607 : f32 to vector<64x64xf32>
    %broadcast_in_dim3A_610 = vector.broadcast %jit3A_608 : f32 to vector<64x64xf32>
    %select_n3A_611 = arith.select %eq3A_604, %broadcast_in_dim3A_609, %broadcast_in_dim3A_610 : vector<64x64xi1>, vector<64x64xf32>
    %add3A_612 = arith.addf %add3A_601, %select_n3A_611 : vector<64x64xf32>
    %eq3A_613 = arith.constant 56 : i32
    %eq3A_614 = vector.broadcast %eq3A_613 : i32 to vector<64x64xi32>
    %eq3A_615 = arith.cmpi eq, %add3A_2, %eq3A_614 : vector<64x64xi32>
    %get3A_616 = arith.constant 56 : index
    %get3A_617 = arith.index_cast %arg0 : i32 to index
    %get3A_618 = memref.load %arg1[%get3A_616, %get3A_617] : memref<65x16xf32, #tpu.memory_space<smem>>
    %jit3A_619 = arith.constant 0.000000e+00 : f32
    %broadcast_in_dim3A_620 = vector.broadcast %get3A_618 : f32 to vector<64x64xf32>
    %broadcast_in_dim3A_621 = vector.broadcast %jit3A_619 : f32 to vector<64x64xf32>
    %select_n3A_622 = arith.select %eq3A_615, %broadcast_in_dim3A_620, %broadcast_in_dim3A_621 : vector<64x64xi1>, vector<64x64xf32>
    %add3A_623 = arith.addf %add3A_612, %select_n3A_622 : vector<64x64xf32>
    %eq3A_624 = arith.constant 57 : i32
    %eq3A_625 = vector.broadcast %eq3A_624 : i32 to vector<64x64xi32>
    %eq3A_626 = arith.cmpi eq, %add3A_2, %eq3A_625 : vector<64x64xi32>
    %get3A_627 = arith.constant 57 : index
    %get3A_628 = arith.index_cast %arg0 : i32 to index
    %get3A_629 = memref.load %arg1[%get3A_627, %get3A_628] : memref<65x16xf32, #tpu.memory_space<smem>>
    %jit3A_630 = arith.constant 0.000000e+00 : f32
    %broadcast_in_dim3A_631 = vector.broadcast %get3A_629 : f32 to vector<64x64xf32>
    %broadcast_in_dim3A_632 = vector.broadcast %jit3A_630 : f32 to vector<64x64xf32>
    %select_n3A_633 = arith.select %eq3A_626, %broadcast_in_dim3A_631, %broadcast_in_dim3A_632 : vector<64x64xi1>, vector<64x64xf32>
    %add3A_634 = arith.addf %add3A_623, %select_n3A_633 : vector<64x64xf32>
    %eq3A_635 = arith.constant 58 : i32
    %eq3A_636 = vector.broadcast %eq3A_635 : i32 to vector<64x64xi32>
    %eq3A_637 = arith.cmpi eq, %add3A_2, %eq3A_636 : vector<64x64xi32>
    %get3A_638 = arith.constant 58 : index
    %get3A_639 = arith.index_cast %arg0 : i32 to index
    %get3A_640 = memref.load %arg1[%get3A_638, %get3A_639] : memref<65x16xf32, #tpu.memory_space<smem>>
    %jit3A_641 = arith.constant 0.000000e+00 : f32
    %broadcast_in_dim3A_642 = vector.broadcast %get3A_640 : f32 to vector<64x64xf32>
    %broadcast_in_dim3A_643 = vector.broadcast %jit3A_641 : f32 to vector<64x64xf32>
    %select_n3A_644 = arith.select %eq3A_637, %broadcast_in_dim3A_642, %broadcast_in_dim3A_643 : vector<64x64xi1>, vector<64x64xf32>
    %add3A_645 = arith.addf %add3A_634, %select_n3A_644 : vector<64x64xf32>
    %eq3A_646 = arith.constant 59 : i32
    %eq3A_647 = vector.broadcast %eq3A_646 : i32 to vector<64x64xi32>
    %eq3A_648 = arith.cmpi eq, %add3A_2, %eq3A_647 : vector<64x64xi32>
    %get3A_649 = arith.constant 59 : index
    %get3A_650 = arith.index_cast %arg0 : i32 to index
    %get3A_651 = memref.load %arg1[%get3A_649, %get3A_650] : memref<65x16xf32, #tpu.memory_space<smem>>
    %jit3A_652 = arith.constant 0.000000e+00 : f32
    %broadcast_in_dim3A_653 = vector.broadcast %get3A_651 : f32 to vector<64x64xf32>
    %broadcast_in_dim3A_654 = vector.broadcast %jit3A_652 : f32 to vector<64x64xf32>
    %select_n3A_655 = arith.select %eq3A_648, %broadcast_in_dim3A_653, %broadcast_in_dim3A_654 : vector<64x64xi1>, vector<64x64xf32>
    %add3A_656 = arith.addf %add3A_645, %select_n3A_655 : vector<64x64xf32>
    %eq3A_657 = arith.constant 60 : i32
    %eq3A_658 = vector.broadcast %eq3A_657 : i32 to vector<64x64xi32>
    %eq3A_659 = arith.cmpi eq, %add3A_2, %eq3A_658 : vector<64x64xi32>
    %get3A_660 = arith.constant 60 : index
    %get3A_661 = arith.index_cast %arg0 : i32 to index
    %get3A_662 = memref.load %arg1[%get3A_660, %get3A_661] : memref<65x16xf32, #tpu.memory_space<smem>>
    %jit3A_663 = arith.constant 0.000000e+00 : f32
    %broadcast_in_dim3A_664 = vector.broadcast %get3A_662 : f32 to vector<64x64xf32>
    %broadcast_in_dim3A_665 = vector.broadcast %jit3A_663 : f32 to vector<64x64xf32>
    %select_n3A_666 = arith.select %eq3A_659, %broadcast_in_dim3A_664, %broadcast_in_dim3A_665 : vector<64x64xi1>, vector<64x64xf32>
    %add3A_667 = arith.addf %add3A_656, %select_n3A_666 : vector<64x64xf32>
    %eq3A_668 = arith.constant 61 : i32
    %eq3A_669 = vector.broadcast %eq3A_668 : i32 to vector<64x64xi32>
    %eq3A_670 = arith.cmpi eq, %add3A_2, %eq3A_669 : vector<64x64xi32>
    %get3A_671 = arith.constant 61 : index
    %get3A_672 = arith.index_cast %arg0 : i32 to index
    %get3A_673 = memref.load %arg1[%get3A_671, %get3A_672] : memref<65x16xf32, #tpu.memory_space<smem>>
    %jit3A_674 = arith.constant 0.000000e+00 : f32
    %broadcast_in_dim3A_675 = vector.broadcast %get3A_673 : f32 to vector<64x64xf32>
    %broadcast_in_dim3A_676 = vector.broadcast %jit3A_674 : f32 to vector<64x64xf32>
    %select_n3A_677 = arith.select %eq3A_670, %broadcast_in_dim3A_675, %broadcast_in_dim3A_676 : vector<64x64xi1>, vector<64x64xf32>
    %add3A_678 = arith.addf %add3A_667, %select_n3A_677 : vector<64x64xf32>
    %eq3A_679 = arith.constant 62 : i32
    %eq3A_680 = vector.broadcast %eq3A_679 : i32 to vector<64x64xi32>
    %eq3A_681 = arith.cmpi eq, %add3A_2, %eq3A_680 : vector<64x64xi32>
    %get3A_682 = arith.constant 62 : index
    %get3A_683 = arith.index_cast %arg0 : i32 to index
    %get3A_684 = memref.load %arg1[%get3A_682, %get3A_683] : memref<65x16xf32, #tpu.memory_space<smem>>
    %jit3A_685 = arith.constant 0.000000e+00 : f32
    %broadcast_in_dim3A_686 = vector.broadcast %get3A_684 : f32 to vector<64x64xf32>
    %broadcast_in_dim3A_687 = vector.broadcast %jit3A_685 : f32 to vector<64x64xf32>
    %select_n3A_688 = arith.select %eq3A_681, %broadcast_in_dim3A_686, %broadcast_in_dim3A_687 : vector<64x64xi1>, vector<64x64xf32>
    %add3A_689 = arith.addf %add3A_678, %select_n3A_688 : vector<64x64xf32>
    %eq3A_690 = arith.constant 63 : i32
    %eq3A_691 = vector.broadcast %eq3A_690 : i32 to vector<64x64xi32>
    %eq3A_692 = arith.cmpi eq, %add3A_2, %eq3A_691 : vector<64x64xi32>
    %get3A_693 = arith.constant 63 : index
    %get3A_694 = arith.index_cast %arg0 : i32 to index
    %get3A_695 = memref.load %arg1[%get3A_693, %get3A_694] : memref<65x16xf32, #tpu.memory_space<smem>>
    %jit3A_696 = arith.constant 0.000000e+00 : f32
    %broadcast_in_dim3A_697 = vector.broadcast %get3A_695 : f32 to vector<64x64xf32>
    %broadcast_in_dim3A_698 = vector.broadcast %jit3A_696 : f32 to vector<64x64xf32>
    %select_n3A_699 = arith.select %eq3A_692, %broadcast_in_dim3A_697, %broadcast_in_dim3A_698 : vector<64x64xi1>, vector<64x64xf32>
    %add3A_700 = arith.addf %add3A_689, %select_n3A_699 : vector<64x64xf32>
    %jit3A_701 = arith.constant 0.000000e+00 : f32
    %broadcast_in_dim3A_702 = vector.broadcast %jit3A_701 : f32 to vector<64x64xf32>
    %select_n3A_703 = arith.select %eq3A_9, %add3A_700, %broadcast_in_dim3A_702 : vector<64x64xi1>, vector<64x64xf32>
    %iota3A_704 = tpu.iota {dimensions = array<i32: 0>} : vector<1024x64xi32>
    %iota3A_705 = tpu.iota {dimensions = array<i32: 1>} : vector<1024x64xi32>
    %lt3A_706 = arith.constant 32 : i32
    %lt3A_707 = vector.broadcast %lt3A_706 : i32 to vector<1024x64xi32>
    %lt3A_708 = arith.cmpi slt, %iota3A_705, %lt3A_707 : vector<1024x64xi32>
    %shift_right_arithmetic3A = arith.constant 5 : i32
    %shift_right_arithmetic3A_709 = vector.broadcast %shift_right_arithmetic3A : i32 to vector<1024x64xi32>
    %shift_right_arithmetic3A_710 = arith.shrsi %iota3A_704, %shift_right_arithmetic3A_709 : vector<1024x64xi32>
    %and3A = arith.constant 31 : i32
    %and3A_711 = vector.broadcast %and3A : i32 to vector<1024x64xi32>
    %and3A_712 = arith.andi %iota3A_704, %and3A_711 : vector<1024x64xi32>
    %select_n3A_713 = arith.select %lt3A_708, %shift_right_arithmetic3A_710, %and3A_712 : vector<1024x64xi1>, vector<1024x64xi32>
    %lt3A_714 = arith.constant 32 : i32
    %lt3A_715 = vector.broadcast %lt3A_714 : i32 to vector<1024x64xi32>
    %lt3A_716 = arith.cmpi slt, %iota3A_705, %lt3A_715 : vector<1024x64xi32>
    %sub3A_717 = arith.constant 32 : i32
    %sub3A_718 = vector.broadcast %sub3A_717 : i32 to vector<1024x64xi32>
    %sub3A_719 = arith.subi %iota3A_705, %sub3A_718 : vector<1024x64xi32>
    %select_n3A_720 = arith.select %lt3A_716, %iota3A_705, %sub3A_719 : vector<1024x64xi1>, vector<1024x64xi32>
    %eq3A_721 = arith.cmpi eq, %select_n3A_713, %select_n3A_720 : vector<1024x64xi32>
    %jit3A_722 = arith.constant 1.000000e+00 : f32
    %jit3A_723 = arith.constant 0.000000e+00 : f32
    %broadcast_in_dim3A_724 = vector.broadcast %jit3A_722 : f32 to vector<1024x64xf32>
    %broadcast_in_dim3A_725 = vector.broadcast %jit3A_723 : f32 to vector<1024x64xf32>
    %select_n3A_726 = arith.select %eq3A_721, %broadcast_in_dim3A_724, %broadcast_in_dim3A_725 : vector<1024x64xi1>, vector<1024x64xf32>
    %iota3A_727 = tpu.iota {dimensions = array<i32: 0>} : vector<64x1024xi32>
    %iota3A_728 = tpu.iota {dimensions = array<i32: 1>} : vector<64x1024xi32>
    %lt3A_729 = arith.constant 32 : i32
    %lt3A_730 = vector.broadcast %lt3A_729 : i32 to vector<64x1024xi32>
    %lt3A_731 = arith.cmpi slt, %iota3A_727, %lt3A_730 : vector<64x1024xi32>
    %shift_right_arithmetic3A_732 = arith.constant 5 : i32
    %shift_right_arithmetic3A_733 = vector.broadcast %shift_right_arithmetic3A_732 : i32 to vector<64x1024xi32>
    %shift_right_arithmetic3A_734 = arith.shrsi %iota3A_728, %shift_right_arithmetic3A_733 : vector<64x1024xi32>
    %and3A_735 = arith.constant 31 : i32
    %and3A_736 = vector.broadcast %and3A_735 : i32 to vector<64x1024xi32>
    %and3A_737 = arith.andi %iota3A_728, %and3A_736 : vector<64x1024xi32>
    %select_n3A_738 = arith.select %lt3A_731, %shift_right_arithmetic3A_734, %and3A_737 : vector<64x1024xi1>, vector<64x1024xi32>
    %lt3A_739 = arith.constant 32 : i32
    %lt3A_740 = vector.broadcast %lt3A_739 : i32 to vector<64x1024xi32>
    %lt3A_741 = arith.cmpi slt, %iota3A_727, %lt3A_740 : vector<64x1024xi32>
    %sub3A_742 = arith.constant 32 : i32
    %sub3A_743 = vector.broadcast %sub3A_742 : i32 to vector<64x1024xi32>
    %sub3A_744 = arith.subi %iota3A_727, %sub3A_743 : vector<64x1024xi32>
    %select_n3A_745 = arith.select %lt3A_741, %iota3A_727, %sub3A_744 : vector<64x1024xi1>, vector<64x1024xi32>
    %eq3A_746 = arith.cmpi eq, %select_n3A_738, %select_n3A_745 : vector<64x1024xi32>
    %jit3A_747 = arith.constant 1.000000e+00 : f32
    %jit3A_748 = arith.constant 0.000000e+00 : f32
    %broadcast_in_dim3A_749 = vector.broadcast %jit3A_747 : f32 to vector<64x1024xf32>
    %broadcast_in_dim3A_750 = vector.broadcast %jit3A_748 : f32 to vector<64x1024xf32>
    %select_n3A_751 = arith.select %eq3A_746, %broadcast_in_dim3A_749, %broadcast_in_dim3A_750 : vector<64x1024xi1>, vector<64x1024xf32>
    %dot_general3A = arith.constant dense<0.000000e+00> : vector<64x1024xf32>
    %dot_general3A_752 = tpu.matmul %select_n3A_703, %select_n3A_751, %dot_general3A {dimension_numbers = #tpu.dot_dimension_numbers<[1], [0], [0], [1], [0, 0, 1, 1], [], []>, transpose_lhs_hint = false} : vector<64x64xf32>, vector<64x1024xf32>, vector<64x1024xf32> -> vector<64x1024xf32>
    %dot_general3A_753 = arith.constant dense<0.000000e+00> : vector<1024x1024xf32>
    %dot_general3A_754 = tpu.matmul %select_n3A_726, %dot_general3A_752, %dot_general3A_753 {dimension_numbers = #tpu.dot_dimension_numbers<[1], [0], [0], [1], [0, 0, 1, 1], [], []>, transpose_lhs_hint = false} : vector<1024x64xf32>, vector<64x1024xf32>, vector<1024x1024xf32> -> vector<1024x1024xf32>
    %swap3A = arith.constant 0 : index
    %swap3A_755 = arith.constant 0 : index
    %swap3A_756 = arith.constant 0 : index
    %swap3A_757 = vector.load %arg2[%swap3A, %swap3A_755, %swap3A_756] : memref<1x1024x1024xf32, #tpu.memory_space<vmem>>, vector<1x1024x1024xf32>
    %swap3A_758 = vector.shape_cast %swap3A_757 : vector<1x1024x1024xf32> to vector<1024x1024xf32>
    %swap3A_759 = vector.shape_cast %dot_general3A_754 : vector<1024x1024xf32> to vector<1x1024x1024xf32>
    tpu.vector_store %arg2[%swap3A, %swap3A_755, %swap3A_756], %swap3A_759 {strides = array<i32>} : memref<1x1024x1024xf32, #tpu.memory_space<vmem>>, vector<1x1024x1024xf32>,
    return
  }
  func.func @transform_0(%arg0: i32) -> (i32, i32) {
    %c0_i32 = arith.constant 0 : i32
    %c0_i32_0 = arith.constant 0 : i32
    %c0_i32_1 = arith.constant 0 : i32
    return %c0_i32, %c0_i32_0 : i32, i32
  }
  func.func @transform_1(%arg0: i32) -> (i32, i32, i32) {
    %c0_i32 = arith.constant 0 : i32
    %c0_i32_0 = arith.constant 0 : i32
    %c0_i32_1 = arith.constant 0 : i32
    return %arg0, %c0_i32, %c0_i32_0 : i32, i32, i32
  }
}

</mosaic_0001>

<sc_bundles>
// kernel: kernel.5.cloned.1.call-start
scs
__scs_entry_jumppad:
0x0: {  	(pc) =	sbr.rel $0x88, $3  }
0x1: {  	(tag) =	ssettag $0x0;
	lr =	simm.s32 $0x1  }
0x2: {  	[smem:$0x3FA0] =	sst lr;
	_ =	strace $0xD0000000  }
0x3: {  	_ = 	snop  }
0x4: {  	_ = 	snop  }
0x5: {  	_ = 	snop  }
0x6: {  	_ = 	snop  }
0x7: {  	_ = 	snop  }
__scs_overlays_trampoline_lowered:
0x8: {  	[smem:$0x3FAF] =	sst s0  }
0x9: {  	[smem:$0x3FB0] =	sst s1  }
0xa: {  	[smem:$0x3FB1] =	sst s2  }
0xb: {  	[smem:$0x3FB2] =	sst s3  }
0xc: {  	[smem:$0x3FB3] =	sst s4  }
0xd: {  	[smem:$0x3FB4] =	sst s5  }
0xe: {  	[smem:$0x3FB5] =	sst s6  }
0xf: {  	[smem:$0x3FB6] =	sst s7  }
0x10: {  	[smem:$0x3FB7] =	sst s8  }
0x11: {  	[smem:$0x3FB8] =	sst s9;
	s0 =	simm.s32 @!p0 $0x0  }
0x12: {  	s1 =	sld [smem:$0x3F9E];
	s0 =	simm.s32 @p0 $0x1  }
0x13: {  	[smem:$0x3FB9] =	sst s0;
	s0 =	simm.s32 @!p1 $0x0  }
0x14: {  	s2 =	sld [smem:$0x3F9D];
	s0 =	simm.s32 @p1 $0x1  }
0x15: {  	[smem:$0x3FBA] =	sst s0;
	s0 =	simm.s32 @!p2 $0x0  }
0x16: {  	s3 =	sld [smem:$0x3FDB];
	s0 =	simm.s32 @p2 $0x1  }
0x17: {  	s4 =	simm.s32 $0x1BF5;
	[smem:$0x3FBC] =	sst s0  }
0x18: {  	s0 =	sld [smem:$0x3F9F];
	_ =	swait.ge [sflag:s4], $0x0  }
0x19: {  	s7 =	sld [smem:$0x3FA0]  }
0x1a: {  	s8 =	sadd.s32 $0xFFFFE003, lr  }
0x1b: {  	s9 =	sadd.s32 $0xFFFFFEF7, lr;
	s5 =	simm.s32 $0xFFFFFFFF;
	p2 =	slt.u32 s8, $0xFFFFF086  }
0x1c: {  	p1 =	slt.u32 s9, $0xF7A;
	s5 =	simm.s32 @!p2 $0x0  }
0x1d: {  	s5 =	simm.s32 @p1 $0x1;
	p0 =	seq.s32 s7, s2  }
0x1e: {  	s7 =	smul.u32 @!p0 $0xF7A, s2;
	p2 =	seq.s32 @!p0 s5, $0x0  }
0x1f: {  	s9 =	smul.u32 $0xF7A, s1;
	s8 =	simm.s32 @!p0 $0x1BF5;
	p2 =	por !p2, p0  }
0x20: {  	[sflag:s8] =	ssyncset.s32 @!p0 $0xFFFFF086;
	s6 =	sadd.s32 @!p0 s3, s7;
	s7 =	simm.s32 @!p0 $0x108  }
0x21: {  	s3 =	sadd.s32 s3, s9;
	s6 =	sadd.s32 @!p0 $0x88, s6;
	s7 =	simm.s32 @p2 $0x1082  }
0x22: {  	[simem:s7], [sflag:s8] =	dma.local @!p0 [hbm:s6], $0xF7A  }
0x23: {  	s9 =	sor.u32 $0xD0000000, s2;
	s6 =	simm.s32 $0x108;
	_ =	swait.ge @!p0 [sflag:s8], $0x0  }
0x24: {  	s3 =	sadd.s32 $0x88, s3;
	s6 =	simm.s32 @!p1 $0x1082;
	[sflag:s4] =	ssyncset.s32 $0xFFFFF086  }
0x25: {  	[simem:s6], [sflag:s4] =	dma.local [hbm:s3], $0xF7A  }
0x26: {  	[smem:$0x3FA0] =	sst s1;
	(tag) =	ssettag s2;
	_ =	strace s9  }
0x27: {  	s1 =	sld [smem:$0x3FB0]  }
0x28: {  	s2 =	sld [smem:$0x3FB1]  }
0x29: {  	s4 =	sld [smem:$0x3FB3]  }
0x2a: {  	p0 =	seq.s32 s5, $0x0;
	s5 =	sld [smem:$0x3FB4]  }
0x2b: {  	s6 =	sld [smem:$0x3FB5]  }
0x2c: {  	s7 =	sld [smem:$0x3FB6]  }
0x2d: {  	s3 =	simm.s32 $0x108;
	s8 =	sld [smem:$0x3FB7]  }
0x2e: {  	s3 =	simm.s32 @!p0 $0x1082;
	s9 =	sld [smem:$0x3FB8]  }
0x2f: {  	lr =	sadd.s32 s0, s3;
	s0 =	sld [smem:$0x3FAF]  }
0x30: {  	s3 =	sld [smem:$0x3FB2]  }
0x31: {  	[smem:$0x3FBB] =	sst s10  }
0x32: {  	s10 =	sld [smem:$0x3FB9];
	_ =	sdelay $0x3  }
0x33: {  	p0 =	seq.s32 s10, $0x1;
	s10 =	sld [smem:$0x3FBB];
	_ =	sdelay $0x3  }
0x34: {  	[smem:$0x3FBB] =	sst s10  }
0x35: {  	s10 =	sld [smem:$0x3FBA];
	_ =	sdelay $0x3  }
0x36: {  	p1 =	seq.s32 s10, $0x1;
	s10 =	sld [smem:$0x3FBB];
	_ =	sdelay $0x3  }
0x37: {  	[smem:$0x3FBB] =	sst s10  }
0x38: {  	s10 =	sld [smem:$0x3FBC]  }
0x39: {  	_ = 	snop;
	(pc) =	sbr.ind lr, $3  }
0x3a: {  	_ = 	snop  }
0x3b: {  	_ = 	snop  }
0x3c: {  	p2 =	seq.s32 s10, $0x1;
	s10 =	sld [smem:$0x3FBB]  }
0x3d: {  	_ =	shalt  }
0x3e: {  	_ =	shalt  }
0x3f: {  	_ =	shalt  }
0x40: {  	_ =	shalt  }
0x41: {  	_ =	shalt  }
0x42: {  	_ =	shalt  }
0x43: {  	_ =	shalt  }
0x44: {  	_ =	shalt  }
0x45: {  	_ =	shalt  }
0x46: {  	_ =	shalt  }
0x47: {  	_ =	shalt  }
0x48: {  	_ =	shalt  }
0x49: {  	_ =	shalt  }
0x4a: {  	_ =	shalt  }
0x4b: {  	_ =	shalt  }
0x4c: {  	_ =	shalt  }
0x4d: {  	_ =	shalt  }
0x4e: {  	_ =	shalt  }
0x4f: {  	_ =	shalt  }
0x50: {  	_ =	shalt  }
0x51: {  	_ =	shalt  }
0x52: {  	_ =	shalt  }
0x53: {  	_ =	shalt  }
0x54: {  	_ =	shalt  }
0x55: {  	_ =	shalt  }
0x56: {  	_ =	shalt  }
0x57: {  	_ =	shalt  }
0x58: {  	_ =	shalt  }
0x59: {  	_ =	shalt  }
0x5a: {  	_ =	shalt  }
0x5b: {  	_ =	shalt  }
0x5c: {  	_ =	shalt  }
0x5d: {  	_ =	shalt  }
0x5e: {  	_ =	shalt  }
0x5f: {  	_ =	shalt  }
0x60: {  	_ =	shalt  }
0x61: {  	_ =	shalt  }
0x62: {  	_ =	shalt  }
0x63: {  	_ =	shalt  }
0x64: {  	_ =	shalt  }
0x65: {  	_ =	shalt  }
0x66: {  	_ =	shalt  }
0x67: {  	_ =	shalt  }
0x68: {  	_ =	shalt  }
0x69: {  	_ =	shalt  }
0x6a: {  	_ =	shalt  }
0x6b: {  	_ =	shalt  }
0x6c: {  	_ =	shalt  }
0x6d: {  	_ =	shalt  }
0x6e: {  	_ =	shalt  }
0x6f: {  	_ =	shalt  }
0x70: {  	_ =	shalt  }
0x71: {  	_ =	shalt  }
0x72: {  	_ =	shalt  }
0x73: {  	_ =	shalt  }
0x74: {  	_ =	shalt  }
0x75: {  	_ =	shalt  }
0x76: {  	_ =	shalt  }
0x77: {  	_ =	shalt  }
0x78: {  	_ =	shalt  }
0x79: {  	_ =	shalt  }
0x7a: {  	_ =	shalt  }
0x7b: {  	_ =	shalt  }
0x7c: {  	_ =	shalt  }
0x7d: {  	_ =	shalt  }
0x7e: {  	_ =	shalt  }
0x7f: {  	_ =	shalt  }
0x80: {  	_ =	shalt  }
0x81: {  	_ =	shalt  }
0x82: {  	_ =	shalt  }
0x83: {  	_ =	shalt  }
0x84: {  	_ =	shalt  }
0x85: {  	_ =	shalt  }
0x86: {  	_ =	shalt  }
0x87: {  	_ =	shalt  }
.Lfunc_end0:
.L_simem_size_0:
called_computation_lowered:
.L_overlay_start_0:
0x88: {  	s0 =	sld [smem:$0x3FD9]  }
0x89: {  	s1 =	sld [smem:$0x3FFE];
	_ =	sdelay $0x3  }
0x8a: {  	s0 =	sadd.s32 s1, s0  }
0x8b: {  	[smem:$0x3FC7] =	sst s0  }
0x8c: {  	_ = 	snop  }
0x8d: {  	(tm) =	ssettm $0x1  }
0x8e: {  	s15 =	sld [smem:$0x3FFB];
	_ =	sdelay $0x3  }
0x8f: {  	_ =	strace s15  }
0x90: {  	s0 =	sld [smem:$0x3FFC];
	_ =	sdelay $0x3  }
0x91: {  	_ =	strace s0  }
0x92: {  	s0 =	sld [smem:$0x3FFD];
	_ =	sdelay $0x3  }
0x93: {  	_ =	strace s0  }
0x94: {  	_ =	strace $0x8FFFFFFF  }
0x95: {  	s16 =	sld [smem:$0x3FDB];
	_ =	sdelay $0x1  }
0x96: {  	s17 =	simm.s32 $_scs_section_size  }
0x97: {  	s2 =	simm.s32 $_size__tile_overlayer_lowered;
	s3 =	simm.s32 $_tile_overlayer_lowered  }
0x98: {  	s20 =	simm.s32 $0x1BFF;
	s19 =	sshll.u32 s3, $0x1;
	s0 =	sadd.s32 s17, s16  }
0x99: {  	s4 =	simm.s32 $0x0;
	s18 =	sshll.u32 s2, $0x1;
	s2 =	sadd.s32 s19, s0  }
0x9a: {  	[timem:s4], [sflag:s20] =	dma.local [hbm:s2], s18  }
0x9b: {  	_ =	swait.ge [sflag:s20], s18  }
0x9c: {  	s1 =	ssub.s32 $0x0, s18;
	[sflag:s20] =	ssyncset.done $0x0  }
0x9d: {  	[sflag:s20] =	ssyncadd.s32 s1;
	_ =	sdelay $0x1  }
0x9e: {  	s21 =	simm.s32 $0x1B8B  }
0x9f: {  	_ =	swait.ge [sflag:s21], $0x1  }
0xa0: {  	[sflag:s21] =	ssyncset.done $0x0  }
0xa1: {  	s23 =	simm.s32 $0x1B8E;
	s22 =	sld [smem:$0x3FFE];
	[sflag:s21] =	ssyncadd.s32 $0xFFFFFFFF  }
0xa2: {  	s24 =	simm.s32 $execute0_lowered;
	[smem:$0x3FD2] =	sst s23  }
0xa3: {  	s2 =	sshll.u32 s24, $0x1;
	_ =	strace $0x80000046;
	[dreg:$0x1] =	wrdreg $0xFFFFFFFF  }
0xa4: {  	s25 =	simm.s32 $_size_execute0_lowered;
	s0 =	sadd.s32 s0, s2;
	[dreg:$0x0] =	wrdreg $0x0  }
0xa5: {  	s2 =	sshll.u32 s25, $0x1;
	[dreg:$0x2] =	wrdreg s0  }
0xa6: {  	[dreg:$0x3] =	wrdreg s2  }
0xa7: {  	[dreg:$0x4] =	wrdreg $0xC0  }
0xa8: {  	_ =	task [dreg:s4], $0x5FFFF  }
0xa9: {  	[dreg:$0x1] =	wrdreg $0xFFFFFFFF  }
0xaa: {  	[dreg:$0x0] =	wrdreg $0x60  }
0xab: {  	[dreg:$0x2] =	wrdreg s22  }
0xac: {  	[dreg:$0x3] =	wrdreg $0x9  }
0xad: {  	_ =	task.clear_ibuf [dreg:s4], $0x4FFFF;
	_ =	strace $0x90000046  }
0xae: {  	s26 =	simm.s32 $0x9;
	_ =	strace $0x80000048  }
0xaf: {  	_ =	swait.ge [sflag:s26], $0x1  }
0xb0: {  	[sflag:s26] =	ssyncadd.s32 $0xFFFFFFFF  }
0xb1: {  	_ =	strace $0x90000048  }
0xb2: {  	_ =	sfence  }
0xb3: {  	s28 =	sld [smem:$0x0];
	_ =	sdelay $0x1  }
0xb4: {  	s29 =	srdreg.scid  }
0xb5: {  	s30 =	sshll.u32 s29, $0xD;
	s31 =	sshrl.u32 s29, $0x2  }
0xb6: {  	s1 =	sand.u32 $0x1, s29;
	s2 =	sand.u32 $0x4000, s30;
	s0 =	sadd.s32 s31, s28  }
0xb7: {  	s1 =	sor.u32 s2, s1;
	s0 =	sshll.u32 s0, $0x11  }
0xb8: {  	s0 =	sor.u32 s0, s1  }
0xb9: {  	s0 =	sadd.s32 $0x8F2B, s0  }
0xba: {  	[sflag:s0] =	ssyncadd.remote.s32 $0x1  }
0xbb: {  	_ =	sfence.sel $0xFFFF  }
0xbc: {  	[dreg:$0x0] =	wrdreg $0xFFFFFFFF;
	(pc) =	sbr.abs _section_cstart, $3  }
0xbd: {  	[dreg:$0x1] =	wrdreg $0xFFFFFFFF  }
0xbe: {  	_ =	task.clear_ibuf [dreg:s4], $0x2FFFF;
	_ =	strace $0x9FFFFFFF  }
0xbf: {  	(tm) =	ssettm $0x7FFFFFFF  }
tec
execute0_lowered:
.L_overlay_start_1:
0x0: {  	(tag) =	ssettag $0x1  }
0x1: {  	s1 =	rddreg [dreg:$0x0];
	s0 =	simm.s32 $0x0  }
0x2: {  	[smem:$0x7FF] =	sst s0  }
0x3: {  	s30 =	simm.s32 $0x1;
	s1 =	sadd.s32 $0x800, s1;
	_ =	strace $0x80000047  }
0x4: {  	[tilespmem:s0], [sflag:$0x1] =	stream.linear.gather [hbm4b:s1+s0], $0x2080, $0x38;
	[tilespmem:$0x3400] =	vst v63  }
0x5: {  	s31 =	stileid.u32;
	_ =	swait.ge [sflag:s30], $0x2080  }
0x6: {  	s4 =	sshll.u32 s31, $0x9;
	[sflag:s30] =	ssyncset.done $0x0  }
0x7: {  	v0 =	vimm.f32 $0.0e+00;
	p0 =	slt.u32 s31, $0x8;
	s0 =	sadd.s32 $0x1000, s4;
	[sflag:s30] =	ssyncadd.s32 $0xFFFFDF80  }
0x8: {  	s0 =	simm.s32 @!p0 $0x2080;
	[tilespmem:$0x2080] =	vst v0  }
0x9: {  	v0 =	vld [tilespmem:s0+$0x0];
	_ =	sdelay $0x3  }
0xa: {  	s3 =	smov.u32 s0;
	s0 =	sadd.s32 $0xF80, s4  }
0xb: {  	s0 =	simm.s32 @!p0 $0x2080;
	[tilespmem:$0x2400] =	vst v0  }
0xc: {  	v0 =	vld [tilespmem:s0+$0x0];
	_ =	sdelay $0x3  }
0xd: {  	s6 =	smov.u32 s0;
	s0 =	sadd.s32 $0xF00, s4  }
0xe: {  	s0 =	simm.s32 @!p0 $0x2080;
	[tilespmem:$0x2410] =	vst v0  }
0xf: {  	v0 =	vld [tilespmem:s0+$0x0];
	_ =	sdelay $0x3  }
0x10: {  	s7 =	smov.u32 s0;
	s0 =	sadd.s32 $0xE80, s4  }
0x11: {  	s0 =	simm.s32 @!p0 $0x2080;
	[tilespmem:$0x2420] =	vst v0  }
0x12: {  	v0 =	vld [tilespmem:s0+$0x0];
	_ =	sdelay $0x3  }
0x13: {  	s5 =	smov.u32 s0;
	[smem:$0x7E2] =	sst s0;
	s0 =	sadd.s32 $0xE00, s4  }
0x14: {  	s0 =	simm.s32 @!p0 $0x2080;
	[tilespmem:$0x2430] =	vst v0  }
0x15: {  	v0 =	vld [tilespmem:s0+$0x0];
	_ =	sdelay $0x3  }
0x16: {  	s8 =	smov.u32 s0;
	s0 =	sadd.s32 $0xD80, s4  }
0x17: {  	s0 =	simm.s32 @!p0 $0x2080;
	[tilespmem:$0x2440] =	vst v0  }
0x18: {  	v0 =	vld [tilespmem:s0+$0x0];
	_ =	sdelay $0x3  }
0x19: {  	s9 =	smov.u32 s0;
	s0 =	sadd.s32 $0xD00, s4  }
0x1a: {  	s0 =	simm.s32 @!p0 $0x2080;
	[tilespmem:$0x2450] =	vst v0  }
0x1b: {  	v0 =	vld [tilespmem:s0+$0x0];
	_ =	sdelay $0x3  }
0x1c: {  	s10 =	smov.u32 s0;
	s0 =	sadd.s32 $0xC80, s4  }
0x1d: {  	s0 =	simm.s32 @!p0 $0x2080;
	[tilespmem:$0x2460] =	vst v0  }
0x1e: {  	v0 =	vld [tilespmem:s0+$0x0];
	_ =	sdelay $0x3  }
0x1f: {  	s11 =	smov.u32 s0;
	s0 =	sadd.s32 $0xC00, s4  }
0x20: {  	s0 =	simm.s32 @!p0 $0x2080;
	[tilespmem:$0x2470] =	vst v0  }
0x21: {  	v0 =	vld [tilespmem:s0+$0x0];
	_ =	sdelay $0x3  }
0x22: {  	s12 =	smov.u32 s0;
	s0 =	sadd.s32 $0xB80, s4  }
0x23: {  	s0 =	simm.s32 @!p0 $0x2080;
	[tilespmem:$0x2600] =	vst v0  }
0x24: {  	v0 =	vld [tilespmem:s0+$0x0];
	_ =	sdelay $0x3  }
0x25: {  	s13 =	smov.u32 s0;
	s0 =	sadd.s32 $0xB00, s4  }
0x26: {  	s0 =	simm.s32 @!p0 $0x2080;
	[tilespmem:$0x2610] =	vst v0  }
0x27: {  	v0 =	vld [tilespmem:s0+$0x0];
	_ =	sdelay $0x3  }
0x28: {  	s14 =	smov.u32 s0;
	s0 =	sadd.s32 $0xA80, s4  }
0x29: {  	s0 =	simm.s32 @!p0 $0x2080;
	[tilespmem:$0x2620] =	vst v0  }
0x2a: {  	v0 =	vld [tilespmem:s0+$0x0];
	_ =	sdelay $0x3  }
0x2b: {  	s15 =	smov.u32 s0;
	s0 =	sadd.s32 $0xA00, s4  }
0x2c: {  	s0 =	simm.s32 @!p0 $0x2080;
	[tilespmem:$0x2630] =	vst v0  }
0x2d: {  	v0 =	vld [tilespmem:s0+$0x0];
	_ =	sdelay $0x3  }
0x2e: {  	s16 =	smov.u32 s0;
	s0 =	sadd.s32 $0x980, s4  }
0x2f: {  	s0 =	simm.s32 @!p0 $0x2080;
	[tilespmem:$0x2640] =	vst v0  }
0x30: {  	v0 =	vld [tilespmem:s0+$0x0];
	_ =	sdelay $0x3  }
0x31: {  	s17 =	smov.u32 s0;
	s0 =	sadd.s32 $0x900, s4  }
0x32: {  	s0 =	simm.s32 @!p0 $0x2080;
	[tilespmem:$0x2650] =	vst v0  }
0x33: {  	v0 =	vld [tilespmem:s0+$0x0];
	_ =	sdelay $0x3  }
0x34: {  	s18 =	smov.u32 s0;
	s0 =	sadd.s32 $0x880, s4  }
0x35: {  	s0 =	simm.s32 @!p0 $0x2080;
	[tilespmem:$0x2660] =	vst v0  }
0x36: {  	v0 =	vld [tilespmem:s0+$0x0];
	_ =	sdelay $0x3  }
0x37: {  	s19 =	smov.u32 s0;
	s0 =	sadd.s32 $0x800, s4  }
0x38: {  	s0 =	simm.s32 @!p0 $0x2080;
	[tilespmem:$0x2670] =	vst v0  }
0x39: {  	v0 =	vld [tilespmem:s0+$0x0];
	_ =	sdelay $0x3  }
0x3a: {  	s20 =	smov.u32 s0;
	s0 =	sadd.s32 $0x780, s4  }
0x3b: {  	s0 =	simm.s32 @!p0 $0x2080;
	[tilespmem:$0x2800] =	vst v0  }
0x3c: {  	v0 =	vld [tilespmem:s0+$0x0];
	_ =	sdelay $0x3  }
0x3d: {  	s21 =	smov.u32 s0;
	s0 =	sadd.s32 $0x700, s4  }
0x3e: {  	s0 =	simm.s32 @!p0 $0x2080;
	[tilespmem:$0x2810] =	vst v0  }
0x3f: {  	v0 =	vld [tilespmem:s0+$0x0];
	_ =	sdelay $0x3  }
0x40: {  	s22 =	smov.u32 s0;
	s0 =	sadd.s32 $0x680, s4  }
0x41: {  	s0 =	simm.s32 @!p0 $0x2080;
	[tilespmem:$0x2820] =	vst v0  }
0x42: {  	v0 =	vld [tilespmem:s0+$0x0];
	_ =	sdelay $0x3  }
0x43: {  	s23 =	smov.u32 s0;
	s0 =	sadd.s32 $0x600, s4  }
0x44: {  	s0 =	simm.s32 @!p0 $0x2080;
	[tilespmem:$0x2830] =	vst v0  }
0x45: {  	v0 =	vld [tilespmem:s0+$0x0];
	_ =	sdelay $0x3  }
0x46: {  	s24 =	smov.u32 s0;
	s0 =	sadd.s32 $0x580, s4  }
0x47: {  	s0 =	simm.s32 @!p0 $0x2080;
	[tilespmem:$0x2840] =	vst v0  }
0x48: {  	v0 =	vld [tilespmem:s0+$0x0];
	_ =	sdelay $0x3  }
0x49: {  	s25 =	smov.u32 s0;
	s0 =	sadd.s32 $0x500, s4  }
0x4a: {  	s0 =	simm.s32 @!p0 $0x2080;
	[tilespmem:$0x2850] =	vst v0  }
0x4b: {  	v0 =	vld [tilespmem:s0+$0x0];
	_ =	sdelay $0x3  }
0x4c: {  	s26 =	smov.u32 s0;
	s0 =	sadd.s32 $0x480, s4  }
0x4d: {  	s0 =	simm.s32 @!p0 $0x2080;
	[tilespmem:$0x2860] =	vst v0  }
0x4e: {  	v0 =	vld [tilespmem:s0+$0x0];
	_ =	sdelay $0x3  }
0x4f: {  	s28 =	smov.u32 s0;
	s0 =	sadd.s32 $0x400, s4  }
0x50: {  	s0 =	simm.s32 @!p0 $0x2080;
	[tilespmem:$0x2870] =	vst v0  }
0x51: {  	v0 =	vld [tilespmem:s0+$0x0];
	_ =	sdelay $0x3  }
0x52: {  	s30 =	smov.u32 s0;
	s0 =	sadd.s32 $0x380, s4  }
0x53: {  	s0 =	simm.s32 @!p0 $0x2080;
	[tilespmem:$0x2A00] =	vst v0  }
0x54: {  	v0 =	vld [tilespmem:s0+$0x0];
	_ =	sdelay $0x3  }
0x55: {  	[smem:$0x7F8] =	sst s0;
	s0 =	sadd.s32 $0x300, s4  }
0x56: {  	s0 =	simm.s32 @!p0 $0x2080;
	[tilespmem:$0x2A10] =	vst v0  }
0x57: {  	v0 =	vld [tilespmem:s0+$0x0];
	_ =	sdelay $0x3  }
0x58: {  	[smem:$0x7F9] =	sst s0;
	s0 =	sadd.s32 $0x280, s4  }
0x59: {  	s0 =	simm.s32 @!p0 $0x2080;
	[tilespmem:$0x2A20] =	vst v0  }
0x5a: {  	v0 =	vld [tilespmem:s0+$0x0];
	_ =	sdelay $0x3  }
0x5b: {  	[dreg:$0x5] =	wrdreg s0;
	s0 =	sadd.s32 $0x200, s4  }
0x5c: {  	s0 =	simm.s32 @!p0 $0x2080;
	[tilespmem:$0x2A30] =	vst v0  }
0x5d: {  	v0 =	vld [tilespmem:s0+$0x0];
	_ =	sdelay $0x3  }
0x5e: {  	[dreg:$0x6] =	wrdreg s0;
	s0 =	sor.u32 $0x180, s4  }
0x5f: {  	[dreg:$0x2] =	wrdreg s0;
	s0 =	simm.s32 @!p0 $0x2080;
	[tilespmem:$0x2A40] =	vst v0  }
0x60: {  	v0 =	vld [tilespmem:s0+$0x0];
	_ =	sdelay $0x3  }
0x61: {  	s29 =	sor.u32 $0x100, s4  }
0x62: {  	[dreg:$0x4] =	wrdreg s29;
	s29 =	simm.s32 @!p0 $0x2080;
	[tilespmem:$0x2A50] =	vst v0  }
0x63: {  	v0 =	vld [tilespmem:s29+$0x0];
	_ =	sdelay $0x3  }
0x64: {  	[dreg:$0x3] =	wrdreg s0;
	s0 =	sor.u32 $0x80, s4  }
0x65: {  	[smem:$0x7FA] =	sst s0;
	s0 =	simm.s32 @!p0 $0x2080;
	[tilespmem:$0x2A60] =	vst v0  }
0x66: {  	v0 =	vld [tilespmem:s0+$0x0];
	_ =	sdelay $0x3  }
0x67: {  	s0 =	smov.u32 s4  }
0x68: {  	s0 =	simm.s32 @p0 $0x2080;
	[tilespmem:$0x2A70] =	vst v0  }
0x69: {  	v0 =	vld [tilespmem:s0+$0x0];
	_ =	sdelay $0x3  }
0x6a: {  	[dreg:$0xa] =	wrdreg s0;
	s0 =	sadd.s32 $0xFFFFFF80, s4  }
0x6b: {  	s0 =	simm.s32 @p0 $0x2080;
	[tilespmem:$0x2C00] =	vst v0  }
0x6c: {  	v0 =	vld [tilespmem:s0+$0x0];
	_ =	sdelay $0x3  }
0x6d: {  	[dreg:$0x7] =	wrdreg s0;
	s0 =	sadd.s32 $0xFFFFFF00, s4  }
0x6e: {  	s0 =	simm.s32 @p0 $0x2080;
	[tilespmem:$0x2C10] =	vst v0  }
0x6f: {  	v0 =	vld [tilespmem:s0+$0x0];
	_ =	sdelay $0x3  }
0x70: {  	[dreg:$0x8] =	wrdreg s0;
	s0 =	sadd.s32 $0xFFFFFE80, s4  }
0x71: {  	s0 =	simm.s32 @p0 $0x2080;
	[tilespmem:$0x2C20] =	vst v0  }
0x72: {  	v0 =	vld [tilespmem:s0+$0x0];
	_ =	sdelay $0x3  }
0x73: {  	[dreg:$0x9] =	wrdreg s0;
	s0 =	sadd.s32 $0xFFFFFE00, s4  }
0x74: {  	s0 =	simm.s32 @p0 $0x2080;
	[tilespmem:$0x2C30] =	vst v0  }
0x75: {  	v0 =	vld [tilespmem:s0+$0x0];
	_ =	sdelay $0x3  }
0x76: {  	[dreg:$0xe] =	wrdreg s0;
	s0 =	sadd.s32 $0xFFFFFD80, s4  }
0x77: {  	s0 =	simm.s32 @p0 $0x2080;
	[tilespmem:$0x2C40] =	vst v0  }
0x78: {  	v0 =	vld [tilespmem:s0+$0x0];
	_ =	sdelay $0x3  }
0x79: {  	[dreg:$0xb] =	wrdreg s0;
	s0 =	sadd.s32 $0xFFFFFD00, s4  }
0x7a: {  	s0 =	simm.s32 @p0 $0x2080;
	[tilespmem:$0x2C50] =	vst v0  }
0x7b: {  	v0 =	vld [tilespmem:s0+$0x0];
	_ =	sdelay $0x3  }
0x7c: {  	[dreg:$0xc] =	wrdreg s0;
	s0 =	sadd.s32 $0xFFFFFC80, s4  }
0x7d: {  	s0 =	simm.s32 @p0 $0x2080;
	[tilespmem:$0x2C60] =	vst v0  }
0x7e: {  	v0 =	vld [tilespmem:s0+$0x0];
	_ =	sdelay $0x3  }
0x7f: {  	[dreg:$0xd] =	wrdreg s0;
	s0 =	sadd.s32 $0xFFFFFC00, s4  }
0x80: {  	s0 =	simm.s32 @p0 $0x2080;
	[tilespmem:$0x2C70] =	vst v0  }
0x81: {  	v0 =	vld [tilespmem:s0+$0x0];
	_ =	sdelay $0x3  }
0x82: {  	[dreg:$0x12] =	wrdreg s0;
	s0 =	sadd.s32 $0xFFFFFB80, s4  }
0x83: {  	s0 =	simm.s32 @p0 $0x2080;
	[tilespmem:$0x2E00] =	vst v0  }
0x84: {  	v0 =	vld [tilespmem:s0+$0x0];
	_ =	sdelay $0x3  }
0x85: {  	[dreg:$0xf] =	wrdreg s0;
	s0 =	sadd.s32 $0xFFFFFB00, s4  }
0x86: {  	s0 =	simm.s32 @p0 $0x2080;
	[tilespmem:$0x2E10] =	vst v0  }
0x87: {  	v0 =	vld [tilespmem:s0+$0x0];
	_ =	sdelay $0x3  }
0x88: {  	[dreg:$0x10] =	wrdreg s0;
	s0 =	sadd.s32 $0xFFFFFA80, s4  }
0x89: {  	s0 =	simm.s32 @p0 $0x2080;
	[tilespmem:$0x2E20] =	vst v0  }
0x8a: {  	v0 =	vld [tilespmem:s0+$0x0];
	_ =	sdelay $0x3  }
0x8b: {  	[dreg:$0x11] =	wrdreg s0;
	s0 =	sadd.s32 $0xFFFFFA00, s4  }
0x8c: {  	s0 =	simm.s32 @p0 $0x2080;
	[tilespmem:$0x2E30] =	vst v0  }
0x8d: {  	v0 =	vld [tilespmem:s0+$0x0];
	_ =	sdelay $0x3  }
0x8e: {  	[dreg:$0x16] =	wrdreg s0;
	s0 =	sadd.s32 $0xFFFFF980, s4  }
0x8f: {  	s0 =	simm.s32 @p0 $0x2080;
	[tilespmem:$0x2E40] =	vst v0  }
0x90: {  	v0 =	vld [tilespmem:s0+$0x0];
	_ =	sdelay $0x3  }
0x91: {  	[dreg:$0x13] =	wrdreg s0;
	s0 =	sadd.s32 $0xFFFFF900, s4  }
0x92: {  	s0 =	simm.s32 @p0 $0x2080;
	[tilespmem:$0x2E50] =	vst v0  }
0x93: {  	v0 =	vld [tilespmem:s0+$0x0];
	_ =	sdelay $0x3  }
0x94: {  	[dreg:$0x14] =	wrdreg s0;
	s0 =	sadd.s32 $0xFFFFF880, s4  }
0x95: {  	s0 =	simm.s32 @p0 $0x2080;
	[tilespmem:$0x2E60] =	vst v0  }
0x96: {  	v0 =	vld [tilespmem:s0+$0x0];
	_ =	sdelay $0x3  }
0x97: {  	[dreg:$0x15] =	wrdreg s0;
	s0 =	sadd.s32 $0xFFFFF800, s4  }
0x98: {  	s0 =	simm.s32 @p0 $0x2080;
	[tilespmem:$0x2E70] =	vst v0  }
0x99: {  	v0 =	vld [tilespmem:s0+$0x0];
	_ =	sdelay $0x3  }
0x9a: {  	[dreg:$0x1a] =	wrdreg s0;
	s0 =	sadd.s32 $0xFFFFF780, s4  }
0x9b: {  	s0 =	simm.s32 @p0 $0x2080;
	[tilespmem:$0x3000] =	vst v0  }
0x9c: {  	v0 =	vld [tilespmem:s0+$0x0];
	_ =	sdelay $0x3  }
0x9d: {  	[dreg:$0x17] =	wrdreg s0;
	s0 =	sadd.s32 $0xFFFFF700, s4  }
0x9e: {  	s0 =	simm.s32 @p0 $0x2080;
	[tilespmem:$0x3010] =	vst v0  }
0x9f: {  	v0 =	vld [tilespmem:s0+$0x0];
	_ =	sdelay $0x3  }
0xa0: {  	[dreg:$0x18] =	wrdreg s0;
	s0 =	sadd.s32 $0xFFFFF680, s4  }
0xa1: {  	s0 =	simm.s32 @p0 $0x2080;
	[tilespmem:$0x3020] =	vst v0  }
0xa2: {  	v0 =	vld [tilespmem:s0+$0x0];
	_ =	sdelay $0x3  }
0xa3: {  	[dreg:$0x19] =	wrdreg s0;
	s0 =	sadd.s32 $0xFFFFF600, s4  }
0xa4: {  	s0 =	simm.s32 @p0 $0x2080;
	[tilespmem:$0x3030] =	vst v0  }
0xa5: {  	v0 =	vld [tilespmem:s0+$0x0];
	_ =	sdelay $0x3  }
0xa6: {  	[dreg:$0x1d] =	wrdreg s0;
	s0 =	sadd.s32 $0xFFFFF580, s4  }
0xa7: {  	s0 =	simm.s32 @p0 $0x2080;
	[tilespmem:$0x3040] =	vst v0  }
0xa8: {  	v0 =	vld [tilespmem:s0+$0x0];
	_ =	sdelay $0x3  }
0xa9: {  	[dreg:$0x1b] =	wrdreg s0;
	s0 =	sadd.s32 $0xFFFFF500, s4  }
0xaa: {  	s0 =	simm.s32 @p0 $0x2080;
	[tilespmem:$0x3050] =	vst v0  }
0xab: {  	v0 =	vld [tilespmem:s0+$0x0];
	_ =	sdelay $0x3  }
0xac: {  	[dreg:$0x1c] =	wrdreg s0;
	s0 =	sadd.s32 $0xFFFFF480, s4  }
0xad: {  	s0 =	simm.s32 @p0 $0x2080;
	[tilespmem:$0x3060] =	vst v0  }
0xae: {  	v0 =	vld [tilespmem:s0+$0x0];
	_ =	sdelay $0x3  }
0xaf: {  	s31 =	sadd.s32 $0xFFFFF400, s4  }
0xb0: {  	s31 =	simm.s32 @p0 $0x2080;
	[tilespmem:$0x3070] =	vst v0  }
0xb1: {  	v0 =	vld [tilespmem:s31+$0x0];
	_ =	sdelay $0x3  }
0xb2: {  	[smem:$0x7FB] =	sst s0;
	s0 =	sadd.s32 $0xFFFFF380, s4  }
0xb3: {  	s0 =	simm.s32 @p0 $0x2080;
	[tilespmem:$0x3200] =	vst v0  }
0xb4: {  	v0 =	vld [tilespmem:s0+$0x0];
	_ =	sdelay $0x3  }
0xb5: {  	[smem:$0x7FC] =	sst s0;
	s0 =	sadd.s32 $0xFFFFF300, s4  }
0xb6: {  	s0 =	simm.s32 @p0 $0x2080;
	[tilespmem:$0x3210] =	vst v0  }
0xb7: {  	v0 =	vld [tilespmem:s0+$0x0];
	_ =	sdelay $0x3  }
0xb8: {  	[dreg:$0x1e] =	wrdreg s0;
	s0 =	sadd.s32 $0xFFFFF280, s4  }
0xb9: {  	s0 =	simm.s32 @p0 $0x2080;
	[tilespmem:$0x3220] =	vst v0  }
0xba: {  	v0 =	vld [tilespmem:s0+$0x0];
	_ =	sdelay $0x3  }
0xbb: {  	[smem:$0x7FD] =	sst s0;
	s0 =	sadd.s32 $0xFFFFF200, s4  }
0xbc: {  	s0 =	simm.s32 @p0 $0x2080;
	[tilespmem:$0x3230] =	vst v0  }
0xbd: {  	v0 =	vld [tilespmem:s0+$0x0];
	_ =	sdelay $0x3  }
0xbe: {  	[dreg:$0x1f] =	wrdreg s0;
	s0 =	sadd.s32 $0xFFFFF180, s4  }
0xbf: {  	s0 =	simm.s32 @p0 $0x2080;
	[tilespmem:$0x3240] =	vst v0  }
0xc0: {  	v0 =	vld [tilespmem:s0+$0x0];
	_ =	sdelay $0x3  }
0xc1: {  	[smem:$0x7DD] =	sst s0;
	s0 =	sadd.s32 $0xFFFFF100, s4  }
0xc2: {  	s0 =	simm.s32 @p0 $0x2080;
	[tilespmem:$0x3250] =	vst v0  }
0xc3: {  	v0 =	vld [tilespmem:s0+$0x0];
	_ =	sdelay $0x3  }
0xc4: {  	s2 =	sadd.s32 $0xFFFFF080, s4  }
0xc5: {  	s2 =	simm.s32 @p0 $0x2080;
	[tilespmem:$0x3260] =	vst v0  }
0xc6: {  	v0 =	vld [tilespmem:s2+$0x0];
	_ =	sdelay $0x3  }
0xc7: {  	s1 =	sadd.s32 $0x1080, s4  }
0xc8: {  	s1 =	simm.s32 @!p0 $0x2080;
	[tilespmem:$0x3270] =	vst v0  }
0xc9: {  	v0 =	vld [tilespmem:s1+$0x0];
	_ =	sdelay $0x4  }
0xca: {  	[tilespmem:$0x2480] =	vst v0  }
0xcb: {  	v0 =	vld [tilespmem:s3+$0x0];
	_ =	sdelay $0x4  }
0xcc: {  	[tilespmem:$0x2490] =	vst v0  }
0xcd: {  	v0 =	vld [tilespmem:s6+$0x0];
	_ =	sdelay $0x4  }
0xce: {  	[tilespmem:$0x24A0] =	vst v0  }
0xcf: {  	v0 =	vld [tilespmem:s7+$0x0];
	_ =	sdelay $0x4  }
0xd0: {  	[tilespmem:$0x24B0] =	vst v0  }
0xd1: {  	v0 =	vld [tilespmem:s5+$0x0];
	_ =	sdelay $0x4  }
0xd2: {  	[tilespmem:$0x24C0] =	vst v0  }
0xd3: {  	v0 =	vld [tilespmem:s8+$0x0];
	_ =	sdelay $0x3  }
0xd4: {  	[smem:$0x7DC] =	sst s31  }
0xd5: {  	[smem:$0x7DE] =	sst s1;
	[tilespmem:$0x24D0] =	vst v0  }
0xd6: {  	[smem:$0x7DF] =	sst s3;
	v0 =	vld [tilespmem:s9+$0x0]  }
0xd7: {  	[smem:$0x7E0] =	sst s6  }
0xd8: {  	[smem:$0x7E1] =	sst s7  }
0xd9: {  	[smem:$0x7E3] =	sst s8  }
0xda: {  	[smem:$0x7E4] =	sst s9  }
0xdb: {  	[smem:$0x7E5] =	sst s10;
	[tilespmem:$0x24E0] =	vst v0  }
0xdc: {  	v0 =	vld [tilespmem:s10+$0x0];
	_ =	sdelay $0x4  }
0xdd: {  	[tilespmem:$0x24F0] =	vst v0  }
0xde: {  	v0 =	vld [tilespmem:s11+$0x0];
	_ =	sdelay $0x4  }
0xdf: {  	[tilespmem:$0x2680] =	vst v0  }
0xe0: {  	v0 =	vld [tilespmem:s12+$0x0];
	_ =	sdelay $0x4  }
0xe1: {  	[tilespmem:$0x2690] =	vst v0  }
0xe2: {  	v0 =	vld [tilespmem:s13+$0x0];
	_ =	sdelay $0x4  }
0xe3: {  	[tilespmem:$0x26A0] =	vst v0  }
0xe4: {  	v0 =	vld [tilespmem:s14+$0x0];
	_ =	sdelay $0x4  }
0xe5: {  	[tilespmem:$0x26B0] =	vst v0  }
0xe6: {  	v0 =	vld [tilespmem:s15+$0x0];
	_ =	sdelay $0x4  }
0xe7: {  	[tilespmem:$0x26C0] =	vst v0  }
0xe8: {  	v0 =	vld [tilespmem:s16+$0x0];
	_ =	sdelay $0x4  }
0xe9: {  	[tilespmem:$0x26D0] =	vst v0  }
0xea: {  	v0 =	vld [tilespmem:s17+$0x0];
	_ =	sdelay $0x4  }
0xeb: {  	[tilespmem:$0x26E0] =	vst v0  }
0xec: {  	v0 =	vld [tilespmem:s18+$0x0];
	_ =	sdelay $0x4  }
0xed: {  	[tilespmem:$0x26F0] =	vst v0  }
0xee: {  	v0 =	vld [tilespmem:s19+$0x0];
	_ =	sdelay $0x4  }
0xef: {  	[tilespmem:$0x2880] =	vst v0  }
0xf0: {  	v0 =	vld [tilespmem:s20+$0x0];
	_ =	sdelay $0x4  }
0xf1: {  	[tilespmem:$0x2890] =	vst v0  }
0xf2: {  	v0 =	vld [tilespmem:s21+$0x0];
	_ =	sdelay $0x4  }
0xf3: {  	[tilespmem:$0x28A0] =	vst v0  }
0xf4: {  	v0 =	vld [tilespmem:s22+$0x0];
	_ =	sdelay $0x4  }
0xf5: {  	[tilespmem:$0x28B0] =	vst v0  }
0xf6: {  	v0 =	vld [tilespmem:s23+$0x0];
	_ =	sdelay $0x4  }
0xf7: {  	[tilespmem:$0x28C0] =	vst v0  }
0xf8: {  	v0 =	vld [tilespmem:s24+$0x0];
	_ =	sdelay $0x4  }
0xf9: {  	[tilespmem:$0x28D0] =	vst v0  }
0xfa: {  	v0 =	vld [tilespmem:s25+$0x0];
	_ =	sdelay $0x4  }
0xfb: {  	[tilespmem:$0x28E0] =	vst v0  }
0xfc: {  	v0 =	vld [tilespmem:s26+$0x0];
	_ =	sdelay $0x4  }
0xfd: {  	[tilespmem:$0x28F0] =	vst v0  }
0xfe: {  	[smem:$0x7E6] =	sst s11;
	v0 =	vld [tilespmem:s28+$0x0]  }
0xff: {  	[smem:$0x7E7] =	sst s12  }
0x100: {  	[smem:$0x7E9] =	sst s14  }
0x101: {  	[smem:$0x7EA] =	sst s15  }
0x102: {  	[smem:$0x7EC] =	sst s17  }
0x103: {  	[smem:$0x7EF] =	sst s20;
	[tilespmem:$0x2A80] =	vst v0  }
0x104: {  	[smem:$0x7F2] =	sst s23;
	v0 =	vld [tilespmem:s30+$0x0]  }
0x105: {  	s5 =	smov.u32 s8;
	s8 =	smov.u32 s11;
	[smem:$0x7F5] =	sst s26  }
0x106: {  	s11 =	smov.u32 s14;
	s14 =	smov.u32 s17;
	s17 =	smov.u32 s20  }
0x107: {  	s20 =	smov.u32 s23;
	s23 =	smov.u32 s26;
	s26 =	sld [smem:$0x7F8]  }
0x108: {  	[smem:$0x7ED] =	sst s18  }
0x109: {  	[smem:$0x7F0] =	sst s21;
	[tilespmem:$0x2A90] =	vst v0  }
0x10a: {  	s2 =	smov.u32 s6;
	[smem:$0x7F3] =	sst s24;
	v0 =	vld [tilespmem:s26+$0x0]  }
0x10b: {  	s6 =	smov.u32 s9;
	s9 =	smov.u32 s12;
	[smem:$0x7F6] =	sst s28  }
0x10c: {  	s12 =	smov.u32 s15;
	s15 =	smov.u32 s18;
	s18 =	smov.u32 s21  }
0x10d: {  	s21 =	smov.u32 s24;
	s24 =	smov.u32 s28;
	s28 =	sld [smem:$0x7F9]  }
0x10e: {  	_ = 	snop  }
0x10f: {  	[tilespmem:$0x2AA0] =	vst v0  }
0x110: {  	v0 =	vld [tilespmem:s28+$0x0];
	_ =	sdelay $0x4  }
0x111: {  	s1 =	rddreg [dreg:$0x5];
	[tilespmem:$0x2AB0] =	vst v0  }
0x112: {  	v0 =	vld [tilespmem:s1+$0x0];
	_ =	sdelay $0x4  }
0x113: {  	s1 =	rddreg [dreg:$0x6];
	[tilespmem:$0x2AC0] =	vst v0  }
0x114: {  	v0 =	vld [tilespmem:s1+$0x0];
	_ =	sdelay $0x4  }
0x115: {  	s1 =	rddreg [dreg:$0x3];
	[tilespmem:$0x2AD0] =	vst v0  }
0x116: {  	v0 =	vld [tilespmem:s1+$0x0];
	_ =	sdelay $0x4  }
0x117: {  	[tilespmem:$0x2AE0] =	vst v0  }
0x118: {  	v0 =	vld [tilespmem:s29+$0x0];
	_ =	sdelay $0x1  }
0x119: {  	s1 =	sld [smem:$0x7FA];
	_ =	sdelay $0x1  }
0x11a: {  	[smem:$0x7E8] =	sst s13  }
0x11b: {  	[smem:$0x7EB] =	sst s16;
	s1 =	simm.s32 @p0 $0x2080;
	[tilespmem:$0x2AF0] =	vst v0  }
0x11c: {  	[smem:$0x7EE] =	sst s19;
	v0 =	vld [tilespmem:s1+$0x0]  }
0x11d: {  	[smem:$0x7F1] =	sst s22  }
0x11e: {  	s3 =	smov.u32 s7;
	[smem:$0x7F4] =	sst s25  }
0x11f: {  	s7 =	smov.u32 s10;
	s10 =	smov.u32 s13;
	[smem:$0x7F7] =	sst s30  }
0x120: {  	s13 =	smov.u32 s16;
	s16 =	smov.u32 s19;
	s19 =	smov.u32 s22  }
0x121: {  	s22 =	smov.u32 s25;
	s25 =	smov.u32 s30;
	s30 =	rddreg [dreg:$0xa];
	[tilespmem:$0x2C80] =	vst v0  }
0x122: {  	v0 =	vld [tilespmem:s30+$0x0];
	_ =	sdelay $0x3  }
0x123: {  	[smem:$0x7FA] =	sst s1  }
0x124: {  	s1 =	rddreg [dreg:$0x7];
	[tilespmem:$0x2C90] =	vst v0  }
0x125: {  	v0 =	vld [tilespmem:s1+$0x0];
	_ =	sdelay $0x4  }
0x126: {  	s30 =	rddreg [dreg:$0x8];
	[tilespmem:$0x2CA0] =	vst v0  }
0x127: {  	v0 =	vld [tilespmem:s30+$0x0];
	_ =	sdelay $0x4  }
0x128: {  	s1 =	rddreg [dreg:$0x9];
	[tilespmem:$0x2CB0] =	vst v0  }
0x129: {  	v0 =	vld [tilespmem:s1+$0x0];
	_ =	sdelay $0x4  }
0x12a: {  	s30 =	rddreg [dreg:$0xe];
	[tilespmem:$0x2CC0] =	vst v0  }
0x12b: {  	v0 =	vld [tilespmem:s30+$0x0];
	_ =	sdelay $0x4  }
0x12c: {  	s1 =	rddreg [dreg:$0xb];
	[tilespmem:$0x2CD0] =	vst v0  }
0x12d: {  	v0 =	vld [tilespmem:s1+$0x0];
	_ =	sdelay $0x4  }
0x12e: {  	s30 =	rddreg [dreg:$0xc];
	[tilespmem:$0x2CE0] =	vst v0  }
0x12f: {  	v0 =	vld [tilespmem:s30+$0x0];
	_ =	sdelay $0x4  }
0x130: {  	s1 =	rddreg [dreg:$0xd];
	[tilespmem:$0x2CF0] =	vst v0  }
0x131: {  	v0 =	vld [tilespmem:s1+$0x0];
	_ =	sdelay $0x4  }
0x132: {  	s30 =	rddreg [dreg:$0x12];
	[tilespmem:$0x2E80] =	vst v0  }
0x133: {  	v0 =	vld [tilespmem:s30+$0x0];
	_ =	sdelay $0x4  }
0x134: {  	s1 =	rddreg [dreg:$0xf];
	[tilespmem:$0x2E90] =	vst v0  }
0x135: {  	v0 =	vld [tilespmem:s1+$0x0];
	_ =	sdelay $0x4  }
0x136: {  	s30 =	rddreg [dreg:$0x10];
	[tilespmem:$0x2EA0] =	vst v0  }
0x137: {  	v0 =	vld [tilespmem:s30+$0x0];
	_ =	sdelay $0x4  }
0x138: {  	s1 =	rddreg [dreg:$0x11];
	[tilespmem:$0x2EB0] =	vst v0  }
0x139: {  	v0 =	vld [tilespmem:s1+$0x0];
	_ =	sdelay $0x4  }
0x13a: {  	s30 =	rddreg [dreg:$0x16];
	[tilespmem:$0x2EC0] =	vst v0  }
0x13b: {  	v0 =	vld [tilespmem:s30+$0x0];
	_ =	sdelay $0x4  }
0x13c: {  	s1 =	rddreg [dreg:$0x13];
	[tilespmem:$0x2ED0] =	vst v0  }
0x13d: {  	v0 =	vld [tilespmem:s1+$0x0];
	_ =	sdelay $0x4  }
0x13e: {  	s30 =	rddreg [dreg:$0x14];
	[tilespmem:$0x2EE0] =	vst v0  }
0x13f: {  	v0 =	vld [tilespmem:s30+$0x0];
	_ =	sdelay $0x4  }
0x140: {  	s1 =	rddreg [dreg:$0x15];
	[tilespmem:$0x2EF0] =	vst v0  }
0x141: {  	v0 =	vld [tilespmem:s1+$0x0];
	_ =	sdelay $0x4  }
0x142: {  	s30 =	rddreg [dreg:$0x1a];
	[tilespmem:$0x3080] =	vst v0  }
0x143: {  	v0 =	vld [tilespmem:s30+$0x0];
	_ =	sdelay $0x4  }
0x144: {  	s1 =	rddreg [dreg:$0x17];
	[tilespmem:$0x3090] =	vst v0  }
0x145: {  	v0 =	vld [tilespmem:s1+$0x0];
	_ =	sdelay $0x4  }
0x146: {  	s30 =	rddreg [dreg:$0x18];
	[tilespmem:$0x30A0] =	vst v0  }
0x147: {  	v0 =	vld [tilespmem:s30+$0x0];
	_ =	sdelay $0x4  }
0x148: {  	s1 =	rddreg [dreg:$0x19];
	[tilespmem:$0x30B0] =	vst v0  }
0x149: {  	v0 =	vld [tilespmem:s1+$0x0];
	_ =	sdelay $0x4  }
0x14a: {  	s30 =	rddreg [dreg:$0x1d];
	[tilespmem:$0x30C0] =	vst v0  }
0x14b: {  	v0 =	vld [tilespmem:s30+$0x0];
	_ =	sdelay $0x4  }
0x14c: {  	s1 =	rddreg [dreg:$0x1b];
	[tilespmem:$0x30D0] =	vst v0  }
0x14d: {  	v0 =	vld [tilespmem:s1+$0x0];
	_ =	sdelay $0x4  }
0x14e: {  	s30 =	rddreg [dreg:$0x1c];
	[tilespmem:$0x30E0] =	vst v0  }
0x14f: {  	v0 =	vld [tilespmem:s30+$0x0];
	_ =	sdelay $0x2  }
0x150: {  	s29 =	sld [smem:$0x7FB];
	_ =	sdelay $0x1  }
0x151: {  	[tilespmem:$0x30F0] =	vst v0  }
0x152: {  	v0 =	vld [tilespmem:s29+$0x0];
	_ =	sdelay $0x4  }
0x153: {  	[tilespmem:$0x3280] =	vst v0  }
0x154: {  	v0 =	vld [tilespmem:s31+$0x0];
	_ =	sdelay $0x2  }
0x155: {  	s30 =	sld [smem:$0x7FC];
	_ =	sdelay $0x1  }
0x156: {  	[tilespmem:$0x3290] =	vst v0  }
0x157: {  	v0 =	vld [tilespmem:s30+$0x0];
	_ =	sdelay $0x4  }
0x158: {  	s1 =	rddreg [dreg:$0x1e];
	[tilespmem:$0x32A0] =	vst v0  }
0x159: {  	v0 =	vld [tilespmem:s1+$0x0];
	_ =	sdelay $0x2  }
0x15a: {  	s31 =	sld [smem:$0x7FD];
	_ =	sdelay $0x1  }
0x15b: {  	[tilespmem:$0x32B0] =	vst v0  }
0x15c: {  	v0 =	vld [tilespmem:s31+$0x0];
	_ =	sdelay $0x4  }
0x15d: {  	s1 =	rddreg [dreg:$0x1f];
	[tilespmem:$0x32C0] =	vst v0  }
0x15e: {  	v0 =	vld [tilespmem:s1+$0x0];
	_ =	sdelay $0x2  }
0x15f: {  	s1 =	sld [smem:$0x7DD];
	_ =	sdelay $0x1  }
0x160: {  	[tilespmem:$0x32D0] =	vst v0  }
0x161: {  	v0 =	vld [tilespmem:s1+$0x0];
	_ =	sdelay $0x4  }
0x162: {  	[tilespmem:$0x32E0] =	vst v0  }
0x163: {  	v0 =	vld [tilespmem:s0+$0x0];
	_ =	sdelay $0x3  }
0x164: {  	s0 =	sadd.s32 $0x1100, s4  }
0x165: {  	s0 =	simm.s32 @!p0 $0x2080;
	[tilespmem:$0x32F0] =	vst v0  }
0x166: {  	v0 =	vld [tilespmem:s0+$0x0];
	_ =	sdelay $0x2  }
0x167: {  	s1 =	sld [smem:$0x7DE];
	_ =	sdelay $0x1  }
0x168: {  	[tilespmem:$0x2500] =	vst v0  }
0x169: {  	v0 =	vld [tilespmem:s1+$0x0];
	_ =	sdelay $0x2  }
0x16a: {  	s1 =	sld [smem:$0x7DF];
	_ =	sdelay $0x1  }
0x16b: {  	[tilespmem:$0x2510] =	vst v0  }
0x16c: {  	v0 =	vld [tilespmem:s1+$0x0];
	_ =	sdelay $0x4  }
0x16d: {  	[tilespmem:$0x2520] =	vst v0  }
0x16e: {  	v0 =	vld [tilespmem:s2+$0x0];
	_ =	sdelay $0x4  }
0x16f: {  	[tilespmem:$0x2530] =	vst v0  }
0x170: {  	v0 =	vld [tilespmem:s3+$0x0];
	_ =	sdelay $0x2  }
0x171: {  	s3 =	sld [smem:$0x7E2];
	_ =	sdelay $0x1  }
0x172: {  	[tilespmem:$0x2540] =	vst v0  }
0x173: {  	v0 =	vld [tilespmem:s3+$0x0];
	_ =	sdelay $0x4  }
0x174: {  	[tilespmem:$0x2550] =	vst v0  }
0x175: {  	v0 =	vld [tilespmem:s5+$0x0];
	_ =	sdelay $0x4  }
0x176: {  	[tilespmem:$0x2560] =	vst v0  }
0x177: {  	v0 =	vld [tilespmem:s6+$0x0];
	_ =	sdelay $0x4  }
0x178: {  	[tilespmem:$0x2570] =	vst v0  }
0x179: {  	v0 =	vld [tilespmem:s7+$0x0];
	_ =	sdelay $0x4  }
0x17a: {  	[tilespmem:$0x2700] =	vst v0  }
0x17b: {  	v0 =	vld [tilespmem:s8+$0x0];
	_ =	sdelay $0x4  }
0x17c: {  	[tilespmem:$0x2710] =	vst v0  }
0x17d: {  	v0 =	vld [tilespmem:s9+$0x0];
	_ =	sdelay $0x4  }
0x17e: {  	[tilespmem:$0x2720] =	vst v0  }
0x17f: {  	v0 =	vld [tilespmem:s10+$0x0];
	_ =	sdelay $0x4  }
0x180: {  	[tilespmem:$0x2730] =	vst v0  }
0x181: {  	v0 =	vld [tilespmem:s11+$0x0];
	_ =	sdelay $0x4  }
0x182: {  	[tilespmem:$0x2740] =	vst v0  }
0x183: {  	v0 =	vld [tilespmem:s12+$0x0];
	_ =	sdelay $0x4  }
0x184: {  	[tilespmem:$0x2750] =	vst v0  }
0x185: {  	v0 =	vld [tilespmem:s13+$0x0];
	_ =	sdelay $0x4  }
0x186: {  	[tilespmem:$0x2760] =	vst v0  }
0x187: {  	v0 =	vld [tilespmem:s14+$0x0];
	_ =	sdelay $0x4  }
0x188: {  	[tilespmem:$0x2770] =	vst v0  }
0x189: {  	v0 =	vld [tilespmem:s15+$0x0];
	_ =	sdelay $0x4  }
0x18a: {  	[tilespmem:$0x2900] =	vst v0  }
0x18b: {  	v0 =	vld [tilespmem:s16+$0x0];
	_ =	sdelay $0x4  }
0x18c: {  	[tilespmem:$0x2910] =	vst v0  }
0x18d: {  	v0 =	vld [tilespmem:s17+$0x0];
	_ =	sdelay $0x4  }
0x18e: {  	[tilespmem:$0x2920] =	vst v0  }
0x18f: {  	v0 =	vld [tilespmem:s18+$0x0];
	_ =	sdelay $0x4  }
0x190: {  	[tilespmem:$0x2930] =	vst v0  }
0x191: {  	v0 =	vld [tilespmem:s19+$0x0];
	_ =	sdelay $0x4  }
0x192: {  	[tilespmem:$0x2940] =	vst v0  }
0x193: {  	v0 =	vld [tilespmem:s20+$0x0];
	_ =	sdelay $0x4  }
0x194: {  	[tilespmem:$0x2950] =	vst v0  }
0x195: {  	v0 =	vld [tilespmem:s21+$0x0];
	_ =	sdelay $0x4  }
0x196: {  	[tilespmem:$0x2960] =	vst v0  }
0x197: {  	v0 =	vld [tilespmem:s22+$0x0];
	_ =	sdelay $0x4  }
0x198: {  	[tilespmem:$0x2970] =	vst v0  }
0x199: {  	v0 =	vld [tilespmem:s23+$0x0];
	_ =	sdelay $0x4  }
0x19a: {  	[tilespmem:$0x2B00] =	vst v0  }
0x19b: {  	v0 =	vld [tilespmem:s24+$0x0];
	_ =	sdelay $0x4  }
0x19c: {  	[tilespmem:$0x2B10] =	vst v0  }
0x19d: {  	v0 =	vld [tilespmem:s25+$0x0];
	_ =	sdelay $0x4  }
0x19e: {  	[tilespmem:$0x2B20] =	vst v0  }
0x19f: {  	v0 =	vld [tilespmem:s26+$0x0];
	_ =	sdelay $0x4  }
0x1a0: {  	[tilespmem:$0x2B30] =	vst v0  }
0x1a1: {  	v0 =	vld [tilespmem:s28+$0x0];
	_ =	sdelay $0x4  }
0x1a2: {  	s2 =	rddreg [dreg:$0x5];
	[tilespmem:$0x2B40] =	vst v0  }
0x1a3: {  	v0 =	vld [tilespmem:s2+$0x0];
	_ =	sdelay $0x4  }
0x1a4: {  	s3 =	rddreg [dreg:$0x6];
	[tilespmem:$0x2B50] =	vst v0  }
0x1a5: {  	v0 =	vld [tilespmem:s3+$0x0];
	_ =	sdelay $0x4  }
0x1a6: {  	s26 =	rddreg [dreg:$0x3];
	[tilespmem:$0x2B60] =	vst v0  }
0x1a7: {  	v0 =	vld [tilespmem:s26+$0x0];
	_ =	sdelay $0x3  }
0x1a8: {  	s1 =	rddreg [dreg:$0x4]  }
0x1a9: {  	s1 =	simm.s32 @p0 $0x2080;
	[tilespmem:$0x2B70] =	vst v0  }
0x1aa: {  	v0 =	vld [tilespmem:s1+$0x0];
	_ =	sdelay $0x2  }
0x1ab: {  	s28 =	sld [smem:$0x7FA];
	_ =	sdelay $0x1  }
0x1ac: {  	[tilespmem:$0x2D00] =	vst v0  }
0x1ad: {  	v0 =	vld [tilespmem:s28+$0x0];
	_ =	sdelay $0x4  }
0x1ae: {  	s5 =	rddreg [dreg:$0xa];
	[tilespmem:$0x2D10] =	vst v0  }
0x1af: {  	v0 =	vld [tilespmem:s5+$0x0];
	_ =	sdelay $0x4  }
0x1b0: {  	s6 =	rddreg [dreg:$0x7];
	[tilespmem:$0x2D20] =	vst v0  }
0x1b1: {  	v0 =	vld [tilespmem:s6+$0x0];
	_ =	sdelay $0x4  }
0x1b2: {  	s7 =	rddreg [dreg:$0x8];
	[tilespmem:$0x2D30] =	vst v0  }
0x1b3: {  	v0 =	vld [tilespmem:s7+$0x0];
	_ =	sdelay $0x4  }
0x1b4: {  	s8 =	rddreg [dreg:$0x9];
	[tilespmem:$0x2D40] =	vst v0  }
0x1b5: {  	v0 =	vld [tilespmem:s8+$0x0];
	_ =	sdelay $0x4  }
0x1b6: {  	s9 =	rddreg [dreg:$0xe];
	[tilespmem:$0x2D50] =	vst v0  }
0x1b7: {  	v0 =	vld [tilespmem:s9+$0x0];
	_ =	sdelay $0x4  }
0x1b8: {  	s10 =	rddreg [dreg:$0xb];
	[tilespmem:$0x2D60] =	vst v0  }
0x1b9: {  	v0 =	vld [tilespmem:s10+$0x0];
	_ =	sdelay $0x4  }
0x1ba: {  	s11 =	rddreg [dreg:$0xc];
	[tilespmem:$0x2D70] =	vst v0  }
0x1bb: {  	v0 =	vld [tilespmem:s11+$0x0];
	_ =	sdelay $0x4  }
0x1bc: {  	s12 =	rddreg [dreg:$0xd];
	[tilespmem:$0x2F00] =	vst v0  }
0x1bd: {  	v0 =	vld [tilespmem:s12+$0x0];
	_ =	sdelay $0x4  }
0x1be: {  	s13 =	rddreg [dreg:$0x12];
	[tilespmem:$0x2F10] =	vst v0  }
0x1bf: {  	v0 =	vld [tilespmem:s13+$0x0];
	_ =	sdelay $0x4  }
0x1c0: {  	s14 =	rddreg [dreg:$0xf];
	[tilespmem:$0x2F20] =	vst v0  }
0x1c1: {  	v0 =	vld [tilespmem:s14+$0x0];
	_ =	sdelay $0x4  }
0x1c2: {  	s15 =	rddreg [dreg:$0x10];
	[tilespmem:$0x2F30] =	vst v0  }
0x1c3: {  	v0 =	vld [tilespmem:s15+$0x0];
	_ =	sdelay $0x4  }
0x1c4: {  	s16 =	rddreg [dreg:$0x11];
	[tilespmem:$0x2F40] =	vst v0  }
0x1c5: {  	v0 =	vld [tilespmem:s16+$0x0];
	_ =	sdelay $0x4  }
0x1c6: {  	s17 =	rddreg [dreg:$0x16];
	[tilespmem:$0x2F50] =	vst v0  }
0x1c7: {  	v0 =	vld [tilespmem:s17+$0x0];
	_ =	sdelay $0x4  }
0x1c8: {  	s18 =	rddreg [dreg:$0x13];
	[tilespmem:$0x2F60] =	vst v0  }
0x1c9: {  	v0 =	vld [tilespmem:s18+$0x0];
	_ =	sdelay $0x4  }
0x1ca: {  	s19 =	rddreg [dreg:$0x14];
	[tilespmem:$0x2F70] =	vst v0  }
0x1cb: {  	v0 =	vld [tilespmem:s19+$0x0];
	_ =	sdelay $0x4  }
0x1cc: {  	s20 =	rddreg [dreg:$0x15];
	[tilespmem:$0x3100] =	vst v0  }
0x1cd: {  	v0 =	vld [tilespmem:s20+$0x0];
	_ =	sdelay $0x4  }
0x1ce: {  	s21 =	rddreg [dreg:$0x1a];
	[tilespmem:$0x3110] =	vst v0  }
0x1cf: {  	v0 =	vld [tilespmem:s21+$0x0];
	_ =	sdelay $0x4  }
0x1d0: {  	s22 =	rddreg [dreg:$0x17];
	[tilespmem:$0x3120] =	vst v0  }
0x1d1: {  	v0 =	vld [tilespmem:s22+$0x0];
	_ =	sdelay $0x4  }
0x1d2: {  	s23 =	rddreg [dreg:$0x18];
	[tilespmem:$0x3130] =	vst v0  }
0x1d3: {  	v0 =	vld [tilespmem:s23+$0x0];
	_ =	sdelay $0x4  }
0x1d4: {  	s24 =	rddreg [dreg:$0x19];
	[tilespmem:$0x3140] =	vst v0  }
0x1d5: {  	v0 =	vld [tilespmem:s24+$0x0];
	_ =	sdelay $0x4  }
0x1d6: {  	s25 =	rddreg [dreg:$0x1d];
	[tilespmem:$0x3150] =	vst v0  }
0x1d7: {  	v0 =	vld [tilespmem:s25+$0x0];
	_ =	sdelay $0x4  }
0x1d8: {  	s26 =	rddreg [dreg:$0x1b];
	[tilespmem:$0x3160] =	vst v0  }
0x1d9: {  	v0 =	vld [tilespmem:s26+$0x0];
	_ =	sdelay $0x4  }
0x1da: {  	s28 =	rddreg [dreg:$0x1c];
	[tilespmem:$0x3170] =	vst v0  }
0x1db: {  	v0 =	vld [tilespmem:s28+$0x0];
	_ =	sdelay $0x4  }
0x1dc: {  	[tilespmem:$0x3300] =	vst v0  }
0x1dd: {  	v0 =	vld [tilespmem:s29+$0x0];
	_ =	sdelay $0x2  }
0x1de: {  	s29 =	sld [smem:$0x7DC];
	_ =	sdelay $0x1  }
0x1df: {  	[tilespmem:$0x3310] =	vst v0  }
0x1e0: {  	v0 =	vld [tilespmem:s29+$0x0];
	_ =	sdelay $0x4  }
0x1e1: {  	[tilespmem:$0x3320] =	vst v0  }
0x1e2: {  	v0 =	vld [tilespmem:s30+$0x0];
	_ =	sdelay $0x4  }
0x1e3: {  	s30 =	rddreg [dreg:$0x1e];
	[tilespmem:$0x3330] =	vst v0  }
0x1e4: {  	v0 =	vld [tilespmem:s30+$0x0];
	_ =	sdelay $0x4  }
0x1e5: {  	[tilespmem:$0x3340] =	vst v0  }
0x1e6: {  	v0 =	vld [tilespmem:s31+$0x0];
	_ =	sdelay $0x4  }
0x1e7: {  	s31 =	rddreg [dreg:$0x1f];
	[tilespmem:$0x3350] =	vst v0  }
0x1e8: {  	v0 =	vld [tilespmem:s31+$0x0];
	_ =	sdelay $0x1  }
0x1e9: {  	[dreg:$0x4] =	wrdreg s1  }
0x1ea: {  	s1 =	sld [smem:$0x7DD];
	_ =	sdelay $0x1  }
0x1eb: {  	[tilespmem:$0x3360] =	vst v0  }
0x1ec: {  	v0 =	vld [tilespmem:s1+$0x0];
	_ =	sdelay $0x3  }
0x1ed: {  	s1 =	sadd.s32 $0x1180, s4  }
0x1ee: {  	s1 =	simm.s32 @!p0 $0x2080;
	[tilespmem:$0x3370] =	vst v0  }
0x1ef: {  	v0 =	vld [tilespmem:s1+$0x0];
	_ =	sdelay $0x4  }
0x1f0: {  	[tilespmem:$0x2580] =	vst v0  }
0x1f1: {  	v0 =	vld [tilespmem:s0+$0x0];
	_ =	sdelay $0x2  }
0x1f2: {  	s1 =	sld [smem:$0x7DE];
	_ =	sdelay $0x1  }
0x1f3: {  	[tilespmem:$0x2590] =	vst v0  }
0x1f4: {  	v0 =	vld [tilespmem:s1+$0x0];
	_ =	sdelay $0x2  }
0x1f5: {  	s1 =	sld [smem:$0x7DF];
	_ =	sdelay $0x1  }
0x1f6: {  	[tilespmem:$0x25A0] =	vst v0  }
0x1f7: {  	v0 =	vld [tilespmem:s1+$0x0];
	_ =	sdelay $0x2  }
0x1f8: {  	s1 =	sld [smem:$0x7E0];
	_ =	sdelay $0x1  }
0x1f9: {  	[tilespmem:$0x25B0] =	vst v0  }
0x1fa: {  	v0 =	vld [tilespmem:s1+$0x0];
	_ =	sdelay $0x2  }
0x1fb: {  	s1 =	sld [smem:$0x7E1];
	_ =	sdelay $0x1  }
0x1fc: {  	[tilespmem:$0x25C0] =	vst v0  }
0x1fd: {  	v0 =	vld [tilespmem:s1+$0x0];
	_ =	sdelay $0x2  }
0x1fe: {  	s1 =	sld [smem:$0x7E2];
	_ =	sdelay $0x1  }
0x1ff: {  	[tilespmem:$0x25D0] =	vst v0  }
0x200: {  	v0 =	vld [tilespmem:s1+$0x0];
	_ =	sdelay $0x2  }
0x201: {  	s1 =	sld [smem:$0x7E3];
	_ =	sdelay $0x1  }
0x202: {  	[tilespmem:$0x25E0] =	vst v0  }
0x203: {  	v0 =	vld [tilespmem:s1+$0x0];
	_ =	sdelay $0x2  }
0x204: {  	s1 =	sld [smem:$0x7E4];
	_ =	sdelay $0x1  }
0x205: {  	[tilespmem:$0x25F0] =	vst v0  }
0x206: {  	v0 =	vld [tilespmem:s1+$0x0];
	_ =	sdelay $0x2  }
0x207: {  	s1 =	sld [smem:$0x7E5];
	_ =	sdelay $0x1  }
0x208: {  	[tilespmem:$0x2780] =	vst v0  }
0x209: {  	v0 =	vld [tilespmem:s1+$0x0];
	_ =	sdelay $0x2  }
0x20a: {  	s1 =	sld [smem:$0x7E6];
	_ =	sdelay $0x1  }
0x20b: {  	[tilespmem:$0x2790] =	vst v0  }
0x20c: {  	v0 =	vld [tilespmem:s1+$0x0];
	_ =	sdelay $0x2  }
0x20d: {  	s1 =	sld [smem:$0x7E7];
	_ =	sdelay $0x1  }
0x20e: {  	[tilespmem:$0x27A0] =	vst v0  }
0x20f: {  	v0 =	vld [tilespmem:s1+$0x0];
	_ =	sdelay $0x2  }
0x210: {  	s1 =	sld [smem:$0x7E8];
	_ =	sdelay $0x1  }
0x211: {  	[tilespmem:$0x27B0] =	vst v0  }
0x212: {  	v0 =	vld [tilespmem:s1+$0x0];
	_ =	sdelay $0x2  }
0x213: {  	s1 =	sld [smem:$0x7E9];
	_ =	sdelay $0x1  }
0x214: {  	[tilespmem:$0x27C0] =	vst v0  }
0x215: {  	v0 =	vld [tilespmem:s1+$0x0];
	_ =	sdelay $0x2  }
0x216: {  	s1 =	sld [smem:$0x7EA];
	_ =	sdelay $0x1  }
0x217: {  	[tilespmem:$0x27D0] =	vst v0  }
0x218: {  	v0 =	vld [tilespmem:s1+$0x0];
	_ =	sdelay $0x2  }
0x219: {  	s1 =	sld [smem:$0x7EB];
	_ =	sdelay $0x1  }
0x21a: {  	[tilespmem:$0x27E0] =	vst v0  }
0x21b: {  	v0 =	vld [tilespmem:s1+$0x0];
	_ =	sdelay $0x2  }
0x21c: {  	s1 =	sld [smem:$0x7EC];
	_ =	sdelay $0x1  }
0x21d: {  	[tilespmem:$0x27F0] =	vst v0  }
0x21e: {  	v0 =	vld [tilespmem:s1+$0x0];
	_ =	sdelay $0x2  }
0x21f: {  	s1 =	sld [smem:$0x7ED];
	_ =	sdelay $0x1  }
0x220: {  	[tilespmem:$0x2980] =	vst v0  }
0x221: {  	v0 =	vld [tilespmem:s1+$0x0];
	_ =	sdelay $0x2  }
0x222: {  	s1 =	sld [smem:$0x7EE];
	_ =	sdelay $0x1  }
0x223: {  	[tilespmem:$0x2990] =	vst v0  }
0x224: {  	v0 =	vld [tilespmem:s1+$0x0];
	_ =	sdelay $0x2  }
0x225: {  	s1 =	sld [smem:$0x7EF];
	_ =	sdelay $0x1  }
0x226: {  	[tilespmem:$0x29A0] =	vst v0  }
0x227: {  	v0 =	vld [tilespmem:s1+$0x0];
	_ =	sdelay $0x2  }
0x228: {  	s1 =	sld [smem:$0x7F0];
	_ =	sdelay $0x1  }
0x229: {  	[tilespmem:$0x29B0] =	vst v0  }
0x22a: {  	v0 =	vld [tilespmem:s1+$0x0];
	_ =	sdelay $0x2  }
0x22b: {  	s1 =	sld [smem:$0x7F1];
	_ =	sdelay $0x1  }
0x22c: {  	[tilespmem:$0x29C0] =	vst v0  }
0x22d: {  	v0 =	vld [tilespmem:s1+$0x0];
	_ =	sdelay $0x2  }
0x22e: {  	s1 =	sld [smem:$0x7F2];
	_ =	sdelay $0x1  }
0x22f: {  	[tilespmem:$0x29D0] =	vst v0  }
0x230: {  	v0 =	vld [tilespmem:s1+$0x0];
	_ =	sdelay $0x2  }
0x231: {  	s1 =	sld [smem:$0x7F3];
	_ =	sdelay $0x1  }
0x232: {  	[tilespmem:$0x29E0] =	vst v0  }
0x233: {  	v0 =	vld [tilespmem:s1+$0x0];
	_ =	sdelay $0x2  }
0x234: {  	s1 =	sld [smem:$0x7F4];
	_ =	sdelay $0x1  }
0x235: {  	[tilespmem:$0x29F0] =	vst v0  }
0x236: {  	v0 =	vld [tilespmem:s1+$0x0];
	_ =	sdelay $0x2  }
0x237: {  	s1 =	sld [smem:$0x7F5];
	_ =	sdelay $0x1  }
0x238: {  	[tilespmem:$0x2B80] =	vst v0  }
0x239: {  	v0 =	vld [tilespmem:s1+$0x0];
	_ =	sdelay $0x2  }
0x23a: {  	s1 =	sld [smem:$0x7F6];
	_ =	sdelay $0x1  }
0x23b: {  	[tilespmem:$0x2B90] =	vst v0  }
0x23c: {  	v0 =	vld [tilespmem:s1+$0x0];
	_ =	sdelay $0x2  }
0x23d: {  	s1 =	sld [smem:$0x7F7];
	_ =	sdelay $0x1  }
0x23e: {  	[tilespmem:$0x2BA0] =	vst v0  }
0x23f: {  	v0 =	vld [tilespmem:s1+$0x0];
	_ =	sdelay $0x2  }
0x240: {  	s1 =	sld [smem:$0x7F8];
	_ =	sdelay $0x1  }
0x241: {  	[tilespmem:$0x2BB0] =	vst v0  }
0x242: {  	v0 =	vld [tilespmem:s1+$0x0];
	_ =	sdelay $0x2  }
0x243: {  	s1 =	sld [smem:$0x7F9];
	_ =	sdelay $0x1  }
0x244: {  	[tilespmem:$0x2BC0] =	vst v0  }
0x245: {  	v0 =	vld [tilespmem:s1+$0x0];
	_ =	sdelay $0x4  }
0x246: {  	[tilespmem:$0x2BD0] =	vst v0  }
0x247: {  	v0 =	vld [tilespmem:s2+$0x0];
	_ =	sdelay $0x4  }
0x248: {  	[tilespmem:$0x2BE0] =	vst v0  }
0x249: {  	v0 =	vld [tilespmem:s3+$0x0];
	_ =	sdelay $0x3  }
0x24a: {  	s0 =	rddreg [dreg:$0x2]  }
0x24b: {  	s0 =	simm.s32 @p0 $0x2080;
	[tilespmem:$0x2BF0] =	vst v0  }
0x24c: {  	v0 =	vld [tilespmem:s0+$0x0];
	_ =	sdelay $0x4  }
0x24d: {  	s2 =	rddreg [dreg:$0x4];
	[tilespmem:$0x2D80] =	vst v0  }
0x24e: {  	v0 =	vld [tilespmem:s2+$0x0];
	_ =	sdelay $0x2  }
0x24f: {  	s3 =	sld [smem:$0x7FA];
	_ =	sdelay $0x1  }
0x250: {  	[tilespmem:$0x2D90] =	vst v0  }
0x251: {  	v0 =	vld [tilespmem:s3+$0x0];
	_ =	sdelay $0x4  }
0x252: {  	[tilespmem:$0x2DA0] =	vst v0  }
0x253: {  	v0 =	vld [tilespmem:s5+$0x0];
	_ =	sdelay $0x4  }
0x254: {  	[tilespmem:$0x2DB0] =	vst v0  }
0x255: {  	v0 =	vld [tilespmem:s6+$0x0];
	_ =	sdelay $0x4  }
0x256: {  	[tilespmem:$0x2DC0] =	vst v0  }
0x257: {  	v0 =	vld [tilespmem:s7+$0x0];
	_ =	sdelay $0x4  }
0x258: {  	[tilespmem:$0x2DD0] =	vst v0  }
0x259: {  	v0 =	vld [tilespmem:s8+$0x0];
	_ =	sdelay $0x4  }
0x25a: {  	[tilespmem:$0x2DE0] =	vst v0  }
0x25b: {  	v0 =	vld [tilespmem:s9+$0x0];
	_ =	sdelay $0x4  }
0x25c: {  	[tilespmem:$0x2DF0] =	vst v0  }
0x25d: {  	v0 =	vld [tilespmem:s10+$0x0];
	_ =	sdelay $0x4  }
0x25e: {  	[tilespmem:$0x2F80] =	vst v0  }
0x25f: {  	v0 =	vld [tilespmem:s11+$0x0];
	_ =	sdelay $0x4  }
0x260: {  	[tilespmem:$0x2F90] =	vst v0  }
0x261: {  	v0 =	vld [tilespmem:s12+$0x0];
	_ =	sdelay $0x4  }
0x262: {  	[tilespmem:$0x2FA0] =	vst v0  }
0x263: {  	v0 =	vld [tilespmem:s13+$0x0];
	_ =	sdelay $0x4  }
0x264: {  	[tilespmem:$0x2FB0] =	vst v0  }
0x265: {  	v0 =	vld [tilespmem:s14+$0x0];
	_ =	sdelay $0x4  }
0x266: {  	[tilespmem:$0x2FC0] =	vst v0  }
0x267: {  	v0 =	vld [tilespmem:s15+$0x0];
	_ =	sdelay $0x4  }
0x268: {  	[tilespmem:$0x2FD0] =	vst v0  }
0x269: {  	v0 =	vld [tilespmem:s16+$0x0];
	_ =	sdelay $0x4  }
0x26a: {  	[tilespmem:$0x2FE0] =	vst v0  }
0x26b: {  	v0 =	vld [tilespmem:s17+$0x0];
	_ =	sdelay $0x4  }
0x26c: {  	[tilespmem:$0x2FF0] =	vst v0  }
0x26d: {  	v0 =	vld [tilespmem:s18+$0x0];
	_ =	sdelay $0x4  }
0x26e: {  	[tilespmem:$0x3180] =	vst v0  }
0x26f: {  	v0 =	vld [tilespmem:s19+$0x0];
	_ =	sdelay $0x4  }
0x270: {  	[tilespmem:$0x3190] =	vst v0  }
0x271: {  	v0 =	vld [tilespmem:s20+$0x0];
	_ =	sdelay $0x4  }
0x272: {  	[tilespmem:$0x31A0] =	vst v0  }
0x273: {  	v0 =	vld [tilespmem:s21+$0x0];
	_ =	sdelay $0x4  }
0x274: {  	[tilespmem:$0x31B0] =	vst v0  }
0x275: {  	v0 =	vld [tilespmem:s22+$0x0];
	_ =	sdelay $0x4  }
0x276: {  	[tilespmem:$0x31C0] =	vst v0  }
0x277: {  	v0 =	vld [tilespmem:s23+$0x0];
	_ =	sdelay $0x4  }
0x278: {  	[tilespmem:$0x31D0] =	vst v0  }
0x279: {  	v0 =	vld [tilespmem:s24+$0x0];
	_ =	sdelay $0x4  }
0x27a: {  	[tilespmem:$0x31E0] =	vst v0  }
0x27b: {  	v0 =	vld [tilespmem:s25+$0x0];
	_ =	sdelay $0x4  }
0x27c: {  	[tilespmem:$0x31F0] =	vst v0  }
0x27d: {  	v0 =	vld [tilespmem:s26+$0x0];
	_ =	sdelay $0x4  }
0x27e: {  	[tilespmem:$0x3380] =	vst v0  }
0x27f: {  	v0 =	vld [tilespmem:s28+$0x0];
	_ =	sdelay $0x2  }
0x280: {  	s21 =	sld [smem:$0x7FB];
	_ =	sdelay $0x1  }
0x281: {  	[tilespmem:$0x3390] =	vst v0  }
0x282: {  	v0 =	vld [tilespmem:s21+$0x0];
	_ =	sdelay $0x4  }
0x283: {  	[tilespmem:$0x33A0] =	vst v0  }
0x284: {  	v0 =	vld [tilespmem:s29+$0x0];
	_ =	sdelay $0x2  }
0x285: {  	s22 =	sld [smem:$0x7FC];
	_ =	sdelay $0x1  }
0x286: {  	[tilespmem:$0x33B0] =	vst v0  }
0x287: {  	v0 =	vld [tilespmem:s22+$0x0];
	_ =	sdelay $0x4  }
0x288: {  	[tilespmem:$0x33C0] =	vst v0  }
0x289: {  	v0 =	vld [tilespmem:s30+$0x0];
	_ =	sdelay $0x2  }
0x28a: {  	s23 =	sld [smem:$0x7FD];
	_ =	sdelay $0x1  }
0x28b: {  	[tilespmem:$0x33D0] =	vst v0  }
0x28c: {  	v0 =	vld [tilespmem:s23+$0x0];
	_ =	sdelay $0x3  }
0x28d: {  	s24 =	stileid.u32  }
0x28e: {  	s25 =	sshll.u32 s24, $0xC;
	[tilespmem:$0x33E0] =	vst v0  }
0x28f: {  	s0 =	sor.u32 s4, s25;
	v0 =	vld [tilespmem:s31+$0x0]  }
0x290: {  	s0 =	sand.u32 $0xE200, s0  }
0x291: {  	s0 =	sshrl.u32 s0, $0x3;
	s26 =	rddreg [dreg:$0x0]  }
0x292: {  	s0 =	sadd.s32 s0, s26  }
0x293: {  	s0 =	sadd.s32 $0xE00, s0;
	s28 =	simm.s32 $0x200  }
0x294: {  	s29 =	simm.s32 $0x400;
	s30 =	simm.s32 $0x2400;
	s31 =	simm.s32 $0x1;
	[tilespmem:$0x33F0] =	vst v0  }
0x295: {  	[hbm4b:s0+s28] =	stream.strided.scatter [tilespmem:s30], [sflag:$0x1], $0x1000, s29, s28, $0x38;
	[tilespmem:$0x3400] =	vst v63  }
0x296: {  	_ =	swait.ge [sflag:s31], $0x1000  }
0x297: {  	[sflag:s31] =	ssyncset.done $0x0  }
0x298: {  	[sflag:s31] =	ssyncadd.s32 $0xFFFFF000  }
0x299: {  	_ =	sfence.sel $0x180000  }
0x29a: {  	[bflag:$0x0] =	sbarrier.arrive $0xFFFF  }
0x29b: {  	_ =	strace $0x90000047  }
0x29c: {  	[bflag:$0x2] =	sbarrier.arrive $0xFFFF  }
0x29d: {  	p0 =	sne.s32 s24, $0x0;
	s0 =	rddreg [dreg:$0x1]  }
0x29e: {  	s0 =	sadd.s32 @!p0 $0x100000, s0  }
0x29f: {  	[sflag:s0] =	ssyncadd.tile.s32 @!p0 $0x1;
	_ =	shalt  }
.Lfunc_end2:
_tile_overlayer_lowered:
.L_overlay_start_2:
0x2a0: {  	(tag) =	ssettag $0x2  }
0x2a1: {  	s0 =	rddreg [dreg:$0x0];
	s2 =	stileid.u32  }
0x2a2: {  	s1 =	rddreg [dreg:$0x1];
	p0 =	sne.s32 s2, $0x0  }
0x2a3: {  	s3 =	rddreg [dreg:$0x2];
	[bflag:$0x3] =	sbarrier.arrive $0xFFFF;
	s2 =	simm.s32 @!p0 $0x1C01  }
0x2a4: {  	[timem:s3], [sflag:s2] =	dma.local @!p0 [hbm:s0], s1  }
0x2a5: {  	s0 =	simm.s32 @!p0 $0x1  }
0x2a6: {  	_ =	swait.ge @!p0 [sflag:s0], s1  }
0x2a7: {  	s1 =	ssub.s32 @!p0 $0x0, s1;
	[sflag:s0] =	ssyncset.done @!p0 $0x0  }
0x2a8: {  	[sflag:s0] =	ssyncadd.s32 @!p0 s1  }
0x2a9: {  	[bflag:$0x3] =	sbarrier.arrive $0xFFFF  }
0x2aa: {  	_ =	shalt  }

</sc_bundles>
